<compile_context>
chip_gen: v7x
topology: tpu7x:2x2x1
jax: 0.10.2.dev20260603
libtpu: 0.0.44.dev20260713+nightly
codegen_flags: <defaults>
</compile_context>

<pallas_src>
import functools

import jax
import jax.numpy as jnp
from jax import lax
from jax.experimental import pallas as pl
from jax.experimental.pallas import tpu as pltpu
from jax.experimental.pallas import tpu_sc as plsc

NC = 2
NS = 16
NW = NC * NS
CH = 128
KR = 16
NB = 8
ZQ = 32


def _sc_mesh():
    return plsc.VectorSubcoreMesh(core_axis_name="c", subcore_axis_name="s")


def _make_deg_kernel(r_pad, n_deg):
    rpw = r_pad // NW
    n_outer = rpw // KR
    zrows = n_deg // NS

    @functools.partial(
        pl.kernel,
        out_type=jax.ShapeDtypeStruct((NC * n_deg,), jnp.float32),
        mesh=_sc_mesh(),
        scratch_types=[
            pltpu.VMEM((KR, CH), jnp.int32),
            pltpu.VMEM((CH,), jnp.float32),
            pltpu.VMEM((zrows,), jnp.float32),
            pltpu.VMEM_SHARED((n_deg,), jnp.float32),
        ],
    )
    def deg_kernel(dst_hbm, out_hbm, didx, ones_v, zv, acc):
        c = lax.axis_index("c")
        s = lax.axis_index("s")
        wid = s * NC + c

        for i in range(CH // 16):
            ones_v[pl.ds(i * 16, 16)] = jnp.ones((16,), jnp.float32)

        def zfill(i, _):
            zv[pl.ds(i * 16, 16)] = jnp.zeros((16,), jnp.float32)
            return 0
        lax.fori_loop(0, zrows // 16, zfill, 0)
        pltpu.sync_copy(zv, acc.at[pl.ds(s * zrows, zrows)])
        plsc.subcore_barrier()

        row0 = wid * rpw

        def outer(g, _):
            rb = row0 + g * KR
            pltpu.sync_copy(dst_hbm.at[pl.ds(rb, KR)], didx)
            for jj in range(KR):
                pltpu.sync_copy(ones_v, acc.at[didx.at[jj]], add=True)
            return 0
        lax.fori_loop(0, n_outer, outer, 0)

        plsc.subcore_barrier()
        pltpu.sync_copy(acc.at[pl.ds(s * zrows, zrows)], zv)
        pltpu.sync_copy(zv, out_hbm.at[pl.ds(c * n_deg + s * zrows, zrows)])

    return deg_kernel


def _make_agg_kernel(n, r_pad, n_acc, f):
    rpw = r_pad // NW
    n_outer = rpw // KR
    zrows = n_acc // NS
    zb_rows = zrows // ZQ

    @functools.partial(
        pl.kernel,
        out_type=jax.ShapeDtypeStruct((NC, n_acc, f), jnp.float32),
        mesh=_sc_mesh(),
        compiler_params=pltpu.CompilerParams(use_tc_tiling_on_sc=False),
        scratch_types=[
            pltpu.VMEM((KR, CH), jnp.int32),
            pltpu.VMEM((KR, CH), jnp.int32),
        ] + [pltpu.VMEM((CH, f), jnp.float32)] * NB
          + [pltpu.VMEM((zb_rows, f), jnp.float32),
             pltpu.VMEM_SHARED((n_acc, f), jnp.float32)]
          + [pltpu.SemaphoreType.DMA] * NB,
    )
    def agg_kernel(tab_hbm, src_hbm, dst_hbm, out_hbm, sidx, didx, *rest):
        gbs = rest[:NB]
        zb = rest[NB]
        acc = rest[NB + 1]
        sems = rest[NB + 2:]
        c = lax.axis_index("c")
        s = lax.axis_index("s")
        wid = s * NC + c

        def zfill(i, _):
            zb[i] = jnp.zeros((16,), jnp.float32)
            return 0
        lax.fori_loop(0, zb_rows, zfill, 0)
        for q in range(ZQ):
            pltpu.sync_copy(zb, acc.at[pl.ds(s * zrows + q * zb_rows, zb_rows)])
        plsc.subcore_barrier()

        row0 = wid * rpw

        def outer(g, _):
            rb = row0 + g * KR
            pltpu.sync_copy(src_hbm.at[pl.ds(rb, KR)], sidx)
            pltpu.sync_copy(dst_hbm.at[pl.ds(rb, KR)], didx)
            handles = [
                pltpu.async_copy(tab_hbm.at[sidx.at[jj]], gbs[jj % NB],
                                 sems[jj % NB])
                for jj in range(NB)
            ]
            for jj in range(KR):
                handles[jj].wait()
                pltpu.sync_copy(gbs[jj % NB], acc.at[didx.at[jj]], add=True)
                if jj + NB < KR:
                    handles.append(
                        pltpu.async_copy(tab_hbm.at[sidx.at[jj + NB]],
                                         gbs[(jj + NB) % NB],
                                         sems[(jj + NB) % NB]))
            return 0
        lax.fori_loop(0, n_outer, outer, 0)

        plsc.subcore_barrier()
        pltpu.sync_copy(acc.at[pl.ds(s * zrows, zrows)],
                        out_hbm.at[c, pl.ds(s * zrows, zrows)])

    return agg_kernel


def _round_up(a, b):
    return (a + b - 1) // b * b


def kernel(x, edge_index, W1, b1, W2, b2):
    n, f_in = x.shape
    e = edge_index.shape[1]
    hid = W1.shape[1]
    c_out = W2.shape[1]
    assert n % NS == 0 and hid == 16

    r_pad = _round_up(-(-e // CH), NW * KR)
    e_pad = r_pad * CH
    pad = e_pad - e
    src2d = jnp.concatenate(
        [edge_index[0], jnp.zeros((pad,), jnp.int32)]).reshape(r_pad, CH)
    dst2d = jnp.concatenate(
        [edge_index[1], jnp.full((pad,), n, jnp.int32)]).reshape(r_pad, CH)

    n_deg = _round_up(n + 1, NS * 16)
    n_acc = _round_up(n + 1, NS * ZQ)

    deg_kernel = _make_deg_kernel(r_pad, n_deg)
    agg_kernel = _make_agg_kernel(n, r_pad, n_acc, hid)

    deg_parts = deg_kernel(dst2d).reshape(NC, n_deg)
    deg_col = (deg_parts[0, :n] + deg_parts[1, :n]).reshape(n, 1)

    bn = 2000
    grid = (n // bn,)

    def k2_body(deg_ref, x_ref, w1_ref, hs_ref, dinv_ref):
        dinv = lax.rsqrt(deg_ref[...] + 1.0)
        h = jnp.dot(x_ref[...], w1_ref[...],
                    preferred_element_type=jnp.float32)
        hs_ref[...] = h * dinv
        dinv_ref[...] = dinv

    hs, dinv = pl.pallas_call(
        k2_body,
        grid=grid,
        in_specs=[
            pl.BlockSpec((bn, 1), lambda i: (i, 0)),
            pl.BlockSpec((bn, f_in), lambda i: (i, 0)),
            pl.BlockSpec((f_in, hid), lambda i: (0, 0)),
        ],
        out_specs=[
            pl.BlockSpec((bn, hid), lambda i: (i, 0)),
            pl.BlockSpec((bn, 1), lambda i: (i, 0)),
        ],
        out_shape=[
            jax.ShapeDtypeStruct((n, hid), jnp.float32),
            jax.ShapeDtypeStruct((n, 1), jnp.float32),
        ],
    )(deg_col, x, W1)

    agg1 = agg_kernel(hs, src2d, dst2d)

    def k4_body(a_ref, hs_ref, dinv_ref, b1_ref, rs_ref):
        t = (a_ref[0] + a_ref[1] + hs_ref[...]) * dinv_ref[...] + b1_ref[...]
        rs_ref[...] = jnp.maximum(t, 0.0) * dinv_ref[...]

    rs = pl.pallas_call(
        k4_body,
        grid=grid,
        in_specs=[
            pl.BlockSpec((NC, bn, hid), lambda i: (0, i, 0)),
            pl.BlockSpec((bn, hid), lambda i: (i, 0)),
            pl.BlockSpec((bn, 1), lambda i: (i, 0)),
            pl.BlockSpec((1, hid), lambda i: (0, 0)),
        ],
        out_specs=pl.BlockSpec((bn, hid), lambda i: (i, 0)),
        out_shape=jax.ShapeDtypeStruct((n, hid), jnp.float32),
    )(agg1, hs, dinv, b1.reshape(1, hid))

    agg2 = agg_kernel(rs, src2d, dst2d)

    def k6_body(a_ref, rs_ref, dinv_ref, w2_ref, b2_ref, out_ref):
        t = (a_ref[0] + a_ref[1] + rs_ref[...]) * dinv_ref[...]
        out_ref[...] = jnp.dot(t, w2_ref[...],
                               preferred_element_type=jnp.float32) + b2_ref[...]

    out = pl.pallas_call(
        k6_body,
        grid=grid,
        in_specs=[
            pl.BlockSpec((NC, bn, hid), lambda i: (0, i, 0)),
            pl.BlockSpec((bn, hid), lambda i: (i, 0)),
            pl.BlockSpec((bn, 1), lambda i: (i, 0)),
            pl.BlockSpec((hid, c_out), lambda i: (0, 0)),
            pl.BlockSpec((1, c_out), lambda i: (0, 0)),
        ],
        out_specs=pl.BlockSpec((bn, c_out), lambda i: (i, 0)),
        out_shape=jax.ShapeDtypeStruct((n, c_out), jnp.float32),
    )(agg2, rs, dinv, W2, b2.reshape(1, c_out))

    return out

# --- scband reference (transcript-rebuilt; emitter-appended) ---
"""Pipeline reference for scband-gcn-28613072126261 (READ-ONLY COPY).

The authoritative reference and input builder live on the scoring server;
editing this copy changes nothing except your own understanding.
"""

import jax, jax.numpy as jnp
import numpy as np

N = 100000
E = 3200000
F_IN = 128
HID = 16
C = 40


def _gcn_layer(x, src, dst, W, b, n):
    # PyG GCNConv (default): x' = D^-1/2 (A+I) D^-1/2 (x W) + b
    h = x @ W
    ones = jnp.ones(src.shape[0], dtype=h.dtype)
    deg = jax.ops.segment_sum(ones, dst, num_segments=n)
    dinv = jnp.where(deg > 0, jax.lax.rsqrt(deg), 0.0)
    norm = dinv[src] * dinv[dst]
    msgs = h[src] * norm[:, None]
    out = jax.ops.segment_sum(msgs, dst, num_segments=n)
    return out + b


def setup_inputs(seed: int = 0):
    key = jax.random.key(seed)
    k1, k2, k3, k4 = jax.random.split(key, 4)
    x = jax.random.normal(k1, (N, F_IN), dtype=jnp.float32)
    edge_index = jax.random.randint(k2, (2, E), 0, N, dtype=jnp.int32)
    W1 = jax.random.normal(k3, (F_IN, HID), dtype=jnp.float32) / np.sqrt(F_IN)
    b1 = jnp.zeros((HID,), dtype=jnp.float32)
    W2 = jax.random.normal(k4, (HID, C), dtype=jnp.float32) / np.sqrt(HID)
    b2 = jnp.zeros((C,), dtype=jnp.float32)
    return {"x": x, "edge_index": edge_index, "W1": W1, "b1": b1, "W2": W2, "b2": b2}


def reference(x, edge_index, W1, b1, W2, b2):
    n = x.shape[0]
    loops = jnp.arange(n, dtype=edge_index.dtype)
    src = jnp.concatenate([edge_index[0], loops])
    dst = jnp.concatenate([edge_index[1], loops])
    h = _gcn_layer(x, src, dst, W1, b1, n)
    h = jax.nn.relu(h)
    # dropout is identity in eval mode (training=False)
    out = _gcn_layer(h, src, dst, W2, b2, n)
    return out

if __name__ == "__main__":
    import jax
    _d = setup_inputs()
    print(jax.jit(kernel)(*tuple(_d.values())))

</pallas_src>

<mosaic_0001>
#map = affine_map<(d0, d1) -> (0, 0)>
#map1 = affine_map<(d0, d1) -> (0, 0, 0)>
module attributes {stable_mosaic.version = 14 : i64} {
  func.func @agg_kernel(%arg0: i32, %arg1: i32, %arg2: memref<100000x16xf32, #tpu.memory_space<hbm>>, %arg3: memref<25088x128xi32, #tpu.memory_space<hbm>>, %arg4: memref<25088x128xi32, #tpu.memory_space<hbm>>, %arg5: memref<2x100352x16xf32, #tpu.memory_space<hbm>>, %arg6: memref<16x128xi32, #tpu.memory_space<vmem>>, %arg7: memref<16x128xi32, #tpu.memory_space<vmem>>, %arg8: memref<128x16xf32, #tpu.memory_space<vmem>>, %arg9: memref<128x16xf32, #tpu.memory_space<vmem>>, %arg10: memref<128x16xf32, #tpu.memory_space<vmem>>, %arg11: memref<128x16xf32, #tpu.memory_space<vmem>>, %arg12: memref<128x16xf32, #tpu.memory_space<vmem>>, %arg13: memref<128x16xf32, #tpu.memory_space<vmem>>, %arg14: memref<128x16xf32, #tpu.memory_space<vmem>>, %arg15: memref<128x16xf32, #tpu.memory_space<vmem>>, %arg16: memref<196x16xf32, #tpu.memory_space<vmem>>, %arg17: memref<100352x16xf32, #tpu.memory_space<vmem_shared>>, %arg18: memref<!tpu.dma_semaphore, #tpu.memory_space<semaphore_mem>>, %arg19: memref<!tpu.dma_semaphore, #tpu.memory_space<semaphore_mem>>, %arg20: memref<!tpu.dma_semaphore, #tpu.memory_space<semaphore_mem>>, %arg21: memref<!tpu.dma_semaphore, #tpu.memory_space<semaphore_mem>>, %arg22: memref<!tpu.dma_semaphore, #tpu.memory_space<semaphore_mem>>, %arg23: memref<!tpu.dma_semaphore, #tpu.memory_space<semaphore_mem>>, %arg24: memref<!tpu.dma_semaphore, #tpu.memory_space<semaphore_mem>>, %arg25: memref<!tpu.dma_semaphore, #tpu.memory_space<semaphore_mem>>) attributes {dimension_semantics = [#tpu.dimension_semantics<core_parallel>, #tpu.dimension_semantics<subcore_parallel>], iteration_bounds = array<i64: 2, 16>, scalar_prefetch = 0 : i64, scratch_operands = 20 : i64, tpu.core_type = #tpu.core_type<sc_vector_subcore>, window_params = [{transform_indices = #map}, {transform_indices = #map}, {transform_indices = #map}, {transform_indices = #map1}]} {
    %mul3A = arith.constant 2 : i32
    %mul3A_0 = arith.muli %arg1, %mul3A : i32
    %add3A = arith.addi %mul3A_0, %arg0 : i32
    %scan3A = arith.constant 0 : i32
    %scan3A_1 = arith.constant 0 : i32
    %scan3A_2 = arith.constant 196 : i32
    %scan3A_3 = arith.addi %scan3A_1, %scan3A_2 : i32
    %scan3A_4 = arith.constant 1 : i32
    %scan3A_5 = scf.for %scan3A_149 = %scan3A_1 to %scan3A_3 step %scan3A_4 iter_args(%scan3A_150 = %scan3A) -> (i32)  : i32 {
      %broadcast_in_dim3A = arith.constant 0.000000e+00 : f32
      %broadcast_in_dim3A_151 = vector.broadcast %broadcast_in_dim3A : f32 to vector<16xf32>
      %swap3A = arith.index_cast %scan3A_149 : i32 to index
      %swap3A_152 = arith.constant 0 : index
      %swap3A_153 = tpu.vector_load %arg16[%swap3A, %swap3A_152] {strides = array<i32>} : memref<196x16xf32, #tpu.memory_space<vmem>>, vector<1x16xf32>,
      %swap3A_154 = vector.shape_cast %swap3A_153 : vector<1x16xf32> to vector<16xf32>
      %swap3A_155 = vector.shape_cast %broadcast_in_dim3A_151 : vector<16xf32> to vector<1x16xf32>
      tpu.vector_store %arg16[%swap3A, %swap3A_152], %swap3A_155 {strides = array<i32>} : memref<196x16xf32, #tpu.memory_space<vmem>>, vector<1x16xf32>,
      %scan3A_156 = arith.constant 0 : i32
      scf.yield %scan3A_156 : i32
    }
    %scan3A_6 = arith.constant 196 : i32
    %mul3A_7 = arith.constant 6272 : i32
    %mul3A_8 = arith.muli %arg1, %mul3A_7 : i32
    %add3A_9 = arith.constant 0 : i32
    %add3A_10 = arith.addi %mul3A_8, %add3A_9 : i32
    "tpu.region"() ({
      %run_scoped3A = tpu.sem_alloc : memref<!tpu.dma_semaphore, #tpu.memory_space<semaphore_mem>>
      %dma_start3A = arith.constant 0 : i32
      %dma_start3A_149 = tpu.memref_slice %arg17[%add3A_10, %dma_start3A] : memref<100352x16xf32, #tpu.memory_space<vmem_shared>> -> memref<196x16xf32, #tpu.memory_space<vmem_shared>>
      %dma_start3A_150 = arith.constant 0 : i32
      %dma_start3A_151 = tpu.memref_slice %arg17[%add3A_10, %dma_start3A_150] : memref<100352x16xf32, #tpu.memory_space<vmem_shared>> -> memref<196x16xf32, #tpu.memory_space<vmem_shared>>
      tpu.enqueue_dma source(%arg16 : memref<196x16xf32, #tpu.memory_space<vmem>>) target(%dma_start3A_151 : memref<196x16xf32, #tpu.memory_space<vmem_shared>>) target_semaphore(%run_scoped3A : memref<!tpu.dma_semaphore, #tpu.memory_space<semaphore_mem>>)
      %dma_wait3A = arith.constant 0 : i32
      %dma_wait3A_152 = tpu.memref_slice %arg17[%add3A_10, %dma_wait3A] : memref<100352x16xf32, #tpu.memory_space<vmem_shared>> -> memref<196x16xf32, #tpu.memory_space<vmem_shared>>
      %dma_wait3A_153 = arith.constant 0 : i32
      %dma_wait3A_154 = tpu.memref_slice %arg17[%add3A_10, %dma_wait3A_153] : memref<100352x16xf32, #tpu.memory_space<vmem_shared>> -> memref<196x16xf32, #tpu.memory_space<vmem_shared>>
      tpu.wait_dma2 semaphore(%run_scoped3A : memref<!tpu.dma_semaphore, #tpu.memory_space<semaphore_mem>>) src(%arg16 : memref<196x16xf32, #tpu.memory_space<vmem>>) dst(%dma_wait3A_154 : memref<196x16xf32, #tpu.memory_space<vmem_shared>>)
      tpu.yield
    }) : () -> ()
    %mul3A_11 = arith.constant 6272 : i32
    %mul3A_12 = arith.muli %arg1, %mul3A_11 : i32
    %add3A_13 = arith.constant 196 : i32
    %add3A_14 = arith.addi %mul3A_12, %add3A_13 : i32
    "tpu.region"() ({
      %run_scoped3A = tpu.sem_alloc : memref<!tpu.dma_semaphore, #tpu.memory_space<semaphore_mem>>
      %dma_start3A = arith.constant 0 : i32
      %dma_start3A_149 = tpu.memref_slice %arg17[%add3A_14, %dma_start3A] : memref<100352x16xf32, #tpu.memory_space<vmem_shared>> -> memref<196x16xf32, #tpu.memory_space<vmem_shared>>
      %dma_start3A_150 = arith.constant 0 : i32
      %dma_start3A_151 = tpu.memref_slice %arg17[%add3A_14, %dma_start3A_150] : memref<100352x16xf32, #tpu.memory_space<vmem_shared>> -> memref<196x16xf32, #tpu.memory_space<vmem_shared>>
      tpu.enqueue_dma source(%arg16 : memref<196x16xf32, #tpu.memory_space<vmem>>) target(%dma_start3A_151 : memref<196x16xf32, #tpu.memory_space<vmem_shared>>) target_semaphore(%run_scoped3A : memref<!tpu.dma_semaphore, #tpu.memory_space<semaphore_mem>>)
      %dma_wait3A = arith.constant 0 : i32
      %dma_wait3A_152 = tpu.memref_slice %arg17[%add3A_14, %dma_wait3A] : memref<100352x16xf32, #tpu.memory_space<vmem_shared>> -> memref<196x16xf32, #tpu.memory_space<vmem_shared>>
      %dma_wait3A_153 = arith.constant 0 : i32
      %dma_wait3A_154 = tpu.memref_slice %arg17[%add3A_14, %dma_wait3A_153] : memref<100352x16xf32, #tpu.memory_space<vmem_shared>> -> memref<196x16xf32, #tpu.memory_space<vmem_shared>>
      tpu.wait_dma2 semaphore(%run_scoped3A : memref<!tpu.dma_semaphore, #tpu.memory_space<semaphore_mem>>) src(%arg16 : memref<196x16xf32, #tpu.memory_space<vmem>>) dst(%dma_wait3A_154 : memref<196x16xf32, #tpu.memory_space<vmem_shared>>)
      tpu.yield
    }) : () -> ()
    %mul3A_15 = arith.constant 6272 : i32
    %mul3A_16 = arith.muli %arg1, %mul3A_15 : i32
    %add3A_17 = arith.constant 392 : i32
    %add3A_18 = arith.addi %mul3A_16, %add3A_17 : i32
    "tpu.region"() ({
      %run_scoped3A = tpu.sem_alloc : memref<!tpu.dma_semaphore, #tpu.memory_space<semaphore_mem>>
      %dma_start3A = arith.constant 0 : i32
      %dma_start3A_149 = tpu.memref_slice %arg17[%add3A_18, %dma_start3A] : memref<100352x16xf32, #tpu.memory_space<vmem_shared>> -> memref<196x16xf32, #tpu.memory_space<vmem_shared>>
      %dma_start3A_150 = arith.constant 0 : i32
      %dma_start3A_151 = tpu.memref_slice %arg17[%add3A_18, %dma_start3A_150] : memref<100352x16xf32, #tpu.memory_space<vmem_shared>> -> memref<196x16xf32, #tpu.memory_space<vmem_shared>>
      tpu.enqueue_dma source(%arg16 : memref<196x16xf32, #tpu.memory_space<vmem>>) target(%dma_start3A_151 : memref<196x16xf32, #tpu.memory_space<vmem_shared>>) target_semaphore(%run_scoped3A : memref<!tpu.dma_semaphore, #tpu.memory_space<semaphore_mem>>)
      %dma_wait3A = arith.constant 0 : i32
      %dma_wait3A_152 = tpu.memref_slice %arg17[%add3A_18, %dma_wait3A] : memref<100352x16xf32, #tpu.memory_space<vmem_shared>> -> memref<196x16xf32, #tpu.memory_space<vmem_shared>>
      %dma_wait3A_153 = arith.constant 0 : i32
      %dma_wait3A_154 = tpu.memref_slice %arg17[%add3A_18, %dma_wait3A_153] : memref<100352x16xf32, #tpu.memory_space<vmem_shared>> -> memref<196x16xf32, #tpu.memory_space<vmem_shared>>
      tpu.wait_dma2 semaphore(%run_scoped3A : memref<!tpu.dma_semaphore, #tpu.memory_space<semaphore_mem>>) src(%arg16 : memref<196x16xf32, #tpu.memory_space<vmem>>) dst(%dma_wait3A_154 : memref<196x16xf32, #tpu.memory_space<vmem_shared>>)
      tpu.yield
    }) : () -> ()
    %mul3A_19 = arith.constant 6272 : i32
    %mul3A_20 = arith.muli %arg1, %mul3A_19 : i32
    %add3A_21 = arith.constant 588 : i32
    %add3A_22 = arith.addi %mul3A_20, %add3A_21 : i32
    "tpu.region"() ({
      %run_scoped3A = tpu.sem_alloc : memref<!tpu.dma_semaphore, #tpu.memory_space<semaphore_mem>>
      %dma_start3A = arith.constant 0 : i32
      %dma_start3A_149 = tpu.memref_slice %arg17[%add3A_22, %dma_start3A] : memref<100352x16xf32, #tpu.memory_space<vmem_shared>> -> memref<196x16xf32, #tpu.memory_space<vmem_shared>>
      %dma_start3A_150 = arith.constant 0 : i32
      %dma_start3A_151 = tpu.memref_slice %arg17[%add3A_22, %dma_start3A_150] : memref<100352x16xf32, #tpu.memory_space<vmem_shared>> -> memref<196x16xf32, #tpu.memory_space<vmem_shared>>
      tpu.enqueue_dma source(%arg16 : memref<196x16xf32, #tpu.memory_space<vmem>>) target(%dma_start3A_151 : memref<196x16xf32, #tpu.memory_space<vmem_shared>>) target_semaphore(%run_scoped3A : memref<!tpu.dma_semaphore, #tpu.memory_space<semaphore_mem>>)
      %dma_wait3A = arith.constant 0 : i32
      %dma_wait3A_152 = tpu.memref_slice %arg17[%add3A_22, %dma_wait3A] : memref<100352x16xf32, #tpu.memory_space<vmem_shared>> -> memref<196x16xf32, #tpu.memory_space<vmem_shared>>
      %dma_wait3A_153 = arith.constant 0 : i32
      %dma_wait3A_154 = tpu.memref_slice %arg17[%add3A_22, %dma_wait3A_153] : memref<100352x16xf32, #tpu.memory_space<vmem_shared>> -> memref<196x16xf32, #tpu.memory_space<vmem_shared>>
      tpu.wait_dma2 semaphore(%run_scoped3A : memref<!tpu.dma_semaphore, #tpu.memory_space<semaphore_mem>>) src(%arg16 : memref<196x16xf32, #tpu.memory_space<vmem>>) dst(%dma_wait3A_154 : memref<196x16xf32, #tpu.memory_space<vmem_shared>>)
      tpu.yield
    }) : () -> ()
    %mul3A_23 = arith.constant 6272 : i32
    %mul3A_24 = arith.muli %arg1, %mul3A_23 : i32
    %add3A_25 = arith.constant 784 : i32
    %add3A_26 = arith.addi %mul3A_24, %add3A_25 : i32
    "tpu.region"() ({
      %run_scoped3A = tpu.sem_alloc : memref<!tpu.dma_semaphore, #tpu.memory_space<semaphore_mem>>
      %dma_start3A = arith.constant 0 : i32
      %dma_start3A_149 = tpu.memref_slice %arg17[%add3A_26, %dma_start3A] : memref<100352x16xf32, #tpu.memory_space<vmem_shared>> -> memref<196x16xf32, #tpu.memory_space<vmem_shared>>
      %dma_start3A_150 = arith.constant 0 : i32
      %dma_start3A_151 = tpu.memref_slice %arg17[%add3A_26, %dma_start3A_150] : memref<100352x16xf32, #tpu.memory_space<vmem_shared>> -> memref<196x16xf32, #tpu.memory_space<vmem_shared>>
      tpu.enqueue_dma source(%arg16 : memref<196x16xf32, #tpu.memory_space<vmem>>) target(%dma_start3A_151 : memref<196x16xf32, #tpu.memory_space<vmem_shared>>) target_semaphore(%run_scoped3A : memref<!tpu.dma_semaphore, #tpu.memory_space<semaphore_mem>>)
      %dma_wait3A = arith.constant 0 : i32
      %dma_wait3A_152 = tpu.memref_slice %arg17[%add3A_26, %dma_wait3A] : memref<100352x16xf32, #tpu.memory_space<vmem_shared>> -> memref<196x16xf32, #tpu.memory_space<vmem_shared>>
      %dma_wait3A_153 = arith.constant 0 : i32
      %dma_wait3A_154 = tpu.memref_slice %arg17[%add3A_26, %dma_wait3A_153] : memref<100352x16xf32, #tpu.memory_space<vmem_shared>> -> memref<196x16xf32, #tpu.memory_space<vmem_shared>>
      tpu.wait_dma2 semaphore(%run_scoped3A : memref<!tpu.dma_semaphore, #tpu.memory_space<semaphore_mem>>) src(%arg16 : memref<196x16xf32, #tpu.memory_space<vmem>>) dst(%dma_wait3A_154 : memref<196x16xf32, #tpu.memory_space<vmem_shared>>)
      tpu.yield
    }) : () -> ()
    %mul3A_27 = arith.constant 6272 : i32
    %mul3A_28 = arith.muli %arg1, %mul3A_27 : i32
    %add3A_29 = arith.constant 980 : i32
    %add3A_30 = arith.addi %mul3A_28, %add3A_29 : i32
    "tpu.region"() ({
      %run_scoped3A = tpu.sem_alloc : memref<!tpu.dma_semaphore, #tpu.memory_space<semaphore_mem>>
      %dma_start3A = arith.constant 0 : i32
      %dma_start3A_149 = tpu.memref_slice %arg17[%add3A_30, %dma_start3A] : memref<100352x16xf32, #tpu.memory_space<vmem_shared>> -> memref<196x16xf32, #tpu.memory_space<vmem_shared>>
      %dma_start3A_150 = arith.constant 0 : i32
      %dma_start3A_151 = tpu.memref_slice %arg17[%add3A_30, %dma_start3A_150] : memref<100352x16xf32, #tpu.memory_space<vmem_shared>> -> memref<196x16xf32, #tpu.memory_space<vmem_shared>>
      tpu.enqueue_dma source(%arg16 : memref<196x16xf32, #tpu.memory_space<vmem>>) target(%dma_start3A_151 : memref<196x16xf32, #tpu.memory_space<vmem_shared>>) target_semaphore(%run_scoped3A : memref<!tpu.dma_semaphore, #tpu.memory_space<semaphore_mem>>)
      %dma_wait3A = arith.constant 0 : i32
      %dma_wait3A_152 = tpu.memref_slice %arg17[%add3A_30, %dma_wait3A] : memref<100352x16xf32, #tpu.memory_space<vmem_shared>> -> memref<196x16xf32, #tpu.memory_space<vmem_shared>>
      %dma_wait3A_153 = arith.constant 0 : i32
      %dma_wait3A_154 = tpu.memref_slice %arg17[%add3A_30, %dma_wait3A_153] : memref<100352x16xf32, #tpu.memory_space<vmem_shared>> -> memref<196x16xf32, #tpu.memory_space<vmem_shared>>
      tpu.wait_dma2 semaphore(%run_scoped3A : memref<!tpu.dma_semaphore, #tpu.memory_space<semaphore_mem>>) src(%arg16 : memref<196x16xf32, #tpu.memory_space<vmem>>) dst(%dma_wait3A_154 : memref<196x16xf32, #tpu.memory_space<vmem_shared>>)
      tpu.yield
    }) : () -> ()
    %mul3A_31 = arith.constant 6272 : i32
    %mul3A_32 = arith.muli %arg1, %mul3A_31 : i32
    %add3A_33 = arith.constant 1176 : i32
    %add3A_34 = arith.addi %mul3A_32, %add3A_33 : i32
    "tpu.region"() ({
      %run_scoped3A = tpu.sem_alloc : memref<!tpu.dma_semaphore, #tpu.memory_space<semaphore_mem>>
      %dma_start3A = arith.constant 0 : i32
      %dma_start3A_149 = tpu.memref_slice %arg17[%add3A_34, %dma_start3A] : memref<100352x16xf32, #tpu.memory_space<vmem_shared>> -> memref<196x16xf32, #tpu.memory_space<vmem_shared>>
      %dma_start3A_150 = arith.constant 0 : i32
      %dma_start3A_151 = tpu.memref_slice %arg17[%add3A_34, %dma_start3A_150] : memref<100352x16xf32, #tpu.memory_space<vmem_shared>> -> memref<196x16xf32, #tpu.memory_space<vmem_shared>>
      tpu.enqueue_dma source(%arg16 : memref<196x16xf32, #tpu.memory_space<vmem>>) target(%dma_start3A_151 : memref<196x16xf32, #tpu.memory_space<vmem_shared>>) target_semaphore(%run_scoped3A : memref<!tpu.dma_semaphore, #tpu.memory_space<semaphore_mem>>)
      %dma_wait3A = arith.constant 0 : i32
      %dma_wait3A_152 = tpu.memref_slice %arg17[%add3A_34, %dma_wait3A] : memref<100352x16xf32, #tpu.memory_space<vmem_shared>> -> memref<196x16xf32, #tpu.memory_space<vmem_shared>>
      %dma_wait3A_153 = arith.constant 0 : i32
      %dma_wait3A_154 = tpu.memref_slice %arg17[%add3A_34, %dma_wait3A_153] : memref<100352x16xf32, #tpu.memory_space<vmem_shared>> -> memref<196x16xf32, #tpu.memory_space<vmem_shared>>
      tpu.wait_dma2 semaphore(%run_scoped3A : memref<!tpu.dma_semaphore, #tpu.memory_space<semaphore_mem>>) src(%arg16 : memref<196x16xf32, #tpu.memory_space<vmem>>) dst(%dma_wait3A_154 : memref<196x16xf32, #tpu.memory_space<vmem_shared>>)
      tpu.yield
    }) : () -> ()
    %mul3A_35 = arith.constant 6272 : i32
    %mul3A_36 = arith.muli %arg1, %mul3A_35 : i32
    %add3A_37 = arith.constant 1372 : i32
    %add3A_38 = arith.addi %mul3A_36, %add3A_37 : i32
    "tpu.region"() ({
      %run_scoped3A = tpu.sem_alloc : memref<!tpu.dma_semaphore, #tpu.memory_space<semaphore_mem>>
      %dma_start3A = arith.constant 0 : i32
      %dma_start3A_149 = tpu.memref_slice %arg17[%add3A_38, %dma_start3A] : memref<100352x16xf32, #tpu.memory_space<vmem_shared>> -> memref<196x16xf32, #tpu.memory_space<vmem_shared>>
      %dma_start3A_150 = arith.constant 0 : i32
      %dma_start3A_151 = tpu.memref_slice %arg17[%add3A_38, %dma_start3A_150] : memref<100352x16xf32, #tpu.memory_space<vmem_shared>> -> memref<196x16xf32, #tpu.memory_space<vmem_shared>>
      tpu.enqueue_dma source(%arg16 : memref<196x16xf32, #tpu.memory_space<vmem>>) target(%dma_start3A_151 : memref<196x16xf32, #tpu.memory_space<vmem_shared>>) target_semaphore(%run_scoped3A : memref<!tpu.dma_semaphore, #tpu.memory_space<semaphore_mem>>)
      %dma_wait3A = arith.constant 0 : i32
      %dma_wait3A_152 = tpu.memref_slice %arg17[%add3A_38, %dma_wait3A] : memref<100352x16xf32, #tpu.memory_space<vmem_shared>> -> memref<196x16xf32, #tpu.memory_space<vmem_shared>>
      %dma_wait3A_153 = arith.constant 0 : i32
      %dma_wait3A_154 = tpu.memref_slice %arg17[%add3A_38, %dma_wait3A_153] : memref<100352x16xf32, #tpu.memory_space<vmem_shared>> -> memref<196x16xf32, #tpu.memory_space<vmem_shared>>
      tpu.wait_dma2 semaphore(%run_scoped3A : memref<!tpu.dma_semaphore, #tpu.memory_space<semaphore_mem>>) src(%arg16 : memref<196x16xf32, #tpu.memory_space<vmem>>) dst(%dma_wait3A_154 : memref<196x16xf32, #tpu.memory_space<vmem_shared>>)
      tpu.yield
    }) : () -> ()
    %mul3A_39 = arith.constant 6272 : i32
    %mul3A_40 = arith.muli %arg1, %mul3A_39 : i32
    %add3A_41 = arith.constant 1568 : i32
    %add3A_42 = arith.addi %mul3A_40, %add3A_41 : i32
    "tpu.region"() ({
      %run_scoped3A = tpu.sem_alloc : memref<!tpu.dma_semaphore, #tpu.memory_space<semaphore_mem>>
      %dma_start3A = arith.constant 0 : i32
      %dma_start3A_149 = tpu.memref_slice %arg17[%add3A_42, %dma_start3A] : memref<100352x16xf32, #tpu.memory_space<vmem_shared>> -> memref<196x16xf32, #tpu.memory_space<vmem_shared>>
      %dma_start3A_150 = arith.constant 0 : i32
      %dma_start3A_151 = tpu.memref_slice %arg17[%add3A_42, %dma_start3A_150] : memref<100352x16xf32, #tpu.memory_space<vmem_shared>> -> memref<196x16xf32, #tpu.memory_space<vmem_shared>>
      tpu.enqueue_dma source(%arg16 : memref<196x16xf32, #tpu.memory_space<vmem>>) target(%dma_start3A_151 : memref<196x16xf32, #tpu.memory_space<vmem_shared>>) target_semaphore(%run_scoped3A : memref<!tpu.dma_semaphore, #tpu.memory_space<semaphore_mem>>)
      %dma_wait3A = arith.constant 0 : i32
      %dma_wait3A_152 = tpu.memref_slice %arg17[%add3A_42, %dma_wait3A] : memref<100352x16xf32, #tpu.memory_space<vmem_shared>> -> memref<196x16xf32, #tpu.memory_space<vmem_shared>>
      %dma_wait3A_153 = arith.constant 0 : i32
      %dma_wait3A_154 = tpu.memref_slice %arg17[%add3A_42, %dma_wait3A_153] : memref<100352x16xf32, #tpu.memory_space<vmem_shared>> -> memref<196x16xf32, #tpu.memory_space<vmem_shared>>
      tpu.wait_dma2 semaphore(%run_scoped3A : memref<!tpu.dma_semaphore, #tpu.memory_space<semaphore_mem>>) src(%arg16 : memref<196x16xf32, #tpu.memory_space<vmem>>) dst(%dma_wait3A_154 : memref<196x16xf32, #tpu.memory_space<vmem_shared>>)
      tpu.yield
    }) : () -> ()
    %mul3A_43 = arith.constant 6272 : i32
    %mul3A_44 = arith.muli %arg1, %mul3A_43 : i32
    %add3A_45 = arith.constant 1764 : i32
    %add3A_46 = arith.addi %mul3A_44, %add3A_45 : i32
    "tpu.region"() ({
      %run_scoped3A = tpu.sem_alloc : memref<!tpu.dma_semaphore, #tpu.memory_space<semaphore_mem>>
      %dma_start3A = arith.constant 0 : i32
      %dma_start3A_149 = tpu.memref_slice %arg17[%add3A_46, %dma_start3A] : memref<100352x16xf32, #tpu.memory_space<vmem_shared>> -> memref<196x16xf32, #tpu.memory_space<vmem_shared>>
      %dma_start3A_150 = arith.constant 0 : i32
      %dma_start3A_151 = tpu.memref_slice %arg17[%add3A_46, %dma_start3A_150] : memref<100352x16xf32, #tpu.memory_space<vmem_shared>> -> memref<196x16xf32, #tpu.memory_space<vmem_shared>>
      tpu.enqueue_dma source(%arg16 : memref<196x16xf32, #tpu.memory_space<vmem>>) target(%dma_start3A_151 : memref<196x16xf32, #tpu.memory_space<vmem_shared>>) target_semaphore(%run_scoped3A : memref<!tpu.dma_semaphore, #tpu.memory_space<semaphore_mem>>)
      %dma_wait3A = arith.constant 0 : i32
      %dma_wait3A_152 = tpu.memref_slice %arg17[%add3A_46, %dma_wait3A] : memref<100352x16xf32, #tpu.memory_space<vmem_shared>> -> memref<196x16xf32, #tpu.memory_space<vmem_shared>>
      %dma_wait3A_153 = arith.constant 0 : i32
      %dma_wait3A_154 = tpu.memref_slice %arg17[%add3A_46, %dma_wait3A_153] : memref<100352x16xf32, #tpu.memory_space<vmem_shared>> -> memref<196x16xf32, #tpu.memory_space<vmem_shared>>
      tpu.wait_dma2 semaphore(%run_scoped3A : memref<!tpu.dma_semaphore, #tpu.memory_space<semaphore_mem>>) src(%arg16 : memref<196x16xf32, #tpu.memory_space<vmem>>) dst(%dma_wait3A_154 : memref<196x16xf32, #tpu.memory_space<vmem_shared>>)
      tpu.yield
    }) : () -> ()
    %mul3A_47 = arith.constant 6272 : i32
    %mul3A_48 = arith.muli %arg1, %mul3A_47 : i32
    %add3A_49 = arith.constant 1960 : i32
    %add3A_50 = arith.addi %mul3A_48, %add3A_49 : i32
    "tpu.region"() ({
      %run_scoped3A = tpu.sem_alloc : memref<!tpu.dma_semaphore, #tpu.memory_space<semaphore_mem>>
      %dma_start3A = arith.constant 0 : i32
      %dma_start3A_149 = tpu.memref_slice %arg17[%add3A_50, %dma_start3A] : memref<100352x16xf32, #tpu.memory_space<vmem_shared>> -> memref<196x16xf32, #tpu.memory_space<vmem_shared>>
      %dma_start3A_150 = arith.constant 0 : i32
      %dma_start3A_151 = tpu.memref_slice %arg17[%add3A_50, %dma_start3A_150] : memref<100352x16xf32, #tpu.memory_space<vmem_shared>> -> memref<196x16xf32, #tpu.memory_space<vmem_shared>>
      tpu.enqueue_dma source(%arg16 : memref<196x16xf32, #tpu.memory_space<vmem>>) target(%dma_start3A_151 : memref<196x16xf32, #tpu.memory_space<vmem_shared>>) target_semaphore(%run_scoped3A : memref<!tpu.dma_semaphore, #tpu.memory_space<semaphore_mem>>)
      %dma_wait3A = arith.constant 0 : i32
      %dma_wait3A_152 = tpu.memref_slice %arg17[%add3A_50, %dma_wait3A] : memref<100352x16xf32, #tpu.memory_space<vmem_shared>> -> memref<196x16xf32, #tpu.memory_space<vmem_shared>>
      %dma_wait3A_153 = arith.constant 0 : i32
      %dma_wait3A_154 = tpu.memref_slice %arg17[%add3A_50, %dma_wait3A_153] : memref<100352x16xf32, #tpu.memory_space<vmem_shared>> -> memref<196x16xf32, #tpu.memory_space<vmem_shared>>
      tpu.wait_dma2 semaphore(%run_scoped3A : memref<!tpu.dma_semaphore, #tpu.memory_space<semaphore_mem>>) src(%arg16 : memref<196x16xf32, #tpu.memory_space<vmem>>) dst(%dma_wait3A_154 : memref<196x16xf32, #tpu.memory_space<vmem_shared>>)
      tpu.yield
    }) : () -> ()
    %mul3A_51 = arith.constant 6272 : i32
    %mul3A_52 = arith.muli %arg1, %mul3A_51 : i32
    %add3A_53 = arith.constant 2156 : i32
    %add3A_54 = arith.addi %mul3A_52, %add3A_53 : i32
    "tpu.region"() ({
      %run_scoped3A = tpu.sem_alloc : memref<!tpu.dma_semaphore, #tpu.memory_space<semaphore_mem>>
      %dma_start3A = arith.constant 0 : i32
      %dma_start3A_149 = tpu.memref_slice %arg17[%add3A_54, %dma_start3A] : memref<100352x16xf32, #tpu.memory_space<vmem_shared>> -> memref<196x16xf32, #tpu.memory_space<vmem_shared>>
      %dma_start3A_150 = arith.constant 0 : i32
      %dma_start3A_151 = tpu.memref_slice %arg17[%add3A_54, %dma_start3A_150] : memref<100352x16xf32, #tpu.memory_space<vmem_shared>> -> memref<196x16xf32, #tpu.memory_space<vmem_shared>>
      tpu.enqueue_dma source(%arg16 : memref<196x16xf32, #tpu.memory_space<vmem>>) target(%dma_start3A_151 : memref<196x16xf32, #tpu.memory_space<vmem_shared>>) target_semaphore(%run_scoped3A : memref<!tpu.dma_semaphore, #tpu.memory_space<semaphore_mem>>)
      %dma_wait3A = arith.constant 0 : i32
      %dma_wait3A_152 = tpu.memref_slice %arg17[%add3A_54, %dma_wait3A] : memref<100352x16xf32, #tpu.memory_space<vmem_shared>> -> memref<196x16xf32, #tpu.memory_space<vmem_shared>>
      %dma_wait3A_153 = arith.constant 0 : i32
      %dma_wait3A_154 = tpu.memref_slice %arg17[%add3A_54, %dma_wait3A_153] : memref<100352x16xf32, #tpu.memory_space<vmem_shared>> -> memref<196x16xf32, #tpu.memory_space<vmem_shared>>
      tpu.wait_dma2 semaphore(%run_scoped3A : memref<!tpu.dma_semaphore, #tpu.memory_space<semaphore_mem>>) src(%arg16 : memref<196x16xf32, #tpu.memory_space<vmem>>) dst(%dma_wait3A_154 : memref<196x16xf32, #tpu.memory_space<vmem_shared>>)
      tpu.yield
    }) : () -> ()
    %mul3A_55 = arith.constant 6272 : i32
    %mul3A_56 = arith.muli %arg1, %mul3A_55 : i32
    %add3A_57 = arith.constant 2352 : i32
    %add3A_58 = arith.addi %mul3A_56, %add3A_57 : i32
    "tpu.region"() ({
      %run_scoped3A = tpu.sem_alloc : memref<!tpu.dma_semaphore, #tpu.memory_space<semaphore_mem>>
      %dma_start3A = arith.constant 0 : i32
      %dma_start3A_149 = tpu.memref_slice %arg17[%add3A_58, %dma_start3A] : memref<100352x16xf32, #tpu.memory_space<vmem_shared>> -> memref<196x16xf32, #tpu.memory_space<vmem_shared>>
      %dma_start3A_150 = arith.constant 0 : i32
      %dma_start3A_151 = tpu.memref_slice %arg17[%add3A_58, %dma_start3A_150] : memref<100352x16xf32, #tpu.memory_space<vmem_shared>> -> memref<196x16xf32, #tpu.memory_space<vmem_shared>>
      tpu.enqueue_dma source(%arg16 : memref<196x16xf32, #tpu.memory_space<vmem>>) target(%dma_start3A_151 : memref<196x16xf32, #tpu.memory_space<vmem_shared>>) target_semaphore(%run_scoped3A : memref<!tpu.dma_semaphore, #tpu.memory_space<semaphore_mem>>)
      %dma_wait3A = arith.constant 0 : i32
      %dma_wait3A_152 = tpu.memref_slice %arg17[%add3A_58, %dma_wait3A] : memref<100352x16xf32, #tpu.memory_space<vmem_shared>> -> memref<196x16xf32, #tpu.memory_space<vmem_shared>>
      %dma_wait3A_153 = arith.constant 0 : i32
      %dma_wait3A_154 = tpu.memref_slice %arg17[%add3A_58, %dma_wait3A_153] : memref<100352x16xf32, #tpu.memory_space<vmem_shared>> -> memref<196x16xf32, #tpu.memory_space<vmem_shared>>
      tpu.wait_dma2 semaphore(%run_scoped3A : memref<!tpu.dma_semaphore, #tpu.memory_space<semaphore_mem>>) src(%arg16 : memref<196x16xf32, #tpu.memory_space<vmem>>) dst(%dma_wait3A_154 : memref<196x16xf32, #tpu.memory_space<vmem_shared>>)
      tpu.yield
    }) : () -> ()
    %mul3A_59 = arith.constant 6272 : i32
    %mul3A_60 = arith.muli %arg1, %mul3A_59 : i32
    %add3A_61 = arith.constant 2548 : i32
    %add3A_62 = arith.addi %mul3A_60, %add3A_61 : i32
    "tpu.region"() ({
      %run_scoped3A = tpu.sem_alloc : memref<!tpu.dma_semaphore, #tpu.memory_space<semaphore_mem>>
      %dma_start3A = arith.constant 0 : i32
      %dma_start3A_149 = tpu.memref_slice %arg17[%add3A_62, %dma_start3A] : memref<100352x16xf32, #tpu.memory_space<vmem_shared>> -> memref<196x16xf32, #tpu.memory_space<vmem_shared>>
      %dma_start3A_150 = arith.constant 0 : i32
      %dma_start3A_151 = tpu.memref_slice %arg17[%add3A_62, %dma_start3A_150] : memref<100352x16xf32, #tpu.memory_space<vmem_shared>> -> memref<196x16xf32, #tpu.memory_space<vmem_shared>>
      tpu.enqueue_dma source(%arg16 : memref<196x16xf32, #tpu.memory_space<vmem>>) target(%dma_start3A_151 : memref<196x16xf32, #tpu.memory_space<vmem_shared>>) target_semaphore(%run_scoped3A : memref<!tpu.dma_semaphore, #tpu.memory_space<semaphore_mem>>)
      %dma_wait3A = arith.constant 0 : i32
      %dma_wait3A_152 = tpu.memref_slice %arg17[%add3A_62, %dma_wait3A] : memref<100352x16xf32, #tpu.memory_space<vmem_shared>> -> memref<196x16xf32, #tpu.memory_space<vmem_shared>>
      %dma_wait3A_153 = arith.constant 0 : i32
      %dma_wait3A_154 = tpu.memref_slice %arg17[%add3A_62, %dma_wait3A_153] : memref<100352x16xf32, #tpu.memory_space<vmem_shared>> -> memref<196x16xf32, #tpu.memory_space<vmem_shared>>
      tpu.wait_dma2 semaphore(%run_scoped3A : memref<!tpu.dma_semaphore, #tpu.memory_space<semaphore_mem>>) src(%arg16 : memref<196x16xf32, #tpu.memory_space<vmem>>) dst(%dma_wait3A_154 : memref<196x16xf32, #tpu.memory_space<vmem_shared>>)
      tpu.yield
    }) : () -> ()
    %mul3A_63 = arith.constant 6272 : i32
    %mul3A_64 = arith.muli %arg1, %mul3A_63 : i32
    %add3A_65 = arith.constant 2744 : i32
    %add3A_66 = arith.addi %mul3A_64, %add3A_65 : i32
    "tpu.region"() ({
      %run_scoped3A = tpu.sem_alloc : memref<!tpu.dma_semaphore, #tpu.memory_space<semaphore_mem>>
      %dma_start3A = arith.constant 0 : i32
      %dma_start3A_149 = tpu.memref_slice %arg17[%add3A_66, %dma_start3A] : memref<100352x16xf32, #tpu.memory_space<vmem_shared>> -> memref<196x16xf32, #tpu.memory_space<vmem_shared>>
      %dma_start3A_150 = arith.constant 0 : i32
      %dma_start3A_151 = tpu.memref_slice %arg17[%add3A_66, %dma_start3A_150] : memref<100352x16xf32, #tpu.memory_space<vmem_shared>> -> memref<196x16xf32, #tpu.memory_space<vmem_shared>>
      tpu.enqueue_dma source(%arg16 : memref<196x16xf32, #tpu.memory_space<vmem>>) target(%dma_start3A_151 : memref<196x16xf32, #tpu.memory_space<vmem_shared>>) target_semaphore(%run_scoped3A : memref<!tpu.dma_semaphore, #tpu.memory_space<semaphore_mem>>)
      %dma_wait3A = arith.constant 0 : i32
      %dma_wait3A_152 = tpu.memref_slice %arg17[%add3A_66, %dma_wait3A] : memref<100352x16xf32, #tpu.memory_space<vmem_shared>> -> memref<196x16xf32, #tpu.memory_space<vmem_shared>>
      %dma_wait3A_153 = arith.constant 0 : i32
      %dma_wait3A_154 = tpu.memref_slice %arg17[%add3A_66, %dma_wait3A_153] : memref<100352x16xf32, #tpu.memory_space<vmem_shared>> -> memref<196x16xf32, #tpu.memory_space<vmem_shared>>
      tpu.wait_dma2 semaphore(%run_scoped3A : memref<!tpu.dma_semaphore, #tpu.memory_space<semaphore_mem>>) src(%arg16 : memref<196x16xf32, #tpu.memory_space<vmem>>) dst(%dma_wait3A_154 : memref<196x16xf32, #tpu.memory_space<vmem_shared>>)
      tpu.yield
    }) : () -> ()
    %mul3A_67 = arith.constant 6272 : i32
    %mul3A_68 = arith.muli %arg1, %mul3A_67 : i32
    %add3A_69 = arith.constant 2940 : i32
    %add3A_70 = arith.addi %mul3A_68, %add3A_69 : i32
    "tpu.region"() ({
      %run_scoped3A = tpu.sem_alloc : memref<!tpu.dma_semaphore, #tpu.memory_space<semaphore_mem>>
      %dma_start3A = arith.constant 0 : i32
      %dma_start3A_149 = tpu.memref_slice %arg17[%add3A_70, %dma_start3A] : memref<100352x16xf32, #tpu.memory_space<vmem_shared>> -> memref<196x16xf32, #tpu.memory_space<vmem_shared>>
      %dma_start3A_150 = arith.constant 0 : i32
      %dma_start3A_151 = tpu.memref_slice %arg17[%add3A_70, %dma_start3A_150] : memref<100352x16xf32, #tpu.memory_space<vmem_shared>> -> memref<196x16xf32, #tpu.memory_space<vmem_shared>>
      tpu.enqueue_dma source(%arg16 : memref<196x16xf32, #tpu.memory_space<vmem>>) target(%dma_start3A_151 : memref<196x16xf32, #tpu.memory_space<vmem_shared>>) target_semaphore(%run_scoped3A : memref<!tpu.dma_semaphore, #tpu.memory_space<semaphore_mem>>)
      %dma_wait3A = arith.constant 0 : i32
      %dma_wait3A_152 = tpu.memref_slice %arg17[%add3A_70, %dma_wait3A] : memref<100352x16xf32, #tpu.memory_space<vmem_shared>> -> memref<196x16xf32, #tpu.memory_space<vmem_shared>>
      %dma_wait3A_153 = arith.constant 0 : i32
      %dma_wait3A_154 = tpu.memref_slice %arg17[%add3A_70, %dma_wait3A_153] : memref<100352x16xf32, #tpu.memory_space<vmem_shared>> -> memref<196x16xf32, #tpu.memory_space<vmem_shared>>
      tpu.wait_dma2 semaphore(%run_scoped3A : memref<!tpu.dma_semaphore, #tpu.memory_space<semaphore_mem>>) src(%arg16 : memref<196x16xf32, #tpu.memory_space<vmem>>) dst(%dma_wait3A_154 : memref<196x16xf32, #tpu.memory_space<vmem_shared>>)
      tpu.yield
    }) : () -> ()
    %mul3A_71 = arith.constant 6272 : i32
    %mul3A_72 = arith.muli %arg1, %mul3A_71 : i32
    %add3A_73 = arith.constant 3136 : i32
    %add3A_74 = arith.addi %mul3A_72, %add3A_73 : i32
    "tpu.region"() ({
      %run_scoped3A = tpu.sem_alloc : memref<!tpu.dma_semaphore, #tpu.memory_space<semaphore_mem>>
      %dma_start3A = arith.constant 0 : i32
      %dma_start3A_149 = tpu.memref_slice %arg17[%add3A_74, %dma_start3A] : memref<100352x16xf32, #tpu.memory_space<vmem_shared>> -> memref<196x16xf32, #tpu.memory_space<vmem_shared>>
      %dma_start3A_150 = arith.constant 0 : i32
      %dma_start3A_151 = tpu.memref_slice %arg17[%add3A_74, %dma_start3A_150] : memref<100352x16xf32, #tpu.memory_space<vmem_shared>> -> memref<196x16xf32, #tpu.memory_space<vmem_shared>>
      tpu.enqueue_dma source(%arg16 : memref<196x16xf32, #tpu.memory_space<vmem>>) target(%dma_start3A_151 : memref<196x16xf32, #tpu.memory_space<vmem_shared>>) target_semaphore(%run_scoped3A : memref<!tpu.dma_semaphore, #tpu.memory_space<semaphore_mem>>)
      %dma_wait3A = arith.constant 0 : i32
      %dma_wait3A_152 = tpu.memref_slice %arg17[%add3A_74, %dma_wait3A] : memref<100352x16xf32, #tpu.memory_space<vmem_shared>> -> memref<196x16xf32, #tpu.memory_space<vmem_shared>>
      %dma_wait3A_153 = arith.constant 0 : i32
      %dma_wait3A_154 = tpu.memref_slice %arg17[%add3A_74, %dma_wait3A_153] : memref<100352x16xf32, #tpu.memory_space<vmem_shared>> -> memref<196x16xf32, #tpu.memory_space<vmem_shared>>
      tpu.wait_dma2 semaphore(%run_scoped3A : memref<!tpu.dma_semaphore, #tpu.memory_space<semaphore_mem>>) src(%arg16 : memref<196x16xf32, #tpu.memory_space<vmem>>) dst(%dma_wait3A_154 : memref<196x16xf32, #tpu.memory_space<vmem_shared>>)
      tpu.yield
    }) : () -> ()
    %mul3A_75 = arith.constant 6272 : i32
    %mul3A_76 = arith.muli %arg1, %mul3A_75 : i32
    %add3A_77 = arith.constant 3332 : i32
    %add3A_78 = arith.addi %mul3A_76, %add3A_77 : i32
    "tpu.region"() ({
      %run_scoped3A = tpu.sem_alloc : memref<!tpu.dma_semaphore, #tpu.memory_space<semaphore_mem>>
      %dma_start3A = arith.constant 0 : i32
      %dma_start3A_149 = tpu.memref_slice %arg17[%add3A_78, %dma_start3A] : memref<100352x16xf32, #tpu.memory_space<vmem_shared>> -> memref<196x16xf32, #tpu.memory_space<vmem_shared>>
      %dma_start3A_150 = arith.constant 0 : i32
      %dma_start3A_151 = tpu.memref_slice %arg17[%add3A_78, %dma_start3A_150] : memref<100352x16xf32, #tpu.memory_space<vmem_shared>> -> memref<196x16xf32, #tpu.memory_space<vmem_shared>>
      tpu.enqueue_dma source(%arg16 : memref<196x16xf32, #tpu.memory_space<vmem>>) target(%dma_start3A_151 : memref<196x16xf32, #tpu.memory_space<vmem_shared>>) target_semaphore(%run_scoped3A : memref<!tpu.dma_semaphore, #tpu.memory_space<semaphore_mem>>)
      %dma_wait3A = arith.constant 0 : i32
      %dma_wait3A_152 = tpu.memref_slice %arg17[%add3A_78, %dma_wait3A] : memref<100352x16xf32, #tpu.memory_space<vmem_shared>> -> memref<196x16xf32, #tpu.memory_space<vmem_shared>>
      %dma_wait3A_153 = arith.constant 0 : i32
      %dma_wait3A_154 = tpu.memref_slice %arg17[%add3A_78, %dma_wait3A_153] : memref<100352x16xf32, #tpu.memory_space<vmem_shared>> -> memref<196x16xf32, #tpu.memory_space<vmem_shared>>
      tpu.wait_dma2 semaphore(%run_scoped3A : memref<!tpu.dma_semaphore, #tpu.memory_space<semaphore_mem>>) src(%arg16 : memref<196x16xf32, #tpu.memory_space<vmem>>) dst(%dma_wait3A_154 : memref<196x16xf32, #tpu.memory_space<vmem_shared>>)
      tpu.yield
    }) : () -> ()
    %mul3A_79 = arith.constant 6272 : i32
    %mul3A_80 = arith.muli %arg1, %mul3A_79 : i32
    %add3A_81 = arith.constant 3528 : i32
    %add3A_82 = arith.addi %mul3A_80, %add3A_81 : i32
    "tpu.region"() ({
      %run_scoped3A = tpu.sem_alloc : memref<!tpu.dma_semaphore, #tpu.memory_space<semaphore_mem>>
      %dma_start3A = arith.constant 0 : i32
      %dma_start3A_149 = tpu.memref_slice %arg17[%add3A_82, %dma_start3A] : memref<100352x16xf32, #tpu.memory_space<vmem_shared>> -> memref<196x16xf32, #tpu.memory_space<vmem_shared>>
      %dma_start3A_150 = arith.constant 0 : i32
      %dma_start3A_151 = tpu.memref_slice %arg17[%add3A_82, %dma_start3A_150] : memref<100352x16xf32, #tpu.memory_space<vmem_shared>> -> memref<196x16xf32, #tpu.memory_space<vmem_shared>>
      tpu.enqueue_dma source(%arg16 : memref<196x16xf32, #tpu.memory_space<vmem>>) target(%dma_start3A_151 : memref<196x16xf32, #tpu.memory_space<vmem_shared>>) target_semaphore(%run_scoped3A : memref<!tpu.dma_semaphore, #tpu.memory_space<semaphore_mem>>)
      %dma_wait3A = arith.constant 0 : i32
      %dma_wait3A_152 = tpu.memref_slice %arg17[%add3A_82, %dma_wait3A] : memref<100352x16xf32, #tpu.memory_space<vmem_shared>> -> memref<196x16xf32, #tpu.memory_space<vmem_shared>>
      %dma_wait3A_153 = arith.constant 0 : i32
      %dma_wait3A_154 = tpu.memref_slice %arg17[%add3A_82, %dma_wait3A_153] : memref<100352x16xf32, #tpu.memory_space<vmem_shared>> -> memref<196x16xf32, #tpu.memory_space<vmem_shared>>
      tpu.wait_dma2 semaphore(%run_scoped3A : memref<!tpu.dma_semaphore, #tpu.memory_space<semaphore_mem>>) src(%arg16 : memref<196x16xf32, #tpu.memory_space<vmem>>) dst(%dma_wait3A_154 : memref<196x16xf32, #tpu.memory_space<vmem_shared>>)
      tpu.yield
    }) : () -> ()
    %mul3A_83 = arith.constant 6272 : i32
    %mul3A_84 = arith.muli %arg1, %mul3A_83 : i32
    %add3A_85 = arith.constant 3724 : i32
    %add3A_86 = arith.addi %mul3A_84, %add3A_85 : i32
    "tpu.region"() ({
      %run_scoped3A = tpu.sem_alloc : memref<!tpu.dma_semaphore, #tpu.memory_space<semaphore_mem>>
      %dma_start3A = arith.constant 0 : i32
      %dma_start3A_149 = tpu.memref_slice %arg17[%add3A_86, %dma_start3A] : memref<100352x16xf32, #tpu.memory_space<vmem_shared>> -> memref<196x16xf32, #tpu.memory_space<vmem_shared>>
      %dma_start3A_150 = arith.constant 0 : i32
      %dma_start3A_151 = tpu.memref_slice %arg17[%add3A_86, %dma_start3A_150] : memref<100352x16xf32, #tpu.memory_space<vmem_shared>> -> memref<196x16xf32, #tpu.memory_space<vmem_shared>>
      tpu.enqueue_dma source(%arg16 : memref<196x16xf32, #tpu.memory_space<vmem>>) target(%dma_start3A_151 : memref<196x16xf32, #tpu.memory_space<vmem_shared>>) target_semaphore(%run_scoped3A : memref<!tpu.dma_semaphore, #tpu.memory_space<semaphore_mem>>)
      %dma_wait3A = arith.constant 0 : i32
      %dma_wait3A_152 = tpu.memref_slice %arg17[%add3A_86, %dma_wait3A] : memref<100352x16xf32, #tpu.memory_space<vmem_shared>> -> memref<196x16xf32, #tpu.memory_space<vmem_shared>>
      %dma_wait3A_153 = arith.constant 0 : i32
      %dma_wait3A_154 = tpu.memref_slice %arg17[%add3A_86, %dma_wait3A_153] : memref<100352x16xf32, #tpu.memory_space<vmem_shared>> -> memref<196x16xf32, #tpu.memory_space<vmem_shared>>
      tpu.wait_dma2 semaphore(%run_scoped3A : memref<!tpu.dma_semaphore, #tpu.memory_space<semaphore_mem>>) src(%arg16 : memref<196x16xf32, #tpu.memory_space<vmem>>) dst(%dma_wait3A_154 : memref<196x16xf32, #tpu.memory_space<vmem_shared>>)
      tpu.yield
    }) : () -> ()
    %mul3A_87 = arith.constant 6272 : i32
    %mul3A_88 = arith.muli %arg1, %mul3A_87 : i32
    %add3A_89 = arith.constant 3920 : i32
    %add3A_90 = arith.addi %mul3A_88, %add3A_89 : i32
    "tpu.region"() ({
      %run_scoped3A = tpu.sem_alloc : memref<!tpu.dma_semaphore, #tpu.memory_space<semaphore_mem>>
      %dma_start3A = arith.constant 0 : i32
      %dma_start3A_149 = tpu.memref_slice %arg17[%add3A_90, %dma_start3A] : memref<100352x16xf32, #tpu.memory_space<vmem_shared>> -> memref<196x16xf32, #tpu.memory_space<vmem_shared>>
      %dma_start3A_150 = arith.constant 0 : i32
      %dma_start3A_151 = tpu.memref_slice %arg17[%add3A_90, %dma_start3A_150] : memref<100352x16xf32, #tpu.memory_space<vmem_shared>> -> memref<196x16xf32, #tpu.memory_space<vmem_shared>>
      tpu.enqueue_dma source(%arg16 : memref<196x16xf32, #tpu.memory_space<vmem>>) target(%dma_start3A_151 : memref<196x16xf32, #tpu.memory_space<vmem_shared>>) target_semaphore(%run_scoped3A : memref<!tpu.dma_semaphore, #tpu.memory_space<semaphore_mem>>)
      %dma_wait3A = arith.constant 0 : i32
      %dma_wait3A_152 = tpu.memref_slice %arg17[%add3A_90, %dma_wait3A] : memref<100352x16xf32, #tpu.memory_space<vmem_shared>> -> memref<196x16xf32, #tpu.memory_space<vmem_shared>>
      %dma_wait3A_153 = arith.constant 0 : i32
      %dma_wait3A_154 = tpu.memref_slice %arg17[%add3A_90, %dma_wait3A_153] : memref<100352x16xf32, #tpu.memory_space<vmem_shared>> -> memref<196x16xf32, #tpu.memory_space<vmem_shared>>
      tpu.wait_dma2 semaphore(%run_scoped3A : memref<!tpu.dma_semaphore, #tpu.memory_space<semaphore_mem>>) src(%arg16 : memref<196x16xf32, #tpu.memory_space<vmem>>) dst(%dma_wait3A_154 : memref<196x16xf32, #tpu.memory_space<vmem_shared>>)
      tpu.yield
    }) : () -> ()
    %mul3A_91 = arith.constant 6272 : i32
    %mul3A_92 = arith.muli %arg1, %mul3A_91 : i32
    %add3A_93 = arith.constant 4116 : i32
    %add3A_94 = arith.addi %mul3A_92, %add3A_93 : i32
    "tpu.region"() ({
      %run_scoped3A = tpu.sem_alloc : memref<!tpu.dma_semaphore, #tpu.memory_space<semaphore_mem>>
      %dma_start3A = arith.constant 0 : i32
      %dma_start3A_149 = tpu.memref_slice %arg17[%add3A_94, %dma_start3A] : memref<100352x16xf32, #tpu.memory_space<vmem_shared>> -> memref<196x16xf32, #tpu.memory_space<vmem_shared>>
      %dma_start3A_150 = arith.constant 0 : i32
      %dma_start3A_151 = tpu.memref_slice %arg17[%add3A_94, %dma_start3A_150] : memref<100352x16xf32, #tpu.memory_space<vmem_shared>> -> memref<196x16xf32, #tpu.memory_space<vmem_shared>>
      tpu.enqueue_dma source(%arg16 : memref<196x16xf32, #tpu.memory_space<vmem>>) target(%dma_start3A_151 : memref<196x16xf32, #tpu.memory_space<vmem_shared>>) target_semaphore(%run_scoped3A : memref<!tpu.dma_semaphore, #tpu.memory_space<semaphore_mem>>)
      %dma_wait3A = arith.constant 0 : i32
      %dma_wait3A_152 = tpu.memref_slice %arg17[%add3A_94, %dma_wait3A] : memref<100352x16xf32, #tpu.memory_space<vmem_shared>> -> memref<196x16xf32, #tpu.memory_space<vmem_shared>>
      %dma_wait3A_153 = arith.constant 0 : i32
      %dma_wait3A_154 = tpu.memref_slice %arg17[%add3A_94, %dma_wait3A_153] : memref<100352x16xf32, #tpu.memory_space<vmem_shared>> -> memref<196x16xf32, #tpu.memory_space<vmem_shared>>
      tpu.wait_dma2 semaphore(%run_scoped3A : memref<!tpu.dma_semaphore, #tpu.memory_space<semaphore_mem>>) src(%arg16 : memref<196x16xf32, #tpu.memory_space<vmem>>) dst(%dma_wait3A_154 : memref<196x16xf32, #tpu.memory_space<vmem_shared>>)
      tpu.yield
    }) : () -> ()
    %mul3A_95 = arith.constant 6272 : i32
    %mul3A_96 = arith.muli %arg1, %mul3A_95 : i32
    %add3A_97 = arith.constant 4312 : i32
    %add3A_98 = arith.addi %mul3A_96, %add3A_97 : i32
    "tpu.region"() ({
      %run_scoped3A = tpu.sem_alloc : memref<!tpu.dma_semaphore, #tpu.memory_space<semaphore_mem>>
      %dma_start3A = arith.constant 0 : i32
      %dma_start3A_149 = tpu.memref_slice %arg17[%add3A_98, %dma_start3A] : memref<100352x16xf32, #tpu.memory_space<vmem_shared>> -> memref<196x16xf32, #tpu.memory_space<vmem_shared>>
      %dma_start3A_150 = arith.constant 0 : i32
      %dma_start3A_151 = tpu.memref_slice %arg17[%add3A_98, %dma_start3A_150] : memref<100352x16xf32, #tpu.memory_space<vmem_shared>> -> memref<196x16xf32, #tpu.memory_space<vmem_shared>>
      tpu.enqueue_dma source(%arg16 : memref<196x16xf32, #tpu.memory_space<vmem>>) target(%dma_start3A_151 : memref<196x16xf32, #tpu.memory_space<vmem_shared>>) target_semaphore(%run_scoped3A : memref<!tpu.dma_semaphore, #tpu.memory_space<semaphore_mem>>)
      %dma_wait3A = arith.constant 0 : i32
      %dma_wait3A_152 = tpu.memref_slice %arg17[%add3A_98, %dma_wait3A] : memref<100352x16xf32, #tpu.memory_space<vmem_shared>> -> memref<196x16xf32, #tpu.memory_space<vmem_shared>>
      %dma_wait3A_153 = arith.constant 0 : i32
      %dma_wait3A_154 = tpu.memref_slice %arg17[%add3A_98, %dma_wait3A_153] : memref<100352x16xf32, #tpu.memory_space<vmem_shared>> -> memref<196x16xf32, #tpu.memory_space<vmem_shared>>
      tpu.wait_dma2 semaphore(%run_scoped3A : memref<!tpu.dma_semaphore, #tpu.memory_space<semaphore_mem>>) src(%arg16 : memref<196x16xf32, #tpu.memory_space<vmem>>) dst(%dma_wait3A_154 : memref<196x16xf32, #tpu.memory_space<vmem_shared>>)
      tpu.yield
    }) : () -> ()
    %mul3A_99 = arith.constant 6272 : i32
    %mul3A_100 = arith.muli %arg1, %mul3A_99 : i32
    %add3A_101 = arith.constant 4508 : i32
    %add3A_102 = arith.addi %mul3A_100, %add3A_101 : i32
    "tpu.region"() ({
      %run_scoped3A = tpu.sem_alloc : memref<!tpu.dma_semaphore, #tpu.memory_space<semaphore_mem>>
      %dma_start3A = arith.constant 0 : i32
      %dma_start3A_149 = tpu.memref_slice %arg17[%add3A_102, %dma_start3A] : memref<100352x16xf32, #tpu.memory_space<vmem_shared>> -> memref<196x16xf32, #tpu.memory_space<vmem_shared>>
      %dma_start3A_150 = arith.constant 0 : i32
      %dma_start3A_151 = tpu.memref_slice %arg17[%add3A_102, %dma_start3A_150] : memref<100352x16xf32, #tpu.memory_space<vmem_shared>> -> memref<196x16xf32, #tpu.memory_space<vmem_shared>>
      tpu.enqueue_dma source(%arg16 : memref<196x16xf32, #tpu.memory_space<vmem>>) target(%dma_start3A_151 : memref<196x16xf32, #tpu.memory_space<vmem_shared>>) target_semaphore(%run_scoped3A : memref<!tpu.dma_semaphore, #tpu.memory_space<semaphore_mem>>)
      %dma_wait3A = arith.constant 0 : i32
      %dma_wait3A_152 = tpu.memref_slice %arg17[%add3A_102, %dma_wait3A] : memref<100352x16xf32, #tpu.memory_space<vmem_shared>> -> memref<196x16xf32, #tpu.memory_space<vmem_shared>>
      %dma_wait3A_153 = arith.constant 0 : i32
      %dma_wait3A_154 = tpu.memref_slice %arg17[%add3A_102, %dma_wait3A_153] : memref<100352x16xf32, #tpu.memory_space<vmem_shared>> -> memref<196x16xf32, #tpu.memory_space<vmem_shared>>
      tpu.wait_dma2 semaphore(%run_scoped3A : memref<!tpu.dma_semaphore, #tpu.memory_space<semaphore_mem>>) src(%arg16 : memref<196x16xf32, #tpu.memory_space<vmem>>) dst(%dma_wait3A_154 : memref<196x16xf32, #tpu.memory_space<vmem_shared>>)
      tpu.yield
    }) : () -> ()
    %mul3A_103 = arith.constant 6272 : i32
    %mul3A_104 = arith.muli %arg1, %mul3A_103 : i32
    %add3A_105 = arith.constant 4704 : i32
    %add3A_106 = arith.addi %mul3A_104, %add3A_105 : i32
    "tpu.region"() ({
      %run_scoped3A = tpu.sem_alloc : memref<!tpu.dma_semaphore, #tpu.memory_space<semaphore_mem>>
      %dma_start3A = arith.constant 0 : i32
      %dma_start3A_149 = tpu.memref_slice %arg17[%add3A_106, %dma_start3A] : memref<100352x16xf32, #tpu.memory_space<vmem_shared>> -> memref<196x16xf32, #tpu.memory_space<vmem_shared>>
      %dma_start3A_150 = arith.constant 0 : i32
      %dma_start3A_151 = tpu.memref_slice %arg17[%add3A_106, %dma_start3A_150] : memref<100352x16xf32, #tpu.memory_space<vmem_shared>> -> memref<196x16xf32, #tpu.memory_space<vmem_shared>>
      tpu.enqueue_dma source(%arg16 : memref<196x16xf32, #tpu.memory_space<vmem>>) target(%dma_start3A_151 : memref<196x16xf32, #tpu.memory_space<vmem_shared>>) target_semaphore(%run_scoped3A : memref<!tpu.dma_semaphore, #tpu.memory_space<semaphore_mem>>)
      %dma_wait3A = arith.constant 0 : i32
      %dma_wait3A_152 = tpu.memref_slice %arg17[%add3A_106, %dma_wait3A] : memref<100352x16xf32, #tpu.memory_space<vmem_shared>> -> memref<196x16xf32, #tpu.memory_space<vmem_shared>>
      %dma_wait3A_153 = arith.constant 0 : i32
      %dma_wait3A_154 = tpu.memref_slice %arg17[%add3A_106, %dma_wait3A_153] : memref<100352x16xf32, #tpu.memory_space<vmem_shared>> -> memref<196x16xf32, #tpu.memory_space<vmem_shared>>
      tpu.wait_dma2 semaphore(%run_scoped3A : memref<!tpu.dma_semaphore, #tpu.memory_space<semaphore_mem>>) src(%arg16 : memref<196x16xf32, #tpu.memory_space<vmem>>) dst(%dma_wait3A_154 : memref<196x16xf32, #tpu.memory_space<vmem_shared>>)
      tpu.yield
    }) : () -> ()
    %mul3A_107 = arith.constant 6272 : i32
    %mul3A_108 = arith.muli %arg1, %mul3A_107 : i32
    %add3A_109 = arith.constant 4900 : i32
    %add3A_110 = arith.addi %mul3A_108, %add3A_109 : i32
    "tpu.region"() ({
      %run_scoped3A = tpu.sem_alloc : memref<!tpu.dma_semaphore, #tpu.memory_space<semaphore_mem>>
      %dma_start3A = arith.constant 0 : i32
      %dma_start3A_149 = tpu.memref_slice %arg17[%add3A_110, %dma_start3A] : memref<100352x16xf32, #tpu.memory_space<vmem_shared>> -> memref<196x16xf32, #tpu.memory_space<vmem_shared>>
      %dma_start3A_150 = arith.constant 0 : i32
      %dma_start3A_151 = tpu.memref_slice %arg17[%add3A_110, %dma_start3A_150] : memref<100352x16xf32, #tpu.memory_space<vmem_shared>> -> memref<196x16xf32, #tpu.memory_space<vmem_shared>>
      tpu.enqueue_dma source(%arg16 : memref<196x16xf32, #tpu.memory_space<vmem>>) target(%dma_start3A_151 : memref<196x16xf32, #tpu.memory_space<vmem_shared>>) target_semaphore(%run_scoped3A : memref<!tpu.dma_semaphore, #tpu.memory_space<semaphore_mem>>)
      %dma_wait3A = arith.constant 0 : i32
      %dma_wait3A_152 = tpu.memref_slice %arg17[%add3A_110, %dma_wait3A] : memref<100352x16xf32, #tpu.memory_space<vmem_shared>> -> memref<196x16xf32, #tpu.memory_space<vmem_shared>>
      %dma_wait3A_153 = arith.constant 0 : i32
      %dma_wait3A_154 = tpu.memref_slice %arg17[%add3A_110, %dma_wait3A_153] : memref<100352x16xf32, #tpu.memory_space<vmem_shared>> -> memref<196x16xf32, #tpu.memory_space<vmem_shared>>
      tpu.wait_dma2 semaphore(%run_scoped3A : memref<!tpu.dma_semaphore, #tpu.memory_space<semaphore_mem>>) src(%arg16 : memref<196x16xf32, #tpu.memory_space<vmem>>) dst(%dma_wait3A_154 : memref<196x16xf32, #tpu.memory_space<vmem_shared>>)
      tpu.yield
    }) : () -> ()
    %mul3A_111 = arith.constant 6272 : i32
    %mul3A_112 = arith.muli %arg1, %mul3A_111 : i32
    %add3A_113 = arith.constant 5096 : i32
    %add3A_114 = arith.addi %mul3A_112, %add3A_113 : i32
    "tpu.region"() ({
      %run_scoped3A = tpu.sem_alloc : memref<!tpu.dma_semaphore, #tpu.memory_space<semaphore_mem>>
      %dma_start3A = arith.constant 0 : i32
      %dma_start3A_149 = tpu.memref_slice %arg17[%add3A_114, %dma_start3A] : memref<100352x16xf32, #tpu.memory_space<vmem_shared>> -> memref<196x16xf32, #tpu.memory_space<vmem_shared>>
      %dma_start3A_150 = arith.constant 0 : i32
      %dma_start3A_151 = tpu.memref_slice %arg17[%add3A_114, %dma_start3A_150] : memref<100352x16xf32, #tpu.memory_space<vmem_shared>> -> memref<196x16xf32, #tpu.memory_space<vmem_shared>>
      tpu.enqueue_dma source(%arg16 : memref<196x16xf32, #tpu.memory_space<vmem>>) target(%dma_start3A_151 : memref<196x16xf32, #tpu.memory_space<vmem_shared>>) target_semaphore(%run_scoped3A : memref<!tpu.dma_semaphore, #tpu.memory_space<semaphore_mem>>)
      %dma_wait3A = arith.constant 0 : i32
      %dma_wait3A_152 = tpu.memref_slice %arg17[%add3A_114, %dma_wait3A] : memref<100352x16xf32, #tpu.memory_space<vmem_shared>> -> memref<196x16xf32, #tpu.memory_space<vmem_shared>>
      %dma_wait3A_153 = arith.constant 0 : i32
      %dma_wait3A_154 = tpu.memref_slice %arg17[%add3A_114, %dma_wait3A_153] : memref<100352x16xf32, #tpu.memory_space<vmem_shared>> -> memref<196x16xf32, #tpu.memory_space<vmem_shared>>
      tpu.wait_dma2 semaphore(%run_scoped3A : memref<!tpu.dma_semaphore, #tpu.memory_space<semaphore_mem>>) src(%arg16 : memref<196x16xf32, #tpu.memory_space<vmem>>) dst(%dma_wait3A_154 : memref<196x16xf32, #tpu.memory_space<vmem_shared>>)
      tpu.yield
    }) : () -> ()
    %mul3A_115 = arith.constant 6272 : i32
    %mul3A_116 = arith.muli %arg1, %mul3A_115 : i32
    %add3A_117 = arith.constant 5292 : i32
    %add3A_118 = arith.addi %mul3A_116, %add3A_117 : i32
    "tpu.region"() ({
      %run_scoped3A = tpu.sem_alloc : memref<!tpu.dma_semaphore, #tpu.memory_space<semaphore_mem>>
      %dma_start3A = arith.constant 0 : i32
      %dma_start3A_149 = tpu.memref_slice %arg17[%add3A_118, %dma_start3A] : memref<100352x16xf32, #tpu.memory_space<vmem_shared>> -> memref<196x16xf32, #tpu.memory_space<vmem_shared>>
      %dma_start3A_150 = arith.constant 0 : i32
      %dma_start3A_151 = tpu.memref_slice %arg17[%add3A_118, %dma_start3A_150] : memref<100352x16xf32, #tpu.memory_space<vmem_shared>> -> memref<196x16xf32, #tpu.memory_space<vmem_shared>>
      tpu.enqueue_dma source(%arg16 : memref<196x16xf32, #tpu.memory_space<vmem>>) target(%dma_start3A_151 : memref<196x16xf32, #tpu.memory_space<vmem_shared>>) target_semaphore(%run_scoped3A : memref<!tpu.dma_semaphore, #tpu.memory_space<semaphore_mem>>)
      %dma_wait3A = arith.constant 0 : i32
      %dma_wait3A_152 = tpu.memref_slice %arg17[%add3A_118, %dma_wait3A] : memref<100352x16xf32, #tpu.memory_space<vmem_shared>> -> memref<196x16xf32, #tpu.memory_space<vmem_shared>>
      %dma_wait3A_153 = arith.constant 0 : i32
      %dma_wait3A_154 = tpu.memref_slice %arg17[%add3A_118, %dma_wait3A_153] : memref<100352x16xf32, #tpu.memory_space<vmem_shared>> -> memref<196x16xf32, #tpu.memory_space<vmem_shared>>
      tpu.wait_dma2 semaphore(%run_scoped3A : memref<!tpu.dma_semaphore, #tpu.memory_space<semaphore_mem>>) src(%arg16 : memref<196x16xf32, #tpu.memory_space<vmem>>) dst(%dma_wait3A_154 : memref<196x16xf32, #tpu.memory_space<vmem_shared>>)
      tpu.yield
    }) : () -> ()
    %mul3A_119 = arith.constant 6272 : i32
    %mul3A_120 = arith.muli %arg1, %mul3A_119 : i32
    %add3A_121 = arith.constant 5488 : i32
    %add3A_122 = arith.addi %mul3A_120, %add3A_121 : i32
    "tpu.region"() ({
      %run_scoped3A = tpu.sem_alloc : memref<!tpu.dma_semaphore, #tpu.memory_space<semaphore_mem>>
      %dma_start3A = arith.constant 0 : i32
      %dma_start3A_149 = tpu.memref_slice %arg17[%add3A_122, %dma_start3A] : memref<100352x16xf32, #tpu.memory_space<vmem_shared>> -> memref<196x16xf32, #tpu.memory_space<vmem_shared>>
      %dma_start3A_150 = arith.constant 0 : i32
      %dma_start3A_151 = tpu.memref_slice %arg17[%add3A_122, %dma_start3A_150] : memref<100352x16xf32, #tpu.memory_space<vmem_shared>> -> memref<196x16xf32, #tpu.memory_space<vmem_shared>>
      tpu.enqueue_dma source(%arg16 : memref<196x16xf32, #tpu.memory_space<vmem>>) target(%dma_start3A_151 : memref<196x16xf32, #tpu.memory_space<vmem_shared>>) target_semaphore(%run_scoped3A : memref<!tpu.dma_semaphore, #tpu.memory_space<semaphore_mem>>)
      %dma_wait3A = arith.constant 0 : i32
      %dma_wait3A_152 = tpu.memref_slice %arg17[%add3A_122, %dma_wait3A] : memref<100352x16xf32, #tpu.memory_space<vmem_shared>> -> memref<196x16xf32, #tpu.memory_space<vmem_shared>>
      %dma_wait3A_153 = arith.constant 0 : i32
      %dma_wait3A_154 = tpu.memref_slice %arg17[%add3A_122, %dma_wait3A_153] : memref<100352x16xf32, #tpu.memory_space<vmem_shared>> -> memref<196x16xf32, #tpu.memory_space<vmem_shared>>
      tpu.wait_dma2 semaphore(%run_scoped3A : memref<!tpu.dma_semaphore, #tpu.memory_space<semaphore_mem>>) src(%arg16 : memref<196x16xf32, #tpu.memory_space<vmem>>) dst(%dma_wait3A_154 : memref<196x16xf32, #tpu.memory_space<vmem_shared>>)
      tpu.yield
    }) : () -> ()
    %mul3A_123 = arith.constant 6272 : i32
    %mul3A_124 = arith.muli %arg1, %mul3A_123 : i32
    %add3A_125 = arith.constant 5684 : i32
    %add3A_126 = arith.addi %mul3A_124, %add3A_125 : i32
    "tpu.region"() ({
      %run_scoped3A = tpu.sem_alloc : memref<!tpu.dma_semaphore, #tpu.memory_space<semaphore_mem>>
      %dma_start3A = arith.constant 0 : i32
      %dma_start3A_149 = tpu.memref_slice %arg17[%add3A_126, %dma_start3A] : memref<100352x16xf32, #tpu.memory_space<vmem_shared>> -> memref<196x16xf32, #tpu.memory_space<vmem_shared>>
      %dma_start3A_150 = arith.constant 0 : i32
      %dma_start3A_151 = tpu.memref_slice %arg17[%add3A_126, %dma_start3A_150] : memref<100352x16xf32, #tpu.memory_space<vmem_shared>> -> memref<196x16xf32, #tpu.memory_space<vmem_shared>>
      tpu.enqueue_dma source(%arg16 : memref<196x16xf32, #tpu.memory_space<vmem>>) target(%dma_start3A_151 : memref<196x16xf32, #tpu.memory_space<vmem_shared>>) target_semaphore(%run_scoped3A : memref<!tpu.dma_semaphore, #tpu.memory_space<semaphore_mem>>)
      %dma_wait3A = arith.constant 0 : i32
      %dma_wait3A_152 = tpu.memref_slice %arg17[%add3A_126, %dma_wait3A] : memref<100352x16xf32, #tpu.memory_space<vmem_shared>> -> memref<196x16xf32, #tpu.memory_space<vmem_shared>>
      %dma_wait3A_153 = arith.constant 0 : i32
      %dma_wait3A_154 = tpu.memref_slice %arg17[%add3A_126, %dma_wait3A_153] : memref<100352x16xf32, #tpu.memory_space<vmem_shared>> -> memref<196x16xf32, #tpu.memory_space<vmem_shared>>
      tpu.wait_dma2 semaphore(%run_scoped3A : memref<!tpu.dma_semaphore, #tpu.memory_space<semaphore_mem>>) src(%arg16 : memref<196x16xf32, #tpu.memory_space<vmem>>) dst(%dma_wait3A_154 : memref<196x16xf32, #tpu.memory_space<vmem_shared>>)
      tpu.yield
    }) : () -> ()
    %mul3A_127 = arith.constant 6272 : i32
    %mul3A_128 = arith.muli %arg1, %mul3A_127 : i32
    %add3A_129 = arith.constant 5880 : i32
    %add3A_130 = arith.addi %mul3A_128, %add3A_129 : i32
    "tpu.region"() ({
      %run_scoped3A = tpu.sem_alloc : memref<!tpu.dma_semaphore, #tpu.memory_space<semaphore_mem>>
      %dma_start3A = arith.constant 0 : i32
      %dma_start3A_149 = tpu.memref_slice %arg17[%add3A_130, %dma_start3A] : memref<100352x16xf32, #tpu.memory_space<vmem_shared>> -> memref<196x16xf32, #tpu.memory_space<vmem_shared>>
      %dma_start3A_150 = arith.constant 0 : i32
      %dma_start3A_151 = tpu.memref_slice %arg17[%add3A_130, %dma_start3A_150] : memref<100352x16xf32, #tpu.memory_space<vmem_shared>> -> memref<196x16xf32, #tpu.memory_space<vmem_shared>>
      tpu.enqueue_dma source(%arg16 : memref<196x16xf32, #tpu.memory_space<vmem>>) target(%dma_start3A_151 : memref<196x16xf32, #tpu.memory_space<vmem_shared>>) target_semaphore(%run_scoped3A : memref<!tpu.dma_semaphore, #tpu.memory_space<semaphore_mem>>)
      %dma_wait3A = arith.constant 0 : i32
      %dma_wait3A_152 = tpu.memref_slice %arg17[%add3A_130, %dma_wait3A] : memref<100352x16xf32, #tpu.memory_space<vmem_shared>> -> memref<196x16xf32, #tpu.memory_space<vmem_shared>>
      %dma_wait3A_153 = arith.constant 0 : i32
      %dma_wait3A_154 = tpu.memref_slice %arg17[%add3A_130, %dma_wait3A_153] : memref<100352x16xf32, #tpu.memory_space<vmem_shared>> -> memref<196x16xf32, #tpu.memory_space<vmem_shared>>
      tpu.wait_dma2 semaphore(%run_scoped3A : memref<!tpu.dma_semaphore, #tpu.memory_space<semaphore_mem>>) src(%arg16 : memref<196x16xf32, #tpu.memory_space<vmem>>) dst(%dma_wait3A_154 : memref<196x16xf32, #tpu.memory_space<vmem_shared>>)
      tpu.yield
    }) : () -> ()
    %mul3A_131 = arith.constant 6272 : i32
    %mul3A_132 = arith.muli %arg1, %mul3A_131 : i32
    %add3A_133 = arith.constant 6076 : i32
    %add3A_134 = arith.addi %mul3A_132, %add3A_133 : i32
    "tpu.region"() ({
      %run_scoped3A = tpu.sem_alloc : memref<!tpu.dma_semaphore, #tpu.memory_space<semaphore_mem>>
      %dma_start3A = arith.constant 0 : i32
      %dma_start3A_149 = tpu.memref_slice %arg17[%add3A_134, %dma_start3A] : memref<100352x16xf32, #tpu.memory_space<vmem_shared>> -> memref<196x16xf32, #tpu.memory_space<vmem_shared>>
      %dma_start3A_150 = arith.constant 0 : i32
      %dma_start3A_151 = tpu.memref_slice %arg17[%add3A_134, %dma_start3A_150] : memref<100352x16xf32, #tpu.memory_space<vmem_shared>> -> memref<196x16xf32, #tpu.memory_space<vmem_shared>>
      tpu.enqueue_dma source(%arg16 : memref<196x16xf32, #tpu.memory_space<vmem>>) target(%dma_start3A_151 : memref<196x16xf32, #tpu.memory_space<vmem_shared>>) target_semaphore(%run_scoped3A : memref<!tpu.dma_semaphore, #tpu.memory_space<semaphore_mem>>)
      %dma_wait3A = arith.constant 0 : i32
      %dma_wait3A_152 = tpu.memref_slice %arg17[%add3A_134, %dma_wait3A] : memref<100352x16xf32, #tpu.memory_space<vmem_shared>> -> memref<196x16xf32, #tpu.memory_space<vmem_shared>>
      %dma_wait3A_153 = arith.constant 0 : i32
      %dma_wait3A_154 = tpu.memref_slice %arg17[%add3A_134, %dma_wait3A_153] : memref<100352x16xf32, #tpu.memory_space<vmem_shared>> -> memref<196x16xf32, #tpu.memory_space<vmem_shared>>
      tpu.wait_dma2 semaphore(%run_scoped3A : memref<!tpu.dma_semaphore, #tpu.memory_space<semaphore_mem>>) src(%arg16 : memref<196x16xf32, #tpu.memory_space<vmem>>) dst(%dma_wait3A_154 : memref<196x16xf32, #tpu.memory_space<vmem_shared>>)
      tpu.yield
    }) : () -> ()
    %barrier3A = arith.constant 0 : index
    tpu.barrier barrier_id(%barrier3A)
    %mul3A_135 = arith.constant 784 : i32
    %mul3A_136 = arith.muli %add3A, %mul3A_135 : i32
    %scan3A_137 = arith.constant 0 : i32
    %scan3A_138 = arith.constant 0 : i32
    %scan3A_139 = arith.constant 49 : i32
    %scan3A_140 = arith.addi %scan3A_138, %scan3A_139 : i32
    %scan3A_141 = arith.constant 1 : i32
    %scan3A_142 = scf.for %scan3A_149 = %scan3A_138 to %scan3A_140 step %scan3A_141 iter_args(%scan3A_150 = %scan3A_137) -> (i32)  : i32 {
      %mul3A_151 = arith.constant 16 : i32
      %mul3A_152 = arith.muli %scan3A_149, %mul3A_151 : i32
      %add3A_153 = arith.addi %mul3A_136, %mul3A_152 : i32
      "tpu.region"() ({
        %run_scoped3A_392 = tpu.sem_alloc : memref<!tpu.dma_semaphore, #tpu.memory_space<semaphore_mem>>
        %dma_start3A_393 = arith.constant 0 : i32
        %dma_start3A_394 = tpu.memref_slice %arg3[%add3A_153, %dma_start3A_393] : memref<25088x128xi32, #tpu.memory_space<hbm>> -> memref<16x128xi32, #tpu.memory_space<hbm>>
        %dma_start3A_395 = arith.constant 0 : i32
        %dma_start3A_396 = tpu.memref_slice %arg3[%add3A_153, %dma_start3A_395] : memref<25088x128xi32, #tpu.memory_space<hbm>> -> memref<16x128xi32, #tpu.memory_space<hbm>>
        tpu.enqueue_dma source(%dma_start3A_396 : memref<16x128xi32, #tpu.memory_space<hbm>>) target(%arg6 : memref<16x128xi32, #tpu.memory_space<vmem>>) target_semaphore(%run_scoped3A_392 : memref<!tpu.dma_semaphore, #tpu.memory_space<semaphore_mem>>)
        %dma_wait3A_397 = arith.constant 0 : i32
        %dma_wait3A_398 = tpu.memref_slice %arg3[%add3A_153, %dma_wait3A_397] : memref<25088x128xi32, #tpu.memory_space<hbm>> -> memref<16x128xi32, #tpu.memory_space<hbm>>
        %dma_wait3A_399 = arith.constant 0 : i32
        %dma_wait3A_400 = tpu.memref_slice %arg3[%add3A_153, %dma_wait3A_399] : memref<25088x128xi32, #tpu.memory_space<hbm>> -> memref<16x128xi32, #tpu.memory_space<hbm>>
        tpu.wait_dma2 semaphore(%run_scoped3A_392 : memref<!tpu.dma_semaphore, #tpu.memory_space<semaphore_mem>>) src(%dma_wait3A_400 : memref<16x128xi32, #tpu.memory_space<hbm>>) dst(%arg6 : memref<16x128xi32, #tpu.memory_space<vmem>>)
        tpu.yield
      }) : () -> ()
      "tpu.region"() ({
        %run_scoped3A_392 = tpu.sem_alloc : memref<!tpu.dma_semaphore, #tpu.memory_space<semaphore_mem>>
        %dma_start3A_393 = arith.constant 0 : i32
        %dma_start3A_394 = tpu.memref_slice %arg4[%add3A_153, %dma_start3A_393] : memref<25088x128xi32, #tpu.memory_space<hbm>> -> memref<16x128xi32, #tpu.memory_space<hbm>>
        %dma_start3A_395 = arith.constant 0 : i32
        %dma_start3A_396 = tpu.memref_slice %arg4[%add3A_153, %dma_start3A_395] : memref<25088x128xi32, #tpu.memory_space<hbm>> -> memref<16x128xi32, #tpu.memory_space<hbm>>
        tpu.enqueue_dma source(%dma_start3A_396 : memref<16x128xi32, #tpu.memory_space<hbm>>) target(%arg7 : memref<16x128xi32, #tpu.memory_space<vmem>>) target_semaphore(%run_scoped3A_392 : memref<!tpu.dma_semaphore, #tpu.memory_space<semaphore_mem>>)
        %dma_wait3A_397 = arith.constant 0 : i32
        %dma_wait3A_398 = tpu.memref_slice %arg4[%add3A_153, %dma_wait3A_397] : memref<25088x128xi32, #tpu.memory_space<hbm>> -> memref<16x128xi32, #tpu.memory_space<hbm>>
        %dma_wait3A_399 = arith.constant 0 : i32
        %dma_wait3A_400 = tpu.memref_slice %arg4[%add3A_153, %dma_wait3A_399] : memref<25088x128xi32, #tpu.memory_space<hbm>> -> memref<16x128xi32, #tpu.memory_space<hbm>>
        tpu.wait_dma2 semaphore(%run_scoped3A_392 : memref<!tpu.dma_semaphore, #tpu.memory_space<semaphore_mem>>) src(%dma_wait3A_400 : memref<16x128xi32, #tpu.memory_space<hbm>>) dst(%arg7 : memref<16x128xi32, #tpu.memory_space<vmem>>)
        tpu.yield
      }) : () -> ()
      %dma_start3A = arith.constant 0 : i32
      %dma_start3A_154 = arith.constant 0 : i32
      %dma_start3A_155 = tpu.memref_slice %arg6[%dma_start3A, %dma_start3A_154] : memref<16x128xi32, #tpu.memory_space<vmem>> -> memref<1x128xi32, #tpu.memory_space<vmem>>
      %dma_start3A_156 = tpu.memref_squeeze %dma_start3A_155 : memref<1x128xi32, #tpu.memory_space<vmem>> -> memref<128xi32, #tpu.memory_space<vmem>>
      %dma_start3A_157 = arith.constant 0 : i32
      %dma_start3A_158 = arith.constant 0 : i32
      %dma_start3A_159 = tpu.memref_slice %arg2[%dma_start3A_157, %dma_start3A_158] : memref<100000x16xf32, #tpu.memory_space<hbm>> -> memref<100000x16xf32, #tpu.memory_space<hbm>>
      tpu.enqueue_indirect_dma source(%dma_start3A_159 : memref<100000x16xf32, #tpu.memory_space<hbm>>) target(%arg8 : memref<128x16xf32, #tpu.memory_space<vmem>>) offsets(%dma_start3A_156 : memref<128xi32, #tpu.memory_space<vmem>>) semaphore(%arg18 : memref<!tpu.dma_semaphore, #tpu.memory_space<semaphore_mem>>)
      %dma_start3A_160 = arith.constant 1 : i32
      %dma_start3A_161 = arith.constant 0 : i32
      %dma_start3A_162 = tpu.memref_slice %arg6[%dma_start3A_160, %dma_start3A_161] : memref<16x128xi32, #tpu.memory_space<vmem>> -> memref<1x128xi32, #tpu.memory_space<vmem>>
      %dma_start3A_163 = tpu.memref_squeeze %dma_start3A_162 : memref<1x128xi32, #tpu.memory_space<vmem>> -> memref<128xi32, #tpu.memory_space<vmem>>
      %dma_start3A_164 = arith.constant 0 : i32
      %dma_start3A_165 = arith.constant 0 : i32
      %dma_start3A_166 = tpu.memref_slice %arg2[%dma_start3A_164, %dma_start3A_165] : memref<100000x16xf32, #tpu.memory_space<hbm>> -> memref<100000x16xf32, #tpu.memory_space<hbm>>
      tpu.enqueue_indirect_dma source(%dma_start3A_166 : memref<100000x16xf32, #tpu.memory_space<hbm>>) target(%arg9 : memref<128x16xf32, #tpu.memory_space<vmem>>) offsets(%dma_start3A_163 : memref<128xi32, #tpu.memory_space<vmem>>) semaphore(%arg19 : memref<!tpu.dma_semaphore, #tpu.memory_space<semaphore_mem>>)
      %dma_start3A_167 = arith.constant 2 : i32
      %dma_start3A_168 = arith.constant 0 : i32
      %dma_start3A_169 = tpu.memref_slice %arg6[%dma_start3A_167, %dma_start3A_168] : memref<16x128xi32, #tpu.memory_space<vmem>> -> memref<1x128xi32, #tpu.memory_space<vmem>>
      %dma_start3A_170 = tpu.memref_squeeze %dma_start3A_169 : memref<1x128xi32, #tpu.memory_space<vmem>> -> memref<128xi32, #tpu.memory_space<vmem>>
      %dma_start3A_171 = arith.constant 0 : i32
      %dma_start3A_172 = arith.constant 0 : i32
      %dma_start3A_173 = tpu.memref_slice %arg2[%dma_start3A_171, %dma_start3A_172] : memref<100000x16xf32, #tpu.memory_space<hbm>> -> memref<100000x16xf32, #tpu.memory_space<hbm>>
      tpu.enqueue_indirect_dma source(%dma_start3A_173 : memref<100000x16xf32, #tpu.memory_space<hbm>>) target(%arg10 : memref<128x16xf32, #tpu.memory_space<vmem>>) offsets(%dma_start3A_170 : memref<128xi32, #tpu.memory_space<vmem>>) semaphore(%arg20 : memref<!tpu.dma_semaphore, #tpu.memory_space<semaphore_mem>>)
      %dma_start3A_174 = arith.constant 3 : i32
      %dma_start3A_175 = arith.constant 0 : i32
      %dma_start3A_176 = tpu.memref_slice %arg6[%dma_start3A_174, %dma_start3A_175] : memref<16x128xi32, #tpu.memory_space<vmem>> -> memref<1x128xi32, #tpu.memory_space<vmem>>
      %dma_start3A_177 = tpu.memref_squeeze %dma_start3A_176 : memref<1x128xi32, #tpu.memory_space<vmem>> -> memref<128xi32, #tpu.memory_space<vmem>>
      %dma_start3A_178 = arith.constant 0 : i32
      %dma_start3A_179 = arith.constant 0 : i32
      %dma_start3A_180 = tpu.memref_slice %arg2[%dma_start3A_178, %dma_start3A_179] : memref<100000x16xf32, #tpu.memory_space<hbm>> -> memref<100000x16xf32, #tpu.memory_space<hbm>>
      tpu.enqueue_indirect_dma source(%dma_start3A_180 : memref<100000x16xf32, #tpu.memory_space<hbm>>) target(%arg11 : memref<128x16xf32, #tpu.memory_space<vmem>>) offsets(%dma_start3A_177 : memref<128xi32, #tpu.memory_space<vmem>>) semaphore(%arg21 : memref<!tpu.dma_semaphore, #tpu.memory_space<semaphore_mem>>)
      %dma_start3A_181 = arith.constant 4 : i32
      %dma_start3A_182 = arith.constant 0 : i32
      %dma_start3A_183 = tpu.memref_slice %arg6[%dma_start3A_181, %dma_start3A_182] : memref<16x128xi32, #tpu.memory_space<vmem>> -> memref<1x128xi32, #tpu.memory_space<vmem>>
      %dma_start3A_184 = tpu.memref_squeeze %dma_start3A_183 : memref<1x128xi32, #tpu.memory_space<vmem>> -> memref<128xi32, #tpu.memory_space<vmem>>
      %dma_start3A_185 = arith.constant 0 : i32
      %dma_start3A_186 = arith.constant 0 : i32
      %dma_start3A_187 = tpu.memref_slice %arg2[%dma_start3A_185, %dma_start3A_186] : memref<100000x16xf32, #tpu.memory_space<hbm>> -> memref<100000x16xf32, #tpu.memory_space<hbm>>
      tpu.enqueue_indirect_dma source(%dma_start3A_187 : memref<100000x16xf32, #tpu.memory_space<hbm>>) target(%arg12 : memref<128x16xf32, #tpu.memory_space<vmem>>) offsets(%dma_start3A_184 : memref<128xi32, #tpu.memory_space<vmem>>) semaphore(%arg22 : memref<!tpu.dma_semaphore, #tpu.memory_space<semaphore_mem>>)
      %dma_start3A_188 = arith.constant 5 : i32
      %dma_start3A_189 = arith.constant 0 : i32
      %dma_start3A_190 = tpu.memref_slice %arg6[%dma_start3A_188, %dma_start3A_189] : memref<16x128xi32, #tpu.memory_space<vmem>> -> memref<1x128xi32, #tpu.memory_space<vmem>>
      %dma_start3A_191 = tpu.memref_squeeze %dma_start3A_190 : memref<1x128xi32, #tpu.memory_space<vmem>> -> memref<128xi32, #tpu.memory_space<vmem>>
      %dma_start3A_192 = arith.constant 0 : i32
      %dma_start3A_193 = arith.constant 0 : i32
      %dma_start3A_194 = tpu.memref_slice %arg2[%dma_start3A_192, %dma_start3A_193] : memref<100000x16xf32, #tpu.memory_space<hbm>> -> memref<100000x16xf32, #tpu.memory_space<hbm>>
      tpu.enqueue_indirect_dma source(%dma_start3A_194 : memref<100000x16xf32, #tpu.memory_space<hbm>>) target(%arg13 : memref<128x16xf32, #tpu.memory_space<vmem>>) offsets(%dma_start3A_191 : memref<128xi32, #tpu.memory_space<vmem>>) semaphore(%arg23 : memref<!tpu.dma_semaphore, #tpu.memory_space<semaphore_mem>>)
      %dma_start3A_195 = arith.constant 6 : i32
      %dma_start3A_196 = arith.constant 0 : i32
      %dma_start3A_197 = tpu.memref_slice %arg6[%dma_start3A_195, %dma_start3A_196] : memref<16x128xi32, #tpu.memory_space<vmem>> -> memref<1x128xi32, #tpu.memory_space<vmem>>
      %dma_start3A_198 = tpu.memref_squeeze %dma_start3A_197 : memref<1x128xi32, #tpu.memory_space<vmem>> -> memref<128xi32, #tpu.memory_space<vmem>>
      %dma_start3A_199 = arith.constant 0 : i32
      %dma_start3A_200 = arith.constant 0 : i32
      %dma_start3A_201 = tpu.memref_slice %arg2[%dma_start3A_199, %dma_start3A_200] : memref<100000x16xf32, #tpu.memory_space<hbm>> -> memref<100000x16xf32, #tpu.memory_space<hbm>>
      tpu.enqueue_indirect_dma source(%dma_start3A_201 : memref<100000x16xf32, #tpu.memory_space<hbm>>) target(%arg14 : memref<128x16xf32, #tpu.memory_space<vmem>>) offsets(%dma_start3A_198 : memref<128xi32, #tpu.memory_space<vmem>>) semaphore(%arg24 : memref<!tpu.dma_semaphore, #tpu.memory_space<semaphore_mem>>)
      %dma_start3A_202 = arith.constant 7 : i32
      %dma_start3A_203 = arith.constant 0 : i32
      %dma_start3A_204 = tpu.memref_slice %arg6[%dma_start3A_202, %dma_start3A_203] : memref<16x128xi32, #tpu.memory_space<vmem>> -> memref<1x128xi32, #tpu.memory_space<vmem>>
      %dma_start3A_205 = tpu.memref_squeeze %dma_start3A_204 : memref<1x128xi32, #tpu.memory_space<vmem>> -> memref<128xi32, #tpu.memory_space<vmem>>
      %dma_start3A_206 = arith.constant 0 : i32
      %dma_start3A_207 = arith.constant 0 : i32
      %dma_start3A_208 = tpu.memref_slice %arg2[%dma_start3A_206, %dma_start3A_207] : memref<100000x16xf32, #tpu.memory_space<hbm>> -> memref<100000x16xf32, #tpu.memory_space<hbm>>
      tpu.enqueue_indirect_dma source(%dma_start3A_208 : memref<100000x16xf32, #tpu.memory_space<hbm>>) target(%arg15 : memref<128x16xf32, #tpu.memory_space<vmem>>) offsets(%dma_start3A_205 : memref<128xi32, #tpu.memory_space<vmem>>) semaphore(%arg25 : memref<!tpu.dma_semaphore, #tpu.memory_space<semaphore_mem>>)
      %dma_wait3A = arith.constant 0 : i32
      %dma_wait3A_209 = arith.constant 0 : i32
      %dma_wait3A_210 = tpu.memref_slice %arg6[%dma_wait3A, %dma_wait3A_209] : memref<16x128xi32, #tpu.memory_space<vmem>> -> memref<1x128xi32, #tpu.memory_space<vmem>>
      %dma_wait3A_211 = tpu.memref_squeeze %dma_wait3A_210 : memref<1x128xi32, #tpu.memory_space<vmem>> -> memref<128xi32, #tpu.memory_space<vmem>>
      %dma_wait3A_212 = arith.constant 0 : i32
      %dma_wait3A_213 = arith.constant 0 : i32
      %dma_wait3A_214 = tpu.memref_slice %arg2[%dma_wait3A_212, %dma_wait3A_213] : memref<100000x16xf32, #tpu.memory_space<hbm>> -> memref<100000x16xf32, #tpu.memory_space<hbm>>
      tpu.wait_indirect_dma semaphore(%arg18 : memref<!tpu.dma_semaphore, #tpu.memory_space<semaphore_mem>>) src(%dma_wait3A_214 : memref<100000x16xf32, #tpu.memory_space<hbm>>) dst(%arg8 : memref<128x16xf32, #tpu.memory_space<vmem>>)
      %run_scoped3A = arith.constant 0 : i32
      "tpu.region"() ({
        %run_scoped3A_392 = tpu.sem_alloc : memref<!tpu.dma_semaphore, #tpu.memory_space<semaphore_mem>>
        %dma_start3A_393 = arith.constant 0 : i32
        %dma_start3A_394 = tpu.memref_slice %arg7[%run_scoped3A, %dma_start3A_393] : memref<16x128xi32, #tpu.memory_space<vmem>> -> memref<1x128xi32, #tpu.memory_space<vmem>>
        %dma_start3A_395 = tpu.memref_squeeze %dma_start3A_394 : memref<1x128xi32, #tpu.memory_space<vmem>> -> memref<128xi32, #tpu.memory_space<vmem>>
        %dma_start3A_396 = arith.constant 0 : i32
        %dma_start3A_397 = arith.constant 0 : i32
        %dma_start3A_398 = tpu.memref_slice %arg17[%dma_start3A_396, %dma_start3A_397] : memref<100352x16xf32, #tpu.memory_space<vmem_shared>> -> memref<100352x16xf32, #tpu.memory_space<vmem_shared>>
        tpu.enqueue_indirect_dma source(%arg8 : memref<128x16xf32, #tpu.memory_space<vmem>>) target(%dma_start3A_398 : memref<100352x16xf32, #tpu.memory_space<vmem_shared>>) offsets(%dma_start3A_395 : memref<128xi32, #tpu.memory_space<vmem>>) semaphore(%run_scoped3A_392 : memref<!tpu.dma_semaphore, #tpu.memory_space<semaphore_mem>>) {add = true}
        %dma_wait3A_399 = arith.constant 0 : i32
        %dma_wait3A_400 = tpu.memref_slice %arg7[%run_scoped3A, %dma_wait3A_399] : memref<16x128xi32, #tpu.memory_space<vmem>> -> memref<1x128xi32, #tpu.memory_space<vmem>>
        %dma_wait3A_401 = tpu.memref_squeeze %dma_wait3A_400 : memref<1x128xi32, #tpu.memory_space<vmem>> -> memref<128xi32, #tpu.memory_space<vmem>>
        %dma_wait3A_402 = arith.constant 0 : i32
        %dma_wait3A_403 = arith.constant 0 : i32
        %dma_wait3A_404 = tpu.memref_slice %arg17[%dma_wait3A_402, %dma_wait3A_403] : memref<100352x16xf32, #tpu.memory_space<vmem_shared>> -> memref<100352x16xf32, #tpu.memory_space<vmem_shared>>
        tpu.wait_indirect_dma semaphore(%run_scoped3A_392 : memref<!tpu.dma_semaphore, #tpu.memory_space<semaphore_mem>>) src(%arg8 : memref<128x16xf32, #tpu.memory_space<vmem>>) dst(%dma_wait3A_404 : memref<100352x16xf32, #tpu.memory_space<vmem_shared>>)
        tpu.yield
      }) : () -> ()
      %dma_start3A_215 = arith.constant 8 : i32
      %dma_start3A_216 = arith.constant 0 : i32
      %dma_start3A_217 = tpu.memref_slice %arg6[%dma_start3A_215, %dma_start3A_216] : memref<16x128xi32, #tpu.memory_space<vmem>> -> memref<1x128xi32, #tpu.memory_space<vmem>>
      %dma_start3A_218 = tpu.memref_squeeze %dma_start3A_217 : memref<1x128xi32, #tpu.memory_space<vmem>> -> memref<128xi32, #tpu.memory_space<vmem>>
      %dma_start3A_219 = arith.constant 0 : i32
      %dma_start3A_220 = arith.constant 0 : i32
      %dma_start3A_221 = tpu.memref_slice %arg2[%dma_start3A_219, %dma_start3A_220] : memref<100000x16xf32, #tpu.memory_space<hbm>> -> memref<100000x16xf32, #tpu.memory_space<hbm>>
      tpu.enqueue_indirect_dma source(%dma_start3A_221 : memref<100000x16xf32, #tpu.memory_space<hbm>>) target(%arg8 : memref<128x16xf32, #tpu.memory_space<vmem>>) offsets(%dma_start3A_218 : memref<128xi32, #tpu.memory_space<vmem>>) semaphore(%arg18 : memref<!tpu.dma_semaphore, #tpu.memory_space<semaphore_mem>>)
      %dma_wait3A_222 = arith.constant 1 : i32
      %dma_wait3A_223 = arith.constant 0 : i32
      %dma_wait3A_224 = tpu.memref_slice %arg6[%dma_wait3A_222, %dma_wait3A_223] : memref<16x128xi32, #tpu.memory_space<vmem>> -> memref<1x128xi32, #tpu.memory_space<vmem>>
      %dma_wait3A_225 = tpu.memref_squeeze %dma_wait3A_224 : memref<1x128xi32, #tpu.memory_space<vmem>> -> memref<128xi32, #tpu.memory_space<vmem>>
      %dma_wait3A_226 = arith.constant 0 : i32
      %dma_wait3A_227 = arith.constant 0 : i32
      %dma_wait3A_228 = tpu.memref_slice %arg2[%dma_wait3A_226, %dma_wait3A_227] : memref<100000x16xf32, #tpu.memory_space<hbm>> -> memref<100000x16xf32, #tpu.memory_space<hbm>>
      tpu.wait_indirect_dma semaphore(%arg19 : memref<!tpu.dma_semaphore, #tpu.memory_space<semaphore_mem>>) src(%dma_wait3A_228 : memref<100000x16xf32, #tpu.memory_space<hbm>>) dst(%arg9 : memref<128x16xf32, #tpu.memory_space<vmem>>)
      %run_scoped3A_229 = arith.constant 1 : i32
      "tpu.region"() ({
        %run_scoped3A_392 = tpu.sem_alloc : memref<!tpu.dma_semaphore, #tpu.memory_space<semaphore_mem>>
        %dma_start3A_393 = arith.constant 0 : i32
        %dma_start3A_394 = tpu.memref_slice %arg7[%run_scoped3A_229, %dma_start3A_393] : memref<16x128xi32, #tpu.memory_space<vmem>> -> memref<1x128xi32, #tpu.memory_space<vmem>>
        %dma_start3A_395 = tpu.memref_squeeze %dma_start3A_394 : memref<1x128xi32, #tpu.memory_space<vmem>> -> memref<128xi32, #tpu.memory_space<vmem>>
        %dma_start3A_396 = arith.constant 0 : i32
        %dma_start3A_397 = arith.constant 0 : i32
        %dma_start3A_398 = tpu.memref_slice %arg17[%dma_start3A_396, %dma_start3A_397] : memref<100352x16xf32, #tpu.memory_space<vmem_shared>> -> memref<100352x16xf32, #tpu.memory_space<vmem_shared>>
        tpu.enqueue_indirect_dma source(%arg9 : memref<128x16xf32, #tpu.memory_space<vmem>>) target(%dma_start3A_398 : memref<100352x16xf32, #tpu.memory_space<vmem_shared>>) offsets(%dma_start3A_395 : memref<128xi32, #tpu.memory_space<vmem>>) semaphore(%run_scoped3A_392 : memref<!tpu.dma_semaphore, #tpu.memory_space<semaphore_mem>>) {add = true}
        %dma_wait3A_399 = arith.constant 0 : i32
        %dma_wait3A_400 = tpu.memref_slice %arg7[%run_scoped3A_229, %dma_wait3A_399] : memref<16x128xi32, #tpu.memory_space<vmem>> -> memref<1x128xi32, #tpu.memory_space<vmem>>
        %dma_wait3A_401 = tpu.memref_squeeze %dma_wait3A_400 : memref<1x128xi32, #tpu.memory_space<vmem>> -> memref<128xi32, #tpu.memory_space<vmem>>
        %dma_wait3A_402 = arith.constant 0 : i32
        %dma_wait3A_403 = arith.constant 0 : i32
        %dma_wait3A_404 = tpu.memref_slice %arg17[%dma_wait3A_402, %dma_wait3A_403] : memref<100352x16xf32, #tpu.memory_space<vmem_shared>> -> memref<100352x16xf32, #tpu.memory_space<vmem_shared>>
        tpu.wait_indirect_dma semaphore(%run_scoped3A_392 : memref<!tpu.dma_semaphore, #tpu.memory_space<semaphore_mem>>) src(%arg9 : memref<128x16xf32, #tpu.memory_space<vmem>>) dst(%dma_wait3A_404 : memref<100352x16xf32, #tpu.memory_space<vmem_shared>>)
        tpu.yield
      }) : () -> ()
      %dma_start3A_230 = arith.constant 9 : i32
      %dma_start3A_231 = arith.constant 0 : i32
      %dma_start3A_232 = tpu.memref_slice %arg6[%dma_start3A_230, %dma_start3A_231] : memref<16x128xi32, #tpu.memory_space<vmem>> -> memref<1x128xi32, #tpu.memory_space<vmem>>
      %dma_start3A_233 = tpu.memref_squeeze %dma_start3A_232 : memref<1x128xi32, #tpu.memory_space<vmem>> -> memref<128xi32, #tpu.memory_space<vmem>>
      %dma_start3A_234 = arith.constant 0 : i32
      %dma_start3A_235 = arith.constant 0 : i32
      %dma_start3A_236 = tpu.memref_slice %arg2[%dma_start3A_234, %dma_start3A_235] : memref<100000x16xf32, #tpu.memory_space<hbm>> -> memref<100000x16xf32, #tpu.memory_space<hbm>>
      tpu.enqueue_indirect_dma source(%dma_start3A_236 : memref<100000x16xf32, #tpu.memory_space<hbm>>) target(%arg9 : memref<128x16xf32, #tpu.memory_space<vmem>>) offsets(%dma_start3A_233 : memref<128xi32, #tpu.memory_space<vmem>>) semaphore(%arg19 : memref<!tpu.dma_semaphore, #tpu.memory_space<semaphore_mem>>)
      %dma_wait3A_237 = arith.constant 2 : i32
      %dma_wait3A_238 = arith.constant 0 : i32
      %dma_wait3A_239 = tpu.memref_slice %arg6[%dma_wait3A_237, %dma_wait3A_238] : memref<16x128xi32, #tpu.memory_space<vmem>> -> memref<1x128xi32, #tpu.memory_space<vmem>>
      %dma_wait3A_240 = tpu.memref_squeeze %dma_wait3A_239 : memref<1x128xi32, #tpu.memory_space<vmem>> -> memref<128xi32, #tpu.memory_space<vmem>>
      %dma_wait3A_241 = arith.constant 0 : i32
      %dma_wait3A_242 = arith.constant 0 : i32
      %dma_wait3A_243 = tpu.memref_slice %arg2[%dma_wait3A_241, %dma_wait3A_242] : memref<100000x16xf32, #tpu.memory_space<hbm>> -> memref<100000x16xf32, #tpu.memory_space<hbm>>
      tpu.wait_indirect_dma semaphore(%arg20 : memref<!tpu.dma_semaphore, #tpu.memory_space<semaphore_mem>>) src(%dma_wait3A_243 : memref<100000x16xf32, #tpu.memory_space<hbm>>) dst(%arg10 : memref<128x16xf32, #tpu.memory_space<vmem>>)
      %run_scoped3A_244 = arith.constant 2 : i32
      "tpu.region"() ({
        %run_scoped3A_392 = tpu.sem_alloc : memref<!tpu.dma_semaphore, #tpu.memory_space<semaphore_mem>>
        %dma_start3A_393 = arith.constant 0 : i32
        %dma_start3A_394 = tpu.memref_slice %arg7[%run_scoped3A_244, %dma_start3A_393] : memref<16x128xi32, #tpu.memory_space<vmem>> -> memref<1x128xi32, #tpu.memory_space<vmem>>
        %dma_start3A_395 = tpu.memref_squeeze %dma_start3A_394 : memref<1x128xi32, #tpu.memory_space<vmem>> -> memref<128xi32, #tpu.memory_space<vmem>>
        %dma_start3A_396 = arith.constant 0 : i32
        %dma_start3A_397 = arith.constant 0 : i32
        %dma_start3A_398 = tpu.memref_slice %arg17[%dma_start3A_396, %dma_start3A_397] : memref<100352x16xf32, #tpu.memory_space<vmem_shared>> -> memref<100352x16xf32, #tpu.memory_space<vmem_shared>>
        tpu.enqueue_indirect_dma source(%arg10 : memref<128x16xf32, #tpu.memory_space<vmem>>) target(%dma_start3A_398 : memref<100352x16xf32, #tpu.memory_space<vmem_shared>>) offsets(%dma_start3A_395 : memref<128xi32, #tpu.memory_space<vmem>>) semaphore(%run_scoped3A_392 : memref<!tpu.dma_semaphore, #tpu.memory_space<semaphore_mem>>) {add = true}
        %dma_wait3A_399 = arith.constant 0 : i32
        %dma_wait3A_400 = tpu.memref_slice %arg7[%run_scoped3A_244, %dma_wait3A_399] : memref<16x128xi32, #tpu.memory_space<vmem>> -> memref<1x128xi32, #tpu.memory_space<vmem>>
        %dma_wait3A_401 = tpu.memref_squeeze %dma_wait3A_400 : memref<1x128xi32, #tpu.memory_space<vmem>> -> memref<128xi32, #tpu.memory_space<vmem>>
        %dma_wait3A_402 = arith.constant 0 : i32
        %dma_wait3A_403 = arith.constant 0 : i32
        %dma_wait3A_404 = tpu.memref_slice %arg17[%dma_wait3A_402, %dma_wait3A_403] : memref<100352x16xf32, #tpu.memory_space<vmem_shared>> -> memref<100352x16xf32, #tpu.memory_space<vmem_shared>>
        tpu.wait_indirect_dma semaphore(%run_scoped3A_392 : memref<!tpu.dma_semaphore, #tpu.memory_space<semaphore_mem>>) src(%arg10 : memref<128x16xf32, #tpu.memory_space<vmem>>) dst(%dma_wait3A_404 : memref<100352x16xf32, #tpu.memory_space<vmem_shared>>)
        tpu.yield
      }) : () -> ()
      %dma_start3A_245 = arith.constant 10 : i32
      %dma_start3A_246 = arith.constant 0 : i32
      %dma_start3A_247 = tpu.memref_slice %arg6[%dma_start3A_245, %dma_start3A_246] : memref<16x128xi32, #tpu.memory_space<vmem>> -> memref<1x128xi32, #tpu.memory_space<vmem>>
      %dma_start3A_248 = tpu.memref_squeeze %dma_start3A_247 : memref<1x128xi32, #tpu.memory_space<vmem>> -> memref<128xi32, #tpu.memory_space<vmem>>
      %dma_start3A_249 = arith.constant 0 : i32
      %dma_start3A_250 = arith.constant 0 : i32
      %dma_start3A_251 = tpu.memref_slice %arg2[%dma_start3A_249, %dma_start3A_250] : memref<100000x16xf32, #tpu.memory_space<hbm>> -> memref<100000x16xf32, #tpu.memory_space<hbm>>
      tpu.enqueue_indirect_dma source(%dma_start3A_251 : memref<100000x16xf32, #tpu.memory_space<hbm>>) target(%arg10 : memref<128x16xf32, #tpu.memory_space<vmem>>) offsets(%dma_start3A_248 : memref<128xi32, #tpu.memory_space<vmem>>) semaphore(%arg20 : memref<!tpu.dma_semaphore, #tpu.memory_space<semaphore_mem>>)
      %dma_wait3A_252 = arith.constant 3 : i32
      %dma_wait3A_253 = arith.constant 0 : i32
      %dma_wait3A_254 = tpu.memref_slice %arg6[%dma_wait3A_252, %dma_wait3A_253] : memref<16x128xi32, #tpu.memory_space<vmem>> -> memref<1x128xi32, #tpu.memory_space<vmem>>
      %dma_wait3A_255 = tpu.memref_squeeze %dma_wait3A_254 : memref<1x128xi32, #tpu.memory_space<vmem>> -> memref<128xi32, #tpu.memory_space<vmem>>
      %dma_wait3A_256 = arith.constant 0 : i32
      %dma_wait3A_257 = arith.constant 0 : i32
      %dma_wait3A_258 = tpu.memref_slice %arg2[%dma_wait3A_256, %dma_wait3A_257] : memref<100000x16xf32, #tpu.memory_space<hbm>> -> memref<100000x16xf32, #tpu.memory_space<hbm>>
      tpu.wait_indirect_dma semaphore(%arg21 : memref<!tpu.dma_semaphore, #tpu.memory_space<semaphore_mem>>) src(%dma_wait3A_258 : memref<100000x16xf32, #tpu.memory_space<hbm>>) dst(%arg11 : memref<128x16xf32, #tpu.memory_space<vmem>>)
      %run_scoped3A_259 = arith.constant 3 : i32
      "tpu.region"() ({
        %run_scoped3A_392 = tpu.sem_alloc : memref<!tpu.dma_semaphore, #tpu.memory_space<semaphore_mem>>
        %dma_start3A_393 = arith.constant 0 : i32
        %dma_start3A_394 = tpu.memref_slice %arg7[%run_scoped3A_259, %dma_start3A_393] : memref<16x128xi32, #tpu.memory_space<vmem>> -> memref<1x128xi32, #tpu.memory_space<vmem>>
        %dma_start3A_395 = tpu.memref_squeeze %dma_start3A_394 : memref<1x128xi32, #tpu.memory_space<vmem>> -> memref<128xi32, #tpu.memory_space<vmem>>
        %dma_start3A_396 = arith.constant 0 : i32
        %dma_start3A_397 = arith.constant 0 : i32
        %dma_start3A_398 = tpu.memref_slice %arg17[%dma_start3A_396, %dma_start3A_397] : memref<100352x16xf32, #tpu.memory_space<vmem_shared>> -> memref<100352x16xf32, #tpu.memory_space<vmem_shared>>
        tpu.enqueue_indirect_dma source(%arg11 : memref<128x16xf32, #tpu.memory_space<vmem>>) target(%dma_start3A_398 : memref<100352x16xf32, #tpu.memory_space<vmem_shared>>) offsets(%dma_start3A_395 : memref<128xi32, #tpu.memory_space<vmem>>) semaphore(%run_scoped3A_392 : memref<!tpu.dma_semaphore, #tpu.memory_space<semaphore_mem>>) {add = true}
        %dma_wait3A_399 = arith.constant 0 : i32
        %dma_wait3A_400 = tpu.memref_slice %arg7[%run_scoped3A_259, %dma_wait3A_399] : memref<16x128xi32, #tpu.memory_space<vmem>> -> memref<1x128xi32, #tpu.memory_space<vmem>>
        %dma_wait3A_401 = tpu.memref_squeeze %dma_wait3A_400 : memref<1x128xi32, #tpu.memory_space<vmem>> -> memref<128xi32, #tpu.memory_space<vmem>>
        %dma_wait3A_402 = arith.constant 0 : i32
        %dma_wait3A_403 = arith.constant 0 : i32
        %dma_wait3A_404 = tpu.memref_slice %arg17[%dma_wait3A_402, %dma_wait3A_403] : memref<100352x16xf32, #tpu.memory_space<vmem_shared>> -> memref<100352x16xf32, #tpu.memory_space<vmem_shared>>
        tpu.wait_indirect_dma semaphore(%run_scoped3A_392 : memref<!tpu.dma_semaphore, #tpu.memory_space<semaphore_mem>>) src(%arg11 : memref<128x16xf32, #tpu.memory_space<vmem>>) dst(%dma_wait3A_404 : memref<100352x16xf32, #tpu.memory_space<vmem_shared>>)
        tpu.yield
      }) : () -> ()
      %dma_start3A_260 = arith.constant 11 : i32
      %dma_start3A_261 = arith.constant 0 : i32
      %dma_start3A_262 = tpu.memref_slice %arg6[%dma_start3A_260, %dma_start3A_261] : memref<16x128xi32, #tpu.memory_space<vmem>> -> memref<1x128xi32, #tpu.memory_space<vmem>>
      %dma_start3A_263 = tpu.memref_squeeze %dma_start3A_262 : memref<1x128xi32, #tpu.memory_space<vmem>> -> memref<128xi32, #tpu.memory_space<vmem>>
      %dma_start3A_264 = arith.constant 0 : i32
      %dma_start3A_265 = arith.constant 0 : i32
      %dma_start3A_266 = tpu.memref_slice %arg2[%dma_start3A_264, %dma_start3A_265] : memref<100000x16xf32, #tpu.memory_space<hbm>> -> memref<100000x16xf32, #tpu.memory_space<hbm>>
      tpu.enqueue_indirect_dma source(%dma_start3A_266 : memref<100000x16xf32, #tpu.memory_space<hbm>>) target(%arg11 : memref<128x16xf32, #tpu.memory_space<vmem>>) offsets(%dma_start3A_263 : memref<128xi32, #tpu.memory_space<vmem>>) semaphore(%arg21 : memref<!tpu.dma_semaphore, #tpu.memory_space<semaphore_mem>>)
      %dma_wait3A_267 = arith.constant 4 : i32
      %dma_wait3A_268 = arith.constant 0 : i32
      %dma_wait3A_269 = tpu.memref_slice %arg6[%dma_wait3A_267, %dma_wait3A_268] : memref<16x128xi32, #tpu.memory_space<vmem>> -> memref<1x128xi32, #tpu.memory_space<vmem>>
      %dma_wait3A_270 = tpu.memref_squeeze %dma_wait3A_269 : memref<1x128xi32, #tpu.memory_space<vmem>> -> memref<128xi32, #tpu.memory_space<vmem>>
      %dma_wait3A_271 = arith.constant 0 : i32
      %dma_wait3A_272 = arith.constant 0 : i32
      %dma_wait3A_273 = tpu.memref_slice %arg2[%dma_wait3A_271, %dma_wait3A_272] : memref<100000x16xf32, #tpu.memory_space<hbm>> -> memref<100000x16xf32, #tpu.memory_space<hbm>>
      tpu.wait_indirect_dma semaphore(%arg22 : memref<!tpu.dma_semaphore, #tpu.memory_space<semaphore_mem>>) src(%dma_wait3A_273 : memref<100000x16xf32, #tpu.memory_space<hbm>>) dst(%arg12 : memref<128x16xf32, #tpu.memory_space<vmem>>)
      %run_scoped3A_274 = arith.constant 4 : i32
      "tpu.region"() ({
        %run_scoped3A_392 = tpu.sem_alloc : memref<!tpu.dma_semaphore, #tpu.memory_space<semaphore_mem>>
        %dma_start3A_393 = arith.constant 0 : i32
        %dma_start3A_394 = tpu.memref_slice %arg7[%run_scoped3A_274, %dma_start3A_393] : memref<16x128xi32, #tpu.memory_space<vmem>> -> memref<1x128xi32, #tpu.memory_space<vmem>>
        %dma_start3A_395 = tpu.memref_squeeze %dma_start3A_394 : memref<1x128xi32, #tpu.memory_space<vmem>> -> memref<128xi32, #tpu.memory_space<vmem>>
        %dma_start3A_396 = arith.constant 0 : i32
        %dma_start3A_397 = arith.constant 0 : i32
        %dma_start3A_398 = tpu.memref_slice %arg17[%dma_start3A_396, %dma_start3A_397] : memref<100352x16xf32, #tpu.memory_space<vmem_shared>> -> memref<100352x16xf32, #tpu.memory_space<vmem_shared>>
        tpu.enqueue_indirect_dma source(%arg12 : memref<128x16xf32, #tpu.memory_space<vmem>>) target(%dma_start3A_398 : memref<100352x16xf32, #tpu.memory_space<vmem_shared>>) offsets(%dma_start3A_395 : memref<128xi32, #tpu.memory_space<vmem>>) semaphore(%run_scoped3A_392 : memref<!tpu.dma_semaphore, #tpu.memory_space<semaphore_mem>>) {add = true}
        %dma_wait3A_399 = arith.constant 0 : i32
        %dma_wait3A_400 = tpu.memref_slice %arg7[%run_scoped3A_274, %dma_wait3A_399] : memref<16x128xi32, #tpu.memory_space<vmem>> -> memref<1x128xi32, #tpu.memory_space<vmem>>
        %dma_wait3A_401 = tpu.memref_squeeze %dma_wait3A_400 : memref<1x128xi32, #tpu.memory_space<vmem>> -> memref<128xi32, #tpu.memory_space<vmem>>
        %dma_wait3A_402 = arith.constant 0 : i32
        %dma_wait3A_403 = arith.constant 0 : i32
        %dma_wait3A_404 = tpu.memref_slice %arg17[%dma_wait3A_402, %dma_wait3A_403] : memref<100352x16xf32, #tpu.memory_space<vmem_shared>> -> memref<100352x16xf32, #tpu.memory_space<vmem_shared>>
        tpu.wait_indirect_dma semaphore(%run_scoped3A_392 : memref<!tpu.dma_semaphore, #tpu.memory_space<semaphore_mem>>) src(%arg12 : memref<128x16xf32, #tpu.memory_space<vmem>>) dst(%dma_wait3A_404 : memref<100352x16xf32, #tpu.memory_space<vmem_shared>>)
        tpu.yield
      }) : () -> ()
      %dma_start3A_275 = arith.constant 12 : i32
      %dma_start3A_276 = arith.constant 0 : i32
      %dma_start3A_277 = tpu.memref_slice %arg6[%dma_start3A_275, %dma_start3A_276] : memref<16x128xi32, #tpu.memory_space<vmem>> -> memref<1x128xi32, #tpu.memory_space<vmem>>
      %dma_start3A_278 = tpu.memref_squeeze %dma_start3A_277 : memref<1x128xi32, #tpu.memory_space<vmem>> -> memref<128xi32, #tpu.memory_space<vmem>>
      %dma_start3A_279 = arith.constant 0 : i32
      %dma_start3A_280 = arith.constant 0 : i32
      %dma_start3A_281 = tpu.memref_slice %arg2[%dma_start3A_279, %dma_start3A_280] : memref<100000x16xf32, #tpu.memory_space<hbm>> -> memref<100000x16xf32, #tpu.memory_space<hbm>>
      tpu.enqueue_indirect_dma source(%dma_start3A_281 : memref<100000x16xf32, #tpu.memory_space<hbm>>) target(%arg12 : memref<128x16xf32, #tpu.memory_space<vmem>>) offsets(%dma_start3A_278 : memref<128xi32, #tpu.memory_space<vmem>>) semaphore(%arg22 : memref<!tpu.dma_semaphore, #tpu.memory_space<semaphore_mem>>)
      %dma_wait3A_282 = arith.constant 5 : i32
      %dma_wait3A_283 = arith.constant 0 : i32
      %dma_wait3A_284 = tpu.memref_slice %arg6[%dma_wait3A_282, %dma_wait3A_283] : memref<16x128xi32, #tpu.memory_space<vmem>> -> memref<1x128xi32, #tpu.memory_space<vmem>>
      %dma_wait3A_285 = tpu.memref_squeeze %dma_wait3A_284 : memref<1x128xi32, #tpu.memory_space<vmem>> -> memref<128xi32, #tpu.memory_space<vmem>>
      %dma_wait3A_286 = arith.constant 0 : i32
      %dma_wait3A_287 = arith.constant 0 : i32
      %dma_wait3A_288 = tpu.memref_slice %arg2[%dma_wait3A_286, %dma_wait3A_287] : memref<100000x16xf32, #tpu.memory_space<hbm>> -> memref<100000x16xf32, #tpu.memory_space<hbm>>
      tpu.wait_indirect_dma semaphore(%arg23 : memref<!tpu.dma_semaphore, #tpu.memory_space<semaphore_mem>>) src(%dma_wait3A_288 : memref<100000x16xf32, #tpu.memory_space<hbm>>) dst(%arg13 : memref<128x16xf32, #tpu.memory_space<vmem>>)
      %run_scoped3A_289 = arith.constant 5 : i32
      "tpu.region"() ({
        %run_scoped3A_392 = tpu.sem_alloc : memref<!tpu.dma_semaphore, #tpu.memory_space<semaphore_mem>>
        %dma_start3A_393 = arith.constant 0 : i32
        %dma_start3A_394 = tpu.memref_slice %arg7[%run_scoped3A_289, %dma_start3A_393] : memref<16x128xi32, #tpu.memory_space<vmem>> -> memref<1x128xi32, #tpu.memory_space<vmem>>
        %dma_start3A_395 = tpu.memref_squeeze %dma_start3A_394 : memref<1x128xi32, #tpu.memory_space<vmem>> -> memref<128xi32, #tpu.memory_space<vmem>>
        %dma_start3A_396 = arith.constant 0 : i32
        %dma_start3A_397 = arith.constant 0 : i32
        %dma_start3A_398 = tpu.memref_slice %arg17[%dma_start3A_396, %dma_start3A_397] : memref<100352x16xf32, #tpu.memory_space<vmem_shared>> -> memref<100352x16xf32, #tpu.memory_space<vmem_shared>>
        tpu.enqueue_indirect_dma source(%arg13 : memref<128x16xf32, #tpu.memory_space<vmem>>) target(%dma_start3A_398 : memref<100352x16xf32, #tpu.memory_space<vmem_shared>>) offsets(%dma_start3A_395 : memref<128xi32, #tpu.memory_space<vmem>>) semaphore(%run_scoped3A_392 : memref<!tpu.dma_semaphore, #tpu.memory_space<semaphore_mem>>) {add = true}
        %dma_wait3A_399 = arith.constant 0 : i32
        %dma_wait3A_400 = tpu.memref_slice %arg7[%run_scoped3A_289, %dma_wait3A_399] : memref<16x128xi32, #tpu.memory_space<vmem>> -> memref<1x128xi32, #tpu.memory_space<vmem>>
        %dma_wait3A_401 = tpu.memref_squeeze %dma_wait3A_400 : memref<1x128xi32, #tpu.memory_space<vmem>> -> memref<128xi32, #tpu.memory_space<vmem>>
        %dma_wait3A_402 = arith.constant 0 : i32
        %dma_wait3A_403 = arith.constant 0 : i32
        %dma_wait3A_404 = tpu.memref_slice %arg17[%dma_wait3A_402, %dma_wait3A_403] : memref<100352x16xf32, #tpu.memory_space<vmem_shared>> -> memref<100352x16xf32, #tpu.memory_space<vmem_shared>>
        tpu.wait_indirect_dma semaphore(%run_scoped3A_392 : memref<!tpu.dma_semaphore, #tpu.memory_space<semaphore_mem>>) src(%arg13 : memref<128x16xf32, #tpu.memory_space<vmem>>) dst(%dma_wait3A_404 : memref<100352x16xf32, #tpu.memory_space<vmem_shared>>)
        tpu.yield
      }) : () -> ()
      %dma_start3A_290 = arith.constant 13 : i32
      %dma_start3A_291 = arith.constant 0 : i32
      %dma_start3A_292 = tpu.memref_slice %arg6[%dma_start3A_290, %dma_start3A_291] : memref<16x128xi32, #tpu.memory_space<vmem>> -> memref<1x128xi32, #tpu.memory_space<vmem>>
      %dma_start3A_293 = tpu.memref_squeeze %dma_start3A_292 : memref<1x128xi32, #tpu.memory_space<vmem>> -> memref<128xi32, #tpu.memory_space<vmem>>
      %dma_start3A_294 = arith.constant 0 : i32
      %dma_start3A_295 = arith.constant 0 : i32
      %dma_start3A_296 = tpu.memref_slice %arg2[%dma_start3A_294, %dma_start3A_295] : memref<100000x16xf32, #tpu.memory_space<hbm>> -> memref<100000x16xf32, #tpu.memory_space<hbm>>
      tpu.enqueue_indirect_dma source(%dma_start3A_296 : memref<100000x16xf32, #tpu.memory_space<hbm>>) target(%arg13 : memref<128x16xf32, #tpu.memory_space<vmem>>) offsets(%dma_start3A_293 : memref<128xi32, #tpu.memory_space<vmem>>) semaphore(%arg23 : memref<!tpu.dma_semaphore, #tpu.memory_space<semaphore_mem>>)
      %dma_wait3A_297 = arith.constant 6 : i32
      %dma_wait3A_298 = arith.constant 0 : i32
      %dma_wait3A_299 = tpu.memref_slice %arg6[%dma_wait3A_297, %dma_wait3A_298] : memref<16x128xi32, #tpu.memory_space<vmem>> -> memref<1x128xi32, #tpu.memory_space<vmem>>
      %dma_wait3A_300 = tpu.memref_squeeze %dma_wait3A_299 : memref<1x128xi32, #tpu.memory_space<vmem>> -> memref<128xi32, #tpu.memory_space<vmem>>
      %dma_wait3A_301 = arith.constant 0 : i32
      %dma_wait3A_302 = arith.constant 0 : i32
      %dma_wait3A_303 = tpu.memref_slice %arg2[%dma_wait3A_301, %dma_wait3A_302] : memref<100000x16xf32, #tpu.memory_space<hbm>> -> memref<100000x16xf32, #tpu.memory_space<hbm>>
      tpu.wait_indirect_dma semaphore(%arg24 : memref<!tpu.dma_semaphore, #tpu.memory_space<semaphore_mem>>) src(%dma_wait3A_303 : memref<100000x16xf32, #tpu.memory_space<hbm>>) dst(%arg14 : memref<128x16xf32, #tpu.memory_space<vmem>>)
      %run_scoped3A_304 = arith.constant 6 : i32
      "tpu.region"() ({
        %run_scoped3A_392 = tpu.sem_alloc : memref<!tpu.dma_semaphore, #tpu.memory_space<semaphore_mem>>
        %dma_start3A_393 = arith.constant 0 : i32
        %dma_start3A_394 = tpu.memref_slice %arg7[%run_scoped3A_304, %dma_start3A_393] : memref<16x128xi32, #tpu.memory_space<vmem>> -> memref<1x128xi32, #tpu.memory_space<vmem>>
        %dma_start3A_395 = tpu.memref_squeeze %dma_start3A_394 : memref<1x128xi32, #tpu.memory_space<vmem>> -> memref<128xi32, #tpu.memory_space<vmem>>
        %dma_start3A_396 = arith.constant 0 : i32
        %dma_start3A_397 = arith.constant 0 : i32
        %dma_start3A_398 = tpu.memref_slice %arg17[%dma_start3A_396, %dma_start3A_397] : memref<100352x16xf32, #tpu.memory_space<vmem_shared>> -> memref<100352x16xf32, #tpu.memory_space<vmem_shared>>
        tpu.enqueue_indirect_dma source(%arg14 : memref<128x16xf32, #tpu.memory_space<vmem>>) target(%dma_start3A_398 : memref<100352x16xf32, #tpu.memory_space<vmem_shared>>) offsets(%dma_start3A_395 : memref<128xi32, #tpu.memory_space<vmem>>) semaphore(%run_scoped3A_392 : memref<!tpu.dma_semaphore, #tpu.memory_space<semaphore_mem>>) {add = true}
        %dma_wait3A_399 = arith.constant 0 : i32
        %dma_wait3A_400 = tpu.memref_slice %arg7[%run_scoped3A_304, %dma_wait3A_399] : memref<16x128xi32, #tpu.memory_space<vmem>> -> memref<1x128xi32, #tpu.memory_space<vmem>>
        %dma_wait3A_401 = tpu.memref_squeeze %dma_wait3A_400 : memref<1x128xi32, #tpu.memory_space<vmem>> -> memref<128xi32, #tpu.memory_space<vmem>>
        %dma_wait3A_402 = arith.constant 0 : i32
        %dma_wait3A_403 = arith.constant 0 : i32
        %dma_wait3A_404 = tpu.memref_slice %arg17[%dma_wait3A_402, %dma_wait3A_403] : memref<100352x16xf32, #tpu.memory_space<vmem_shared>> -> memref<100352x16xf32, #tpu.memory_space<vmem_shared>>
        tpu.wait_indirect_dma semaphore(%run_scoped3A_392 : memref<!tpu.dma_semaphore, #tpu.memory_space<semaphore_mem>>) src(%arg14 : memref<128x16xf32, #tpu.memory_space<vmem>>) dst(%dma_wait3A_404 : memref<100352x16xf32, #tpu.memory_space<vmem_shared>>)
        tpu.yield
      }) : () -> ()
      %dma_start3A_305 = arith.constant 14 : i32
      %dma_start3A_306 = arith.constant 0 : i32
      %dma_start3A_307 = tpu.memref_slice %arg6[%dma_start3A_305, %dma_start3A_306] : memref<16x128xi32, #tpu.memory_space<vmem>> -> memref<1x128xi32, #tpu.memory_space<vmem>>
      %dma_start3A_308 = tpu.memref_squeeze %dma_start3A_307 : memref<1x128xi32, #tpu.memory_space<vmem>> -> memref<128xi32, #tpu.memory_space<vmem>>
      %dma_start3A_309 = arith.constant 0 : i32
      %dma_start3A_310 = arith.constant 0 : i32
      %dma_start3A_311 = tpu.memref_slice %arg2[%dma_start3A_309, %dma_start3A_310] : memref<100000x16xf32, #tpu.memory_space<hbm>> -> memref<100000x16xf32, #tpu.memory_space<hbm>>
      tpu.enqueue_indirect_dma source(%dma_start3A_311 : memref<100000x16xf32, #tpu.memory_space<hbm>>) target(%arg14 : memref<128x16xf32, #tpu.memory_space<vmem>>) offsets(%dma_start3A_308 : memref<128xi32, #tpu.memory_space<vmem>>) semaphore(%arg24 : memref<!tpu.dma_semaphore, #tpu.memory_space<semaphore_mem>>)
      %dma_wait3A_312 = arith.constant 7 : i32
      %dma_wait3A_313 = arith.constant 0 : i32
      %dma_wait3A_314 = tpu.memref_slice %arg6[%dma_wait3A_312, %dma_wait3A_313] : memref<16x128xi32, #tpu.memory_space<vmem>> -> memref<1x128xi32, #tpu.memory_space<vmem>>
      %dma_wait3A_315 = tpu.memref_squeeze %dma_wait3A_314 : memref<1x128xi32, #tpu.memory_space<vmem>> -> memref<128xi32, #tpu.memory_space<vmem>>
      %dma_wait3A_316 = arith.constant 0 : i32
      %dma_wait3A_317 = arith.constant 0 : i32
      %dma_wait3A_318 = tpu.memref_slice %arg2[%dma_wait3A_316, %dma_wait3A_317] : memref<100000x16xf32, #tpu.memory_space<hbm>> -> memref<100000x16xf32, #tpu.memory_space<hbm>>
      tpu.wait_indirect_dma semaphore(%arg25 : memref<!tpu.dma_semaphore, #tpu.memory_space<semaphore_mem>>) src(%dma_wait3A_318 : memref<100000x16xf32, #tpu.memory_space<hbm>>) dst(%arg15 : memref<128x16xf32, #tpu.memory_space<vmem>>)
      %run_scoped3A_319 = arith.constant 7 : i32
      "tpu.region"() ({
        %run_scoped3A_392 = tpu.sem_alloc : memref<!tpu.dma_semaphore, #tpu.memory_space<semaphore_mem>>
        %dma_start3A_393 = arith.constant 0 : i32
        %dma_start3A_394 = tpu.memref_slice %arg7[%run_scoped3A_319, %dma_start3A_393] : memref<16x128xi32, #tpu.memory_space<vmem>> -> memref<1x128xi32, #tpu.memory_space<vmem>>
        %dma_start3A_395 = tpu.memref_squeeze %dma_start3A_394 : memref<1x128xi32, #tpu.memory_space<vmem>> -> memref<128xi32, #tpu.memory_space<vmem>>
        %dma_start3A_396 = arith.constant 0 : i32
        %dma_start3A_397 = arith.constant 0 : i32
        %dma_start3A_398 = tpu.memref_slice %arg17[%dma_start3A_396, %dma_start3A_397] : memref<100352x16xf32, #tpu.memory_space<vmem_shared>> -> memref<100352x16xf32, #tpu.memory_space<vmem_shared>>
        tpu.enqueue_indirect_dma source(%arg15 : memref<128x16xf32, #tpu.memory_space<vmem>>) target(%dma_start3A_398 : memref<100352x16xf32, #tpu.memory_space<vmem_shared>>) offsets(%dma_start3A_395 : memref<128xi32, #tpu.memory_space<vmem>>) semaphore(%run_scoped3A_392 : memref<!tpu.dma_semaphore, #tpu.memory_space<semaphore_mem>>) {add = true}
        %dma_wait3A_399 = arith.constant 0 : i32
        %dma_wait3A_400 = tpu.memref_slice %arg7[%run_scoped3A_319, %dma_wait3A_399] : memref<16x128xi32, #tpu.memory_space<vmem>> -> memref<1x128xi32, #tpu.memory_space<vmem>>
        %dma_wait3A_401 = tpu.memref_squeeze %dma_wait3A_400 : memref<1x128xi32, #tpu.memory_space<vmem>> -> memref<128xi32, #tpu.memory_space<vmem>>
        %dma_wait3A_402 = arith.constant 0 : i32
        %dma_wait3A_403 = arith.constant 0 : i32
        %dma_wait3A_404 = tpu.memref_slice %arg17[%dma_wait3A_402, %dma_wait3A_403] : memref<100352x16xf32, #tpu.memory_space<vmem_shared>> -> memref<100352x16xf32, #tpu.memory_space<vmem_shared>>
        tpu.wait_indirect_dma semaphore(%run_scoped3A_392 : memref<!tpu.dma_semaphore, #tpu.memory_space<semaphore_mem>>) src(%arg15 : memref<128x16xf32, #tpu.memory_space<vmem>>) dst(%dma_wait3A_404 : memref<100352x16xf32, #tpu.memory_space<vmem_shared>>)
        tpu.yield
      }) : () -> ()
      %dma_start3A_320 = arith.constant 15 : i32
      %dma_start3A_321 = arith.constant 0 : i32
      %dma_start3A_322 = tpu.memref_slice %arg6[%dma_start3A_320, %dma_start3A_321] : memref<16x128xi32, #tpu.memory_space<vmem>> -> memref<1x128xi32, #tpu.memory_space<vmem>>
      %dma_start3A_323 = tpu.memref_squeeze %dma_start3A_322 : memref<1x128xi32, #tpu.memory_space<vmem>> -> memref<128xi32, #tpu.memory_space<vmem>>
      %dma_start3A_324 = arith.constant 0 : i32
      %dma_start3A_325 = arith.constant 0 : i32
      %dma_start3A_326 = tpu.memref_slice %arg2[%dma_start3A_324, %dma_start3A_325] : memref<100000x16xf32, #tpu.memory_space<hbm>> -> memref<100000x16xf32, #tpu.memory_space<hbm>>
      tpu.enqueue_indirect_dma source(%dma_start3A_326 : memref<100000x16xf32, #tpu.memory_space<hbm>>) target(%arg15 : memref<128x16xf32, #tpu.memory_space<vmem>>) offsets(%dma_start3A_323 : memref<128xi32, #tpu.memory_space<vmem>>) semaphore(%arg25 : memref<!tpu.dma_semaphore, #tpu.memory_space<semaphore_mem>>)
      %dma_wait3A_327 = arith.constant 8 : i32
      %dma_wait3A_328 = arith.constant 0 : i32
      %dma_wait3A_329 = tpu.memref_slice %arg6[%dma_wait3A_327, %dma_wait3A_328] : memref<16x128xi32, #tpu.memory_space<vmem>> -> memref<1x128xi32, #tpu.memory_space<vmem>>
      %dma_wait3A_330 = tpu.memref_squeeze %dma_wait3A_329 : memref<1x128xi32, #tpu.memory_space<vmem>> -> memref<128xi32, #tpu.memory_space<vmem>>
      %dma_wait3A_331 = arith.constant 0 : i32
      %dma_wait3A_332 = arith.constant 0 : i32
      %dma_wait3A_333 = tpu.memref_slice %arg2[%dma_wait3A_331, %dma_wait3A_332] : memref<100000x16xf32, #tpu.memory_space<hbm>> -> memref<100000x16xf32, #tpu.memory_space<hbm>>
      tpu.wait_indirect_dma semaphore(%arg18 : memref<!tpu.dma_semaphore, #tpu.memory_space<semaphore_mem>>) src(%dma_wait3A_333 : memref<100000x16xf32, #tpu.memory_space<hbm>>) dst(%arg8 : memref<128x16xf32, #tpu.memory_space<vmem>>)
      %run_scoped3A_334 = arith.constant 8 : i32
      "tpu.region"() ({
        %run_scoped3A_392 = tpu.sem_alloc : memref<!tpu.dma_semaphore, #tpu.memory_space<semaphore_mem>>
        %dma_start3A_393 = arith.constant 0 : i32
        %dma_start3A_394 = tpu.memref_slice %arg7[%run_scoped3A_334, %dma_start3A_393] : memref<16x128xi32, #tpu.memory_space<vmem>> -> memref<1x128xi32, #tpu.memory_space<vmem>>
        %dma_start3A_395 = tpu.memref_squeeze %dma_start3A_394 : memref<1x128xi32, #tpu.memory_space<vmem>> -> memref<128xi32, #tpu.memory_space<vmem>>
        %dma_start3A_396 = arith.constant 0 : i32
        %dma_start3A_397 = arith.constant 0 : i32
        %dma_start3A_398 = tpu.memref_slice %arg17[%dma_start3A_396, %dma_start3A_397] : memref<100352x16xf32, #tpu.memory_space<vmem_shared>> -> memref<100352x16xf32, #tpu.memory_space<vmem_shared>>
        tpu.enqueue_indirect_dma source(%arg8 : memref<128x16xf32, #tpu.memory_space<vmem>>) target(%dma_start3A_398 : memref<100352x16xf32, #tpu.memory_space<vmem_shared>>) offsets(%dma_start3A_395 : memref<128xi32, #tpu.memory_space<vmem>>) semaphore(%run_scoped3A_392 : memref<!tpu.dma_semaphore, #tpu.memory_space<semaphore_mem>>) {add = true}
        %dma_wait3A_399 = arith.constant 0 : i32
        %dma_wait3A_400 = tpu.memref_slice %arg7[%run_scoped3A_334, %dma_wait3A_399] : memref<16x128xi32, #tpu.memory_space<vmem>> -> memref<1x128xi32, #tpu.memory_space<vmem>>
        %dma_wait3A_401 = tpu.memref_squeeze %dma_wait3A_400 : memref<1x128xi32, #tpu.memory_space<vmem>> -> memref<128xi32, #tpu.memory_space<vmem>>
        %dma_wait3A_402 = arith.constant 0 : i32
        %dma_wait3A_403 = arith.constant 0 : i32
        %dma_wait3A_404 = tpu.memref_slice %arg17[%dma_wait3A_402, %dma_wait3A_403] : memref<100352x16xf32, #tpu.memory_space<vmem_shared>> -> memref<100352x16xf32, #tpu.memory_space<vmem_shared>>
        tpu.wait_indirect_dma semaphore(%run_scoped3A_392 : memref<!tpu.dma_semaphore, #tpu.memory_space<semaphore_mem>>) src(%arg8 : memref<128x16xf32, #tpu.memory_space<vmem>>) dst(%dma_wait3A_404 : memref<100352x16xf32, #tpu.memory_space<vmem_shared>>)
        tpu.yield
      }) : () -> ()
      %dma_wait3A_335 = arith.constant 9 : i32
      %dma_wait3A_336 = arith.constant 0 : i32
      %dma_wait3A_337 = tpu.memref_slice %arg6[%dma_wait3A_335, %dma_wait3A_336] : memref<16x128xi32, #tpu.memory_space<vmem>> -> memref<1x128xi32, #tpu.memory_space<vmem>>
      %dma_wait3A_338 = tpu.memref_squeeze %dma_wait3A_337 : memref<1x128xi32, #tpu.memory_space<vmem>> -> memref<128xi32, #tpu.memory_space<vmem>>
      %dma_wait3A_339 = arith.constant 0 : i32
      %dma_wait3A_340 = arith.constant 0 : i32
      %dma_wait3A_341 = tpu.memref_slice %arg2[%dma_wait3A_339, %dma_wait3A_340] : memref<100000x16xf32, #tpu.memory_space<hbm>> -> memref<100000x16xf32, #tpu.memory_space<hbm>>
      tpu.wait_indirect_dma semaphore(%arg19 : memref<!tpu.dma_semaphore, #tpu.memory_space<semaphore_mem>>) src(%dma_wait3A_341 : memref<100000x16xf32, #tpu.memory_space<hbm>>) dst(%arg9 : memref<128x16xf32, #tpu.memory_space<vmem>>)
      %run_scoped3A_342 = arith.constant 9 : i32
      "tpu.region"() ({
        %run_scoped3A_392 = tpu.sem_alloc : memref<!tpu.dma_semaphore, #tpu.memory_space<semaphore_mem>>
        %dma_start3A_393 = arith.constant 0 : i32
        %dma_start3A_394 = tpu.memref_slice %arg7[%run_scoped3A_342, %dma_start3A_393] : memref<16x128xi32, #tpu.memory_space<vmem>> -> memref<1x128xi32, #tpu.memory_space<vmem>>
        %dma_start3A_395 = tpu.memref_squeeze %dma_start3A_394 : memref<1x128xi32, #tpu.memory_space<vmem>> -> memref<128xi32, #tpu.memory_space<vmem>>
        %dma_start3A_396 = arith.constant 0 : i32
        %dma_start3A_397 = arith.constant 0 : i32
        %dma_start3A_398 = tpu.memref_slice %arg17[%dma_start3A_396, %dma_start3A_397] : memref<100352x16xf32, #tpu.memory_space<vmem_shared>> -> memref<100352x16xf32, #tpu.memory_space<vmem_shared>>
        tpu.enqueue_indirect_dma source(%arg9 : memref<128x16xf32, #tpu.memory_space<vmem>>) target(%dma_start3A_398 : memref<100352x16xf32, #tpu.memory_space<vmem_shared>>) offsets(%dma_start3A_395 : memref<128xi32, #tpu.memory_space<vmem>>) semaphore(%run_scoped3A_392 : memref<!tpu.dma_semaphore, #tpu.memory_space<semaphore_mem>>) {add = true}
        %dma_wait3A_399 = arith.constant 0 : i32
        %dma_wait3A_400 = tpu.memref_slice %arg7[%run_scoped3A_342, %dma_wait3A_399] : memref<16x128xi32, #tpu.memory_space<vmem>> -> memref<1x128xi32, #tpu.memory_space<vmem>>
        %dma_wait3A_401 = tpu.memref_squeeze %dma_wait3A_400 : memref<1x128xi32, #tpu.memory_space<vmem>> -> memref<128xi32, #tpu.memory_space<vmem>>
        %dma_wait3A_402 = arith.constant 0 : i32
        %dma_wait3A_403 = arith.constant 0 : i32
        %dma_wait3A_404 = tpu.memref_slice %arg17[%dma_wait3A_402, %dma_wait3A_403] : memref<100352x16xf32, #tpu.memory_space<vmem_shared>> -> memref<100352x16xf32, #tpu.memory_space<vmem_shared>>
        tpu.wait_indirect_dma semaphore(%run_scoped3A_392 : memref<!tpu.dma_semaphore, #tpu.memory_space<semaphore_mem>>) src(%arg9 : memref<128x16xf32, #tpu.memory_space<vmem>>) dst(%dma_wait3A_404 : memref<100352x16xf32, #tpu.memory_space<vmem_shared>>)
        tpu.yield
      }) : () -> ()
      %dma_wait3A_343 = arith.constant 10 : i32
      %dma_wait3A_344 = arith.constant 0 : i32
      %dma_wait3A_345 = tpu.memref_slice %arg6[%dma_wait3A_343, %dma_wait3A_344] : memref<16x128xi32, #tpu.memory_space<vmem>> -> memref<1x128xi32, #tpu.memory_space<vmem>>
      %dma_wait3A_346 = tpu.memref_squeeze %dma_wait3A_345 : memref<1x128xi32, #tpu.memory_space<vmem>> -> memref<128xi32, #tpu.memory_space<vmem>>
      %dma_wait3A_347 = arith.constant 0 : i32
      %dma_wait3A_348 = arith.constant 0 : i32
      %dma_wait3A_349 = tpu.memref_slice %arg2[%dma_wait3A_347, %dma_wait3A_348] : memref<100000x16xf32, #tpu.memory_space<hbm>> -> memref<100000x16xf32, #tpu.memory_space<hbm>>
      tpu.wait_indirect_dma semaphore(%arg20 : memref<!tpu.dma_semaphore, #tpu.memory_space<semaphore_mem>>) src(%dma_wait3A_349 : memref<100000x16xf32, #tpu.memory_space<hbm>>) dst(%arg10 : memref<128x16xf32, #tpu.memory_space<vmem>>)
      %run_scoped3A_350 = arith.constant 10 : i32
      "tpu.region"() ({
        %run_scoped3A_392 = tpu.sem_alloc : memref<!tpu.dma_semaphore, #tpu.memory_space<semaphore_mem>>
        %dma_start3A_393 = arith.constant 0 : i32
        %dma_start3A_394 = tpu.memref_slice %arg7[%run_scoped3A_350, %dma_start3A_393] : memref<16x128xi32, #tpu.memory_space<vmem>> -> memref<1x128xi32, #tpu.memory_space<vmem>>
        %dma_start3A_395 = tpu.memref_squeeze %dma_start3A_394 : memref<1x128xi32, #tpu.memory_space<vmem>> -> memref<128xi32, #tpu.memory_space<vmem>>
        %dma_start3A_396 = arith.constant 0 : i32
        %dma_start3A_397 = arith.constant 0 : i32
        %dma_start3A_398 = tpu.memref_slice %arg17[%dma_start3A_396, %dma_start3A_397] : memref<100352x16xf32, #tpu.memory_space<vmem_shared>> -> memref<100352x16xf32, #tpu.memory_space<vmem_shared>>
        tpu.enqueue_indirect_dma source(%arg10 : memref<128x16xf32, #tpu.memory_space<vmem>>) target(%dma_start3A_398 : memref<100352x16xf32, #tpu.memory_space<vmem_shared>>) offsets(%dma_start3A_395 : memref<128xi32, #tpu.memory_space<vmem>>) semaphore(%run_scoped3A_392 : memref<!tpu.dma_semaphore, #tpu.memory_space<semaphore_mem>>) {add = true}
        %dma_wait3A_399 = arith.constant 0 : i32
        %dma_wait3A_400 = tpu.memref_slice %arg7[%run_scoped3A_350, %dma_wait3A_399] : memref<16x128xi32, #tpu.memory_space<vmem>> -> memref<1x128xi32, #tpu.memory_space<vmem>>
        %dma_wait3A_401 = tpu.memref_squeeze %dma_wait3A_400 : memref<1x128xi32, #tpu.memory_space<vmem>> -> memref<128xi32, #tpu.memory_space<vmem>>
        %dma_wait3A_402 = arith.constant 0 : i32
        %dma_wait3A_403 = arith.constant 0 : i32
        %dma_wait3A_404 = tpu.memref_slice %arg17[%dma_wait3A_402, %dma_wait3A_403] : memref<100352x16xf32, #tpu.memory_space<vmem_shared>> -> memref<100352x16xf32, #tpu.memory_space<vmem_shared>>
        tpu.wait_indirect_dma semaphore(%run_scoped3A_392 : memref<!tpu.dma_semaphore, #tpu.memory_space<semaphore_mem>>) src(%arg10 : memref<128x16xf32, #tpu.memory_space<vmem>>) dst(%dma_wait3A_404 : memref<100352x16xf32, #tpu.memory_space<vmem_shared>>)
        tpu.yield
      }) : () -> ()
      %dma_wait3A_351 = arith.constant 11 : i32
      %dma_wait3A_352 = arith.constant 0 : i32
      %dma_wait3A_353 = tpu.memref_slice %arg6[%dma_wait3A_351, %dma_wait3A_352] : memref<16x128xi32, #tpu.memory_space<vmem>> -> memref<1x128xi32, #tpu.memory_space<vmem>>
      %dma_wait3A_354 = tpu.memref_squeeze %dma_wait3A_353 : memref<1x128xi32, #tpu.memory_space<vmem>> -> memref<128xi32, #tpu.memory_space<vmem>>
      %dma_wait3A_355 = arith.constant 0 : i32
      %dma_wait3A_356 = arith.constant 0 : i32
      %dma_wait3A_357 = tpu.memref_slice %arg2[%dma_wait3A_355, %dma_wait3A_356] : memref<100000x16xf32, #tpu.memory_space<hbm>> -> memref<100000x16xf32, #tpu.memory_space<hbm>>
      tpu.wait_indirect_dma semaphore(%arg21 : memref<!tpu.dma_semaphore, #tpu.memory_space<semaphore_mem>>) src(%dma_wait3A_357 : memref<100000x16xf32, #tpu.memory_space<hbm>>) dst(%arg11 : memref<128x16xf32, #tpu.memory_space<vmem>>)
      %run_scoped3A_358 = arith.constant 11 : i32
      "tpu.region"() ({
        %run_scoped3A_392 = tpu.sem_alloc : memref<!tpu.dma_semaphore, #tpu.memory_space<semaphore_mem>>
        %dma_start3A_393 = arith.constant 0 : i32
        %dma_start3A_394 = tpu.memref_slice %arg7[%run_scoped3A_358, %dma_start3A_393] : memref<16x128xi32, #tpu.memory_space<vmem>> -> memref<1x128xi32, #tpu.memory_space<vmem>>
        %dma_start3A_395 = tpu.memref_squeeze %dma_start3A_394 : memref<1x128xi32, #tpu.memory_space<vmem>> -> memref<128xi32, #tpu.memory_space<vmem>>
        %dma_start3A_396 = arith.constant 0 : i32
        %dma_start3A_397 = arith.constant 0 : i32
        %dma_start3A_398 = tpu.memref_slice %arg17[%dma_start3A_396, %dma_start3A_397] : memref<100352x16xf32, #tpu.memory_space<vmem_shared>> -> memref<100352x16xf32, #tpu.memory_space<vmem_shared>>
        tpu.enqueue_indirect_dma source(%arg11 : memref<128x16xf32, #tpu.memory_space<vmem>>) target(%dma_start3A_398 : memref<100352x16xf32, #tpu.memory_space<vmem_shared>>) offsets(%dma_start3A_395 : memref<128xi32, #tpu.memory_space<vmem>>) semaphore(%run_scoped3A_392 : memref<!tpu.dma_semaphore, #tpu.memory_space<semaphore_mem>>) {add = true}
        %dma_wait3A_399 = arith.constant 0 : i32
        %dma_wait3A_400 = tpu.memref_slice %arg7[%run_scoped3A_358, %dma_wait3A_399] : memref<16x128xi32, #tpu.memory_space<vmem>> -> memref<1x128xi32, #tpu.memory_space<vmem>>
        %dma_wait3A_401 = tpu.memref_squeeze %dma_wait3A_400 : memref<1x128xi32, #tpu.memory_space<vmem>> -> memref<128xi32, #tpu.memory_space<vmem>>
        %dma_wait3A_402 = arith.constant 0 : i32
        %dma_wait3A_403 = arith.constant 0 : i32
        %dma_wait3A_404 = tpu.memref_slice %arg17[%dma_wait3A_402, %dma_wait3A_403] : memref<100352x16xf32, #tpu.memory_space<vmem_shared>> -> memref<100352x16xf32, #tpu.memory_space<vmem_shared>>
        tpu.wait_indirect_dma semaphore(%run_scoped3A_392 : memref<!tpu.dma_semaphore, #tpu.memory_space<semaphore_mem>>) src(%arg11 : memref<128x16xf32, #tpu.memory_space<vmem>>) dst(%dma_wait3A_404 : memref<100352x16xf32, #tpu.memory_space<vmem_shared>>)
        tpu.yield
      }) : () -> ()
      %dma_wait3A_359 = arith.constant 12 : i32
      %dma_wait3A_360 = arith.constant 0 : i32
      %dma_wait3A_361 = tpu.memref_slice %arg6[%dma_wait3A_359, %dma_wait3A_360] : memref<16x128xi32, #tpu.memory_space<vmem>> -> memref<1x128xi32, #tpu.memory_space<vmem>>
      %dma_wait3A_362 = tpu.memref_squeeze %dma_wait3A_361 : memref<1x128xi32, #tpu.memory_space<vmem>> -> memref<128xi32, #tpu.memory_space<vmem>>
      %dma_wait3A_363 = arith.constant 0 : i32
      %dma_wait3A_364 = arith.constant 0 : i32
      %dma_wait3A_365 = tpu.memref_slice %arg2[%dma_wait3A_363, %dma_wait3A_364] : memref<100000x16xf32, #tpu.memory_space<hbm>> -> memref<100000x16xf32, #tpu.memory_space<hbm>>
      tpu.wait_indirect_dma semaphore(%arg22 : memref<!tpu.dma_semaphore, #tpu.memory_space<semaphore_mem>>) src(%dma_wait3A_365 : memref<100000x16xf32, #tpu.memory_space<hbm>>) dst(%arg12 : memref<128x16xf32, #tpu.memory_space<vmem>>)
      %run_scoped3A_366 = arith.constant 12 : i32
      "tpu.region"() ({
        %run_scoped3A_392 = tpu.sem_alloc : memref<!tpu.dma_semaphore, #tpu.memory_space<semaphore_mem>>
        %dma_start3A_393 = arith.constant 0 : i32
        %dma_start3A_394 = tpu.memref_slice %arg7[%run_scoped3A_366, %dma_start3A_393] : memref<16x128xi32, #tpu.memory_space<vmem>> -> memref<1x128xi32, #tpu.memory_space<vmem>>
        %dma_start3A_395 = tpu.memref_squeeze %dma_start3A_394 : memref<1x128xi32, #tpu.memory_space<vmem>> -> memref<128xi32, #tpu.memory_space<vmem>>
        %dma_start3A_396 = arith.constant 0 : i32
        %dma_start3A_397 = arith.constant 0 : i32
        %dma_start3A_398 = tpu.memref_slice %arg17[%dma_start3A_396, %dma_start3A_397] : memref<100352x16xf32, #tpu.memory_space<vmem_shared>> -> memref<100352x16xf32, #tpu.memory_space<vmem_shared>>
        tpu.enqueue_indirect_dma source(%arg12 : memref<128x16xf32, #tpu.memory_space<vmem>>) target(%dma_start3A_398 : memref<100352x16xf32, #tpu.memory_space<vmem_shared>>) offsets(%dma_start3A_395 : memref<128xi32, #tpu.memory_space<vmem>>) semaphore(%run_scoped3A_392 : memref<!tpu.dma_semaphore, #tpu.memory_space<semaphore_mem>>) {add = true}
        %dma_wait3A_399 = arith.constant 0 : i32
        %dma_wait3A_400 = tpu.memref_slice %arg7[%run_scoped3A_366, %dma_wait3A_399] : memref<16x128xi32, #tpu.memory_space<vmem>> -> memref<1x128xi32, #tpu.memory_space<vmem>>
        %dma_wait3A_401 = tpu.memref_squeeze %dma_wait3A_400 : memref<1x128xi32, #tpu.memory_space<vmem>> -> memref<128xi32, #tpu.memory_space<vmem>>
        %dma_wait3A_402 = arith.constant 0 : i32
        %dma_wait3A_403 = arith.constant 0 : i32
        %dma_wait3A_404 = tpu.memref_slice %arg17[%dma_wait3A_402, %dma_wait3A_403] : memref<100352x16xf32, #tpu.memory_space<vmem_shared>> -> memref<100352x16xf32, #tpu.memory_space<vmem_shared>>
        tpu.wait_indirect_dma semaphore(%run_scoped3A_392 : memref<!tpu.dma_semaphore, #tpu.memory_space<semaphore_mem>>) src(%arg12 : memref<128x16xf32, #tpu.memory_space<vmem>>) dst(%dma_wait3A_404 : memref<100352x16xf32, #tpu.memory_space<vmem_shared>>)
        tpu.yield
      }) : () -> ()
      %dma_wait3A_367 = arith.constant 13 : i32
      %dma_wait3A_368 = arith.constant 0 : i32
      %dma_wait3A_369 = tpu.memref_slice %arg6[%dma_wait3A_367, %dma_wait3A_368] : memref<16x128xi32, #tpu.memory_space<vmem>> -> memref<1x128xi32, #tpu.memory_space<vmem>>
      %dma_wait3A_370 = tpu.memref_squeeze %dma_wait3A_369 : memref<1x128xi32, #tpu.memory_space<vmem>> -> memref<128xi32, #tpu.memory_space<vmem>>
      %dma_wait3A_371 = arith.constant 0 : i32
      %dma_wait3A_372 = arith.constant 0 : i32
      %dma_wait3A_373 = tpu.memref_slice %arg2[%dma_wait3A_371, %dma_wait3A_372] : memref<100000x16xf32, #tpu.memory_space<hbm>> -> memref<100000x16xf32, #tpu.memory_space<hbm>>
      tpu.wait_indirect_dma semaphore(%arg23 : memref<!tpu.dma_semaphore, #tpu.memory_space<semaphore_mem>>) src(%dma_wait3A_373 : memref<100000x16xf32, #tpu.memory_space<hbm>>) dst(%arg13 : memref<128x16xf32, #tpu.memory_space<vmem>>)
      %run_scoped3A_374 = arith.constant 13 : i32
      "tpu.region"() ({
        %run_scoped3A_392 = tpu.sem_alloc : memref<!tpu.dma_semaphore, #tpu.memory_space<semaphore_mem>>
        %dma_start3A_393 = arith.constant 0 : i32
        %dma_start3A_394 = tpu.memref_slice %arg7[%run_scoped3A_374, %dma_start3A_393] : memref<16x128xi32, #tpu.memory_space<vmem>> -> memref<1x128xi32, #tpu.memory_space<vmem>>
        %dma_start3A_395 = tpu.memref_squeeze %dma_start3A_394 : memref<1x128xi32, #tpu.memory_space<vmem>> -> memref<128xi32, #tpu.memory_space<vmem>>
        %dma_start3A_396 = arith.constant 0 : i32
        %dma_start3A_397 = arith.constant 0 : i32
        %dma_start3A_398 = tpu.memref_slice %arg17[%dma_start3A_396, %dma_start3A_397] : memref<100352x16xf32, #tpu.memory_space<vmem_shared>> -> memref<100352x16xf32, #tpu.memory_space<vmem_shared>>
        tpu.enqueue_indirect_dma source(%arg13 : memref<128x16xf32, #tpu.memory_space<vmem>>) target(%dma_start3A_398 : memref<100352x16xf32, #tpu.memory_space<vmem_shared>>) offsets(%dma_start3A_395 : memref<128xi32, #tpu.memory_space<vmem>>) semaphore(%run_scoped3A_392 : memref<!tpu.dma_semaphore, #tpu.memory_space<semaphore_mem>>) {add = true}
        %dma_wait3A_399 = arith.constant 0 : i32
        %dma_wait3A_400 = tpu.memref_slice %arg7[%run_scoped3A_374, %dma_wait3A_399] : memref<16x128xi32, #tpu.memory_space<vmem>> -> memref<1x128xi32, #tpu.memory_space<vmem>>
        %dma_wait3A_401 = tpu.memref_squeeze %dma_wait3A_400 : memref<1x128xi32, #tpu.memory_space<vmem>> -> memref<128xi32, #tpu.memory_space<vmem>>
        %dma_wait3A_402 = arith.constant 0 : i32
        %dma_wait3A_403 = arith.constant 0 : i32
        %dma_wait3A_404 = tpu.memref_slice %arg17[%dma_wait3A_402, %dma_wait3A_403] : memref<100352x16xf32, #tpu.memory_space<vmem_shared>> -> memref<100352x16xf32, #tpu.memory_space<vmem_shared>>
        tpu.wait_indirect_dma semaphore(%run_scoped3A_392 : memref<!tpu.dma_semaphore, #tpu.memory_space<semaphore_mem>>) src(%arg13 : memref<128x16xf32, #tpu.memory_space<vmem>>) dst(%dma_wait3A_404 : memref<100352x16xf32, #tpu.memory_space<vmem_shared>>)
        tpu.yield
      }) : () -> ()
      %dma_wait3A_375 = arith.constant 14 : i32
      %dma_wait3A_376 = arith.constant 0 : i32
      %dma_wait3A_377 = tpu.memref_slice %arg6[%dma_wait3A_375, %dma_wait3A_376] : memref<16x128xi32, #tpu.memory_space<vmem>> -> memref<1x128xi32, #tpu.memory_space<vmem>>
      %dma_wait3A_378 = tpu.memref_squeeze %dma_wait3A_377 : memref<1x128xi32, #tpu.memory_space<vmem>> -> memref<128xi32, #tpu.memory_space<vmem>>
      %dma_wait3A_379 = arith.constant 0 : i32
      %dma_wait3A_380 = arith.constant 0 : i32
      %dma_wait3A_381 = tpu.memref_slice %arg2[%dma_wait3A_379, %dma_wait3A_380] : memref<100000x16xf32, #tpu.memory_space<hbm>> -> memref<100000x16xf32, #tpu.memory_space<hbm>>
      tpu.wait_indirect_dma semaphore(%arg24 : memref<!tpu.dma_semaphore, #tpu.memory_space<semaphore_mem>>) src(%dma_wait3A_381 : memref<100000x16xf32, #tpu.memory_space<hbm>>) dst(%arg14 : memref<128x16xf32, #tpu.memory_space<vmem>>)
      %run_scoped3A_382 = arith.constant 14 : i32
      "tpu.region"() ({
        %run_scoped3A_392 = tpu.sem_alloc : memref<!tpu.dma_semaphore, #tpu.memory_space<semaphore_mem>>
        %dma_start3A_393 = arith.constant 0 : i32
        %dma_start3A_394 = tpu.memref_slice %arg7[%run_scoped3A_382, %dma_start3A_393] : memref<16x128xi32, #tpu.memory_space<vmem>> -> memref<1x128xi32, #tpu.memory_space<vmem>>
        %dma_start3A_395 = tpu.memref_squeeze %dma_start3A_394 : memref<1x128xi32, #tpu.memory_space<vmem>> -> memref<128xi32, #tpu.memory_space<vmem>>
        %dma_start3A_396 = arith.constant 0 : i32
        %dma_start3A_397 = arith.constant 0 : i32
        %dma_start3A_398 = tpu.memref_slice %arg17[%dma_start3A_396, %dma_start3A_397] : memref<100352x16xf32, #tpu.memory_space<vmem_shared>> -> memref<100352x16xf32, #tpu.memory_space<vmem_shared>>
        tpu.enqueue_indirect_dma source(%arg14 : memref<128x16xf32, #tpu.memory_space<vmem>>) target(%dma_start3A_398 : memref<100352x16xf32, #tpu.memory_space<vmem_shared>>) offsets(%dma_start3A_395 : memref<128xi32, #tpu.memory_space<vmem>>) semaphore(%run_scoped3A_392 : memref<!tpu.dma_semaphore, #tpu.memory_space<semaphore_mem>>) {add = true}
        %dma_wait3A_399 = arith.constant 0 : i32
        %dma_wait3A_400 = tpu.memref_slice %arg7[%run_scoped3A_382, %dma_wait3A_399] : memref<16x128xi32, #tpu.memory_space<vmem>> -> memref<1x128xi32, #tpu.memory_space<vmem>>
        %dma_wait3A_401 = tpu.memref_squeeze %dma_wait3A_400 : memref<1x128xi32, #tpu.memory_space<vmem>> -> memref<128xi32, #tpu.memory_space<vmem>>
        %dma_wait3A_402 = arith.constant 0 : i32
        %dma_wait3A_403 = arith.constant 0 : i32
        %dma_wait3A_404 = tpu.memref_slice %arg17[%dma_wait3A_402, %dma_wait3A_403] : memref<100352x16xf32, #tpu.memory_space<vmem_shared>> -> memref<100352x16xf32, #tpu.memory_space<vmem_shared>>
        tpu.wait_indirect_dma semaphore(%run_scoped3A_392 : memref<!tpu.dma_semaphore, #tpu.memory_space<semaphore_mem>>) src(%arg14 : memref<128x16xf32, #tpu.memory_space<vmem>>) dst(%dma_wait3A_404 : memref<100352x16xf32, #tpu.memory_space<vmem_shared>>)
        tpu.yield
      }) : () -> ()
      %dma_wait3A_383 = arith.constant 15 : i32
      %dma_wait3A_384 = arith.constant 0 : i32
      %dma_wait3A_385 = tpu.memref_slice %arg6[%dma_wait3A_383, %dma_wait3A_384] : memref<16x128xi32, #tpu.memory_space<vmem>> -> memref<1x128xi32, #tpu.memory_space<vmem>>
      %dma_wait3A_386 = tpu.memref_squeeze %dma_wait3A_385 : memref<1x128xi32, #tpu.memory_space<vmem>> -> memref<128xi32, #tpu.memory_space<vmem>>
      %dma_wait3A_387 = arith.constant 0 : i32
      %dma_wait3A_388 = arith.constant 0 : i32
      %dma_wait3A_389 = tpu.memref_slice %arg2[%dma_wait3A_387, %dma_wait3A_388] : memref<100000x16xf32, #tpu.memory_space<hbm>> -> memref<100000x16xf32, #tpu.memory_space<hbm>>
      tpu.wait_indirect_dma semaphore(%arg25 : memref<!tpu.dma_semaphore, #tpu.memory_space<semaphore_mem>>) src(%dma_wait3A_389 : memref<100000x16xf32, #tpu.memory_space<hbm>>) dst(%arg15 : memref<128x16xf32, #tpu.memory_space<vmem>>)
      %run_scoped3A_390 = arith.constant 15 : i32
      "tpu.region"() ({
        %run_scoped3A_392 = tpu.sem_alloc : memref<!tpu.dma_semaphore, #tpu.memory_space<semaphore_mem>>
        %dma_start3A_393 = arith.constant 0 : i32
        %dma_start3A_394 = tpu.memref_slice %arg7[%run_scoped3A_390, %dma_start3A_393] : memref<16x128xi32, #tpu.memory_space<vmem>> -> memref<1x128xi32, #tpu.memory_space<vmem>>
        %dma_start3A_395 = tpu.memref_squeeze %dma_start3A_394 : memref<1x128xi32, #tpu.memory_space<vmem>> -> memref<128xi32, #tpu.memory_space<vmem>>
        %dma_start3A_396 = arith.constant 0 : i32
        %dma_start3A_397 = arith.constant 0 : i32
        %dma_start3A_398 = tpu.memref_slice %arg17[%dma_start3A_396, %dma_start3A_397] : memref<100352x16xf32, #tpu.memory_space<vmem_shared>> -> memref<100352x16xf32, #tpu.memory_space<vmem_shared>>
        tpu.enqueue_indirect_dma source(%arg15 : memref<128x16xf32, #tpu.memory_space<vmem>>) target(%dma_start3A_398 : memref<100352x16xf32, #tpu.memory_space<vmem_shared>>) offsets(%dma_start3A_395 : memref<128xi32, #tpu.memory_space<vmem>>) semaphore(%run_scoped3A_392 : memref<!tpu.dma_semaphore, #tpu.memory_space<semaphore_mem>>) {add = true}
        %dma_wait3A_399 = arith.constant 0 : i32
        %dma_wait3A_400 = tpu.memref_slice %arg7[%run_scoped3A_390, %dma_wait3A_399] : memref<16x128xi32, #tpu.memory_space<vmem>> -> memref<1x128xi32, #tpu.memory_space<vmem>>
        %dma_wait3A_401 = tpu.memref_squeeze %dma_wait3A_400 : memref<1x128xi32, #tpu.memory_space<vmem>> -> memref<128xi32, #tpu.memory_space<vmem>>
        %dma_wait3A_402 = arith.constant 0 : i32
        %dma_wait3A_403 = arith.constant 0 : i32
        %dma_wait3A_404 = tpu.memref_slice %arg17[%dma_wait3A_402, %dma_wait3A_403] : memref<100352x16xf32, #tpu.memory_space<vmem_shared>> -> memref<100352x16xf32, #tpu.memory_space<vmem_shared>>
        tpu.wait_indirect_dma semaphore(%run_scoped3A_392 : memref<!tpu.dma_semaphore, #tpu.memory_space<semaphore_mem>>) src(%arg15 : memref<128x16xf32, #tpu.memory_space<vmem>>) dst(%dma_wait3A_404 : memref<100352x16xf32, #tpu.memory_space<vmem_shared>>)
        tpu.yield
      }) : () -> ()
      %scan3A_391 = arith.constant 0 : i32
      scf.yield %scan3A_391 : i32
    }
    %scan3A_143 = arith.constant 49 : i32
    %barrier3A_144 = arith.constant 0 : index
    tpu.barrier barrier_id(%barrier3A_144)
    %mul3A_145 = arith.constant 6272 : i32
    %mul3A_146 = arith.muli %arg1, %mul3A_145 : i32
    %mul3A_147 = arith.constant 6272 : i32
    %mul3A_148 = arith.muli %arg1, %mul3A_147 : i32
    "tpu.region"() ({
      %run_scoped3A = tpu.sem_alloc : memref<!tpu.dma_semaphore, #tpu.memory_space<semaphore_mem>>
      %dma_start3A = arith.constant 0 : i32
      %dma_start3A_149 = tpu.memref_slice %arg5[%arg0, %mul3A_148, %dma_start3A] : memref<2x100352x16xf32, #tpu.memory_space<hbm>> -> memref<1x6272x16xf32, #tpu.memory_space<hbm>>
      %dma_start3A_150 = tpu.memref_squeeze %dma_start3A_149 : memref<1x6272x16xf32, #tpu.memory_space<hbm>> -> memref<6272x16xf32, #tpu.memory_space<hbm>>
      %dma_start3A_151 = arith.constant 0 : i32
      %dma_start3A_152 = tpu.memref_slice %arg17[%mul3A_146, %dma_start3A_151] : memref<100352x16xf32, #tpu.memory_space<vmem_shared>> -> memref<6272x16xf32, #tpu.memory_space<vmem_shared>>
      tpu.enqueue_dma source(%dma_start3A_152 : memref<6272x16xf32, #tpu.memory_space<vmem_shared>>) target(%dma_start3A_150 : memref<6272x16xf32, #tpu.memory_space<hbm>>) target_semaphore(%run_scoped3A : memref<!tpu.dma_semaphore, #tpu.memory_space<semaphore_mem>>)
      %dma_wait3A = arith.constant 0 : i32
      %dma_wait3A_153 = tpu.memref_slice %arg5[%arg0, %mul3A_148, %dma_wait3A] : memref<2x100352x16xf32, #tpu.memory_space<hbm>> -> memref<1x6272x16xf32, #tpu.memory_space<hbm>>
      %dma_wait3A_154 = tpu.memref_squeeze %dma_wait3A_153 : memref<1x6272x16xf32, #tpu.memory_space<hbm>> -> memref<6272x16xf32, #tpu.memory_space<hbm>>
      %dma_wait3A_155 = arith.constant 0 : i32
      %dma_wait3A_156 = tpu.memref_slice %arg17[%mul3A_146, %dma_wait3A_155] : memref<100352x16xf32, #tpu.memory_space<vmem_shared>> -> memref<6272x16xf32, #tpu.memory_space<vmem_shared>>
      tpu.wait_dma2 semaphore(%run_scoped3A : memref<!tpu.dma_semaphore, #tpu.memory_space<semaphore_mem>>) src(%dma_wait3A_156 : memref<6272x16xf32, #tpu.memory_space<vmem_shared>>) dst(%dma_wait3A_154 : memref<6272x16xf32, #tpu.memory_space<hbm>>)
      tpu.yield
    }) : () -> ()
    return
  }
}

#map = affine_map<(d0, d1) -> (0, 0)>
#map1 = affine_map<(d0, d1) -> (0)>
module attributes {stable_mosaic.version = 14 : i64} {
  func.func @deg_kernel(%arg0: i32, %arg1: i32, %arg2: memref<25088x128xi32, #tpu.memory_space<hbm>>, %arg3: memref<200192xf32, #tpu.memory_space<hbm>>, %arg4: memref<16x128xi32, #tpu.memory_space<vmem>>, %arg5: memref<128xf32, #tpu.memory_space<vmem>>, %arg6: memref<6256xf32, #tpu.memory_space<vmem>>, %arg7: memref<100096xf32, #tpu.memory_space<vmem_shared>>) attributes {dimension_semantics = [#tpu.dimension_semantics<core_parallel>, #tpu.dimension_semantics<subcore_parallel>], iteration_bounds = array<i64: 2, 16>, scalar_prefetch = 0 : i64, scratch_operands = 4 : i64, tpu.core_type = #tpu.core_type<sc_vector_subcore>, window_params = [{transform_indices = #map}, {transform_indices = #map1}]} {
    %mul3A = arith.constant 2 : i32
    %mul3A_0 = arith.muli %arg1, %mul3A : i32
    %add3A = arith.addi %mul3A_0, %arg0 : i32
    %broadcast_in_dim3A = arith.constant 1.000000e+00 : f32
    %broadcast_in_dim3A_1 = vector.broadcast %broadcast_in_dim3A : f32 to vector<16xf32>
    %swap3A = arith.constant 0 : index
    %swap3A_2 = tpu.vector_load %arg5[%swap3A] {strides = array<i32>} : memref<128xf32, #tpu.memory_space<vmem>>, vector<16xf32>,
    %swap3A_3 = vector.shape_cast %swap3A_2 : vector<16xf32> to vector<16xf32>
    %swap3A_4 = vector.shape_cast %broadcast_in_dim3A_1 : vector<16xf32> to vector<16xf32>
    tpu.vector_store %arg5[%swap3A], %swap3A_4 {strides = array<i32>} : memref<128xf32, #tpu.memory_space<vmem>>, vector<16xf32>,
    %broadcast_in_dim3A_5 = arith.constant 1.000000e+00 : f32
    %broadcast_in_dim3A_6 = vector.broadcast %broadcast_in_dim3A_5 : f32 to vector<16xf32>
    %swap3A_7 = arith.constant 16 : index
    %swap3A_8 = tpu.vector_load %arg5[%swap3A_7] {strides = array<i32>} : memref<128xf32, #tpu.memory_space<vmem>>, vector<16xf32>,
    %swap3A_9 = vector.shape_cast %swap3A_8 : vector<16xf32> to vector<16xf32>
    %swap3A_10 = vector.shape_cast %broadcast_in_dim3A_6 : vector<16xf32> to vector<16xf32>
    tpu.vector_store %arg5[%swap3A_7], %swap3A_10 {strides = array<i32>} : memref<128xf32, #tpu.memory_space<vmem>>, vector<16xf32>,
    %broadcast_in_dim3A_11 = arith.constant 1.000000e+00 : f32
    %broadcast_in_dim3A_12 = vector.broadcast %broadcast_in_dim3A_11 : f32 to vector<16xf32>
    %swap3A_13 = arith.constant 32 : index
    %swap3A_14 = tpu.vector_load %arg5[%swap3A_13] {strides = array<i32>} : memref<128xf32, #tpu.memory_space<vmem>>, vector<16xf32>,
    %swap3A_15 = vector.shape_cast %swap3A_14 : vector<16xf32> to vector<16xf32>
    %swap3A_16 = vector.shape_cast %broadcast_in_dim3A_12 : vector<16xf32> to vector<16xf32>
    tpu.vector_store %arg5[%swap3A_13], %swap3A_16 {strides = array<i32>} : memref<128xf32, #tpu.memory_space<vmem>>, vector<16xf32>,
    %broadcast_in_dim3A_17 = arith.constant 1.000000e+00 : f32
    %broadcast_in_dim3A_18 = vector.broadcast %broadcast_in_dim3A_17 : f32 to vector<16xf32>
    %swap3A_19 = arith.constant 48 : index
    %swap3A_20 = tpu.vector_load %arg5[%swap3A_19] {strides = array<i32>} : memref<128xf32, #tpu.memory_space<vmem>>, vector<16xf32>,
    %swap3A_21 = vector.shape_cast %swap3A_20 : vector<16xf32> to vector<16xf32>
    %swap3A_22 = vector.shape_cast %broadcast_in_dim3A_18 : vector<16xf32> to vector<16xf32>
    tpu.vector_store %arg5[%swap3A_19], %swap3A_22 {strides = array<i32>} : memref<128xf32, #tpu.memory_space<vmem>>, vector<16xf32>,
    %broadcast_in_dim3A_23 = arith.constant 1.000000e+00 : f32
    %broadcast_in_dim3A_24 = vector.broadcast %broadcast_in_dim3A_23 : f32 to vector<16xf32>
    %swap3A_25 = arith.constant 64 : index
    %swap3A_26 = tpu.vector_load %arg5[%swap3A_25] {strides = array<i32>} : memref<128xf32, #tpu.memory_space<vmem>>, vector<16xf32>,
    %swap3A_27 = vector.shape_cast %swap3A_26 : vector<16xf32> to vector<16xf32>
    %swap3A_28 = vector.shape_cast %broadcast_in_dim3A_24 : vector<16xf32> to vector<16xf32>
    tpu.vector_store %arg5[%swap3A_25], %swap3A_28 {strides = array<i32>} : memref<128xf32, #tpu.memory_space<vmem>>, vector<16xf32>,
    %broadcast_in_dim3A_29 = arith.constant 1.000000e+00 : f32
    %broadcast_in_dim3A_30 = vector.broadcast %broadcast_in_dim3A_29 : f32 to vector<16xf32>
    %swap3A_31 = arith.constant 80 : index
    %swap3A_32 = tpu.vector_load %arg5[%swap3A_31] {strides = array<i32>} : memref<128xf32, #tpu.memory_space<vmem>>, vector<16xf32>,
    %swap3A_33 = vector.shape_cast %swap3A_32 : vector<16xf32> to vector<16xf32>
    %swap3A_34 = vector.shape_cast %broadcast_in_dim3A_30 : vector<16xf32> to vector<16xf32>
    tpu.vector_store %arg5[%swap3A_31], %swap3A_34 {strides = array<i32>} : memref<128xf32, #tpu.memory_space<vmem>>, vector<16xf32>,
    %broadcast_in_dim3A_35 = arith.constant 1.000000e+00 : f32
    %broadcast_in_dim3A_36 = vector.broadcast %broadcast_in_dim3A_35 : f32 to vector<16xf32>
    %swap3A_37 = arith.constant 96 : index
    %swap3A_38 = tpu.vector_load %arg5[%swap3A_37] {strides = array<i32>} : memref<128xf32, #tpu.memory_space<vmem>>, vector<16xf32>,
    %swap3A_39 = vector.shape_cast %swap3A_38 : vector<16xf32> to vector<16xf32>
    %swap3A_40 = vector.shape_cast %broadcast_in_dim3A_36 : vector<16xf32> to vector<16xf32>
    tpu.vector_store %arg5[%swap3A_37], %swap3A_40 {strides = array<i32>} : memref<128xf32, #tpu.memory_space<vmem>>, vector<16xf32>,
    %broadcast_in_dim3A_41 = arith.constant 1.000000e+00 : f32
    %broadcast_in_dim3A_42 = vector.broadcast %broadcast_in_dim3A_41 : f32 to vector<16xf32>
    %swap3A_43 = arith.constant 112 : index
    %swap3A_44 = tpu.vector_load %arg5[%swap3A_43] {strides = array<i32>} : memref<128xf32, #tpu.memory_space<vmem>>, vector<16xf32>,
    %swap3A_45 = vector.shape_cast %swap3A_44 : vector<16xf32> to vector<16xf32>
    %swap3A_46 = vector.shape_cast %broadcast_in_dim3A_42 : vector<16xf32> to vector<16xf32>
    tpu.vector_store %arg5[%swap3A_43], %swap3A_46 {strides = array<i32>} : memref<128xf32, #tpu.memory_space<vmem>>, vector<16xf32>,
    %scan3A = arith.constant 0 : i32
    %scan3A_47 = arith.constant 0 : i32
    %scan3A_48 = arith.constant 391 : i32
    %scan3A_49 = arith.addi %scan3A_47, %scan3A_48 : i32
    %scan3A_50 = arith.constant 1 : i32
    %scan3A_51 = scf.for %scan3A_72 = %scan3A_47 to %scan3A_49 step %scan3A_50 iter_args(%scan3A_73 = %scan3A) -> (i32)  : i32 {
      %broadcast_in_dim3A_74 = arith.constant 0.000000e+00 : f32
      %broadcast_in_dim3A_75 = vector.broadcast %broadcast_in_dim3A_74 : f32 to vector<16xf32>
      %mul3A_76 = arith.constant 16 : i32
      %mul3A_77 = arith.muli %scan3A_72, %mul3A_76 : i32
      %swap3A_78 = arith.index_cast %mul3A_77 : i32 to index
      %swap3A_79 = tpu.vector_load %arg6[%swap3A_78] {strides = array<i32>} : memref<6256xf32, #tpu.memory_space<vmem>>, vector<16xf32>,
      %swap3A_80 = vector.shape_cast %swap3A_79 : vector<16xf32> to vector<16xf32>
      %swap3A_81 = vector.shape_cast %broadcast_in_dim3A_75 : vector<16xf32> to vector<16xf32>
      tpu.vector_store %arg6[%swap3A_78], %swap3A_81 {strides = array<i32>} : memref<6256xf32, #tpu.memory_space<vmem>>, vector<16xf32>,
      %scan3A_82 = arith.constant 0 : i32
      scf.yield %scan3A_82 : i32
    }
    %scan3A_52 = arith.constant 391 : i32
    %mul3A_53 = arith.constant 6256 : i32
    %mul3A_54 = arith.muli %arg1, %mul3A_53 : i32
    "tpu.region"() ({
      %run_scoped3A = tpu.sem_alloc : memref<!tpu.dma_semaphore, #tpu.memory_space<semaphore_mem>>
      %dma_start3A = tpu.memref_slice %arg7[%mul3A_54] : memref<100096xf32, #tpu.memory_space<vmem_shared>> -> memref<6256xf32, #tpu.memory_space<vmem_shared>>
      %dma_start3A_72 = tpu.memref_slice %arg7[%mul3A_54] : memref<100096xf32, #tpu.memory_space<vmem_shared>> -> memref<6256xf32, #tpu.memory_space<vmem_shared>>
      tpu.enqueue_dma source(%arg6 : memref<6256xf32, #tpu.memory_space<vmem>>) target(%dma_start3A_72 : memref<6256xf32, #tpu.memory_space<vmem_shared>>) target_semaphore(%run_scoped3A : memref<!tpu.dma_semaphore, #tpu.memory_space<semaphore_mem>>)
      %dma_wait3A = tpu.memref_slice %arg7[%mul3A_54] : memref<100096xf32, #tpu.memory_space<vmem_shared>> -> memref<6256xf32, #tpu.memory_space<vmem_shared>>
      %dma_wait3A_73 = tpu.memref_slice %arg7[%mul3A_54] : memref<100096xf32, #tpu.memory_space<vmem_shared>> -> memref<6256xf32, #tpu.memory_space<vmem_shared>>
      tpu.wait_dma2 semaphore(%run_scoped3A : memref<!tpu.dma_semaphore, #tpu.memory_space<semaphore_mem>>) src(%arg6 : memref<6256xf32, #tpu.memory_space<vmem>>) dst(%dma_wait3A_73 : memref<6256xf32, #tpu.memory_space<vmem_shared>>)
      tpu.yield
    }) : () -> ()
    %barrier3A = arith.constant 0 : index
    tpu.barrier barrier_id(%barrier3A)
    %mul3A_55 = arith.constant 784 : i32
    %mul3A_56 = arith.muli %add3A, %mul3A_55 : i32
    %scan3A_57 = arith.constant 0 : i32
    %scan3A_58 = arith.constant 0 : i32
    %scan3A_59 = arith.constant 49 : i32
    %scan3A_60 = arith.addi %scan3A_58, %scan3A_59 : i32
    %scan3A_61 = arith.constant 1 : i32
    %scan3A_62 = scf.for %scan3A_72 = %scan3A_58 to %scan3A_60 step %scan3A_61 iter_args(%scan3A_73 = %scan3A_57) -> (i32)  : i32 {
      %mul3A_74 = arith.constant 16 : i32
      %mul3A_75 = arith.muli %scan3A_72, %mul3A_74 : i32
      %add3A_76 = arith.addi %mul3A_56, %mul3A_75 : i32
      "tpu.region"() ({
        %run_scoped3A_93 = tpu.sem_alloc : memref<!tpu.dma_semaphore, #tpu.memory_space<semaphore_mem>>
        %dma_start3A = arith.constant 0 : i32
        %dma_start3A_94 = tpu.memref_slice %arg2[%add3A_76, %dma_start3A] : memref<25088x128xi32, #tpu.memory_space<hbm>> -> memref<16x128xi32, #tpu.memory_space<hbm>>
        %dma_start3A_95 = arith.constant 0 : i32
        %dma_start3A_96 = tpu.memref_slice %arg2[%add3A_76, %dma_start3A_95] : memref<25088x128xi32, #tpu.memory_space<hbm>> -> memref<16x128xi32, #tpu.memory_space<hbm>>
        tpu.enqueue_dma source(%dma_start3A_96 : memref<16x128xi32, #tpu.memory_space<hbm>>) target(%arg4 : memref<16x128xi32, #tpu.memory_space<vmem>>) target_semaphore(%run_scoped3A_93 : memref<!tpu.dma_semaphore, #tpu.memory_space<semaphore_mem>>)
        %dma_wait3A = arith.constant 0 : i32
        %dma_wait3A_97 = tpu.memref_slice %arg2[%add3A_76, %dma_wait3A] : memref<25088x128xi32, #tpu.memory_space<hbm>> -> memref<16x128xi32, #tpu.memory_space<hbm>>
        %dma_wait3A_98 = arith.constant 0 : i32
        %dma_wait3A_99 = tpu.memref_slice %arg2[%add3A_76, %dma_wait3A_98] : memref<25088x128xi32, #tpu.memory_space<hbm>> -> memref<16x128xi32, #tpu.memory_space<hbm>>
        tpu.wait_dma2 semaphore(%run_scoped3A_93 : memref<!tpu.dma_semaphore, #tpu.memory_space<semaphore_mem>>) src(%dma_wait3A_99 : memref<16x128xi32, #tpu.memory_space<hbm>>) dst(%arg4 : memref<16x128xi32, #tpu.memory_space<vmem>>)
        tpu.yield
      }) : () -> ()
      %run_scoped3A = arith.constant 0 : i32
      "tpu.region"() ({
        %run_scoped3A_93 = tpu.sem_alloc : memref<!tpu.dma_semaphore, #tpu.memory_space<semaphore_mem>>
        %dma_start3A = arith.constant 0 : i32
        %dma_start3A_94 = tpu.memref_slice %arg4[%run_scoped3A, %dma_start3A] : memref<16x128xi32, #tpu.memory_space<vmem>> -> memref<1x128xi32, #tpu.memory_space<vmem>>
        %dma_start3A_95 = tpu.memref_squeeze %dma_start3A_94 : memref<1x128xi32, #tpu.memory_space<vmem>> -> memref<128xi32, #tpu.memory_space<vmem>>
        %dma_start3A_96 = arith.constant 0 : i32
        %dma_start3A_97 = tpu.memref_slice %arg7[%dma_start3A_96] : memref<100096xf32, #tpu.memory_space<vmem_shared>> -> memref<100096xf32, #tpu.memory_space<vmem_shared>>
        tpu.enqueue_indirect_dma source(%arg5 : memref<128xf32, #tpu.memory_space<vmem>>) target(%dma_start3A_97 : memref<100096xf32, #tpu.memory_space<vmem_shared>>) offsets(%dma_start3A_95 : memref<128xi32, #tpu.memory_space<vmem>>) semaphore(%run_scoped3A_93 : memref<!tpu.dma_semaphore, #tpu.memory_space<semaphore_mem>>) {add = true}
        %dma_wait3A = arith.constant 0 : i32
        %dma_wait3A_98 = tpu.memref_slice %arg4[%run_scoped3A, %dma_wait3A] : memref<16x128xi32, #tpu.memory_space<vmem>> -> memref<1x128xi32, #tpu.memory_space<vmem>>
        %dma_wait3A_99 = tpu.memref_squeeze %dma_wait3A_98 : memref<1x128xi32, #tpu.memory_space<vmem>> -> memref<128xi32, #tpu.memory_space<vmem>>
        %dma_wait3A_100 = arith.constant 0 : i32
        %dma_wait3A_101 = tpu.memref_slice %arg7[%dma_wait3A_100] : memref<100096xf32, #tpu.memory_space<vmem_shared>> -> memref<100096xf32, #tpu.memory_space<vmem_shared>>
        tpu.wait_indirect_dma semaphore(%run_scoped3A_93 : memref<!tpu.dma_semaphore, #tpu.memory_space<semaphore_mem>>) src(%arg5 : memref<128xf32, #tpu.memory_space<vmem>>) dst(%dma_wait3A_101 : memref<100096xf32, #tpu.memory_space<vmem_shared>>)
        tpu.yield
      }) : () -> ()
      %run_scoped3A_77 = arith.constant 1 : i32
      "tpu.region"() ({
        %run_scoped3A_93 = tpu.sem_alloc : memref<!tpu.dma_semaphore, #tpu.memory_space<semaphore_mem>>
        %dma_start3A = arith.constant 0 : i32
        %dma_start3A_94 = tpu.memref_slice %arg4[%run_scoped3A_77, %dma_start3A] : memref<16x128xi32, #tpu.memory_space<vmem>> -> memref<1x128xi32, #tpu.memory_space<vmem>>
        %dma_start3A_95 = tpu.memref_squeeze %dma_start3A_94 : memref<1x128xi32, #tpu.memory_space<vmem>> -> memref<128xi32, #tpu.memory_space<vmem>>
        %dma_start3A_96 = arith.constant 0 : i32
        %dma_start3A_97 = tpu.memref_slice %arg7[%dma_start3A_96] : memref<100096xf32, #tpu.memory_space<vmem_shared>> -> memref<100096xf32, #tpu.memory_space<vmem_shared>>
        tpu.enqueue_indirect_dma source(%arg5 : memref<128xf32, #tpu.memory_space<vmem>>) target(%dma_start3A_97 : memref<100096xf32, #tpu.memory_space<vmem_shared>>) offsets(%dma_start3A_95 : memref<128xi32, #tpu.memory_space<vmem>>) semaphore(%run_scoped3A_93 : memref<!tpu.dma_semaphore, #tpu.memory_space<semaphore_mem>>) {add = true}
        %dma_wait3A = arith.constant 0 : i32
        %dma_wait3A_98 = tpu.memref_slice %arg4[%run_scoped3A_77, %dma_wait3A] : memref<16x128xi32, #tpu.memory_space<vmem>> -> memref<1x128xi32, #tpu.memory_space<vmem>>
        %dma_wait3A_99 = tpu.memref_squeeze %dma_wait3A_98 : memref<1x128xi32, #tpu.memory_space<vmem>> -> memref<128xi32, #tpu.memory_space<vmem>>
        %dma_wait3A_100 = arith.constant 0 : i32
        %dma_wait3A_101 = tpu.memref_slice %arg7[%dma_wait3A_100] : memref<100096xf32, #tpu.memory_space<vmem_shared>> -> memref<100096xf32, #tpu.memory_space<vmem_shared>>
        tpu.wait_indirect_dma semaphore(%run_scoped3A_93 : memref<!tpu.dma_semaphore, #tpu.memory_space<semaphore_mem>>) src(%arg5 : memref<128xf32, #tpu.memory_space<vmem>>) dst(%dma_wait3A_101 : memref<100096xf32, #tpu.memory_space<vmem_shared>>)
        tpu.yield
      }) : () -> ()
      %run_scoped3A_78 = arith.constant 2 : i32
      "tpu.region"() ({
        %run_scoped3A_93 = tpu.sem_alloc : memref<!tpu.dma_semaphore, #tpu.memory_space<semaphore_mem>>
        %dma_start3A = arith.constant 0 : i32
        %dma_start3A_94 = tpu.memref_slice %arg4[%run_scoped3A_78, %dma_start3A] : memref<16x128xi32, #tpu.memory_space<vmem>> -> memref<1x128xi32, #tpu.memory_space<vmem>>
        %dma_start3A_95 = tpu.memref_squeeze %dma_start3A_94 : memref<1x128xi32, #tpu.memory_space<vmem>> -> memref<128xi32, #tpu.memory_space<vmem>>
        %dma_start3A_96 = arith.constant 0 : i32
        %dma_start3A_97 = tpu.memref_slice %arg7[%dma_start3A_96] : memref<100096xf32, #tpu.memory_space<vmem_shared>> -> memref<100096xf32, #tpu.memory_space<vmem_shared>>
        tpu.enqueue_indirect_dma source(%arg5 : memref<128xf32, #tpu.memory_space<vmem>>) target(%dma_start3A_97 : memref<100096xf32, #tpu.memory_space<vmem_shared>>) offsets(%dma_start3A_95 : memref<128xi32, #tpu.memory_space<vmem>>) semaphore(%run_scoped3A_93 : memref<!tpu.dma_semaphore, #tpu.memory_space<semaphore_mem>>) {add = true}
        %dma_wait3A = arith.constant 0 : i32
        %dma_wait3A_98 = tpu.memref_slice %arg4[%run_scoped3A_78, %dma_wait3A] : memref<16x128xi32, #tpu.memory_space<vmem>> -> memref<1x128xi32, #tpu.memory_space<vmem>>
        %dma_wait3A_99 = tpu.memref_squeeze %dma_wait3A_98 : memref<1x128xi32, #tpu.memory_space<vmem>> -> memref<128xi32, #tpu.memory_space<vmem>>
        %dma_wait3A_100 = arith.constant 0 : i32
        %dma_wait3A_101 = tpu.memref_slice %arg7[%dma_wait3A_100] : memref<100096xf32, #tpu.memory_space<vmem_shared>> -> memref<100096xf32, #tpu.memory_space<vmem_shared>>
        tpu.wait_indirect_dma semaphore(%run_scoped3A_93 : memref<!tpu.dma_semaphore, #tpu.memory_space<semaphore_mem>>) src(%arg5 : memref<128xf32, #tpu.memory_space<vmem>>) dst(%dma_wait3A_101 : memref<100096xf32, #tpu.memory_space<vmem_shared>>)
        tpu.yield
      }) : () -> ()
      %run_scoped3A_79 = arith.constant 3 : i32
      "tpu.region"() ({
        %run_scoped3A_93 = tpu.sem_alloc : memref<!tpu.dma_semaphore, #tpu.memory_space<semaphore_mem>>
        %dma_start3A = arith.constant 0 : i32
        %dma_start3A_94 = tpu.memref_slice %arg4[%run_scoped3A_79, %dma_start3A] : memref<16x128xi32, #tpu.memory_space<vmem>> -> memref<1x128xi32, #tpu.memory_space<vmem>>
        %dma_start3A_95 = tpu.memref_squeeze %dma_start3A_94 : memref<1x128xi32, #tpu.memory_space<vmem>> -> memref<128xi32, #tpu.memory_space<vmem>>
        %dma_start3A_96 = arith.constant 0 : i32
        %dma_start3A_97 = tpu.memref_slice %arg7[%dma_start3A_96] : memref<100096xf32, #tpu.memory_space<vmem_shared>> -> memref<100096xf32, #tpu.memory_space<vmem_shared>>
        tpu.enqueue_indirect_dma source(%arg5 : memref<128xf32, #tpu.memory_space<vmem>>) target(%dma_start3A_97 : memref<100096xf32, #tpu.memory_space<vmem_shared>>) offsets(%dma_start3A_95 : memref<128xi32, #tpu.memory_space<vmem>>) semaphore(%run_scoped3A_93 : memref<!tpu.dma_semaphore, #tpu.memory_space<semaphore_mem>>) {add = true}
        %dma_wait3A = arith.constant 0 : i32
        %dma_wait3A_98 = tpu.memref_slice %arg4[%run_scoped3A_79, %dma_wait3A] : memref<16x128xi32, #tpu.memory_space<vmem>> -> memref<1x128xi32, #tpu.memory_space<vmem>>
        %dma_wait3A_99 = tpu.memref_squeeze %dma_wait3A_98 : memref<1x128xi32, #tpu.memory_space<vmem>> -> memref<128xi32, #tpu.memory_space<vmem>>
        %dma_wait3A_100 = arith.constant 0 : i32
        %dma_wait3A_101 = tpu.memref_slice %arg7[%dma_wait3A_100] : memref<100096xf32, #tpu.memory_space<vmem_shared>> -> memref<100096xf32, #tpu.memory_space<vmem_shared>>
        tpu.wait_indirect_dma semaphore(%run_scoped3A_93 : memref<!tpu.dma_semaphore, #tpu.memory_space<semaphore_mem>>) src(%arg5 : memref<128xf32, #tpu.memory_space<vmem>>) dst(%dma_wait3A_101 : memref<100096xf32, #tpu.memory_space<vmem_shared>>)
        tpu.yield
      }) : () -> ()
      %run_scoped3A_80 = arith.constant 4 : i32
      "tpu.region"() ({
        %run_scoped3A_93 = tpu.sem_alloc : memref<!tpu.dma_semaphore, #tpu.memory_space<semaphore_mem>>
        %dma_start3A = arith.constant 0 : i32
        %dma_start3A_94 = tpu.memref_slice %arg4[%run_scoped3A_80, %dma_start3A] : memref<16x128xi32, #tpu.memory_space<vmem>> -> memref<1x128xi32, #tpu.memory_space<vmem>>
        %dma_start3A_95 = tpu.memref_squeeze %dma_start3A_94 : memref<1x128xi32, #tpu.memory_space<vmem>> -> memref<128xi32, #tpu.memory_space<vmem>>
        %dma_start3A_96 = arith.constant 0 : i32
        %dma_start3A_97 = tpu.memref_slice %arg7[%dma_start3A_96] : memref<100096xf32, #tpu.memory_space<vmem_shared>> -> memref<100096xf32, #tpu.memory_space<vmem_shared>>
        tpu.enqueue_indirect_dma source(%arg5 : memref<128xf32, #tpu.memory_space<vmem>>) target(%dma_start3A_97 : memref<100096xf32, #tpu.memory_space<vmem_shared>>) offsets(%dma_start3A_95 : memref<128xi32, #tpu.memory_space<vmem>>) semaphore(%run_scoped3A_93 : memref<!tpu.dma_semaphore, #tpu.memory_space<semaphore_mem>>) {add = true}
        %dma_wait3A = arith.constant 0 : i32
        %dma_wait3A_98 = tpu.memref_slice %arg4[%run_scoped3A_80, %dma_wait3A] : memref<16x128xi32, #tpu.memory_space<vmem>> -> memref<1x128xi32, #tpu.memory_space<vmem>>
        %dma_wait3A_99 = tpu.memref_squeeze %dma_wait3A_98 : memref<1x128xi32, #tpu.memory_space<vmem>> -> memref<128xi32, #tpu.memory_space<vmem>>
        %dma_wait3A_100 = arith.constant 0 : i32
        %dma_wait3A_101 = tpu.memref_slice %arg7[%dma_wait3A_100] : memref<100096xf32, #tpu.memory_space<vmem_shared>> -> memref<100096xf32, #tpu.memory_space<vmem_shared>>
        tpu.wait_indirect_dma semaphore(%run_scoped3A_93 : memref<!tpu.dma_semaphore, #tpu.memory_space<semaphore_mem>>) src(%arg5 : memref<128xf32, #tpu.memory_space<vmem>>) dst(%dma_wait3A_101 : memref<100096xf32, #tpu.memory_space<vmem_shared>>)
        tpu.yield
      }) : () -> ()
      %run_scoped3A_81 = arith.constant 5 : i32
      "tpu.region"() ({
        %run_scoped3A_93 = tpu.sem_alloc : memref<!tpu.dma_semaphore, #tpu.memory_space<semaphore_mem>>
        %dma_start3A = arith.constant 0 : i32
        %dma_start3A_94 = tpu.memref_slice %arg4[%run_scoped3A_81, %dma_start3A] : memref<16x128xi32, #tpu.memory_space<vmem>> -> memref<1x128xi32, #tpu.memory_space<vmem>>
        %dma_start3A_95 = tpu.memref_squeeze %dma_start3A_94 : memref<1x128xi32, #tpu.memory_space<vmem>> -> memref<128xi32, #tpu.memory_space<vmem>>
        %dma_start3A_96 = arith.constant 0 : i32
        %dma_start3A_97 = tpu.memref_slice %arg7[%dma_start3A_96] : memref<100096xf32, #tpu.memory_space<vmem_shared>> -> memref<100096xf32, #tpu.memory_space<vmem_shared>>
        tpu.enqueue_indirect_dma source(%arg5 : memref<128xf32, #tpu.memory_space<vmem>>) target(%dma_start3A_97 : memref<100096xf32, #tpu.memory_space<vmem_shared>>) offsets(%dma_start3A_95 : memref<128xi32, #tpu.memory_space<vmem>>) semaphore(%run_scoped3A_93 : memref<!tpu.dma_semaphore, #tpu.memory_space<semaphore_mem>>) {add = true}
        %dma_wait3A = arith.constant 0 : i32
        %dma_wait3A_98 = tpu.memref_slice %arg4[%run_scoped3A_81, %dma_wait3A] : memref<16x128xi32, #tpu.memory_space<vmem>> -> memref<1x128xi32, #tpu.memory_space<vmem>>
        %dma_wait3A_99 = tpu.memref_squeeze %dma_wait3A_98 : memref<1x128xi32, #tpu.memory_space<vmem>> -> memref<128xi32, #tpu.memory_space<vmem>>
        %dma_wait3A_100 = arith.constant 0 : i32
        %dma_wait3A_101 = tpu.memref_slice %arg7[%dma_wait3A_100] : memref<100096xf32, #tpu.memory_space<vmem_shared>> -> memref<100096xf32, #tpu.memory_space<vmem_shared>>
        tpu.wait_indirect_dma semaphore(%run_scoped3A_93 : memref<!tpu.dma_semaphore, #tpu.memory_space<semaphore_mem>>) src(%arg5 : memref<128xf32, #tpu.memory_space<vmem>>) dst(%dma_wait3A_101 : memref<100096xf32, #tpu.memory_space<vmem_shared>>)
        tpu.yield
      }) : () -> ()
      %run_scoped3A_82 = arith.constant 6 : i32
      "tpu.region"() ({
        %run_scoped3A_93 = tpu.sem_alloc : memref<!tpu.dma_semaphore, #tpu.memory_space<semaphore_mem>>
        %dma_start3A = arith.constant 0 : i32
        %dma_start3A_94 = tpu.memref_slice %arg4[%run_scoped3A_82, %dma_start3A] : memref<16x128xi32, #tpu.memory_space<vmem>> -> memref<1x128xi32, #tpu.memory_space<vmem>>
        %dma_start3A_95 = tpu.memref_squeeze %dma_start3A_94 : memref<1x128xi32, #tpu.memory_space<vmem>> -> memref<128xi32, #tpu.memory_space<vmem>>
        %dma_start3A_96 = arith.constant 0 : i32
        %dma_start3A_97 = tpu.memref_slice %arg7[%dma_start3A_96] : memref<100096xf32, #tpu.memory_space<vmem_shared>> -> memref<100096xf32, #tpu.memory_space<vmem_shared>>
        tpu.enqueue_indirect_dma source(%arg5 : memref<128xf32, #tpu.memory_space<vmem>>) target(%dma_start3A_97 : memref<100096xf32, #tpu.memory_space<vmem_shared>>) offsets(%dma_start3A_95 : memref<128xi32, #tpu.memory_space<vmem>>) semaphore(%run_scoped3A_93 : memref<!tpu.dma_semaphore, #tpu.memory_space<semaphore_mem>>) {add = true}
        %dma_wait3A = arith.constant 0 : i32
        %dma_wait3A_98 = tpu.memref_slice %arg4[%run_scoped3A_82, %dma_wait3A] : memref<16x128xi32, #tpu.memory_space<vmem>> -> memref<1x128xi32, #tpu.memory_space<vmem>>
        %dma_wait3A_99 = tpu.memref_squeeze %dma_wait3A_98 : memref<1x128xi32, #tpu.memory_space<vmem>> -> memref<128xi32, #tpu.memory_space<vmem>>
        %dma_wait3A_100 = arith.constant 0 : i32
        %dma_wait3A_101 = tpu.memref_slice %arg7[%dma_wait3A_100] : memref<100096xf32, #tpu.memory_space<vmem_shared>> -> memref<100096xf32, #tpu.memory_space<vmem_shared>>
        tpu.wait_indirect_dma semaphore(%run_scoped3A_93 : memref<!tpu.dma_semaphore, #tpu.memory_space<semaphore_mem>>) src(%arg5 : memref<128xf32, #tpu.memory_space<vmem>>) dst(%dma_wait3A_101 : memref<100096xf32, #tpu.memory_space<vmem_shared>>)
        tpu.yield
      }) : () -> ()
      %run_scoped3A_83 = arith.constant 7 : i32
      "tpu.region"() ({
        %run_scoped3A_93 = tpu.sem_alloc : memref<!tpu.dma_semaphore, #tpu.memory_space<semaphore_mem>>
        %dma_start3A = arith.constant 0 : i32
        %dma_start3A_94 = tpu.memref_slice %arg4[%run_scoped3A_83, %dma_start3A] : memref<16x128xi32, #tpu.memory_space<vmem>> -> memref<1x128xi32, #tpu.memory_space<vmem>>
        %dma_start3A_95 = tpu.memref_squeeze %dma_start3A_94 : memref<1x128xi32, #tpu.memory_space<vmem>> -> memref<128xi32, #tpu.memory_space<vmem>>
        %dma_start3A_96 = arith.constant 0 : i32
        %dma_start3A_97 = tpu.memref_slice %arg7[%dma_start3A_96] : memref<100096xf32, #tpu.memory_space<vmem_shared>> -> memref<100096xf32, #tpu.memory_space<vmem_shared>>
        tpu.enqueue_indirect_dma source(%arg5 : memref<128xf32, #tpu.memory_space<vmem>>) target(%dma_start3A_97 : memref<100096xf32, #tpu.memory_space<vmem_shared>>) offsets(%dma_start3A_95 : memref<128xi32, #tpu.memory_space<vmem>>) semaphore(%run_scoped3A_93 : memref<!tpu.dma_semaphore, #tpu.memory_space<semaphore_mem>>) {add = true}
        %dma_wait3A = arith.constant 0 : i32
        %dma_wait3A_98 = tpu.memref_slice %arg4[%run_scoped3A_83, %dma_wait3A] : memref<16x128xi32, #tpu.memory_space<vmem>> -> memref<1x128xi32, #tpu.memory_space<vmem>>
        %dma_wait3A_99 = tpu.memref_squeeze %dma_wait3A_98 : memref<1x128xi32, #tpu.memory_space<vmem>> -> memref<128xi32, #tpu.memory_space<vmem>>
        %dma_wait3A_100 = arith.constant 0 : i32
        %dma_wait3A_101 = tpu.memref_slice %arg7[%dma_wait3A_100] : memref<100096xf32, #tpu.memory_space<vmem_shared>> -> memref<100096xf32, #tpu.memory_space<vmem_shared>>
        tpu.wait_indirect_dma semaphore(%run_scoped3A_93 : memref<!tpu.dma_semaphore, #tpu.memory_space<semaphore_mem>>) src(%arg5 : memref<128xf32, #tpu.memory_space<vmem>>) dst(%dma_wait3A_101 : memref<100096xf32, #tpu.memory_space<vmem_shared>>)
        tpu.yield
      }) : () -> ()
      %run_scoped3A_84 = arith.constant 8 : i32
      "tpu.region"() ({
        %run_scoped3A_93 = tpu.sem_alloc : memref<!tpu.dma_semaphore, #tpu.memory_space<semaphore_mem>>
        %dma_start3A = arith.constant 0 : i32
        %dma_start3A_94 = tpu.memref_slice %arg4[%run_scoped3A_84, %dma_start3A] : memref<16x128xi32, #tpu.memory_space<vmem>> -> memref<1x128xi32, #tpu.memory_space<vmem>>
        %dma_start3A_95 = tpu.memref_squeeze %dma_start3A_94 : memref<1x128xi32, #tpu.memory_space<vmem>> -> memref<128xi32, #tpu.memory_space<vmem>>
        %dma_start3A_96 = arith.constant 0 : i32
        %dma_start3A_97 = tpu.memref_slice %arg7[%dma_start3A_96] : memref<100096xf32, #tpu.memory_space<vmem_shared>> -> memref<100096xf32, #tpu.memory_space<vmem_shared>>
        tpu.enqueue_indirect_dma source(%arg5 : memref<128xf32, #tpu.memory_space<vmem>>) target(%dma_start3A_97 : memref<100096xf32, #tpu.memory_space<vmem_shared>>) offsets(%dma_start3A_95 : memref<128xi32, #tpu.memory_space<vmem>>) semaphore(%run_scoped3A_93 : memref<!tpu.dma_semaphore, #tpu.memory_space<semaphore_mem>>) {add = true}
        %dma_wait3A = arith.constant 0 : i32
        %dma_wait3A_98 = tpu.memref_slice %arg4[%run_scoped3A_84, %dma_wait3A] : memref<16x128xi32, #tpu.memory_space<vmem>> -> memref<1x128xi32, #tpu.memory_space<vmem>>
        %dma_wait3A_99 = tpu.memref_squeeze %dma_wait3A_98 : memref<1x128xi32, #tpu.memory_space<vmem>> -> memref<128xi32, #tpu.memory_space<vmem>>
        %dma_wait3A_100 = arith.constant 0 : i32
        %dma_wait3A_101 = tpu.memref_slice %arg7[%dma_wait3A_100] : memref<100096xf32, #tpu.memory_space<vmem_shared>> -> memref<100096xf32, #tpu.memory_space<vmem_shared>>
        tpu.wait_indirect_dma semaphore(%run_scoped3A_93 : memref<!tpu.dma_semaphore, #tpu.memory_space<semaphore_mem>>) src(%arg5 : memref<128xf32, #tpu.memory_space<vmem>>) dst(%dma_wait3A_101 : memref<100096xf32, #tpu.memory_space<vmem_shared>>)
        tpu.yield
      }) : () -> ()
      %run_scoped3A_85 = arith.constant 9 : i32
      "tpu.region"() ({
        %run_scoped3A_93 = tpu.sem_alloc : memref<!tpu.dma_semaphore, #tpu.memory_space<semaphore_mem>>
        %dma_start3A = arith.constant 0 : i32
        %dma_start3A_94 = tpu.memref_slice %arg4[%run_scoped3A_85, %dma_start3A] : memref<16x128xi32, #tpu.memory_space<vmem>> -> memref<1x128xi32, #tpu.memory_space<vmem>>
        %dma_start3A_95 = tpu.memref_squeeze %dma_start3A_94 : memref<1x128xi32, #tpu.memory_space<vmem>> -> memref<128xi32, #tpu.memory_space<vmem>>
        %dma_start3A_96 = arith.constant 0 : i32
        %dma_start3A_97 = tpu.memref_slice %arg7[%dma_start3A_96] : memref<100096xf32, #tpu.memory_space<vmem_shared>> -> memref<100096xf32, #tpu.memory_space<vmem_shared>>
        tpu.enqueue_indirect_dma source(%arg5 : memref<128xf32, #tpu.memory_space<vmem>>) target(%dma_start3A_97 : memref<100096xf32, #tpu.memory_space<vmem_shared>>) offsets(%dma_start3A_95 : memref<128xi32, #tpu.memory_space<vmem>>) semaphore(%run_scoped3A_93 : memref<!tpu.dma_semaphore, #tpu.memory_space<semaphore_mem>>) {add = true}
        %dma_wait3A = arith.constant 0 : i32
        %dma_wait3A_98 = tpu.memref_slice %arg4[%run_scoped3A_85, %dma_wait3A] : memref<16x128xi32, #tpu.memory_space<vmem>> -> memref<1x128xi32, #tpu.memory_space<vmem>>
        %dma_wait3A_99 = tpu.memref_squeeze %dma_wait3A_98 : memref<1x128xi32, #tpu.memory_space<vmem>> -> memref<128xi32, #tpu.memory_space<vmem>>
        %dma_wait3A_100 = arith.constant 0 : i32
        %dma_wait3A_101 = tpu.memref_slice %arg7[%dma_wait3A_100] : memref<100096xf32, #tpu.memory_space<vmem_shared>> -> memref<100096xf32, #tpu.memory_space<vmem_shared>>
        tpu.wait_indirect_dma semaphore(%run_scoped3A_93 : memref<!tpu.dma_semaphore, #tpu.memory_space<semaphore_mem>>) src(%arg5 : memref<128xf32, #tpu.memory_space<vmem>>) dst(%dma_wait3A_101 : memref<100096xf32, #tpu.memory_space<vmem_shared>>)
        tpu.yield
      }) : () -> ()
      %run_scoped3A_86 = arith.constant 10 : i32
      "tpu.region"() ({
        %run_scoped3A_93 = tpu.sem_alloc : memref<!tpu.dma_semaphore, #tpu.memory_space<semaphore_mem>>
        %dma_start3A = arith.constant 0 : i32
        %dma_start3A_94 = tpu.memref_slice %arg4[%run_scoped3A_86, %dma_start3A] : memref<16x128xi32, #tpu.memory_space<vmem>> -> memref<1x128xi32, #tpu.memory_space<vmem>>
        %dma_start3A_95 = tpu.memref_squeeze %dma_start3A_94 : memref<1x128xi32, #tpu.memory_space<vmem>> -> memref<128xi32, #tpu.memory_space<vmem>>
        %dma_start3A_96 = arith.constant 0 : i32
        %dma_start3A_97 = tpu.memref_slice %arg7[%dma_start3A_96] : memref<100096xf32, #tpu.memory_space<vmem_shared>> -> memref<100096xf32, #tpu.memory_space<vmem_shared>>
        tpu.enqueue_indirect_dma source(%arg5 : memref<128xf32, #tpu.memory_space<vmem>>) target(%dma_start3A_97 : memref<100096xf32, #tpu.memory_space<vmem_shared>>) offsets(%dma_start3A_95 : memref<128xi32, #tpu.memory_space<vmem>>) semaphore(%run_scoped3A_93 : memref<!tpu.dma_semaphore, #tpu.memory_space<semaphore_mem>>) {add = true}
        %dma_wait3A = arith.constant 0 : i32
        %dma_wait3A_98 = tpu.memref_slice %arg4[%run_scoped3A_86, %dma_wait3A] : memref<16x128xi32, #tpu.memory_space<vmem>> -> memref<1x128xi32, #tpu.memory_space<vmem>>
        %dma_wait3A_99 = tpu.memref_squeeze %dma_wait3A_98 : memref<1x128xi32, #tpu.memory_space<vmem>> -> memref<128xi32, #tpu.memory_space<vmem>>
        %dma_wait3A_100 = arith.constant 0 : i32
        %dma_wait3A_101 = tpu.memref_slice %arg7[%dma_wait3A_100] : memref<100096xf32, #tpu.memory_space<vmem_shared>> -> memref<100096xf32, #tpu.memory_space<vmem_shared>>
        tpu.wait_indirect_dma semaphore(%run_scoped3A_93 : memref<!tpu.dma_semaphore, #tpu.memory_space<semaphore_mem>>) src(%arg5 : memref<128xf32, #tpu.memory_space<vmem>>) dst(%dma_wait3A_101 : memref<100096xf32, #tpu.memory_space<vmem_shared>>)
        tpu.yield
      }) : () -> ()
      %run_scoped3A_87 = arith.constant 11 : i32
      "tpu.region"() ({
        %run_scoped3A_93 = tpu.sem_alloc : memref<!tpu.dma_semaphore, #tpu.memory_space<semaphore_mem>>
        %dma_start3A = arith.constant 0 : i32
        %dma_start3A_94 = tpu.memref_slice %arg4[%run_scoped3A_87, %dma_start3A] : memref<16x128xi32, #tpu.memory_space<vmem>> -> memref<1x128xi32, #tpu.memory_space<vmem>>
        %dma_start3A_95 = tpu.memref_squeeze %dma_start3A_94 : memref<1x128xi32, #tpu.memory_space<vmem>> -> memref<128xi32, #tpu.memory_space<vmem>>
        %dma_start3A_96 = arith.constant 0 : i32
        %dma_start3A_97 = tpu.memref_slice %arg7[%dma_start3A_96] : memref<100096xf32, #tpu.memory_space<vmem_shared>> -> memref<100096xf32, #tpu.memory_space<vmem_shared>>
        tpu.enqueue_indirect_dma source(%arg5 : memref<128xf32, #tpu.memory_space<vmem>>) target(%dma_start3A_97 : memref<100096xf32, #tpu.memory_space<vmem_shared>>) offsets(%dma_start3A_95 : memref<128xi32, #tpu.memory_space<vmem>>) semaphore(%run_scoped3A_93 : memref<!tpu.dma_semaphore, #tpu.memory_space<semaphore_mem>>) {add = true}
        %dma_wait3A = arith.constant 0 : i32
        %dma_wait3A_98 = tpu.memref_slice %arg4[%run_scoped3A_87, %dma_wait3A] : memref<16x128xi32, #tpu.memory_space<vmem>> -> memref<1x128xi32, #tpu.memory_space<vmem>>
        %dma_wait3A_99 = tpu.memref_squeeze %dma_wait3A_98 : memref<1x128xi32, #tpu.memory_space<vmem>> -> memref<128xi32, #tpu.memory_space<vmem>>
        %dma_wait3A_100 = arith.constant 0 : i32
        %dma_wait3A_101 = tpu.memref_slice %arg7[%dma_wait3A_100] : memref<100096xf32, #tpu.memory_space<vmem_shared>> -> memref<100096xf32, #tpu.memory_space<vmem_shared>>
        tpu.wait_indirect_dma semaphore(%run_scoped3A_93 : memref<!tpu.dma_semaphore, #tpu.memory_space<semaphore_mem>>) src(%arg5 : memref<128xf32, #tpu.memory_space<vmem>>) dst(%dma_wait3A_101 : memref<100096xf32, #tpu.memory_space<vmem_shared>>)
        tpu.yield
      }) : () -> ()
      %run_scoped3A_88 = arith.constant 12 : i32
      "tpu.region"() ({
        %run_scoped3A_93 = tpu.sem_alloc : memref<!tpu.dma_semaphore, #tpu.memory_space<semaphore_mem>>
        %dma_start3A = arith.constant 0 : i32
        %dma_start3A_94 = tpu.memref_slice %arg4[%run_scoped3A_88, %dma_start3A] : memref<16x128xi32, #tpu.memory_space<vmem>> -> memref<1x128xi32, #tpu.memory_space<vmem>>
        %dma_start3A_95 = tpu.memref_squeeze %dma_start3A_94 : memref<1x128xi32, #tpu.memory_space<vmem>> -> memref<128xi32, #tpu.memory_space<vmem>>
        %dma_start3A_96 = arith.constant 0 : i32
        %dma_start3A_97 = tpu.memref_slice %arg7[%dma_start3A_96] : memref<100096xf32, #tpu.memory_space<vmem_shared>> -> memref<100096xf32, #tpu.memory_space<vmem_shared>>
        tpu.enqueue_indirect_dma source(%arg5 : memref<128xf32, #tpu.memory_space<vmem>>) target(%dma_start3A_97 : memref<100096xf32, #tpu.memory_space<vmem_shared>>) offsets(%dma_start3A_95 : memref<128xi32, #tpu.memory_space<vmem>>) semaphore(%run_scoped3A_93 : memref<!tpu.dma_semaphore, #tpu.memory_space<semaphore_mem>>) {add = true}
        %dma_wait3A = arith.constant 0 : i32
        %dma_wait3A_98 = tpu.memref_slice %arg4[%run_scoped3A_88, %dma_wait3A] : memref<16x128xi32, #tpu.memory_space<vmem>> -> memref<1x128xi32, #tpu.memory_space<vmem>>
        %dma_wait3A_99 = tpu.memref_squeeze %dma_wait3A_98 : memref<1x128xi32, #tpu.memory_space<vmem>> -> memref<128xi32, #tpu.memory_space<vmem>>
        %dma_wait3A_100 = arith.constant 0 : i32
        %dma_wait3A_101 = tpu.memref_slice %arg7[%dma_wait3A_100] : memref<100096xf32, #tpu.memory_space<vmem_shared>> -> memref<100096xf32, #tpu.memory_space<vmem_shared>>
        tpu.wait_indirect_dma semaphore(%run_scoped3A_93 : memref<!tpu.dma_semaphore, #tpu.memory_space<semaphore_mem>>) src(%arg5 : memref<128xf32, #tpu.memory_space<vmem>>) dst(%dma_wait3A_101 : memref<100096xf32, #tpu.memory_space<vmem_shared>>)
        tpu.yield
      }) : () -> ()
      %run_scoped3A_89 = arith.constant 13 : i32
      "tpu.region"() ({
        %run_scoped3A_93 = tpu.sem_alloc : memref<!tpu.dma_semaphore, #tpu.memory_space<semaphore_mem>>
        %dma_start3A = arith.constant 0 : i32
        %dma_start3A_94 = tpu.memref_slice %arg4[%run_scoped3A_89, %dma_start3A] : memref<16x128xi32, #tpu.memory_space<vmem>> -> memref<1x128xi32, #tpu.memory_space<vmem>>
        %dma_start3A_95 = tpu.memref_squeeze %dma_start3A_94 : memref<1x128xi32, #tpu.memory_space<vmem>> -> memref<128xi32, #tpu.memory_space<vmem>>
        %dma_start3A_96 = arith.constant 0 : i32
        %dma_start3A_97 = tpu.memref_slice %arg7[%dma_start3A_96] : memref<100096xf32, #tpu.memory_space<vmem_shared>> -> memref<100096xf32, #tpu.memory_space<vmem_shared>>
        tpu.enqueue_indirect_dma source(%arg5 : memref<128xf32, #tpu.memory_space<vmem>>) target(%dma_start3A_97 : memref<100096xf32, #tpu.memory_space<vmem_shared>>) offsets(%dma_start3A_95 : memref<128xi32, #tpu.memory_space<vmem>>) semaphore(%run_scoped3A_93 : memref<!tpu.dma_semaphore, #tpu.memory_space<semaphore_mem>>) {add = true}
        %dma_wait3A = arith.constant 0 : i32
        %dma_wait3A_98 = tpu.memref_slice %arg4[%run_scoped3A_89, %dma_wait3A] : memref<16x128xi32, #tpu.memory_space<vmem>> -> memref<1x128xi32, #tpu.memory_space<vmem>>
        %dma_wait3A_99 = tpu.memref_squeeze %dma_wait3A_98 : memref<1x128xi32, #tpu.memory_space<vmem>> -> memref<128xi32, #tpu.memory_space<vmem>>
        %dma_wait3A_100 = arith.constant 0 : i32
        %dma_wait3A_101 = tpu.memref_slice %arg7[%dma_wait3A_100] : memref<100096xf32, #tpu.memory_space<vmem_shared>> -> memref<100096xf32, #tpu.memory_space<vmem_shared>>
        tpu.wait_indirect_dma semaphore(%run_scoped3A_93 : memref<!tpu.dma_semaphore, #tpu.memory_space<semaphore_mem>>) src(%arg5 : memref<128xf32, #tpu.memory_space<vmem>>) dst(%dma_wait3A_101 : memref<100096xf32, #tpu.memory_space<vmem_shared>>)
        tpu.yield
      }) : () -> ()
      %run_scoped3A_90 = arith.constant 14 : i32
      "tpu.region"() ({
        %run_scoped3A_93 = tpu.sem_alloc : memref<!tpu.dma_semaphore, #tpu.memory_space<semaphore_mem>>
        %dma_start3A = arith.constant 0 : i32
        %dma_start3A_94 = tpu.memref_slice %arg4[%run_scoped3A_90, %dma_start3A] : memref<16x128xi32, #tpu.memory_space<vmem>> -> memref<1x128xi32, #tpu.memory_space<vmem>>
        %dma_start3A_95 = tpu.memref_squeeze %dma_start3A_94 : memref<1x128xi32, #tpu.memory_space<vmem>> -> memref<128xi32, #tpu.memory_space<vmem>>
        %dma_start3A_96 = arith.constant 0 : i32
        %dma_start3A_97 = tpu.memref_slice %arg7[%dma_start3A_96] : memref<100096xf32, #tpu.memory_space<vmem_shared>> -> memref<100096xf32, #tpu.memory_space<vmem_shared>>
        tpu.enqueue_indirect_dma source(%arg5 : memref<128xf32, #tpu.memory_space<vmem>>) target(%dma_start3A_97 : memref<100096xf32, #tpu.memory_space<vmem_shared>>) offsets(%dma_start3A_95 : memref<128xi32, #tpu.memory_space<vmem>>) semaphore(%run_scoped3A_93 : memref<!tpu.dma_semaphore, #tpu.memory_space<semaphore_mem>>) {add = true}
        %dma_wait3A = arith.constant 0 : i32
        %dma_wait3A_98 = tpu.memref_slice %arg4[%run_scoped3A_90, %dma_wait3A] : memref<16x128xi32, #tpu.memory_space<vmem>> -> memref<1x128xi32, #tpu.memory_space<vmem>>
        %dma_wait3A_99 = tpu.memref_squeeze %dma_wait3A_98 : memref<1x128xi32, #tpu.memory_space<vmem>> -> memref<128xi32, #tpu.memory_space<vmem>>
        %dma_wait3A_100 = arith.constant 0 : i32
        %dma_wait3A_101 = tpu.memref_slice %arg7[%dma_wait3A_100] : memref<100096xf32, #tpu.memory_space<vmem_shared>> -> memref<100096xf32, #tpu.memory_space<vmem_shared>>
        tpu.wait_indirect_dma semaphore(%run_scoped3A_93 : memref<!tpu.dma_semaphore, #tpu.memory_space<semaphore_mem>>) src(%arg5 : memref<128xf32, #tpu.memory_space<vmem>>) dst(%dma_wait3A_101 : memref<100096xf32, #tpu.memory_space<vmem_shared>>)
        tpu.yield
      }) : () -> ()
      %run_scoped3A_91 = arith.constant 15 : i32
      "tpu.region"() ({
        %run_scoped3A_93 = tpu.sem_alloc : memref<!tpu.dma_semaphore, #tpu.memory_space<semaphore_mem>>
        %dma_start3A = arith.constant 0 : i32
        %dma_start3A_94 = tpu.memref_slice %arg4[%run_scoped3A_91, %dma_start3A] : memref<16x128xi32, #tpu.memory_space<vmem>> -> memref<1x128xi32, #tpu.memory_space<vmem>>
        %dma_start3A_95 = tpu.memref_squeeze %dma_start3A_94 : memref<1x128xi32, #tpu.memory_space<vmem>> -> memref<128xi32, #tpu.memory_space<vmem>>
        %dma_start3A_96 = arith.constant 0 : i32
        %dma_start3A_97 = tpu.memref_slice %arg7[%dma_start3A_96] : memref<100096xf32, #tpu.memory_space<vmem_shared>> -> memref<100096xf32, #tpu.memory_space<vmem_shared>>
        tpu.enqueue_indirect_dma source(%arg5 : memref<128xf32, #tpu.memory_space<vmem>>) target(%dma_start3A_97 : memref<100096xf32, #tpu.memory_space<vmem_shared>>) offsets(%dma_start3A_95 : memref<128xi32, #tpu.memory_space<vmem>>) semaphore(%run_scoped3A_93 : memref<!tpu.dma_semaphore, #tpu.memory_space<semaphore_mem>>) {add = true}
        %dma_wait3A = arith.constant 0 : i32
        %dma_wait3A_98 = tpu.memref_slice %arg4[%run_scoped3A_91, %dma_wait3A] : memref<16x128xi32, #tpu.memory_space<vmem>> -> memref<1x128xi32, #tpu.memory_space<vmem>>
        %dma_wait3A_99 = tpu.memref_squeeze %dma_wait3A_98 : memref<1x128xi32, #tpu.memory_space<vmem>> -> memref<128xi32, #tpu.memory_space<vmem>>
        %dma_wait3A_100 = arith.constant 0 : i32
        %dma_wait3A_101 = tpu.memref_slice %arg7[%dma_wait3A_100] : memref<100096xf32, #tpu.memory_space<vmem_shared>> -> memref<100096xf32, #tpu.memory_space<vmem_shared>>
        tpu.wait_indirect_dma semaphore(%run_scoped3A_93 : memref<!tpu.dma_semaphore, #tpu.memory_space<semaphore_mem>>) src(%arg5 : memref<128xf32, #tpu.memory_space<vmem>>) dst(%dma_wait3A_101 : memref<100096xf32, #tpu.memory_space<vmem_shared>>)
        tpu.yield
      }) : () -> ()
      %scan3A_92 = arith.constant 0 : i32
      scf.yield %scan3A_92 : i32
    }
    %scan3A_63 = arith.constant 49 : i32
    %barrier3A_64 = arith.constant 0 : index
    tpu.barrier barrier_id(%barrier3A_64)
    %mul3A_65 = arith.constant 6256 : i32
    %mul3A_66 = arith.muli %arg1, %mul3A_65 : i32
    "tpu.region"() ({
      %run_scoped3A = tpu.sem_alloc : memref<!tpu.dma_semaphore, #tpu.memory_space<semaphore_mem>>
      %dma_start3A = tpu.memref_slice %arg7[%mul3A_66] : memref<100096xf32, #tpu.memory_space<vmem_shared>> -> memref<6256xf32, #tpu.memory_space<vmem_shared>>
      %dma_start3A_72 = tpu.memref_slice %arg7[%mul3A_66] : memref<100096xf32, #tpu.memory_space<vmem_shared>> -> memref<6256xf32, #tpu.memory_space<vmem_shared>>
      tpu.enqueue_dma source(%dma_start3A_72 : memref<6256xf32, #tpu.memory_space<vmem_shared>>) target(%arg6 : memref<6256xf32, #tpu.memory_space<vmem>>) target_semaphore(%run_scoped3A : memref<!tpu.dma_semaphore, #tpu.memory_space<semaphore_mem>>)
      %dma_wait3A = tpu.memref_slice %arg7[%mul3A_66] : memref<100096xf32, #tpu.memory_space<vmem_shared>> -> memref<6256xf32, #tpu.memory_space<vmem_shared>>
      %dma_wait3A_73 = tpu.memref_slice %arg7[%mul3A_66] : memref<100096xf32, #tpu.memory_space<vmem_shared>> -> memref<6256xf32, #tpu.memory_space<vmem_shared>>
      tpu.wait_dma2 semaphore(%run_scoped3A : memref<!tpu.dma_semaphore, #tpu.memory_space<semaphore_mem>>) src(%dma_wait3A_73 : memref<6256xf32, #tpu.memory_space<vmem_shared>>) dst(%arg6 : memref<6256xf32, #tpu.memory_space<vmem>>)
      tpu.yield
    }) : () -> ()
    %mul3A_67 = arith.constant 100096 : i32
    %mul3A_68 = arith.muli %arg0, %mul3A_67 : i32
    %mul3A_69 = arith.constant 6256 : i32
    %mul3A_70 = arith.muli %arg1, %mul3A_69 : i32
    %add3A_71 = arith.addi %mul3A_68, %mul3A_70 : i32
    "tpu.region"() ({
      %run_scoped3A = tpu.sem_alloc : memref<!tpu.dma_semaphore, #tpu.memory_space<semaphore_mem>>
      %dma_start3A = tpu.memref_slice %arg3[%add3A_71] : memref<200192xf32, #tpu.memory_space<hbm>> -> memref<6256xf32, #tpu.memory_space<hbm>>
      %dma_start3A_72 = tpu.memref_slice %arg3[%add3A_71] : memref<200192xf32, #tpu.memory_space<hbm>> -> memref<6256xf32, #tpu.memory_space<hbm>>
      tpu.enqueue_dma source(%arg6 : memref<6256xf32, #tpu.memory_space<vmem>>) target(%dma_start3A_72 : memref<6256xf32, #tpu.memory_space<hbm>>) target_semaphore(%run_scoped3A : memref<!tpu.dma_semaphore, #tpu.memory_space<semaphore_mem>>)
      %dma_wait3A = tpu.memref_slice %arg3[%add3A_71] : memref<200192xf32, #tpu.memory_space<hbm>> -> memref<6256xf32, #tpu.memory_space<hbm>>
      %dma_wait3A_73 = tpu.memref_slice %arg3[%add3A_71] : memref<200192xf32, #tpu.memory_space<hbm>> -> memref<6256xf32, #tpu.memory_space<hbm>>
      tpu.wait_dma2 semaphore(%run_scoped3A : memref<!tpu.dma_semaphore, #tpu.memory_space<semaphore_mem>>) src(%arg6 : memref<6256xf32, #tpu.memory_space<vmem>>) dst(%dma_wait3A_73 : memref<6256xf32, #tpu.memory_space<hbm>>)
      tpu.yield
    }) : () -> ()
    return
  }
}

#map = affine_map<(d0, d1) -> (0, 0)>
#map1 = affine_map<(d0, d1) -> (0, 0, 0)>
module attributes {stable_mosaic.version = 14 : i64} {
  func.func @agg_kernel(%arg0: i32, %arg1: i32, %arg2: memref<100000x16xf32, #tpu.memory_space<hbm>>, %arg3: memref<25088x128xi32, #tpu.memory_space<hbm>>, %arg4: memref<25088x128xi32, #tpu.memory_space<hbm>>, %arg5: memref<2x100352x16xf32, #tpu.memory_space<hbm>>, %arg6: memref<16x128xi32, #tpu.memory_space<vmem>>, %arg7: memref<16x128xi32, #tpu.memory_space<vmem>>, %arg8: memref<128x16xf32, #tpu.memory_space<vmem>>, %arg9: memref<128x16xf32, #tpu.memory_space<vmem>>, %arg10: memref<128x16xf32, #tpu.memory_space<vmem>>, %arg11: memref<128x16xf32, #tpu.memory_space<vmem>>, %arg12: memref<128x16xf32, #tpu.memory_space<vmem>>, %arg13: memref<128x16xf32, #tpu.memory_space<vmem>>, %arg14: memref<128x16xf32, #tpu.memory_space<vmem>>, %arg15: memref<128x16xf32, #tpu.memory_space<vmem>>, %arg16: memref<196x16xf32, #tpu.memory_space<vmem>>, %arg17: memref<100352x16xf32, #tpu.memory_space<vmem_shared>>, %arg18: memref<!tpu.dma_semaphore, #tpu.memory_space<semaphore_mem>>, %arg19: memref<!tpu.dma_semaphore, #tpu.memory_space<semaphore_mem>>, %arg20: memref<!tpu.dma_semaphore, #tpu.memory_space<semaphore_mem>>, %arg21: memref<!tpu.dma_semaphore, #tpu.memory_space<semaphore_mem>>, %arg22: memref<!tpu.dma_semaphore, #tpu.memory_space<semaphore_mem>>, %arg23: memref<!tpu.dma_semaphore, #tpu.memory_space<semaphore_mem>>, %arg24: memref<!tpu.dma_semaphore, #tpu.memory_space<semaphore_mem>>, %arg25: memref<!tpu.dma_semaphore, #tpu.memory_space<semaphore_mem>>) attributes {dimension_semantics = [#tpu.dimension_semantics<core_parallel>, #tpu.dimension_semantics<subcore_parallel>], iteration_bounds = array<i64: 2, 16>, scalar_prefetch = 0 : i64, scratch_operands = 20 : i64, tpu.core_type = #tpu.core_type<sc_vector_subcore>, window_params = [{transform_indices = #map}, {transform_indices = #map}, {transform_indices = #map}, {transform_indices = #map1}]} {
    %mul3A = arith.constant 2 : i32
    %mul3A_0 = arith.muli %arg1, %mul3A : i32
    %add3A = arith.addi %mul3A_0, %arg0 : i32
    %scan3A = arith.constant 0 : i32
    %scan3A_1 = arith.constant 0 : i32
    %scan3A_2 = arith.constant 196 : i32
    %scan3A_3 = arith.addi %scan3A_1, %scan3A_2 : i32
    %scan3A_4 = arith.constant 1 : i32
    %scan3A_5 = scf.for %scan3A_149 = %scan3A_1 to %scan3A_3 step %scan3A_4 iter_args(%scan3A_150 = %scan3A) -> (i32)  : i32 {
      %broadcast_in_dim3A = arith.constant 0.000000e+00 : f32
      %broadcast_in_dim3A_151 = vector.broadcast %broadcast_in_dim3A : f32 to vector<16xf32>
      %swap3A = arith.index_cast %scan3A_149 : i32 to index
      %swap3A_152 = arith.constant 0 : index
      %swap3A_153 = tpu.vector_load %arg16[%swap3A, %swap3A_152] {strides = array<i32>} : memref<196x16xf32, #tpu.memory_space<vmem>>, vector<1x16xf32>,
      %swap3A_154 = vector.shape_cast %swap3A_153 : vector<1x16xf32> to vector<16xf32>
      %swap3A_155 = vector.shape_cast %broadcast_in_dim3A_151 : vector<16xf32> to vector<1x16xf32>
      tpu.vector_store %arg16[%swap3A, %swap3A_152], %swap3A_155 {strides = array<i32>} : memref<196x16xf32, #tpu.memory_space<vmem>>, vector<1x16xf32>,
      %scan3A_156 = arith.constant 0 : i32
      scf.yield %scan3A_156 : i32
    }
    %scan3A_6 = arith.constant 196 : i32
    %mul3A_7 = arith.constant 6272 : i32
    %mul3A_8 = arith.muli %arg1, %mul3A_7 : i32
    %add3A_9 = arith.constant 0 : i32
    %add3A_10 = arith.addi %mul3A_8, %add3A_9 : i32
    "tpu.region"() ({
      %run_scoped3A = tpu.sem_alloc : memref<!tpu.dma_semaphore, #tpu.memory_space<semaphore_mem>>
      %dma_start3A = arith.constant 0 : i32
      %dma_start3A_149 = tpu.memref_slice %arg17[%add3A_10, %dma_start3A] : memref<100352x16xf32, #tpu.memory_space<vmem_shared>> -> memref<196x16xf32, #tpu.memory_space<vmem_shared>>
      %dma_start3A_150 = arith.constant 0 : i32
      %dma_start3A_151 = tpu.memref_slice %arg17[%add3A_10, %dma_start3A_150] : memref<100352x16xf32, #tpu.memory_space<vmem_shared>> -> memref<196x16xf32, #tpu.memory_space<vmem_shared>>
      tpu.enqueue_dma source(%arg16 : memref<196x16xf32, #tpu.memory_space<vmem>>) target(%dma_start3A_151 : memref<196x16xf32, #tpu.memory_space<vmem_shared>>) target_semaphore(%run_scoped3A : memref<!tpu.dma_semaphore, #tpu.memory_space<semaphore_mem>>)
      %dma_wait3A = arith.constant 0 : i32
      %dma_wait3A_152 = tpu.memref_slice %arg17[%add3A_10, %dma_wait3A] : memref<100352x16xf32, #tpu.memory_space<vmem_shared>> -> memref<196x16xf32, #tpu.memory_space<vmem_shared>>
      %dma_wait3A_153 = arith.constant 0 : i32
      %dma_wait3A_154 = tpu.memref_slice %arg17[%add3A_10, %dma_wait3A_153] : memref<100352x16xf32, #tpu.memory_space<vmem_shared>> -> memref<196x16xf32, #tpu.memory_space<vmem_shared>>
      tpu.wait_dma2 semaphore(%run_scoped3A : memref<!tpu.dma_semaphore, #tpu.memory_space<semaphore_mem>>) src(%arg16 : memref<196x16xf32, #tpu.memory_space<vmem>>) dst(%dma_wait3A_154 : memref<196x16xf32, #tpu.memory_space<vmem_shared>>)
      tpu.yield
    }) : () -> ()
    %mul3A_11 = arith.constant 6272 : i32
    %mul3A_12 = arith.muli %arg1, %mul3A_11 : i32
    %add3A_13 = arith.constant 196 : i32
    %add3A_14 = arith.addi %mul3A_12, %add3A_13 : i32
    "tpu.region"() ({
      %run_scoped3A = tpu.sem_alloc : memref<!tpu.dma_semaphore, #tpu.memory_space<semaphore_mem>>
      %dma_start3A = arith.constant 0 : i32
      %dma_start3A_149 = tpu.memref_slice %arg17[%add3A_14, %dma_start3A] : memref<100352x16xf32, #tpu.memory_space<vmem_shared>> -> memref<196x16xf32, #tpu.memory_space<vmem_shared>>
      %dma_start3A_150 = arith.constant 0 : i32
      %dma_start3A_151 = tpu.memref_slice %arg17[%add3A_14, %dma_start3A_150] : memref<100352x16xf32, #tpu.memory_space<vmem_shared>> -> memref<196x16xf32, #tpu.memory_space<vmem_shared>>
      tpu.enqueue_dma source(%arg16 : memref<196x16xf32, #tpu.memory_space<vmem>>) target(%dma_start3A_151 : memref<196x16xf32, #tpu.memory_space<vmem_shared>>) target_semaphore(%run_scoped3A : memref<!tpu.dma_semaphore, #tpu.memory_space<semaphore_mem>>)
      %dma_wait3A = arith.constant 0 : i32
      %dma_wait3A_152 = tpu.memref_slice %arg17[%add3A_14, %dma_wait3A] : memref<100352x16xf32, #tpu.memory_space<vmem_shared>> -> memref<196x16xf32, #tpu.memory_space<vmem_shared>>
      %dma_wait3A_153 = arith.constant 0 : i32
      %dma_wait3A_154 = tpu.memref_slice %arg17[%add3A_14, %dma_wait3A_153] : memref<100352x16xf32, #tpu.memory_space<vmem_shared>> -> memref<196x16xf32, #tpu.memory_space<vmem_shared>>
      tpu.wait_dma2 semaphore(%run_scoped3A : memref<!tpu.dma_semaphore, #tpu.memory_space<semaphore_mem>>) src(%arg16 : memref<196x16xf32, #tpu.memory_space<vmem>>) dst(%dma_wait3A_154 : memref<196x16xf32, #tpu.memory_space<vmem_shared>>)
      tpu.yield
    }) : () -> ()
    %mul3A_15 = arith.constant 6272 : i32
    %mul3A_16 = arith.muli %arg1, %mul3A_15 : i32
    %add3A_17 = arith.constant 392 : i32
    %add3A_18 = arith.addi %mul3A_16, %add3A_17 : i32
    "tpu.region"() ({
      %run_scoped3A = tpu.sem_alloc : memref<!tpu.dma_semaphore, #tpu.memory_space<semaphore_mem>>
      %dma_start3A = arith.constant 0 : i32
      %dma_start3A_149 = tpu.memref_slice %arg17[%add3A_18, %dma_start3A] : memref<100352x16xf32, #tpu.memory_space<vmem_shared>> -> memref<196x16xf32, #tpu.memory_space<vmem_shared>>
      %dma_start3A_150 = arith.constant 0 : i32
      %dma_start3A_151 = tpu.memref_slice %arg17[%add3A_18, %dma_start3A_150] : memref<100352x16xf32, #tpu.memory_space<vmem_shared>> -> memref<196x16xf32, #tpu.memory_space<vmem_shared>>
      tpu.enqueue_dma source(%arg16 : memref<196x16xf32, #tpu.memory_space<vmem>>) target(%dma_start3A_151 : memref<196x16xf32, #tpu.memory_space<vmem_shared>>) target_semaphore(%run_scoped3A : memref<!tpu.dma_semaphore, #tpu.memory_space<semaphore_mem>>)
      %dma_wait3A = arith.constant 0 : i32
      %dma_wait3A_152 = tpu.memref_slice %arg17[%add3A_18, %dma_wait3A] : memref<100352x16xf32, #tpu.memory_space<vmem_shared>> -> memref<196x16xf32, #tpu.memory_space<vmem_shared>>
      %dma_wait3A_153 = arith.constant 0 : i32
      %dma_wait3A_154 = tpu.memref_slice %arg17[%add3A_18, %dma_wait3A_153] : memref<100352x16xf32, #tpu.memory_space<vmem_shared>> -> memref<196x16xf32, #tpu.memory_space<vmem_shared>>
      tpu.wait_dma2 semaphore(%run_scoped3A : memref<!tpu.dma_semaphore, #tpu.memory_space<semaphore_mem>>) src(%arg16 : memref<196x16xf32, #tpu.memory_space<vmem>>) dst(%dma_wait3A_154 : memref<196x16xf32, #tpu.memory_space<vmem_shared>>)
      tpu.yield
    }) : () -> ()
    %mul3A_19 = arith.constant 6272 : i32
    %mul3A_20 = arith.muli %arg1, %mul3A_19 : i32
    %add3A_21 = arith.constant 588 : i32
    %add3A_22 = arith.addi %mul3A_20, %add3A_21 : i32
    "tpu.region"() ({
      %run_scoped3A = tpu.sem_alloc : memref<!tpu.dma_semaphore, #tpu.memory_space<semaphore_mem>>
      %dma_start3A = arith.constant 0 : i32
      %dma_start3A_149 = tpu.memref_slice %arg17[%add3A_22, %dma_start3A] : memref<100352x16xf32, #tpu.memory_space<vmem_shared>> -> memref<196x16xf32, #tpu.memory_space<vmem_shared>>
      %dma_start3A_150 = arith.constant 0 : i32
      %dma_start3A_151 = tpu.memref_slice %arg17[%add3A_22, %dma_start3A_150] : memref<100352x16xf32, #tpu.memory_space<vmem_shared>> -> memref<196x16xf32, #tpu.memory_space<vmem_shared>>
      tpu.enqueue_dma source(%arg16 : memref<196x16xf32, #tpu.memory_space<vmem>>) target(%dma_start3A_151 : memref<196x16xf32, #tpu.memory_space<vmem_shared>>) target_semaphore(%run_scoped3A : memref<!tpu.dma_semaphore, #tpu.memory_space<semaphore_mem>>)
      %dma_wait3A = arith.constant 0 : i32
      %dma_wait3A_152 = tpu.memref_slice %arg17[%add3A_22, %dma_wait3A] : memref<100352x16xf32, #tpu.memory_space<vmem_shared>> -> memref<196x16xf32, #tpu.memory_space<vmem_shared>>
      %dma_wait3A_153 = arith.constant 0 : i32
      %dma_wait3A_154 = tpu.memref_slice %arg17[%add3A_22, %dma_wait3A_153] : memref<100352x16xf32, #tpu.memory_space<vmem_shared>> -> memref<196x16xf32, #tpu.memory_space<vmem_shared>>
      tpu.wait_dma2 semaphore(%run_scoped3A : memref<!tpu.dma_semaphore, #tpu.memory_space<semaphore_mem>>) src(%arg16 : memref<196x16xf32, #tpu.memory_space<vmem>>) dst(%dma_wait3A_154 : memref<196x16xf32, #tpu.memory_space<vmem_shared>>)
      tpu.yield
    }) : () -> ()
    %mul3A_23 = arith.constant 6272 : i32
    %mul3A_24 = arith.muli %arg1, %mul3A_23 : i32
    %add3A_25 = arith.constant 784 : i32
    %add3A_26 = arith.addi %mul3A_24, %add3A_25 : i32
    "tpu.region"() ({
      %run_scoped3A = tpu.sem_alloc : memref<!tpu.dma_semaphore, #tpu.memory_space<semaphore_mem>>
      %dma_start3A = arith.constant 0 : i32
      %dma_start3A_149 = tpu.memref_slice %arg17[%add3A_26, %dma_start3A] : memref<100352x16xf32, #tpu.memory_space<vmem_shared>> -> memref<196x16xf32, #tpu.memory_space<vmem_shared>>
      %dma_start3A_150 = arith.constant 0 : i32
      %dma_start3A_151 = tpu.memref_slice %arg17[%add3A_26, %dma_start3A_150] : memref<100352x16xf32, #tpu.memory_space<vmem_shared>> -> memref<196x16xf32, #tpu.memory_space<vmem_shared>>
      tpu.enqueue_dma source(%arg16 : memref<196x16xf32, #tpu.memory_space<vmem>>) target(%dma_start3A_151 : memref<196x16xf32, #tpu.memory_space<vmem_shared>>) target_semaphore(%run_scoped3A : memref<!tpu.dma_semaphore, #tpu.memory_space<semaphore_mem>>)
      %dma_wait3A = arith.constant 0 : i32
      %dma_wait3A_152 = tpu.memref_slice %arg17[%add3A_26, %dma_wait3A] : memref<100352x16xf32, #tpu.memory_space<vmem_shared>> -> memref<196x16xf32, #tpu.memory_space<vmem_shared>>
      %dma_wait3A_153 = arith.constant 0 : i32
      %dma_wait3A_154 = tpu.memref_slice %arg17[%add3A_26, %dma_wait3A_153] : memref<100352x16xf32, #tpu.memory_space<vmem_shared>> -> memref<196x16xf32, #tpu.memory_space<vmem_shared>>
      tpu.wait_dma2 semaphore(%run_scoped3A : memref<!tpu.dma_semaphore, #tpu.memory_space<semaphore_mem>>) src(%arg16 : memref<196x16xf32, #tpu.memory_space<vmem>>) dst(%dma_wait3A_154 : memref<196x16xf32, #tpu.memory_space<vmem_shared>>)
      tpu.yield
    }) : () -> ()
    %mul3A_27 = arith.constant 6272 : i32
    %mul3A_28 = arith.muli %arg1, %mul3A_27 : i32
    %add3A_29 = arith.constant 980 : i32
    %add3A_30 = arith.addi %mul3A_28, %add3A_29 : i32
    "tpu.region"() ({
      %run_scoped3A = tpu.sem_alloc : memref<!tpu.dma_semaphore, #tpu.memory_space<semaphore_mem>>
      %dma_start3A = arith.constant 0 : i32
      %dma_start3A_149 = tpu.memref_slice %arg17[%add3A_30, %dma_start3A] : memref<100352x16xf32, #tpu.memory_space<vmem_shared>> -> memref<196x16xf32, #tpu.memory_space<vmem_shared>>
      %dma_start3A_150 = arith.constant 0 : i32
      %dma_start3A_151 = tpu.memref_slice %arg17[%add3A_30, %dma_start3A_150] : memref<100352x16xf32, #tpu.memory_space<vmem_shared>> -> memref<196x16xf32, #tpu.memory_space<vmem_shared>>
      tpu.enqueue_dma source(%arg16 : memref<196x16xf32, #tpu.memory_space<vmem>>) target(%dma_start3A_151 : memref<196x16xf32, #tpu.memory_space<vmem_shared>>) target_semaphore(%run_scoped3A : memref<!tpu.dma_semaphore, #tpu.memory_space<semaphore_mem>>)
      %dma_wait3A = arith.constant 0 : i32
      %dma_wait3A_152 = tpu.memref_slice %arg17[%add3A_30, %dma_wait3A] : memref<100352x16xf32, #tpu.memory_space<vmem_shared>> -> memref<196x16xf32, #tpu.memory_space<vmem_shared>>
      %dma_wait3A_153 = arith.constant 0 : i32
      %dma_wait3A_154 = tpu.memref_slice %arg17[%add3A_30, %dma_wait3A_153] : memref<100352x16xf32, #tpu.memory_space<vmem_shared>> -> memref<196x16xf32, #tpu.memory_space<vmem_shared>>
      tpu.wait_dma2 semaphore(%run_scoped3A : memref<!tpu.dma_semaphore, #tpu.memory_space<semaphore_mem>>) src(%arg16 : memref<196x16xf32, #tpu.memory_space<vmem>>) dst(%dma_wait3A_154 : memref<196x16xf32, #tpu.memory_space<vmem_shared>>)
      tpu.yield
    }) : () -> ()
    %mul3A_31 = arith.constant 6272 : i32
    %mul3A_32 = arith.muli %arg1, %mul3A_31 : i32
    %add3A_33 = arith.constant 1176 : i32
    %add3A_34 = arith.addi %mul3A_32, %add3A_33 : i32
    "tpu.region"() ({
      %run_scoped3A = tpu.sem_alloc : memref<!tpu.dma_semaphore, #tpu.memory_space<semaphore_mem>>
      %dma_start3A = arith.constant 0 : i32
      %dma_start3A_149 = tpu.memref_slice %arg17[%add3A_34, %dma_start3A] : memref<100352x16xf32, #tpu.memory_space<vmem_shared>> -> memref<196x16xf32, #tpu.memory_space<vmem_shared>>
      %dma_start3A_150 = arith.constant 0 : i32
      %dma_start3A_151 = tpu.memref_slice %arg17[%add3A_34, %dma_start3A_150] : memref<100352x16xf32, #tpu.memory_space<vmem_shared>> -> memref<196x16xf32, #tpu.memory_space<vmem_shared>>
      tpu.enqueue_dma source(%arg16 : memref<196x16xf32, #tpu.memory_space<vmem>>) target(%dma_start3A_151 : memref<196x16xf32, #tpu.memory_space<vmem_shared>>) target_semaphore(%run_scoped3A : memref<!tpu.dma_semaphore, #tpu.memory_space<semaphore_mem>>)
      %dma_wait3A = arith.constant 0 : i32
      %dma_wait3A_152 = tpu.memref_slice %arg17[%add3A_34, %dma_wait3A] : memref<100352x16xf32, #tpu.memory_space<vmem_shared>> -> memref<196x16xf32, #tpu.memory_space<vmem_shared>>
      %dma_wait3A_153 = arith.constant 0 : i32
      %dma_wait3A_154 = tpu.memref_slice %arg17[%add3A_34, %dma_wait3A_153] : memref<100352x16xf32, #tpu.memory_space<vmem_shared>> -> memref<196x16xf32, #tpu.memory_space<vmem_shared>>
      tpu.wait_dma2 semaphore(%run_scoped3A : memref<!tpu.dma_semaphore, #tpu.memory_space<semaphore_mem>>) src(%arg16 : memref<196x16xf32, #tpu.memory_space<vmem>>) dst(%dma_wait3A_154 : memref<196x16xf32, #tpu.memory_space<vmem_shared>>)
      tpu.yield
    }) : () -> ()
    %mul3A_35 = arith.constant 6272 : i32
    %mul3A_36 = arith.muli %arg1, %mul3A_35 : i32
    %add3A_37 = arith.constant 1372 : i32
    %add3A_38 = arith.addi %mul3A_36, %add3A_37 : i32
    "tpu.region"() ({
      %run_scoped3A = tpu.sem_alloc : memref<!tpu.dma_semaphore, #tpu.memory_space<semaphore_mem>>
      %dma_start3A = arith.constant 0 : i32
      %dma_start3A_149 = tpu.memref_slice %arg17[%add3A_38, %dma_start3A] : memref<100352x16xf32, #tpu.memory_space<vmem_shared>> -> memref<196x16xf32, #tpu.memory_space<vmem_shared>>
      %dma_start3A_150 = arith.constant 0 : i32
      %dma_start3A_151 = tpu.memref_slice %arg17[%add3A_38, %dma_start3A_150] : memref<100352x16xf32, #tpu.memory_space<vmem_shared>> -> memref<196x16xf32, #tpu.memory_space<vmem_shared>>
      tpu.enqueue_dma source(%arg16 : memref<196x16xf32, #tpu.memory_space<vmem>>) target(%dma_start3A_151 : memref<196x16xf32, #tpu.memory_space<vmem_shared>>) target_semaphore(%run_scoped3A : memref<!tpu.dma_semaphore, #tpu.memory_space<semaphore_mem>>)
      %dma_wait3A = arith.constant 0 : i32
      %dma_wait3A_152 = tpu.memref_slice %arg17[%add3A_38, %dma_wait3A] : memref<100352x16xf32, #tpu.memory_space<vmem_shared>> -> memref<196x16xf32, #tpu.memory_space<vmem_shared>>
      %dma_wait3A_153 = arith.constant 0 : i32
      %dma_wait3A_154 = tpu.memref_slice %arg17[%add3A_38, %dma_wait3A_153] : memref<100352x16xf32, #tpu.memory_space<vmem_shared>> -> memref<196x16xf32, #tpu.memory_space<vmem_shared>>
      tpu.wait_dma2 semaphore(%run_scoped3A : memref<!tpu.dma_semaphore, #tpu.memory_space<semaphore_mem>>) src(%arg16 : memref<196x16xf32, #tpu.memory_space<vmem>>) dst(%dma_wait3A_154 : memref<196x16xf32, #tpu.memory_space<vmem_shared>>)
      tpu.yield
    }) : () -> ()
    %mul3A_39 = arith.constant 6272 : i32
    %mul3A_40 = arith.muli %arg1, %mul3A_39 : i32
    %add3A_41 = arith.constant 1568 : i32
    %add3A_42 = arith.addi %mul3A_40, %add3A_41 : i32
    "tpu.region"() ({
      %run_scoped3A = tpu.sem_alloc : memref<!tpu.dma_semaphore, #tpu.memory_space<semaphore_mem>>
      %dma_start3A = arith.constant 0 : i32
      %dma_start3A_149 = tpu.memref_slice %arg17[%add3A_42, %dma_start3A] : memref<100352x16xf32, #tpu.memory_space<vmem_shared>> -> memref<196x16xf32, #tpu.memory_space<vmem_shared>>
      %dma_start3A_150 = arith.constant 0 : i32
      %dma_start3A_151 = tpu.memref_slice %arg17[%add3A_42, %dma_start3A_150] : memref<100352x16xf32, #tpu.memory_space<vmem_shared>> -> memref<196x16xf32, #tpu.memory_space<vmem_shared>>
      tpu.enqueue_dma source(%arg16 : memref<196x16xf32, #tpu.memory_space<vmem>>) target(%dma_start3A_151 : memref<196x16xf32, #tpu.memory_space<vmem_shared>>) target_semaphore(%run_scoped3A : memref<!tpu.dma_semaphore, #tpu.memory_space<semaphore_mem>>)
      %dma_wait3A = arith.constant 0 : i32
      %dma_wait3A_152 = tpu.memref_slice %arg17[%add3A_42, %dma_wait3A] : memref<100352x16xf32, #tpu.memory_space<vmem_shared>> -> memref<196x16xf32, #tpu.memory_space<vmem_shared>>
      %dma_wait3A_153 = arith.constant 0 : i32
      %dma_wait3A_154 = tpu.memref_slice %arg17[%add3A_42, %dma_wait3A_153] : memref<100352x16xf32, #tpu.memory_space<vmem_shared>> -> memref<196x16xf32, #tpu.memory_space<vmem_shared>>
      tpu.wait_dma2 semaphore(%run_scoped3A : memref<!tpu.dma_semaphore, #tpu.memory_space<semaphore_mem>>) src(%arg16 : memref<196x16xf32, #tpu.memory_space<vmem>>) dst(%dma_wait3A_154 : memref<196x16xf32, #tpu.memory_space<vmem_shared>>)
      tpu.yield
    }) : () -> ()
    %mul3A_43 = arith.constant 6272 : i32
    %mul3A_44 = arith.muli %arg1, %mul3A_43 : i32
    %add3A_45 = arith.constant 1764 : i32
    %add3A_46 = arith.addi %mul3A_44, %add3A_45 : i32
    "tpu.region"() ({
      %run_scoped3A = tpu.sem_alloc : memref<!tpu.dma_semaphore, #tpu.memory_space<semaphore_mem>>
      %dma_start3A = arith.constant 0 : i32
      %dma_start3A_149 = tpu.memref_slice %arg17[%add3A_46, %dma_start3A] : memref<100352x16xf32, #tpu.memory_space<vmem_shared>> -> memref<196x16xf32, #tpu.memory_space<vmem_shared>>
      %dma_start3A_150 = arith.constant 0 : i32
      %dma_start3A_151 = tpu.memref_slice %arg17[%add3A_46, %dma_start3A_150] : memref<100352x16xf32, #tpu.memory_space<vmem_shared>> -> memref<196x16xf32, #tpu.memory_space<vmem_shared>>
      tpu.enqueue_dma source(%arg16 : memref<196x16xf32, #tpu.memory_space<vmem>>) target(%dma_start3A_151 : memref<196x16xf32, #tpu.memory_space<vmem_shared>>) target_semaphore(%run_scoped3A : memref<!tpu.dma_semaphore, #tpu.memory_space<semaphore_mem>>)
      %dma_wait3A = arith.constant 0 : i32
      %dma_wait3A_152 = tpu.memref_slice %arg17[%add3A_46, %dma_wait3A] : memref<100352x16xf32, #tpu.memory_space<vmem_shared>> -> memref<196x16xf32, #tpu.memory_space<vmem_shared>>
      %dma_wait3A_153 = arith.constant 0 : i32
      %dma_wait3A_154 = tpu.memref_slice %arg17[%add3A_46, %dma_wait3A_153] : memref<100352x16xf32, #tpu.memory_space<vmem_shared>> -> memref<196x16xf32, #tpu.memory_space<vmem_shared>>
      tpu.wait_dma2 semaphore(%run_scoped3A : memref<!tpu.dma_semaphore, #tpu.memory_space<semaphore_mem>>) src(%arg16 : memref<196x16xf32, #tpu.memory_space<vmem>>) dst(%dma_wait3A_154 : memref<196x16xf32, #tpu.memory_space<vmem_shared>>)
      tpu.yield
    }) : () -> ()
    %mul3A_47 = arith.constant 6272 : i32
    %mul3A_48 = arith.muli %arg1, %mul3A_47 : i32
    %add3A_49 = arith.constant 1960 : i32
    %add3A_50 = arith.addi %mul3A_48, %add3A_49 : i32
    "tpu.region"() ({
      %run_scoped3A = tpu.sem_alloc : memref<!tpu.dma_semaphore, #tpu.memory_space<semaphore_mem>>
      %dma_start3A = arith.constant 0 : i32
      %dma_start3A_149 = tpu.memref_slice %arg17[%add3A_50, %dma_start3A] : memref<100352x16xf32, #tpu.memory_space<vmem_shared>> -> memref<196x16xf32, #tpu.memory_space<vmem_shared>>
      %dma_start3A_150 = arith.constant 0 : i32
      %dma_start3A_151 = tpu.memref_slice %arg17[%add3A_50, %dma_start3A_150] : memref<100352x16xf32, #tpu.memory_space<vmem_shared>> -> memref<196x16xf32, #tpu.memory_space<vmem_shared>>
      tpu.enqueue_dma source(%arg16 : memref<196x16xf32, #tpu.memory_space<vmem>>) target(%dma_start3A_151 : memref<196x16xf32, #tpu.memory_space<vmem_shared>>) target_semaphore(%run_scoped3A : memref<!tpu.dma_semaphore, #tpu.memory_space<semaphore_mem>>)
      %dma_wait3A = arith.constant 0 : i32
      %dma_wait3A_152 = tpu.memref_slice %arg17[%add3A_50, %dma_wait3A] : memref<100352x16xf32, #tpu.memory_space<vmem_shared>> -> memref<196x16xf32, #tpu.memory_space<vmem_shared>>
      %dma_wait3A_153 = arith.constant 0 : i32
      %dma_wait3A_154 = tpu.memref_slice %arg17[%add3A_50, %dma_wait3A_153] : memref<100352x16xf32, #tpu.memory_space<vmem_shared>> -> memref<196x16xf32, #tpu.memory_space<vmem_shared>>
      tpu.wait_dma2 semaphore(%run_scoped3A : memref<!tpu.dma_semaphore, #tpu.memory_space<semaphore_mem>>) src(%arg16 : memref<196x16xf32, #tpu.memory_space<vmem>>) dst(%dma_wait3A_154 : memref<196x16xf32, #tpu.memory_space<vmem_shared>>)
      tpu.yield
    }) : () -> ()
    %mul3A_51 = arith.constant 6272 : i32
    %mul3A_52 = arith.muli %arg1, %mul3A_51 : i32
    %add3A_53 = arith.constant 2156 : i32
    %add3A_54 = arith.addi %mul3A_52, %add3A_53 : i32
    "tpu.region"() ({
      %run_scoped3A = tpu.sem_alloc : memref<!tpu.dma_semaphore, #tpu.memory_space<semaphore_mem>>
      %dma_start3A = arith.constant 0 : i32
      %dma_start3A_149 = tpu.memref_slice %arg17[%add3A_54, %dma_start3A] : memref<100352x16xf32, #tpu.memory_space<vmem_shared>> -> memref<196x16xf32, #tpu.memory_space<vmem_shared>>
      %dma_start3A_150 = arith.constant 0 : i32
      %dma_start3A_151 = tpu.memref_slice %arg17[%add3A_54, %dma_start3A_150] : memref<100352x16xf32, #tpu.memory_space<vmem_shared>> -> memref<196x16xf32, #tpu.memory_space<vmem_shared>>
      tpu.enqueue_dma source(%arg16 : memref<196x16xf32, #tpu.memory_space<vmem>>) target(%dma_start3A_151 : memref<196x16xf32, #tpu.memory_space<vmem_shared>>) target_semaphore(%run_scoped3A : memref<!tpu.dma_semaphore, #tpu.memory_space<semaphore_mem>>)
      %dma_wait3A = arith.constant 0 : i32
      %dma_wait3A_152 = tpu.memref_slice %arg17[%add3A_54, %dma_wait3A] : memref<100352x16xf32, #tpu.memory_space<vmem_shared>> -> memref<196x16xf32, #tpu.memory_space<vmem_shared>>
      %dma_wait3A_153 = arith.constant 0 : i32
      %dma_wait3A_154 = tpu.memref_slice %arg17[%add3A_54, %dma_wait3A_153] : memref<100352x16xf32, #tpu.memory_space<vmem_shared>> -> memref<196x16xf32, #tpu.memory_space<vmem_shared>>
      tpu.wait_dma2 semaphore(%run_scoped3A : memref<!tpu.dma_semaphore, #tpu.memory_space<semaphore_mem>>) src(%arg16 : memref<196x16xf32, #tpu.memory_space<vmem>>) dst(%dma_wait3A_154 : memref<196x16xf32, #tpu.memory_space<vmem_shared>>)
      tpu.yield
    }) : () -> ()
    %mul3A_55 = arith.constant 6272 : i32
    %mul3A_56 = arith.muli %arg1, %mul3A_55 : i32
    %add3A_57 = arith.constant 2352 : i32
    %add3A_58 = arith.addi %mul3A_56, %add3A_57 : i32
    "tpu.region"() ({
      %run_scoped3A = tpu.sem_alloc : memref<!tpu.dma_semaphore, #tpu.memory_space<semaphore_mem>>
      %dma_start3A = arith.constant 0 : i32
      %dma_start3A_149 = tpu.memref_slice %arg17[%add3A_58, %dma_start3A] : memref<100352x16xf32, #tpu.memory_space<vmem_shared>> -> memref<196x16xf32, #tpu.memory_space<vmem_shared>>
      %dma_start3A_150 = arith.constant 0 : i32
      %dma_start3A_151 = tpu.memref_slice %arg17[%add3A_58, %dma_start3A_150] : memref<100352x16xf32, #tpu.memory_space<vmem_shared>> -> memref<196x16xf32, #tpu.memory_space<vmem_shared>>
      tpu.enqueue_dma source(%arg16 : memref<196x16xf32, #tpu.memory_space<vmem>>) target(%dma_start3A_151 : memref<196x16xf32, #tpu.memory_space<vmem_shared>>) target_semaphore(%run_scoped3A : memref<!tpu.dma_semaphore, #tpu.memory_space<semaphore_mem>>)
      %dma_wait3A = arith.constant 0 : i32
      %dma_wait3A_152 = tpu.memref_slice %arg17[%add3A_58, %dma_wait3A] : memref<100352x16xf32, #tpu.memory_space<vmem_shared>> -> memref<196x16xf32, #tpu.memory_space<vmem_shared>>
      %dma_wait3A_153 = arith.constant 0 : i32
      %dma_wait3A_154 = tpu.memref_slice %arg17[%add3A_58, %dma_wait3A_153] : memref<100352x16xf32, #tpu.memory_space<vmem_shared>> -> memref<196x16xf32, #tpu.memory_space<vmem_shared>>
      tpu.wait_dma2 semaphore(%run_scoped3A : memref<!tpu.dma_semaphore, #tpu.memory_space<semaphore_mem>>) src(%arg16 : memref<196x16xf32, #tpu.memory_space<vmem>>) dst(%dma_wait3A_154 : memref<196x16xf32, #tpu.memory_space<vmem_shared>>)
      tpu.yield
    }) : () -> ()
    %mul3A_59 = arith.constant 6272 : i32
    %mul3A_60 = arith.muli %arg1, %mul3A_59 : i32
    %add3A_61 = arith.constant 2548 : i32
    %add3A_62 = arith.addi %mul3A_60, %add3A_61 : i32
    "tpu.region"() ({
      %run_scoped3A = tpu.sem_alloc : memref<!tpu.dma_semaphore, #tpu.memory_space<semaphore_mem>>
      %dma_start3A = arith.constant 0 : i32
      %dma_start3A_149 = tpu.memref_slice %arg17[%add3A_62, %dma_start3A] : memref<100352x16xf32, #tpu.memory_space<vmem_shared>> -> memref<196x16xf32, #tpu.memory_space<vmem_shared>>
      %dma_start3A_150 = arith.constant 0 : i32
      %dma_start3A_151 = tpu.memref_slice %arg17[%add3A_62, %dma_start3A_150] : memref<100352x16xf32, #tpu.memory_space<vmem_shared>> -> memref<196x16xf32, #tpu.memory_space<vmem_shared>>
      tpu.enqueue_dma source(%arg16 : memref<196x16xf32, #tpu.memory_space<vmem>>) target(%dma_start3A_151 : memref<196x16xf32, #tpu.memory_space<vmem_shared>>) target_semaphore(%run_scoped3A : memref<!tpu.dma_semaphore, #tpu.memory_space<semaphore_mem>>)
      %dma_wait3A = arith.constant 0 : i32
      %dma_wait3A_152 = tpu.memref_slice %arg17[%add3A_62, %dma_wait3A] : memref<100352x16xf32, #tpu.memory_space<vmem_shared>> -> memref<196x16xf32, #tpu.memory_space<vmem_shared>>
      %dma_wait3A_153 = arith.constant 0 : i32
      %dma_wait3A_154 = tpu.memref_slice %arg17[%add3A_62, %dma_wait3A_153] : memref<100352x16xf32, #tpu.memory_space<vmem_shared>> -> memref<196x16xf32, #tpu.memory_space<vmem_shared>>
      tpu.wait_dma2 semaphore(%run_scoped3A : memref<!tpu.dma_semaphore, #tpu.memory_space<semaphore_mem>>) src(%arg16 : memref<196x16xf32, #tpu.memory_space<vmem>>) dst(%dma_wait3A_154 : memref<196x16xf32, #tpu.memory_space<vmem_shared>>)
      tpu.yield
    }) : () -> ()
    %mul3A_63 = arith.constant 6272 : i32
    %mul3A_64 = arith.muli %arg1, %mul3A_63 : i32
    %add3A_65 = arith.constant 2744 : i32
    %add3A_66 = arith.addi %mul3A_64, %add3A_65 : i32
    "tpu.region"() ({
      %run_scoped3A = tpu.sem_alloc : memref<!tpu.dma_semaphore, #tpu.memory_space<semaphore_mem>>
      %dma_start3A = arith.constant 0 : i32
      %dma_start3A_149 = tpu.memref_slice %arg17[%add3A_66, %dma_start3A] : memref<100352x16xf32, #tpu.memory_space<vmem_shared>> -> memref<196x16xf32, #tpu.memory_space<vmem_shared>>
      %dma_start3A_150 = arith.constant 0 : i32
      %dma_start3A_151 = tpu.memref_slice %arg17[%add3A_66, %dma_start3A_150] : memref<100352x16xf32, #tpu.memory_space<vmem_shared>> -> memref<196x16xf32, #tpu.memory_space<vmem_shared>>
      tpu.enqueue_dma source(%arg16 : memref<196x16xf32, #tpu.memory_space<vmem>>) target(%dma_start3A_151 : memref<196x16xf32, #tpu.memory_space<vmem_shared>>) target_semaphore(%run_scoped3A : memref<!tpu.dma_semaphore, #tpu.memory_space<semaphore_mem>>)
      %dma_wait3A = arith.constant 0 : i32
      %dma_wait3A_152 = tpu.memref_slice %arg17[%add3A_66, %dma_wait3A] : memref<100352x16xf32, #tpu.memory_space<vmem_shared>> -> memref<196x16xf32, #tpu.memory_space<vmem_shared>>
      %dma_wait3A_153 = arith.constant 0 : i32
      %dma_wait3A_154 = tpu.memref_slice %arg17[%add3A_66, %dma_wait3A_153] : memref<100352x16xf32, #tpu.memory_space<vmem_shared>> -> memref<196x16xf32, #tpu.memory_space<vmem_shared>>
      tpu.wait_dma2 semaphore(%run_scoped3A : memref<!tpu.dma_semaphore, #tpu.memory_space<semaphore_mem>>) src(%arg16 : memref<196x16xf32, #tpu.memory_space<vmem>>) dst(%dma_wait3A_154 : memref<196x16xf32, #tpu.memory_space<vmem_shared>>)
      tpu.yield
    }) : () -> ()
    %mul3A_67 = arith.constant 6272 : i32
    %mul3A_68 = arith.muli %arg1, %mul3A_67 : i32
    %add3A_69 = arith.constant 2940 : i32
    %add3A_70 = arith.addi %mul3A_68, %add3A_69 : i32
    "tpu.region"() ({
      %run_scoped3A = tpu.sem_alloc : memref<!tpu.dma_semaphore, #tpu.memory_space<semaphore_mem>>
      %dma_start3A = arith.constant 0 : i32
      %dma_start3A_149 = tpu.memref_slice %arg17[%add3A_70, %dma_start3A] : memref<100352x16xf32, #tpu.memory_space<vmem_shared>> -> memref<196x16xf32, #tpu.memory_space<vmem_shared>>
      %dma_start3A_150 = arith.constant 0 : i32
      %dma_start3A_151 = tpu.memref_slice %arg17[%add3A_70, %dma_start3A_150] : memref<100352x16xf32, #tpu.memory_space<vmem_shared>> -> memref<196x16xf32, #tpu.memory_space<vmem_shared>>
      tpu.enqueue_dma source(%arg16 : memref<196x16xf32, #tpu.memory_space<vmem>>) target(%dma_start3A_151 : memref<196x16xf32, #tpu.memory_space<vmem_shared>>) target_semaphore(%run_scoped3A : memref<!tpu.dma_semaphore, #tpu.memory_space<semaphore_mem>>)
      %dma_wait3A = arith.constant 0 : i32
      %dma_wait3A_152 = tpu.memref_slice %arg17[%add3A_70, %dma_wait3A] : memref<100352x16xf32, #tpu.memory_space<vmem_shared>> -> memref<196x16xf32, #tpu.memory_space<vmem_shared>>
      %dma_wait3A_153 = arith.constant 0 : i32
      %dma_wait3A_154 = tpu.memref_slice %arg17[%add3A_70, %dma_wait3A_153] : memref<100352x16xf32, #tpu.memory_space<vmem_shared>> -> memref<196x16xf32, #tpu.memory_space<vmem_shared>>
      tpu.wait_dma2 semaphore(%run_scoped3A : memref<!tpu.dma_semaphore, #tpu.memory_space<semaphore_mem>>) src(%arg16 : memref<196x16xf32, #tpu.memory_space<vmem>>) dst(%dma_wait3A_154 : memref<196x16xf32, #tpu.memory_space<vmem_shared>>)
      tpu.yield
    }) : () -> ()
    %mul3A_71 = arith.constant 6272 : i32
    %mul3A_72 = arith.muli %arg1, %mul3A_71 : i32
    %add3A_73 = arith.constant 3136 : i32
    %add3A_74 = arith.addi %mul3A_72, %add3A_73 : i32
    "tpu.region"() ({
      %run_scoped3A = tpu.sem_alloc : memref<!tpu.dma_semaphore, #tpu.memory_space<semaphore_mem>>
      %dma_start3A = arith.constant 0 : i32
      %dma_start3A_149 = tpu.memref_slice %arg17[%add3A_74, %dma_start3A] : memref<100352x16xf32, #tpu.memory_space<vmem_shared>> -> memref<196x16xf32, #tpu.memory_space<vmem_shared>>
      %dma_start3A_150 = arith.constant 0 : i32
      %dma_start3A_151 = tpu.memref_slice %arg17[%add3A_74, %dma_start3A_150] : memref<100352x16xf32, #tpu.memory_space<vmem_shared>> -> memref<196x16xf32, #tpu.memory_space<vmem_shared>>
      tpu.enqueue_dma source(%arg16 : memref<196x16xf32, #tpu.memory_space<vmem>>) target(%dma_start3A_151 : memref<196x16xf32, #tpu.memory_space<vmem_shared>>) target_semaphore(%run_scoped3A : memref<!tpu.dma_semaphore, #tpu.memory_space<semaphore_mem>>)
      %dma_wait3A = arith.constant 0 : i32
      %dma_wait3A_152 = tpu.memref_slice %arg17[%add3A_74, %dma_wait3A] : memref<100352x16xf32, #tpu.memory_space<vmem_shared>> -> memref<196x16xf32, #tpu.memory_space<vmem_shared>>
      %dma_wait3A_153 = arith.constant 0 : i32
      %dma_wait3A_154 = tpu.memref_slice %arg17[%add3A_74, %dma_wait3A_153] : memref<100352x16xf32, #tpu.memory_space<vmem_shared>> -> memref<196x16xf32, #tpu.memory_space<vmem_shared>>
      tpu.wait_dma2 semaphore(%run_scoped3A : memref<!tpu.dma_semaphore, #tpu.memory_space<semaphore_mem>>) src(%arg16 : memref<196x16xf32, #tpu.memory_space<vmem>>) dst(%dma_wait3A_154 : memref<196x16xf32, #tpu.memory_space<vmem_shared>>)
      tpu.yield
    }) : () -> ()
    %mul3A_75 = arith.constant 6272 : i32
    %mul3A_76 = arith.muli %arg1, %mul3A_75 : i32
    %add3A_77 = arith.constant 3332 : i32
    %add3A_78 = arith.addi %mul3A_76, %add3A_77 : i32
    "tpu.region"() ({
      %run_scoped3A = tpu.sem_alloc : memref<!tpu.dma_semaphore, #tpu.memory_space<semaphore_mem>>
      %dma_start3A = arith.constant 0 : i32
      %dma_start3A_149 = tpu.memref_slice %arg17[%add3A_78, %dma_start3A] : memref<100352x16xf32, #tpu.memory_space<vmem_shared>> -> memref<196x16xf32, #tpu.memory_space<vmem_shared>>
      %dma_start3A_150 = arith.constant 0 : i32
      %dma_start3A_151 = tpu.memref_slice %arg17[%add3A_78, %dma_start3A_150] : memref<100352x16xf32, #tpu.memory_space<vmem_shared>> -> memref<196x16xf32, #tpu.memory_space<vmem_shared>>
      tpu.enqueue_dma source(%arg16 : memref<196x16xf32, #tpu.memory_space<vmem>>) target(%dma_start3A_151 : memref<196x16xf32, #tpu.memory_space<vmem_shared>>) target_semaphore(%run_scoped3A : memref<!tpu.dma_semaphore, #tpu.memory_space<semaphore_mem>>)
      %dma_wait3A = arith.constant 0 : i32
      %dma_wait3A_152 = tpu.memref_slice %arg17[%add3A_78, %dma_wait3A] : memref<100352x16xf32, #tpu.memory_space<vmem_shared>> -> memref<196x16xf32, #tpu.memory_space<vmem_shared>>
      %dma_wait3A_153 = arith.constant 0 : i32
      %dma_wait3A_154 = tpu.memref_slice %arg17[%add3A_78, %dma_wait3A_153] : memref<100352x16xf32, #tpu.memory_space<vmem_shared>> -> memref<196x16xf32, #tpu.memory_space<vmem_shared>>
      tpu.wait_dma2 semaphore(%run_scoped3A : memref<!tpu.dma_semaphore, #tpu.memory_space<semaphore_mem>>) src(%arg16 : memref<196x16xf32, #tpu.memory_space<vmem>>) dst(%dma_wait3A_154 : memref<196x16xf32, #tpu.memory_space<vmem_shared>>)
      tpu.yield
    }) : () -> ()
    %mul3A_79 = arith.constant 6272 : i32
    %mul3A_80 = arith.muli %arg1, %mul3A_79 : i32
    %add3A_81 = arith.constant 3528 : i32
    %add3A_82 = arith.addi %mul3A_80, %add3A_81 : i32
    "tpu.region"() ({
      %run_scoped3A = tpu.sem_alloc : memref<!tpu.dma_semaphore, #tpu.memory_space<semaphore_mem>>
      %dma_start3A = arith.constant 0 : i32
      %dma_start3A_149 = tpu.memref_slice %arg17[%add3A_82, %dma_start3A] : memref<100352x16xf32, #tpu.memory_space<vmem_shared>> -> memref<196x16xf32, #tpu.memory_space<vmem_shared>>
      %dma_start3A_150 = arith.constant 0 : i32
      %dma_start3A_151 = tpu.memref_slice %arg17[%add3A_82, %dma_start3A_150] : memref<100352x16xf32, #tpu.memory_space<vmem_shared>> -> memref<196x16xf32, #tpu.memory_space<vmem_shared>>
      tpu.enqueue_dma source(%arg16 : memref<196x16xf32, #tpu.memory_space<vmem>>) target(%dma_start3A_151 : memref<196x16xf32, #tpu.memory_space<vmem_shared>>) target_semaphore(%run_scoped3A : memref<!tpu.dma_semaphore, #tpu.memory_space<semaphore_mem>>)
      %dma_wait3A = arith.constant 0 : i32
      %dma_wait3A_152 = tpu.memref_slice %arg17[%add3A_82, %dma_wait3A] : memref<100352x16xf32, #tpu.memory_space<vmem_shared>> -> memref<196x16xf32, #tpu.memory_space<vmem_shared>>
      %dma_wait3A_153 = arith.constant 0 : i32
      %dma_wait3A_154 = tpu.memref_slice %arg17[%add3A_82, %dma_wait3A_153] : memref<100352x16xf32, #tpu.memory_space<vmem_shared>> -> memref<196x16xf32, #tpu.memory_space<vmem_shared>>
      tpu.wait_dma2 semaphore(%run_scoped3A : memref<!tpu.dma_semaphore, #tpu.memory_space<semaphore_mem>>) src(%arg16 : memref<196x16xf32, #tpu.memory_space<vmem>>) dst(%dma_wait3A_154 : memref<196x16xf32, #tpu.memory_space<vmem_shared>>)
      tpu.yield
    }) : () -> ()
    %mul3A_83 = arith.constant 6272 : i32
    %mul3A_84 = arith.muli %arg1, %mul3A_83 : i32
    %add3A_85 = arith.constant 3724 : i32
    %add3A_86 = arith.addi %mul3A_84, %add3A_85 : i32
    "tpu.region"() ({
      %run_scoped3A = tpu.sem_alloc : memref<!tpu.dma_semaphore, #tpu.memory_space<semaphore_mem>>
      %dma_start3A = arith.constant 0 : i32
      %dma_start3A_149 = tpu.memref_slice %arg17[%add3A_86, %dma_start3A] : memref<100352x16xf32, #tpu.memory_space<vmem_shared>> -> memref<196x16xf32, #tpu.memory_space<vmem_shared>>
      %dma_start3A_150 = arith.constant 0 : i32
      %dma_start3A_151 = tpu.memref_slice %arg17[%add3A_86, %dma_start3A_150] : memref<100352x16xf32, #tpu.memory_space<vmem_shared>> -> memref<196x16xf32, #tpu.memory_space<vmem_shared>>
      tpu.enqueue_dma source(%arg16 : memref<196x16xf32, #tpu.memory_space<vmem>>) target(%dma_start3A_151 : memref<196x16xf32, #tpu.memory_space<vmem_shared>>) target_semaphore(%run_scoped3A : memref<!tpu.dma_semaphore, #tpu.memory_space<semaphore_mem>>)
      %dma_wait3A = arith.constant 0 : i32
      %dma_wait3A_152 = tpu.memref_slice %arg17[%add3A_86, %dma_wait3A] : memref<100352x16xf32, #tpu.memory_space<vmem_shared>> -> memref<196x16xf32, #tpu.memory_space<vmem_shared>>
      %dma_wait3A_153 = arith.constant 0 : i32
      %dma_wait3A_154 = tpu.memref_slice %arg17[%add3A_86, %dma_wait3A_153] : memref<100352x16xf32, #tpu.memory_space<vmem_shared>> -> memref<196x16xf32, #tpu.memory_space<vmem_shared>>
      tpu.wait_dma2 semaphore(%run_scoped3A : memref<!tpu.dma_semaphore, #tpu.memory_space<semaphore_mem>>) src(%arg16 : memref<196x16xf32, #tpu.memory_space<vmem>>) dst(%dma_wait3A_154 : memref<196x16xf32, #tpu.memory_space<vmem_shared>>)
      tpu.yield
    }) : () -> ()
    %mul3A_87 = arith.constant 6272 : i32
    %mul3A_88 = arith.muli %arg1, %mul3A_87 : i32
    %add3A_89 = arith.constant 3920 : i32
    %add3A_90 = arith.addi %mul3A_88, %add3A_89 : i32
    "tpu.region"() ({
      %run_scoped3A = tpu.sem_alloc : memref<!tpu.dma_semaphore, #tpu.memory_space<semaphore_mem>>
      %dma_start3A = arith.constant 0 : i32
      %dma_start3A_149 = tpu.memref_slice %arg17[%add3A_90, %dma_start3A] : memref<100352x16xf32, #tpu.memory_space<vmem_shared>> -> memref<196x16xf32, #tpu.memory_space<vmem_shared>>
      %dma_start3A_150 = arith.constant 0 : i32
      %dma_start3A_151 = tpu.memref_slice %arg17[%add3A_90, %dma_start3A_150] : memref<100352x16xf32, #tpu.memory_space<vmem_shared>> -> memref<196x16xf32, #tpu.memory_space<vmem_shared>>
      tpu.enqueue_dma source(%arg16 : memref<196x16xf32, #tpu.memory_space<vmem>>) target(%dma_start3A_151 : memref<196x16xf32, #tpu.memory_space<vmem_shared>>) target_semaphore(%run_scoped3A : memref<!tpu.dma_semaphore, #tpu.memory_space<semaphore_mem>>)
      %dma_wait3A = arith.constant 0 : i32
      %dma_wait3A_152 = tpu.memref_slice %arg17[%add3A_90, %dma_wait3A] : memref<100352x16xf32, #tpu.memory_space<vmem_shared>> -> memref<196x16xf32, #tpu.memory_space<vmem_shared>>
      %dma_wait3A_153 = arith.constant 0 : i32
      %dma_wait3A_154 = tpu.memref_slice %arg17[%add3A_90, %dma_wait3A_153] : memref<100352x16xf32, #tpu.memory_space<vmem_shared>> -> memref<196x16xf32, #tpu.memory_space<vmem_shared>>
      tpu.wait_dma2 semaphore(%run_scoped3A : memref<!tpu.dma_semaphore, #tpu.memory_space<semaphore_mem>>) src(%arg16 : memref<196x16xf32, #tpu.memory_space<vmem>>) dst(%dma_wait3A_154 : memref<196x16xf32, #tpu.memory_space<vmem_shared>>)
      tpu.yield
    }) : () -> ()
    %mul3A_91 = arith.constant 6272 : i32
    %mul3A_92 = arith.muli %arg1, %mul3A_91 : i32
    %add3A_93 = arith.constant 4116 : i32
    %add3A_94 = arith.addi %mul3A_92, %add3A_93 : i32
    "tpu.region"() ({
      %run_scoped3A = tpu.sem_alloc : memref<!tpu.dma_semaphore, #tpu.memory_space<semaphore_mem>>
      %dma_start3A = arith.constant 0 : i32
      %dma_start3A_149 = tpu.memref_slice %arg17[%add3A_94, %dma_start3A] : memref<100352x16xf32, #tpu.memory_space<vmem_shared>> -> memref<196x16xf32, #tpu.memory_space<vmem_shared>>
      %dma_start3A_150 = arith.constant 0 : i32
      %dma_start3A_151 = tpu.memref_slice %arg17[%add3A_94, %dma_start3A_150] : memref<100352x16xf32, #tpu.memory_space<vmem_shared>> -> memref<196x16xf32, #tpu.memory_space<vmem_shared>>
      tpu.enqueue_dma source(%arg16 : memref<196x16xf32, #tpu.memory_space<vmem>>) target(%dma_start3A_151 : memref<196x16xf32, #tpu.memory_space<vmem_shared>>) target_semaphore(%run_scoped3A : memref<!tpu.dma_semaphore, #tpu.memory_space<semaphore_mem>>)
      %dma_wait3A = arith.constant 0 : i32
      %dma_wait3A_152 = tpu.memref_slice %arg17[%add3A_94, %dma_wait3A] : memref<100352x16xf32, #tpu.memory_space<vmem_shared>> -> memref<196x16xf32, #tpu.memory_space<vmem_shared>>
      %dma_wait3A_153 = arith.constant 0 : i32
      %dma_wait3A_154 = tpu.memref_slice %arg17[%add3A_94, %dma_wait3A_153] : memref<100352x16xf32, #tpu.memory_space<vmem_shared>> -> memref<196x16xf32, #tpu.memory_space<vmem_shared>>
      tpu.wait_dma2 semaphore(%run_scoped3A : memref<!tpu.dma_semaphore, #tpu.memory_space<semaphore_mem>>) src(%arg16 : memref<196x16xf32, #tpu.memory_space<vmem>>) dst(%dma_wait3A_154 : memref<196x16xf32, #tpu.memory_space<vmem_shared>>)
      tpu.yield
    }) : () -> ()
    %mul3A_95 = arith.constant 6272 : i32
    %mul3A_96 = arith.muli %arg1, %mul3A_95 : i32
    %add3A_97 = arith.constant 4312 : i32
    %add3A_98 = arith.addi %mul3A_96, %add3A_97 : i32
    "tpu.region"() ({
      %run_scoped3A = tpu.sem_alloc : memref<!tpu.dma_semaphore, #tpu.memory_space<semaphore_mem>>
      %dma_start3A = arith.constant 0 : i32
      %dma_start3A_149 = tpu.memref_slice %arg17[%add3A_98, %dma_start3A] : memref<100352x16xf32, #tpu.memory_space<vmem_shared>> -> memref<196x16xf32, #tpu.memory_space<vmem_shared>>
      %dma_start3A_150 = arith.constant 0 : i32
      %dma_start3A_151 = tpu.memref_slice %arg17[%add3A_98, %dma_start3A_150] : memref<100352x16xf32, #tpu.memory_space<vmem_shared>> -> memref<196x16xf32, #tpu.memory_space<vmem_shared>>
      tpu.enqueue_dma source(%arg16 : memref<196x16xf32, #tpu.memory_space<vmem>>) target(%dma_start3A_151 : memref<196x16xf32, #tpu.memory_space<vmem_shared>>) target_semaphore(%run_scoped3A : memref<!tpu.dma_semaphore, #tpu.memory_space<semaphore_mem>>)
      %dma_wait3A = arith.constant 0 : i32
      %dma_wait3A_152 = tpu.memref_slice %arg17[%add3A_98, %dma_wait3A] : memref<100352x16xf32, #tpu.memory_space<vmem_shared>> -> memref<196x16xf32, #tpu.memory_space<vmem_shared>>
      %dma_wait3A_153 = arith.constant 0 : i32
      %dma_wait3A_154 = tpu.memref_slice %arg17[%add3A_98, %dma_wait3A_153] : memref<100352x16xf32, #tpu.memory_space<vmem_shared>> -> memref<196x16xf32, #tpu.memory_space<vmem_shared>>
      tpu.wait_dma2 semaphore(%run_scoped3A : memref<!tpu.dma_semaphore, #tpu.memory_space<semaphore_mem>>) src(%arg16 : memref<196x16xf32, #tpu.memory_space<vmem>>) dst(%dma_wait3A_154 : memref<196x16xf32, #tpu.memory_space<vmem_shared>>)
      tpu.yield
    }) : () -> ()
    %mul3A_99 = arith.constant 6272 : i32
    %mul3A_100 = arith.muli %arg1, %mul3A_99 : i32
    %add3A_101 = arith.constant 4508 : i32
    %add3A_102 = arith.addi %mul3A_100, %add3A_101 : i32
    "tpu.region"() ({
      %run_scoped3A = tpu.sem_alloc : memref<!tpu.dma_semaphore, #tpu.memory_space<semaphore_mem>>
      %dma_start3A = arith.constant 0 : i32
      %dma_start3A_149 = tpu.memref_slice %arg17[%add3A_102, %dma_start3A] : memref<100352x16xf32, #tpu.memory_space<vmem_shared>> -> memref<196x16xf32, #tpu.memory_space<vmem_shared>>
      %dma_start3A_150 = arith.constant 0 : i32
      %dma_start3A_151 = tpu.memref_slice %arg17[%add3A_102, %dma_start3A_150] : memref<100352x16xf32, #tpu.memory_space<vmem_shared>> -> memref<196x16xf32, #tpu.memory_space<vmem_shared>>
      tpu.enqueue_dma source(%arg16 : memref<196x16xf32, #tpu.memory_space<vmem>>) target(%dma_start3A_151 : memref<196x16xf32, #tpu.memory_space<vmem_shared>>) target_semaphore(%run_scoped3A : memref<!tpu.dma_semaphore, #tpu.memory_space<semaphore_mem>>)
      %dma_wait3A = arith.constant 0 : i32
      %dma_wait3A_152 = tpu.memref_slice %arg17[%add3A_102, %dma_wait3A] : memref<100352x16xf32, #tpu.memory_space<vmem_shared>> -> memref<196x16xf32, #tpu.memory_space<vmem_shared>>
      %dma_wait3A_153 = arith.constant 0 : i32
      %dma_wait3A_154 = tpu.memref_slice %arg17[%add3A_102, %dma_wait3A_153] : memref<100352x16xf32, #tpu.memory_space<vmem_shared>> -> memref<196x16xf32, #tpu.memory_space<vmem_shared>>
      tpu.wait_dma2 semaphore(%run_scoped3A : memref<!tpu.dma_semaphore, #tpu.memory_space<semaphore_mem>>) src(%arg16 : memref<196x16xf32, #tpu.memory_space<vmem>>) dst(%dma_wait3A_154 : memref<196x16xf32, #tpu.memory_space<vmem_shared>>)
      tpu.yield
    }) : () -> ()
    %mul3A_103 = arith.constant 6272 : i32
    %mul3A_104 = arith.muli %arg1, %mul3A_103 : i32
    %add3A_105 = arith.constant 4704 : i32
    %add3A_106 = arith.addi %mul3A_104, %add3A_105 : i32
    "tpu.region"() ({
      %run_scoped3A = tpu.sem_alloc : memref<!tpu.dma_semaphore, #tpu.memory_space<semaphore_mem>>
      %dma_start3A = arith.constant 0 : i32
      %dma_start3A_149 = tpu.memref_slice %arg17[%add3A_106, %dma_start3A] : memref<100352x16xf32, #tpu.memory_space<vmem_shared>> -> memref<196x16xf32, #tpu.memory_space<vmem_shared>>
      %dma_start3A_150 = arith.constant 0 : i32
      %dma_start3A_151 = tpu.memref_slice %arg17[%add3A_106, %dma_start3A_150] : memref<100352x16xf32, #tpu.memory_space<vmem_shared>> -> memref<196x16xf32, #tpu.memory_space<vmem_shared>>
      tpu.enqueue_dma source(%arg16 : memref<196x16xf32, #tpu.memory_space<vmem>>) target(%dma_start3A_151 : memref<196x16xf32, #tpu.memory_space<vmem_shared>>) target_semaphore(%run_scoped3A : memref<!tpu.dma_semaphore, #tpu.memory_space<semaphore_mem>>)
      %dma_wait3A = arith.constant 0 : i32
      %dma_wait3A_152 = tpu.memref_slice %arg17[%add3A_106, %dma_wait3A] : memref<100352x16xf32, #tpu.memory_space<vmem_shared>> -> memref<196x16xf32, #tpu.memory_space<vmem_shared>>
      %dma_wait3A_153 = arith.constant 0 : i32
      %dma_wait3A_154 = tpu.memref_slice %arg17[%add3A_106, %dma_wait3A_153] : memref<100352x16xf32, #tpu.memory_space<vmem_shared>> -> memref<196x16xf32, #tpu.memory_space<vmem_shared>>
      tpu.wait_dma2 semaphore(%run_scoped3A : memref<!tpu.dma_semaphore, #tpu.memory_space<semaphore_mem>>) src(%arg16 : memref<196x16xf32, #tpu.memory_space<vmem>>) dst(%dma_wait3A_154 : memref<196x16xf32, #tpu.memory_space<vmem_shared>>)
      tpu.yield
    }) : () -> ()
    %mul3A_107 = arith.constant 6272 : i32
    %mul3A_108 = arith.muli %arg1, %mul3A_107 : i32
    %add3A_109 = arith.constant 4900 : i32
    %add3A_110 = arith.addi %mul3A_108, %add3A_109 : i32
    "tpu.region"() ({
      %run_scoped3A = tpu.sem_alloc : memref<!tpu.dma_semaphore, #tpu.memory_space<semaphore_mem>>
      %dma_start3A = arith.constant 0 : i32
      %dma_start3A_149 = tpu.memref_slice %arg17[%add3A_110, %dma_start3A] : memref<100352x16xf32, #tpu.memory_space<vmem_shared>> -> memref<196x16xf32, #tpu.memory_space<vmem_shared>>
      %dma_start3A_150 = arith.constant 0 : i32
      %dma_start3A_151 = tpu.memref_slice %arg17[%add3A_110, %dma_start3A_150] : memref<100352x16xf32, #tpu.memory_space<vmem_shared>> -> memref<196x16xf32, #tpu.memory_space<vmem_shared>>
      tpu.enqueue_dma source(%arg16 : memref<196x16xf32, #tpu.memory_space<vmem>>) target(%dma_start3A_151 : memref<196x16xf32, #tpu.memory_space<vmem_shared>>) target_semaphore(%run_scoped3A : memref<!tpu.dma_semaphore, #tpu.memory_space<semaphore_mem>>)
      %dma_wait3A = arith.constant 0 : i32
      %dma_wait3A_152 = tpu.memref_slice %arg17[%add3A_110, %dma_wait3A] : memref<100352x16xf32, #tpu.memory_space<vmem_shared>> -> memref<196x16xf32, #tpu.memory_space<vmem_shared>>
      %dma_wait3A_153 = arith.constant 0 : i32
      %dma_wait3A_154 = tpu.memref_slice %arg17[%add3A_110, %dma_wait3A_153] : memref<100352x16xf32, #tpu.memory_space<vmem_shared>> -> memref<196x16xf32, #tpu.memory_space<vmem_shared>>
      tpu.wait_dma2 semaphore(%run_scoped3A : memref<!tpu.dma_semaphore, #tpu.memory_space<semaphore_mem>>) src(%arg16 : memref<196x16xf32, #tpu.memory_space<vmem>>) dst(%dma_wait3A_154 : memref<196x16xf32, #tpu.memory_space<vmem_shared>>)
      tpu.yield
    }) : () -> ()
    %mul3A_111 = arith.constant 6272 : i32
    %mul3A_112 = arith.muli %arg1, %mul3A_111 : i32
    %add3A_113 = arith.constant 5096 : i32
    %add3A_114 = arith.addi %mul3A_112, %add3A_113 : i32
    "tpu.region"() ({
      %run_scoped3A = tpu.sem_alloc : memref<!tpu.dma_semaphore, #tpu.memory_space<semaphore_mem>>
      %dma_start3A = arith.constant 0 : i32
      %dma_start3A_149 = tpu.memref_slice %arg17[%add3A_114, %dma_start3A] : memref<100352x16xf32, #tpu.memory_space<vmem_shared>> -> memref<196x16xf32, #tpu.memory_space<vmem_shared>>
      %dma_start3A_150 = arith.constant 0 : i32
      %dma_start3A_151 = tpu.memref_slice %arg17[%add3A_114, %dma_start3A_150] : memref<100352x16xf32, #tpu.memory_space<vmem_shared>> -> memref<196x16xf32, #tpu.memory_space<vmem_shared>>
      tpu.enqueue_dma source(%arg16 : memref<196x16xf32, #tpu.memory_space<vmem>>) target(%dma_start3A_151 : memref<196x16xf32, #tpu.memory_space<vmem_shared>>) target_semaphore(%run_scoped3A : memref<!tpu.dma_semaphore, #tpu.memory_space<semaphore_mem>>)
      %dma_wait3A = arith.constant 0 : i32
      %dma_wait3A_152 = tpu.memref_slice %arg17[%add3A_114, %dma_wait3A] : memref<100352x16xf32, #tpu.memory_space<vmem_shared>> -> memref<196x16xf32, #tpu.memory_space<vmem_shared>>
      %dma_wait3A_153 = arith.constant 0 : i32
      %dma_wait3A_154 = tpu.memref_slice %arg17[%add3A_114, %dma_wait3A_153] : memref<100352x16xf32, #tpu.memory_space<vmem_shared>> -> memref<196x16xf32, #tpu.memory_space<vmem_shared>>
      tpu.wait_dma2 semaphore(%run_scoped3A : memref<!tpu.dma_semaphore, #tpu.memory_space<semaphore_mem>>) src(%arg16 : memref<196x16xf32, #tpu.memory_space<vmem>>) dst(%dma_wait3A_154 : memref<196x16xf32, #tpu.memory_space<vmem_shared>>)
      tpu.yield
    }) : () -> ()
    %mul3A_115 = arith.constant 6272 : i32
    %mul3A_116 = arith.muli %arg1, %mul3A_115 : i32
    %add3A_117 = arith.constant 5292 : i32
    %add3A_118 = arith.addi %mul3A_116, %add3A_117 : i32
    "tpu.region"() ({
      %run_scoped3A = tpu.sem_alloc : memref<!tpu.dma_semaphore, #tpu.memory_space<semaphore_mem>>
      %dma_start3A = arith.constant 0 : i32
      %dma_start3A_149 = tpu.memref_slice %arg17[%add3A_118, %dma_start3A] : memref<100352x16xf32, #tpu.memory_space<vmem_shared>> -> memref<196x16xf32, #tpu.memory_space<vmem_shared>>
      %dma_start3A_150 = arith.constant 0 : i32
      %dma_start3A_151 = tpu.memref_slice %arg17[%add3A_118, %dma_start3A_150] : memref<100352x16xf32, #tpu.memory_space<vmem_shared>> -> memref<196x16xf32, #tpu.memory_space<vmem_shared>>
      tpu.enqueue_dma source(%arg16 : memref<196x16xf32, #tpu.memory_space<vmem>>) target(%dma_start3A_151 : memref<196x16xf32, #tpu.memory_space<vmem_shared>>) target_semaphore(%run_scoped3A : memref<!tpu.dma_semaphore, #tpu.memory_space<semaphore_mem>>)
      %dma_wait3A = arith.constant 0 : i32
      %dma_wait3A_152 = tpu.memref_slice %arg17[%add3A_118, %dma_wait3A] : memref<100352x16xf32, #tpu.memory_space<vmem_shared>> -> memref<196x16xf32, #tpu.memory_space<vmem_shared>>
      %dma_wait3A_153 = arith.constant 0 : i32
      %dma_wait3A_154 = tpu.memref_slice %arg17[%add3A_118, %dma_wait3A_153] : memref<100352x16xf32, #tpu.memory_space<vmem_shared>> -> memref<196x16xf32, #tpu.memory_space<vmem_shared>>
      tpu.wait_dma2 semaphore(%run_scoped3A : memref<!tpu.dma_semaphore, #tpu.memory_space<semaphore_mem>>) src(%arg16 : memref<196x16xf32, #tpu.memory_space<vmem>>) dst(%dma_wait3A_154 : memref<196x16xf32, #tpu.memory_space<vmem_shared>>)
      tpu.yield
    }) : () -> ()
    %mul3A_119 = arith.constant 6272 : i32
    %mul3A_120 = arith.muli %arg1, %mul3A_119 : i32
    %add3A_121 = arith.constant 5488 : i32
    %add3A_122 = arith.addi %mul3A_120, %add3A_121 : i32
    "tpu.region"() ({
      %run_scoped3A = tpu.sem_alloc : memref<!tpu.dma_semaphore, #tpu.memory_space<semaphore_mem>>
      %dma_start3A = arith.constant 0 : i32
      %dma_start3A_149 = tpu.memref_slice %arg17[%add3A_122, %dma_start3A] : memref<100352x16xf32, #tpu.memory_space<vmem_shared>> -> memref<196x16xf32, #tpu.memory_space<vmem_shared>>
      %dma_start3A_150 = arith.constant 0 : i32
      %dma_start3A_151 = tpu.memref_slice %arg17[%add3A_122, %dma_start3A_150] : memref<100352x16xf32, #tpu.memory_space<vmem_shared>> -> memref<196x16xf32, #tpu.memory_space<vmem_shared>>
      tpu.enqueue_dma source(%arg16 : memref<196x16xf32, #tpu.memory_space<vmem>>) target(%dma_start3A_151 : memref<196x16xf32, #tpu.memory_space<vmem_shared>>) target_semaphore(%run_scoped3A : memref<!tpu.dma_semaphore, #tpu.memory_space<semaphore_mem>>)
      %dma_wait3A = arith.constant 0 : i32
      %dma_wait3A_152 = tpu.memref_slice %arg17[%add3A_122, %dma_wait3A] : memref<100352x16xf32, #tpu.memory_space<vmem_shared>> -> memref<196x16xf32, #tpu.memory_space<vmem_shared>>
      %dma_wait3A_153 = arith.constant 0 : i32
      %dma_wait3A_154 = tpu.memref_slice %arg17[%add3A_122, %dma_wait3A_153] : memref<100352x16xf32, #tpu.memory_space<vmem_shared>> -> memref<196x16xf32, #tpu.memory_space<vmem_shared>>
      tpu.wait_dma2 semaphore(%run_scoped3A : memref<!tpu.dma_semaphore, #tpu.memory_space<semaphore_mem>>) src(%arg16 : memref<196x16xf32, #tpu.memory_space<vmem>>) dst(%dma_wait3A_154 : memref<196x16xf32, #tpu.memory_space<vmem_shared>>)
      tpu.yield
    }) : () -> ()
    %mul3A_123 = arith.constant 6272 : i32
    %mul3A_124 = arith.muli %arg1, %mul3A_123 : i32
    %add3A_125 = arith.constant 5684 : i32
    %add3A_126 = arith.addi %mul3A_124, %add3A_125 : i32
    "tpu.region"() ({
      %run_scoped3A = tpu.sem_alloc : memref<!tpu.dma_semaphore, #tpu.memory_space<semaphore_mem>>
      %dma_start3A = arith.constant 0 : i32
      %dma_start3A_149 = tpu.memref_slice %arg17[%add3A_126, %dma_start3A] : memref<100352x16xf32, #tpu.memory_space<vmem_shared>> -> memref<196x16xf32, #tpu.memory_space<vmem_shared>>
      %dma_start3A_150 = arith.constant 0 : i32
      %dma_start3A_151 = tpu.memref_slice %arg17[%add3A_126, %dma_start3A_150] : memref<100352x16xf32, #tpu.memory_space<vmem_shared>> -> memref<196x16xf32, #tpu.memory_space<vmem_shared>>
      tpu.enqueue_dma source(%arg16 : memref<196x16xf32, #tpu.memory_space<vmem>>) target(%dma_start3A_151 : memref<196x16xf32, #tpu.memory_space<vmem_shared>>) target_semaphore(%run_scoped3A : memref<!tpu.dma_semaphore, #tpu.memory_space<semaphore_mem>>)
      %dma_wait3A = arith.constant 0 : i32
      %dma_wait3A_152 = tpu.memref_slice %arg17[%add3A_126, %dma_wait3A] : memref<100352x16xf32, #tpu.memory_space<vmem_shared>> -> memref<196x16xf32, #tpu.memory_space<vmem_shared>>
      %dma_wait3A_153 = arith.constant 0 : i32
      %dma_wait3A_154 = tpu.memref_slice %arg17[%add3A_126, %dma_wait3A_153] : memref<100352x16xf32, #tpu.memory_space<vmem_shared>> -> memref<196x16xf32, #tpu.memory_space<vmem_shared>>
      tpu.wait_dma2 semaphore(%run_scoped3A : memref<!tpu.dma_semaphore, #tpu.memory_space<semaphore_mem>>) src(%arg16 : memref<196x16xf32, #tpu.memory_space<vmem>>) dst(%dma_wait3A_154 : memref<196x16xf32, #tpu.memory_space<vmem_shared>>)
      tpu.yield
    }) : () -> ()
    %mul3A_127 = arith.constant 6272 : i32
    %mul3A_128 = arith.muli %arg1, %mul3A_127 : i32
    %add3A_129 = arith.constant 5880 : i32
    %add3A_130 = arith.addi %mul3A_128, %add3A_129 : i32
    "tpu.region"() ({
      %run_scoped3A = tpu.sem_alloc : memref<!tpu.dma_semaphore, #tpu.memory_space<semaphore_mem>>
      %dma_start3A = arith.constant 0 : i32
      %dma_start3A_149 = tpu.memref_slice %arg17[%add3A_130, %dma_start3A] : memref<100352x16xf32, #tpu.memory_space<vmem_shared>> -> memref<196x16xf32, #tpu.memory_space<vmem_shared>>
      %dma_start3A_150 = arith.constant 0 : i32
      %dma_start3A_151 = tpu.memref_slice %arg17[%add3A_130, %dma_start3A_150] : memref<100352x16xf32, #tpu.memory_space<vmem_shared>> -> memref<196x16xf32, #tpu.memory_space<vmem_shared>>
      tpu.enqueue_dma source(%arg16 : memref<196x16xf32, #tpu.memory_space<vmem>>) target(%dma_start3A_151 : memref<196x16xf32, #tpu.memory_space<vmem_shared>>) target_semaphore(%run_scoped3A : memref<!tpu.dma_semaphore, #tpu.memory_space<semaphore_mem>>)
      %dma_wait3A = arith.constant 0 : i32
      %dma_wait3A_152 = tpu.memref_slice %arg17[%add3A_130, %dma_wait3A] : memref<100352x16xf32, #tpu.memory_space<vmem_shared>> -> memref<196x16xf32, #tpu.memory_space<vmem_shared>>
      %dma_wait3A_153 = arith.constant 0 : i32
      %dma_wait3A_154 = tpu.memref_slice %arg17[%add3A_130, %dma_wait3A_153] : memref<100352x16xf32, #tpu.memory_space<vmem_shared>> -> memref<196x16xf32, #tpu.memory_space<vmem_shared>>
      tpu.wait_dma2 semaphore(%run_scoped3A : memref<!tpu.dma_semaphore, #tpu.memory_space<semaphore_mem>>) src(%arg16 : memref<196x16xf32, #tpu.memory_space<vmem>>) dst(%dma_wait3A_154 : memref<196x16xf32, #tpu.memory_space<vmem_shared>>)
      tpu.yield
    }) : () -> ()
    %mul3A_131 = arith.constant 6272 : i32
    %mul3A_132 = arith.muli %arg1, %mul3A_131 : i32
    %add3A_133 = arith.constant 6076 : i32
    %add3A_134 = arith.addi %mul3A_132, %add3A_133 : i32
    "tpu.region"() ({
      %run_scoped3A = tpu.sem_alloc : memref<!tpu.dma_semaphore, #tpu.memory_space<semaphore_mem>>
      %dma_start3A = arith.constant 0 : i32
      %dma_start3A_149 = tpu.memref_slice %arg17[%add3A_134, %dma_start3A] : memref<100352x16xf32, #tpu.memory_space<vmem_shared>> -> memref<196x16xf32, #tpu.memory_space<vmem_shared>>
      %dma_start3A_150 = arith.constant 0 : i32
      %dma_start3A_151 = tpu.memref_slice %arg17[%add3A_134, %dma_start3A_150] : memref<100352x16xf32, #tpu.memory_space<vmem_shared>> -> memref<196x16xf32, #tpu.memory_space<vmem_shared>>
      tpu.enqueue_dma source(%arg16 : memref<196x16xf32, #tpu.memory_space<vmem>>) target(%dma_start3A_151 : memref<196x16xf32, #tpu.memory_space<vmem_shared>>) target_semaphore(%run_scoped3A : memref<!tpu.dma_semaphore, #tpu.memory_space<semaphore_mem>>)
      %dma_wait3A = arith.constant 0 : i32
      %dma_wait3A_152 = tpu.memref_slice %arg17[%add3A_134, %dma_wait3A] : memref<100352x16xf32, #tpu.memory_space<vmem_shared>> -> memref<196x16xf32, #tpu.memory_space<vmem_shared>>
      %dma_wait3A_153 = arith.constant 0 : i32
      %dma_wait3A_154 = tpu.memref_slice %arg17[%add3A_134, %dma_wait3A_153] : memref<100352x16xf32, #tpu.memory_space<vmem_shared>> -> memref<196x16xf32, #tpu.memory_space<vmem_shared>>
      tpu.wait_dma2 semaphore(%run_scoped3A : memref<!tpu.dma_semaphore, #tpu.memory_space<semaphore_mem>>) src(%arg16 : memref<196x16xf32, #tpu.memory_space<vmem>>) dst(%dma_wait3A_154 : memref<196x16xf32, #tpu.memory_space<vmem_shared>>)
      tpu.yield
    }) : () -> ()
    %barrier3A = arith.constant 0 : index
    tpu.barrier barrier_id(%barrier3A)
    %mul3A_135 = arith.constant 784 : i32
    %mul3A_136 = arith.muli %add3A, %mul3A_135 : i32
    %scan3A_137 = arith.constant 0 : i32
    %scan3A_138 = arith.constant 0 : i32
    %scan3A_139 = arith.constant 49 : i32
    %scan3A_140 = arith.addi %scan3A_138, %scan3A_139 : i32
    %scan3A_141 = arith.constant 1 : i32
    %scan3A_142 = scf.for %scan3A_149 = %scan3A_138 to %scan3A_140 step %scan3A_141 iter_args(%scan3A_150 = %scan3A_137) -> (i32)  : i32 {
      %mul3A_151 = arith.constant 16 : i32
      %mul3A_152 = arith.muli %scan3A_149, %mul3A_151 : i32
      %add3A_153 = arith.addi %mul3A_136, %mul3A_152 : i32
      "tpu.region"() ({
        %run_scoped3A_392 = tpu.sem_alloc : memref<!tpu.dma_semaphore, #tpu.memory_space<semaphore_mem>>
        %dma_start3A_393 = arith.constant 0 : i32
        %dma_start3A_394 = tpu.memref_slice %arg3[%add3A_153, %dma_start3A_393] : memref<25088x128xi32, #tpu.memory_space<hbm>> -> memref<16x128xi32, #tpu.memory_space<hbm>>
        %dma_start3A_395 = arith.constant 0 : i32
        %dma_start3A_396 = tpu.memref_slice %arg3[%add3A_153, %dma_start3A_395] : memref<25088x128xi32, #tpu.memory_space<hbm>> -> memref<16x128xi32, #tpu.memory_space<hbm>>
        tpu.enqueue_dma source(%dma_start3A_396 : memref<16x128xi32, #tpu.memory_space<hbm>>) target(%arg6 : memref<16x128xi32, #tpu.memory_space<vmem>>) target_semaphore(%run_scoped3A_392 : memref<!tpu.dma_semaphore, #tpu.memory_space<semaphore_mem>>)
        %dma_wait3A_397 = arith.constant 0 : i32
        %dma_wait3A_398 = tpu.memref_slice %arg3[%add3A_153, %dma_wait3A_397] : memref<25088x128xi32, #tpu.memory_space<hbm>> -> memref<16x128xi32, #tpu.memory_space<hbm>>
        %dma_wait3A_399 = arith.constant 0 : i32
        %dma_wait3A_400 = tpu.memref_slice %arg3[%add3A_153, %dma_wait3A_399] : memref<25088x128xi32, #tpu.memory_space<hbm>> -> memref<16x128xi32, #tpu.memory_space<hbm>>
        tpu.wait_dma2 semaphore(%run_scoped3A_392 : memref<!tpu.dma_semaphore, #tpu.memory_space<semaphore_mem>>) src(%dma_wait3A_400 : memref<16x128xi32, #tpu.memory_space<hbm>>) dst(%arg6 : memref<16x128xi32, #tpu.memory_space<vmem>>)
        tpu.yield
      }) : () -> ()
      "tpu.region"() ({
        %run_scoped3A_392 = tpu.sem_alloc : memref<!tpu.dma_semaphore, #tpu.memory_space<semaphore_mem>>
        %dma_start3A_393 = arith.constant 0 : i32
        %dma_start3A_394 = tpu.memref_slice %arg4[%add3A_153, %dma_start3A_393] : memref<25088x128xi32, #tpu.memory_space<hbm>> -> memref<16x128xi32, #tpu.memory_space<hbm>>
        %dma_start3A_395 = arith.constant 0 : i32
        %dma_start3A_396 = tpu.memref_slice %arg4[%add3A_153, %dma_start3A_395] : memref<25088x128xi32, #tpu.memory_space<hbm>> -> memref<16x128xi32, #tpu.memory_space<hbm>>
        tpu.enqueue_dma source(%dma_start3A_396 : memref<16x128xi32, #tpu.memory_space<hbm>>) target(%arg7 : memref<16x128xi32, #tpu.memory_space<vmem>>) target_semaphore(%run_scoped3A_392 : memref<!tpu.dma_semaphore, #tpu.memory_space<semaphore_mem>>)
        %dma_wait3A_397 = arith.constant 0 : i32
        %dma_wait3A_398 = tpu.memref_slice %arg4[%add3A_153, %dma_wait3A_397] : memref<25088x128xi32, #tpu.memory_space<hbm>> -> memref<16x128xi32, #tpu.memory_space<hbm>>
        %dma_wait3A_399 = arith.constant 0 : i32
        %dma_wait3A_400 = tpu.memref_slice %arg4[%add3A_153, %dma_wait3A_399] : memref<25088x128xi32, #tpu.memory_space<hbm>> -> memref<16x128xi32, #tpu.memory_space<hbm>>
        tpu.wait_dma2 semaphore(%run_scoped3A_392 : memref<!tpu.dma_semaphore, #tpu.memory_space<semaphore_mem>>) src(%dma_wait3A_400 : memref<16x128xi32, #tpu.memory_space<hbm>>) dst(%arg7 : memref<16x128xi32, #tpu.memory_space<vmem>>)
        tpu.yield
      }) : () -> ()
      %dma_start3A = arith.constant 0 : i32
      %dma_start3A_154 = arith.constant 0 : i32
      %dma_start3A_155 = tpu.memref_slice %arg6[%dma_start3A, %dma_start3A_154] : memref<16x128xi32, #tpu.memory_space<vmem>> -> memref<1x128xi32, #tpu.memory_space<vmem>>
      %dma_start3A_156 = tpu.memref_squeeze %dma_start3A_155 : memref<1x128xi32, #tpu.memory_space<vmem>> -> memref<128xi32, #tpu.memory_space<vmem>>
      %dma_start3A_157 = arith.constant 0 : i32
      %dma_start3A_158 = arith.constant 0 : i32
      %dma_start3A_159 = tpu.memref_slice %arg2[%dma_start3A_157, %dma_start3A_158] : memref<100000x16xf32, #tpu.memory_space<hbm>> -> memref<100000x16xf32, #tpu.memory_space<hbm>>
      tpu.enqueue_indirect_dma source(%dma_start3A_159 : memref<100000x16xf32, #tpu.memory_space<hbm>>) target(%arg8 : memref<128x16xf32, #tpu.memory_space<vmem>>) offsets(%dma_start3A_156 : memref<128xi32, #tpu.memory_space<vmem>>) semaphore(%arg18 : memref<!tpu.dma_semaphore, #tpu.memory_space<semaphore_mem>>)
      %dma_start3A_160 = arith.constant 1 : i32
      %dma_start3A_161 = arith.constant 0 : i32
      %dma_start3A_162 = tpu.memref_slice %arg6[%dma_start3A_160, %dma_start3A_161] : memref<16x128xi32, #tpu.memory_space<vmem>> -> memref<1x128xi32, #tpu.memory_space<vmem>>
      %dma_start3A_163 = tpu.memref_squeeze %dma_start3A_162 : memref<1x128xi32, #tpu.memory_space<vmem>> -> memref<128xi32, #tpu.memory_space<vmem>>
      %dma_start3A_164 = arith.constant 0 : i32
      %dma_start3A_165 = arith.constant 0 : i32
      %dma_start3A_166 = tpu.memref_slice %arg2[%dma_start3A_164, %dma_start3A_165] : memref<100000x16xf32, #tpu.memory_space<hbm>> -> memref<100000x16xf32, #tpu.memory_space<hbm>>
      tpu.enqueue_indirect_dma source(%dma_start3A_166 : memref<100000x16xf32, #tpu.memory_space<hbm>>) target(%arg9 : memref<128x16xf32, #tpu.memory_space<vmem>>) offsets(%dma_start3A_163 : memref<128xi32, #tpu.memory_space<vmem>>) semaphore(%arg19 : memref<!tpu.dma_semaphore, #tpu.memory_space<semaphore_mem>>)
      %dma_start3A_167 = arith.constant 2 : i32
      %dma_start3A_168 = arith.constant 0 : i32
      %dma_start3A_169 = tpu.memref_slice %arg6[%dma_start3A_167, %dma_start3A_168] : memref<16x128xi32, #tpu.memory_space<vmem>> -> memref<1x128xi32, #tpu.memory_space<vmem>>
      %dma_start3A_170 = tpu.memref_squeeze %dma_start3A_169 : memref<1x128xi32, #tpu.memory_space<vmem>> -> memref<128xi32, #tpu.memory_space<vmem>>
      %dma_start3A_171 = arith.constant 0 : i32
      %dma_start3A_172 = arith.constant 0 : i32
      %dma_start3A_173 = tpu.memref_slice %arg2[%dma_start3A_171, %dma_start3A_172] : memref<100000x16xf32, #tpu.memory_space<hbm>> -> memref<100000x16xf32, #tpu.memory_space<hbm>>
      tpu.enqueue_indirect_dma source(%dma_start3A_173 : memref<100000x16xf32, #tpu.memory_space<hbm>>) target(%arg10 : memref<128x16xf32, #tpu.memory_space<vmem>>) offsets(%dma_start3A_170 : memref<128xi32, #tpu.memory_space<vmem>>) semaphore(%arg20 : memref<!tpu.dma_semaphore, #tpu.memory_space<semaphore_mem>>)
      %dma_start3A_174 = arith.constant 3 : i32
      %dma_start3A_175 = arith.constant 0 : i32
      %dma_start3A_176 = tpu.memref_slice %arg6[%dma_start3A_174, %dma_start3A_175] : memref<16x128xi32, #tpu.memory_space<vmem>> -> memref<1x128xi32, #tpu.memory_space<vmem>>
      %dma_start3A_177 = tpu.memref_squeeze %dma_start3A_176 : memref<1x128xi32, #tpu.memory_space<vmem>> -> memref<128xi32, #tpu.memory_space<vmem>>
      %dma_start3A_178 = arith.constant 0 : i32
      %dma_start3A_179 = arith.constant 0 : i32
      %dma_start3A_180 = tpu.memref_slice %arg2[%dma_start3A_178, %dma_start3A_179] : memref<100000x16xf32, #tpu.memory_space<hbm>> -> memref<100000x16xf32, #tpu.memory_space<hbm>>
      tpu.enqueue_indirect_dma source(%dma_start3A_180 : memref<100000x16xf32, #tpu.memory_space<hbm>>) target(%arg11 : memref<128x16xf32, #tpu.memory_space<vmem>>) offsets(%dma_start3A_177 : memref<128xi32, #tpu.memory_space<vmem>>) semaphore(%arg21 : memref<!tpu.dma_semaphore, #tpu.memory_space<semaphore_mem>>)
      %dma_start3A_181 = arith.constant 4 : i32
      %dma_start3A_182 = arith.constant 0 : i32
      %dma_start3A_183 = tpu.memref_slice %arg6[%dma_start3A_181, %dma_start3A_182] : memref<16x128xi32, #tpu.memory_space<vmem>> -> memref<1x128xi32, #tpu.memory_space<vmem>>
      %dma_start3A_184 = tpu.memref_squeeze %dma_start3A_183 : memref<1x128xi32, #tpu.memory_space<vmem>> -> memref<128xi32, #tpu.memory_space<vmem>>
      %dma_start3A_185 = arith.constant 0 : i32
      %dma_start3A_186 = arith.constant 0 : i32
      %dma_start3A_187 = tpu.memref_slice %arg2[%dma_start3A_185, %dma_start3A_186] : memref<100000x16xf32, #tpu.memory_space<hbm>> -> memref<100000x16xf32, #tpu.memory_space<hbm>>
      tpu.enqueue_indirect_dma source(%dma_start3A_187 : memref<100000x16xf32, #tpu.memory_space<hbm>>) target(%arg12 : memref<128x16xf32, #tpu.memory_space<vmem>>) offsets(%dma_start3A_184 : memref<128xi32, #tpu.memory_space<vmem>>) semaphore(%arg22 : memref<!tpu.dma_semaphore, #tpu.memory_space<semaphore_mem>>)
      %dma_start3A_188 = arith.constant 5 : i32
      %dma_start3A_189 = arith.constant 0 : i32
      %dma_start3A_190 = tpu.memref_slice %arg6[%dma_start3A_188, %dma_start3A_189] : memref<16x128xi32, #tpu.memory_space<vmem>> -> memref<1x128xi32, #tpu.memory_space<vmem>>
      %dma_start3A_191 = tpu.memref_squeeze %dma_start3A_190 : memref<1x128xi32, #tpu.memory_space<vmem>> -> memref<128xi32, #tpu.memory_space<vmem>>
      %dma_start3A_192 = arith.constant 0 : i32
      %dma_start3A_193 = arith.constant 0 : i32
      %dma_start3A_194 = tpu.memref_slice %arg2[%dma_start3A_192, %dma_start3A_193] : memref<100000x16xf32, #tpu.memory_space<hbm>> -> memref<100000x16xf32, #tpu.memory_space<hbm>>
      tpu.enqueue_indirect_dma source(%dma_start3A_194 : memref<100000x16xf32, #tpu.memory_space<hbm>>) target(%arg13 : memref<128x16xf32, #tpu.memory_space<vmem>>) offsets(%dma_start3A_191 : memref<128xi32, #tpu.memory_space<vmem>>) semaphore(%arg23 : memref<!tpu.dma_semaphore, #tpu.memory_space<semaphore_mem>>)
      %dma_start3A_195 = arith.constant 6 : i32
      %dma_start3A_196 = arith.constant 0 : i32
      %dma_start3A_197 = tpu.memref_slice %arg6[%dma_start3A_195, %dma_start3A_196] : memref<16x128xi32, #tpu.memory_space<vmem>> -> memref<1x128xi32, #tpu.memory_space<vmem>>
      %dma_start3A_198 = tpu.memref_squeeze %dma_start3A_197 : memref<1x128xi32, #tpu.memory_space<vmem>> -> memref<128xi32, #tpu.memory_space<vmem>>
      %dma_start3A_199 = arith.constant 0 : i32
      %dma_start3A_200 = arith.constant 0 : i32
      %dma_start3A_201 = tpu.memref_slice %arg2[%dma_start3A_199, %dma_start3A_200] : memref<100000x16xf32, #tpu.memory_space<hbm>> -> memref<100000x16xf32, #tpu.memory_space<hbm>>
      tpu.enqueue_indirect_dma source(%dma_start3A_201 : memref<100000x16xf32, #tpu.memory_space<hbm>>) target(%arg14 : memref<128x16xf32, #tpu.memory_space<vmem>>) offsets(%dma_start3A_198 : memref<128xi32, #tpu.memory_space<vmem>>) semaphore(%arg24 : memref<!tpu.dma_semaphore, #tpu.memory_space<semaphore_mem>>)
      %dma_start3A_202 = arith.constant 7 : i32
      %dma_start3A_203 = arith.constant 0 : i32
      %dma_start3A_204 = tpu.memref_slice %arg6[%dma_start3A_202, %dma_start3A_203] : memref<16x128xi32, #tpu.memory_space<vmem>> -> memref<1x128xi32, #tpu.memory_space<vmem>>
      %dma_start3A_205 = tpu.memref_squeeze %dma_start3A_204 : memref<1x128xi32, #tpu.memory_space<vmem>> -> memref<128xi32, #tpu.memory_space<vmem>>
      %dma_start3A_206 = arith.constant 0 : i32
      %dma_start3A_207 = arith.constant 0 : i32
      %dma_start3A_208 = tpu.memref_slice %arg2[%dma_start3A_206, %dma_start3A_207] : memref<100000x16xf32, #tpu.memory_space<hbm>> -> memref<100000x16xf32, #tpu.memory_space<hbm>>
      tpu.enqueue_indirect_dma source(%dma_start3A_208 : memref<100000x16xf32, #tpu.memory_space<hbm>>) target(%arg15 : memref<128x16xf32, #tpu.memory_space<vmem>>) offsets(%dma_start3A_205 : memref<128xi32, #tpu.memory_space<vmem>>) semaphore(%arg25 : memref<!tpu.dma_semaphore, #tpu.memory_space<semaphore_mem>>)
      %dma_wait3A = arith.constant 0 : i32
      %dma_wait3A_209 = arith.constant 0 : i32
      %dma_wait3A_210 = tpu.memref_slice %arg6[%dma_wait3A, %dma_wait3A_209] : memref<16x128xi32, #tpu.memory_space<vmem>> -> memref<1x128xi32, #tpu.memory_space<vmem>>
      %dma_wait3A_211 = tpu.memref_squeeze %dma_wait3A_210 : memref<1x128xi32, #tpu.memory_space<vmem>> -> memref<128xi32, #tpu.memory_space<vmem>>
      %dma_wait3A_212 = arith.constant 0 : i32
      %dma_wait3A_213 = arith.constant 0 : i32
      %dma_wait3A_214 = tpu.memref_slice %arg2[%dma_wait3A_212, %dma_wait3A_213] : memref<100000x16xf32, #tpu.memory_space<hbm>> -> memref<100000x16xf32, #tpu.memory_space<hbm>>
      tpu.wait_indirect_dma semaphore(%arg18 : memref<!tpu.dma_semaphore, #tpu.memory_space<semaphore_mem>>) src(%dma_wait3A_214 : memref<100000x16xf32, #tpu.memory_space<hbm>>) dst(%arg8 : memref<128x16xf32, #tpu.memory_space<vmem>>)
      %run_scoped3A = arith.constant 0 : i32
      "tpu.region"() ({
        %run_scoped3A_392 = tpu.sem_alloc : memref<!tpu.dma_semaphore, #tpu.memory_space<semaphore_mem>>
        %dma_start3A_393 = arith.constant 0 : i32
        %dma_start3A_394 = tpu.memref_slice %arg7[%run_scoped3A, %dma_start3A_393] : memref<16x128xi32, #tpu.memory_space<vmem>> -> memref<1x128xi32, #tpu.memory_space<vmem>>
        %dma_start3A_395 = tpu.memref_squeeze %dma_start3A_394 : memref<1x128xi32, #tpu.memory_space<vmem>> -> memref<128xi32, #tpu.memory_space<vmem>>
        %dma_start3A_396 = arith.constant 0 : i32
        %dma_start3A_397 = arith.constant 0 : i32
        %dma_start3A_398 = tpu.memref_slice %arg17[%dma_start3A_396, %dma_start3A_397] : memref<100352x16xf32, #tpu.memory_space<vmem_shared>> -> memref<100352x16xf32, #tpu.memory_space<vmem_shared>>
        tpu.enqueue_indirect_dma source(%arg8 : memref<128x16xf32, #tpu.memory_space<vmem>>) target(%dma_start3A_398 : memref<100352x16xf32, #tpu.memory_space<vmem_shared>>) offsets(%dma_start3A_395 : memref<128xi32, #tpu.memory_space<vmem>>) semaphore(%run_scoped3A_392 : memref<!tpu.dma_semaphore, #tpu.memory_space<semaphore_mem>>) {add = true}
        %dma_wait3A_399 = arith.constant 0 : i32
        %dma_wait3A_400 = tpu.memref_slice %arg7[%run_scoped3A, %dma_wait3A_399] : memref<16x128xi32, #tpu.memory_space<vmem>> -> memref<1x128xi32, #tpu.memory_space<vmem>>
        %dma_wait3A_401 = tpu.memref_squeeze %dma_wait3A_400 : memref<1x128xi32, #tpu.memory_space<vmem>> -> memref<128xi32, #tpu.memory_space<vmem>>
        %dma_wait3A_402 = arith.constant 0 : i32
        %dma_wait3A_403 = arith.constant 0 : i32
        %dma_wait3A_404 = tpu.memref_slice %arg17[%dma_wait3A_402, %dma_wait3A_403] : memref<100352x16xf32, #tpu.memory_space<vmem_shared>> -> memref<100352x16xf32, #tpu.memory_space<vmem_shared>>
        tpu.wait_indirect_dma semaphore(%run_scoped3A_392 : memref<!tpu.dma_semaphore, #tpu.memory_space<semaphore_mem>>) src(%arg8 : memref<128x16xf32, #tpu.memory_space<vmem>>) dst(%dma_wait3A_404 : memref<100352x16xf32, #tpu.memory_space<vmem_shared>>)
        tpu.yield
      }) : () -> ()
      %dma_start3A_215 = arith.constant 8 : i32
      %dma_start3A_216 = arith.constant 0 : i32
      %dma_start3A_217 = tpu.memref_slice %arg6[%dma_start3A_215, %dma_start3A_216] : memref<16x128xi32, #tpu.memory_space<vmem>> -> memref<1x128xi32, #tpu.memory_space<vmem>>
      %dma_start3A_218 = tpu.memref_squeeze %dma_start3A_217 : memref<1x128xi32, #tpu.memory_space<vmem>> -> memref<128xi32, #tpu.memory_space<vmem>>
      %dma_start3A_219 = arith.constant 0 : i32
      %dma_start3A_220 = arith.constant 0 : i32
      %dma_start3A_221 = tpu.memref_slice %arg2[%dma_start3A_219, %dma_start3A_220] : memref<100000x16xf32, #tpu.memory_space<hbm>> -> memref<100000x16xf32, #tpu.memory_space<hbm>>
      tpu.enqueue_indirect_dma source(%dma_start3A_221 : memref<100000x16xf32, #tpu.memory_space<hbm>>) target(%arg8 : memref<128x16xf32, #tpu.memory_space<vmem>>) offsets(%dma_start3A_218 : memref<128xi32, #tpu.memory_space<vmem>>) semaphore(%arg18 : memref<!tpu.dma_semaphore, #tpu.memory_space<semaphore_mem>>)
      %dma_wait3A_222 = arith.constant 1 : i32
      %dma_wait3A_223 = arith.constant 0 : i32
      %dma_wait3A_224 = tpu.memref_slice %arg6[%dma_wait3A_222, %dma_wait3A_223] : memref<16x128xi32, #tpu.memory_space<vmem>> -> memref<1x128xi32, #tpu.memory_space<vmem>>
      %dma_wait3A_225 = tpu.memref_squeeze %dma_wait3A_224 : memref<1x128xi32, #tpu.memory_space<vmem>> -> memref<128xi32, #tpu.memory_space<vmem>>
      %dma_wait3A_226 = arith.constant 0 : i32
      %dma_wait3A_227 = arith.constant 0 : i32
      %dma_wait3A_228 = tpu.memref_slice %arg2[%dma_wait3A_226, %dma_wait3A_227] : memref<100000x16xf32, #tpu.memory_space<hbm>> -> memref<100000x16xf32, #tpu.memory_space<hbm>>
      tpu.wait_indirect_dma semaphore(%arg19 : memref<!tpu.dma_semaphore, #tpu.memory_space<semaphore_mem>>) src(%dma_wait3A_228 : memref<100000x16xf32, #tpu.memory_space<hbm>>) dst(%arg9 : memref<128x16xf32, #tpu.memory_space<vmem>>)
      %run_scoped3A_229 = arith.constant 1 : i32
      "tpu.region"() ({
        %run_scoped3A_392 = tpu.sem_alloc : memref<!tpu.dma_semaphore, #tpu.memory_space<semaphore_mem>>
        %dma_start3A_393 = arith.constant 0 : i32
        %dma_start3A_394 = tpu.memref_slice %arg7[%run_scoped3A_229, %dma_start3A_393] : memref<16x128xi32, #tpu.memory_space<vmem>> -> memref<1x128xi32, #tpu.memory_space<vmem>>
        %dma_start3A_395 = tpu.memref_squeeze %dma_start3A_394 : memref<1x128xi32, #tpu.memory_space<vmem>> -> memref<128xi32, #tpu.memory_space<vmem>>
        %dma_start3A_396 = arith.constant 0 : i32
        %dma_start3A_397 = arith.constant 0 : i32
        %dma_start3A_398 = tpu.memref_slice %arg17[%dma_start3A_396, %dma_start3A_397] : memref<100352x16xf32, #tpu.memory_space<vmem_shared>> -> memref<100352x16xf32, #tpu.memory_space<vmem_shared>>
        tpu.enqueue_indirect_dma source(%arg9 : memref<128x16xf32, #tpu.memory_space<vmem>>) target(%dma_start3A_398 : memref<100352x16xf32, #tpu.memory_space<vmem_shared>>) offsets(%dma_start3A_395 : memref<128xi32, #tpu.memory_space<vmem>>) semaphore(%run_scoped3A_392 : memref<!tpu.dma_semaphore, #tpu.memory_space<semaphore_mem>>) {add = true}
        %dma_wait3A_399 = arith.constant 0 : i32
        %dma_wait3A_400 = tpu.memref_slice %arg7[%run_scoped3A_229, %dma_wait3A_399] : memref<16x128xi32, #tpu.memory_space<vmem>> -> memref<1x128xi32, #tpu.memory_space<vmem>>
        %dma_wait3A_401 = tpu.memref_squeeze %dma_wait3A_400 : memref<1x128xi32, #tpu.memory_space<vmem>> -> memref<128xi32, #tpu.memory_space<vmem>>
        %dma_wait3A_402 = arith.constant 0 : i32
        %dma_wait3A_403 = arith.constant 0 : i32
        %dma_wait3A_404 = tpu.memref_slice %arg17[%dma_wait3A_402, %dma_wait3A_403] : memref<100352x16xf32, #tpu.memory_space<vmem_shared>> -> memref<100352x16xf32, #tpu.memory_space<vmem_shared>>
        tpu.wait_indirect_dma semaphore(%run_scoped3A_392 : memref<!tpu.dma_semaphore, #tpu.memory_space<semaphore_mem>>) src(%arg9 : memref<128x16xf32, #tpu.memory_space<vmem>>) dst(%dma_wait3A_404 : memref<100352x16xf32, #tpu.memory_space<vmem_shared>>)
        tpu.yield
      }) : () -> ()
      %dma_start3A_230 = arith.constant 9 : i32
      %dma_start3A_231 = arith.constant 0 : i32
      %dma_start3A_232 = tpu.memref_slice %arg6[%dma_start3A_230, %dma_start3A_231] : memref<16x128xi32, #tpu.memory_space<vmem>> -> memref<1x128xi32, #tpu.memory_space<vmem>>
      %dma_start3A_233 = tpu.memref_squeeze %dma_start3A_232 : memref<1x128xi32, #tpu.memory_space<vmem>> -> memref<128xi32, #tpu.memory_space<vmem>>
      %dma_start3A_234 = arith.constant 0 : i32
      %dma_start3A_235 = arith.constant 0 : i32
      %dma_start3A_236 = tpu.memref_slice %arg2[%dma_start3A_234, %dma_start3A_235] : memref<100000x16xf32, #tpu.memory_space<hbm>> -> memref<100000x16xf32, #tpu.memory_space<hbm>>
      tpu.enqueue_indirect_dma source(%dma_start3A_236 : memref<100000x16xf32, #tpu.memory_space<hbm>>) target(%arg9 : memref<128x16xf32, #tpu.memory_space<vmem>>) offsets(%dma_start3A_233 : memref<128xi32, #tpu.memory_space<vmem>>) semaphore(%arg19 : memref<!tpu.dma_semaphore, #tpu.memory_space<semaphore_mem>>)
      %dma_wait3A_237 = arith.constant 2 : i32
      %dma_wait3A_238 = arith.constant 0 : i32
      %dma_wait3A_239 = tpu.memref_slice %arg6[%dma_wait3A_237, %dma_wait3A_238] : memref<16x128xi32, #tpu.memory_space<vmem>> -> memref<1x128xi32, #tpu.memory_space<vmem>>
      %dma_wait3A_240 = tpu.memref_squeeze %dma_wait3A_239 : memref<1x128xi32, #tpu.memory_space<vmem>> -> memref<128xi32, #tpu.memory_space<vmem>>
      %dma_wait3A_241 = arith.constant 0 : i32
      %dma_wait3A_242 = arith.constant 0 : i32
      %dma_wait3A_243 = tpu.memref_slice %arg2[%dma_wait3A_241, %dma_wait3A_242] : memref<100000x16xf32, #tpu.memory_space<hbm>> -> memref<100000x16xf32, #tpu.memory_space<hbm>>
      tpu.wait_indirect_dma semaphore(%arg20 : memref<!tpu.dma_semaphore, #tpu.memory_space<semaphore_mem>>) src(%dma_wait3A_243 : memref<100000x16xf32, #tpu.memory_space<hbm>>) dst(%arg10 : memref<128x16xf32, #tpu.memory_space<vmem>>)
      %run_scoped3A_244 = arith.constant 2 : i32
      "tpu.region"() ({
        %run_scoped3A_392 = tpu.sem_alloc : memref<!tpu.dma_semaphore, #tpu.memory_space<semaphore_mem>>
        %dma_start3A_393 = arith.constant 0 : i32
        %dma_start3A_394 = tpu.memref_slice %arg7[%run_scoped3A_244, %dma_start3A_393] : memref<16x128xi32, #tpu.memory_space<vmem>> -> memref<1x128xi32, #tpu.memory_space<vmem>>
        %dma_start3A_395 = tpu.memref_squeeze %dma_start3A_394 : memref<1x128xi32, #tpu.memory_space<vmem>> -> memref<128xi32, #tpu.memory_space<vmem>>
        %dma_start3A_396 = arith.constant 0 : i32
        %dma_start3A_397 = arith.constant 0 : i32
        %dma_start3A_398 = tpu.memref_slice %arg17[%dma_start3A_396, %dma_start3A_397] : memref<100352x16xf32, #tpu.memory_space<vmem_shared>> -> memref<100352x16xf32, #tpu.memory_space<vmem_shared>>
        tpu.enqueue_indirect_dma source(%arg10 : memref<128x16xf32, #tpu.memory_space<vmem>>) target(%dma_start3A_398 : memref<100352x16xf32, #tpu.memory_space<vmem_shared>>) offsets(%dma_start3A_395 : memref<128xi32, #tpu.memory_space<vmem>>) semaphore(%run_scoped3A_392 : memref<!tpu.dma_semaphore, #tpu.memory_space<semaphore_mem>>) {add = true}
        %dma_wait3A_399 = arith.constant 0 : i32
        %dma_wait3A_400 = tpu.memref_slice %arg7[%run_scoped3A_244, %dma_wait3A_399] : memref<16x128xi32, #tpu.memory_space<vmem>> -> memref<1x128xi32, #tpu.memory_space<vmem>>
        %dma_wait3A_401 = tpu.memref_squeeze %dma_wait3A_400 : memref<1x128xi32, #tpu.memory_space<vmem>> -> memref<128xi32, #tpu.memory_space<vmem>>
        %dma_wait3A_402 = arith.constant 0 : i32
        %dma_wait3A_403 = arith.constant 0 : i32
        %dma_wait3A_404 = tpu.memref_slice %arg17[%dma_wait3A_402, %dma_wait3A_403] : memref<100352x16xf32, #tpu.memory_space<vmem_shared>> -> memref<100352x16xf32, #tpu.memory_space<vmem_shared>>
        tpu.wait_indirect_dma semaphore(%run_scoped3A_392 : memref<!tpu.dma_semaphore, #tpu.memory_space<semaphore_mem>>) src(%arg10 : memref<128x16xf32, #tpu.memory_space<vmem>>) dst(%dma_wait3A_404 : memref<100352x16xf32, #tpu.memory_space<vmem_shared>>)
        tpu.yield
      }) : () -> ()
      %dma_start3A_245 = arith.constant 10 : i32
      %dma_start3A_246 = arith.constant 0 : i32
      %dma_start3A_247 = tpu.memref_slice %arg6[%dma_start3A_245, %dma_start3A_246] : memref<16x128xi32, #tpu.memory_space<vmem>> -> memref<1x128xi32, #tpu.memory_space<vmem>>
      %dma_start3A_248 = tpu.memref_squeeze %dma_start3A_247 : memref<1x128xi32, #tpu.memory_space<vmem>> -> memref<128xi32, #tpu.memory_space<vmem>>
      %dma_start3A_249 = arith.constant 0 : i32
      %dma_start3A_250 = arith.constant 0 : i32
      %dma_start3A_251 = tpu.memref_slice %arg2[%dma_start3A_249, %dma_start3A_250] : memref<100000x16xf32, #tpu.memory_space<hbm>> -> memref<100000x16xf32, #tpu.memory_space<hbm>>
      tpu.enqueue_indirect_dma source(%dma_start3A_251 : memref<100000x16xf32, #tpu.memory_space<hbm>>) target(%arg10 : memref<128x16xf32, #tpu.memory_space<vmem>>) offsets(%dma_start3A_248 : memref<128xi32, #tpu.memory_space<vmem>>) semaphore(%arg20 : memref<!tpu.dma_semaphore, #tpu.memory_space<semaphore_mem>>)
      %dma_wait3A_252 = arith.constant 3 : i32
      %dma_wait3A_253 = arith.constant 0 : i32
      %dma_wait3A_254 = tpu.memref_slice %arg6[%dma_wait3A_252, %dma_wait3A_253] : memref<16x128xi32, #tpu.memory_space<vmem>> -> memref<1x128xi32, #tpu.memory_space<vmem>>
      %dma_wait3A_255 = tpu.memref_squeeze %dma_wait3A_254 : memref<1x128xi32, #tpu.memory_space<vmem>> -> memref<128xi32, #tpu.memory_space<vmem>>
      %dma_wait3A_256 = arith.constant 0 : i32
      %dma_wait3A_257 = arith.constant 0 : i32
      %dma_wait3A_258 = tpu.memref_slice %arg2[%dma_wait3A_256, %dma_wait3A_257] : memref<100000x16xf32, #tpu.memory_space<hbm>> -> memref<100000x16xf32, #tpu.memory_space<hbm>>
      tpu.wait_indirect_dma semaphore(%arg21 : memref<!tpu.dma_semaphore, #tpu.memory_space<semaphore_mem>>) src(%dma_wait3A_258 : memref<100000x16xf32, #tpu.memory_space<hbm>>) dst(%arg11 : memref<128x16xf32, #tpu.memory_space<vmem>>)
      %run_scoped3A_259 = arith.constant 3 : i32
      "tpu.region"() ({
        %run_scoped3A_392 = tpu.sem_alloc : memref<!tpu.dma_semaphore, #tpu.memory_space<semaphore_mem>>
        %dma_start3A_393 = arith.constant 0 : i32
        %dma_start3A_394 = tpu.memref_slice %arg7[%run_scoped3A_259, %dma_start3A_393] : memref<16x128xi32, #tpu.memory_space<vmem>> -> memref<1x128xi32, #tpu.memory_space<vmem>>
        %dma_start3A_395 = tpu.memref_squeeze %dma_start3A_394 : memref<1x128xi32, #tpu.memory_space<vmem>> -> memref<128xi32, #tpu.memory_space<vmem>>
        %dma_start3A_396 = arith.constant 0 : i32
        %dma_start3A_397 = arith.constant 0 : i32
        %dma_start3A_398 = tpu.memref_slice %arg17[%dma_start3A_396, %dma_start3A_397] : memref<100352x16xf32, #tpu.memory_space<vmem_shared>> -> memref<100352x16xf32, #tpu.memory_space<vmem_shared>>
        tpu.enqueue_indirect_dma source(%arg11 : memref<128x16xf32, #tpu.memory_space<vmem>>) target(%dma_start3A_398 : memref<100352x16xf32, #tpu.memory_space<vmem_shared>>) offsets(%dma_start3A_395 : memref<128xi32, #tpu.memory_space<vmem>>) semaphore(%run_scoped3A_392 : memref<!tpu.dma_semaphore, #tpu.memory_space<semaphore_mem>>) {add = true}
        %dma_wait3A_399 = arith.constant 0 : i32
        %dma_wait3A_400 = tpu.memref_slice %arg7[%run_scoped3A_259, %dma_wait3A_399] : memref<16x128xi32, #tpu.memory_space<vmem>> -> memref<1x128xi32, #tpu.memory_space<vmem>>
        %dma_wait3A_401 = tpu.memref_squeeze %dma_wait3A_400 : memref<1x128xi32, #tpu.memory_space<vmem>> -> memref<128xi32, #tpu.memory_space<vmem>>
        %dma_wait3A_402 = arith.constant 0 : i32
        %dma_wait3A_403 = arith.constant 0 : i32
        %dma_wait3A_404 = tpu.memref_slice %arg17[%dma_wait3A_402, %dma_wait3A_403] : memref<100352x16xf32, #tpu.memory_space<vmem_shared>> -> memref<100352x16xf32, #tpu.memory_space<vmem_shared>>
        tpu.wait_indirect_dma semaphore(%run_scoped3A_392 : memref<!tpu.dma_semaphore, #tpu.memory_space<semaphore_mem>>) src(%arg11 : memref<128x16xf32, #tpu.memory_space<vmem>>) dst(%dma_wait3A_404 : memref<100352x16xf32, #tpu.memory_space<vmem_shared>>)
        tpu.yield
      }) : () -> ()
      %dma_start3A_260 = arith.constant 11 : i32
      %dma_start3A_261 = arith.constant 0 : i32
      %dma_start3A_262 = tpu.memref_slice %arg6[%dma_start3A_260, %dma_start3A_261] : memref<16x128xi32, #tpu.memory_space<vmem>> -> memref<1x128xi32, #tpu.memory_space<vmem>>
      %dma_start3A_263 = tpu.memref_squeeze %dma_start3A_262 : memref<1x128xi32, #tpu.memory_space<vmem>> -> memref<128xi32, #tpu.memory_space<vmem>>
      %dma_start3A_264 = arith.constant 0 : i32
      %dma_start3A_265 = arith.constant 0 : i32
      %dma_start3A_266 = tpu.memref_slice %arg2[%dma_start3A_264, %dma_start3A_265] : memref<100000x16xf32, #tpu.memory_space<hbm>> -> memref<100000x16xf32, #tpu.memory_space<hbm>>
      tpu.enqueue_indirect_dma source(%dma_start3A_266 : memref<100000x16xf32, #tpu.memory_space<hbm>>) target(%arg11 : memref<128x16xf32, #tpu.memory_space<vmem>>) offsets(%dma_start3A_263 : memref<128xi32, #tpu.memory_space<vmem>>) semaphore(%arg21 : memref<!tpu.dma_semaphore, #tpu.memory_space<semaphore_mem>>)
      %dma_wait3A_267 = arith.constant 4 : i32
      %dma_wait3A_268 = arith.constant 0 : i32
      %dma_wait3A_269 = tpu.memref_slice %arg6[%dma_wait3A_267, %dma_wait3A_268] : memref<16x128xi32, #tpu.memory_space<vmem>> -> memref<1x128xi32, #tpu.memory_space<vmem>>
      %dma_wait3A_270 = tpu.memref_squeeze %dma_wait3A_269 : memref<1x128xi32, #tpu.memory_space<vmem>> -> memref<128xi32, #tpu.memory_space<vmem>>
      %dma_wait3A_271 = arith.constant 0 : i32
      %dma_wait3A_272 = arith.constant 0 : i32
      %dma_wait3A_273 = tpu.memref_slice %arg2[%dma_wait3A_271, %dma_wait3A_272] : memref<100000x16xf32, #tpu.memory_space<hbm>> -> memref<100000x16xf32, #tpu.memory_space<hbm>>
      tpu.wait_indirect_dma semaphore(%arg22 : memref<!tpu.dma_semaphore, #tpu.memory_space<semaphore_mem>>) src(%dma_wait3A_273 : memref<100000x16xf32, #tpu.memory_space<hbm>>) dst(%arg12 : memref<128x16xf32, #tpu.memory_space<vmem>>)
      %run_scoped3A_274 = arith.constant 4 : i32
      "tpu.region"() ({
        %run_scoped3A_392 = tpu.sem_alloc : memref<!tpu.dma_semaphore, #tpu.memory_space<semaphore_mem>>
        %dma_start3A_393 = arith.constant 0 : i32
        %dma_start3A_394 = tpu.memref_slice %arg7[%run_scoped3A_274, %dma_start3A_393] : memref<16x128xi32, #tpu.memory_space<vmem>> -> memref<1x128xi32, #tpu.memory_space<vmem>>
        %dma_start3A_395 = tpu.memref_squeeze %dma_start3A_394 : memref<1x128xi32, #tpu.memory_space<vmem>> -> memref<128xi32, #tpu.memory_space<vmem>>
        %dma_start3A_396 = arith.constant 0 : i32
        %dma_start3A_397 = arith.constant 0 : i32
        %dma_start3A_398 = tpu.memref_slice %arg17[%dma_start3A_396, %dma_start3A_397] : memref<100352x16xf32, #tpu.memory_space<vmem_shared>> -> memref<100352x16xf32, #tpu.memory_space<vmem_shared>>
        tpu.enqueue_indirect_dma source(%arg12 : memref<128x16xf32, #tpu.memory_space<vmem>>) target(%dma_start3A_398 : memref<100352x16xf32, #tpu.memory_space<vmem_shared>>) offsets(%dma_start3A_395 : memref<128xi32, #tpu.memory_space<vmem>>) semaphore(%run_scoped3A_392 : memref<!tpu.dma_semaphore, #tpu.memory_space<semaphore_mem>>) {add = true}
        %dma_wait3A_399 = arith.constant 0 : i32
        %dma_wait3A_400 = tpu.memref_slice %arg7[%run_scoped3A_274, %dma_wait3A_399] : memref<16x128xi32, #tpu.memory_space<vmem>> -> memref<1x128xi32, #tpu.memory_space<vmem>>
        %dma_wait3A_401 = tpu.memref_squeeze %dma_wait3A_400 : memref<1x128xi32, #tpu.memory_space<vmem>> -> memref<128xi32, #tpu.memory_space<vmem>>
        %dma_wait3A_402 = arith.constant 0 : i32
        %dma_wait3A_403 = arith.constant 0 : i32
        %dma_wait3A_404 = tpu.memref_slice %arg17[%dma_wait3A_402, %dma_wait3A_403] : memref<100352x16xf32, #tpu.memory_space<vmem_shared>> -> memref<100352x16xf32, #tpu.memory_space<vmem_shared>>
        tpu.wait_indirect_dma semaphore(%run_scoped3A_392 : memref<!tpu.dma_semaphore, #tpu.memory_space<semaphore_mem>>) src(%arg12 : memref<128x16xf32, #tpu.memory_space<vmem>>) dst(%dma_wait3A_404 : memref<100352x16xf32, #tpu.memory_space<vmem_shared>>)
        tpu.yield
      }) : () -> ()
      %dma_start3A_275 = arith.constant 12 : i32
      %dma_start3A_276 = arith.constant 0 : i32
      %dma_start3A_277 = tpu.memref_slice %arg6[%dma_start3A_275, %dma_start3A_276] : memref<16x128xi32, #tpu.memory_space<vmem>> -> memref<1x128xi32, #tpu.memory_space<vmem>>
      %dma_start3A_278 = tpu.memref_squeeze %dma_start3A_277 : memref<1x128xi32, #tpu.memory_space<vmem>> -> memref<128xi32, #tpu.memory_space<vmem>>
      %dma_start3A_279 = arith.constant 0 : i32
      %dma_start3A_280 = arith.constant 0 : i32
      %dma_start3A_281 = tpu.memref_slice %arg2[%dma_start3A_279, %dma_start3A_280] : memref<100000x16xf32, #tpu.memory_space<hbm>> -> memref<100000x16xf32, #tpu.memory_space<hbm>>
      tpu.enqueue_indirect_dma source(%dma_start3A_281 : memref<100000x16xf32, #tpu.memory_space<hbm>>) target(%arg12 : memref<128x16xf32, #tpu.memory_space<vmem>>) offsets(%dma_start3A_278 : memref<128xi32, #tpu.memory_space<vmem>>) semaphore(%arg22 : memref<!tpu.dma_semaphore, #tpu.memory_space<semaphore_mem>>)
      %dma_wait3A_282 = arith.constant 5 : i32
      %dma_wait3A_283 = arith.constant 0 : i32
      %dma_wait3A_284 = tpu.memref_slice %arg6[%dma_wait3A_282, %dma_wait3A_283] : memref<16x128xi32, #tpu.memory_space<vmem>> -> memref<1x128xi32, #tpu.memory_space<vmem>>
      %dma_wait3A_285 = tpu.memref_squeeze %dma_wait3A_284 : memref<1x128xi32, #tpu.memory_space<vmem>> -> memref<128xi32, #tpu.memory_space<vmem>>
      %dma_wait3A_286 = arith.constant 0 : i32
      %dma_wait3A_287 = arith.constant 0 : i32
      %dma_wait3A_288 = tpu.memref_slice %arg2[%dma_wait3A_286, %dma_wait3A_287] : memref<100000x16xf32, #tpu.memory_space<hbm>> -> memref<100000x16xf32, #tpu.memory_space<hbm>>
      tpu.wait_indirect_dma semaphore(%arg23 : memref<!tpu.dma_semaphore, #tpu.memory_space<semaphore_mem>>) src(%dma_wait3A_288 : memref<100000x16xf32, #tpu.memory_space<hbm>>) dst(%arg13 : memref<128x16xf32, #tpu.memory_space<vmem>>)
      %run_scoped3A_289 = arith.constant 5 : i32
      "tpu.region"() ({
        %run_scoped3A_392 = tpu.sem_alloc : memref<!tpu.dma_semaphore, #tpu.memory_space<semaphore_mem>>
        %dma_start3A_393 = arith.constant 0 : i32
        %dma_start3A_394 = tpu.memref_slice %arg7[%run_scoped3A_289, %dma_start3A_393] : memref<16x128xi32, #tpu.memory_space<vmem>> -> memref<1x128xi32, #tpu.memory_space<vmem>>
        %dma_start3A_395 = tpu.memref_squeeze %dma_start3A_394 : memref<1x128xi32, #tpu.memory_space<vmem>> -> memref<128xi32, #tpu.memory_space<vmem>>
        %dma_start3A_396 = arith.constant 0 : i32
        %dma_start3A_397 = arith.constant 0 : i32
        %dma_start3A_398 = tpu.memref_slice %arg17[%dma_start3A_396, %dma_start3A_397] : memref<100352x16xf32, #tpu.memory_space<vmem_shared>> -> memref<100352x16xf32, #tpu.memory_space<vmem_shared>>
        tpu.enqueue_indirect_dma source(%arg13 : memref<128x16xf32, #tpu.memory_space<vmem>>) target(%dma_start3A_398 : memref<100352x16xf32, #tpu.memory_space<vmem_shared>>) offsets(%dma_start3A_395 : memref<128xi32, #tpu.memory_space<vmem>>) semaphore(%run_scoped3A_392 : memref<!tpu.dma_semaphore, #tpu.memory_space<semaphore_mem>>) {add = true}
        %dma_wait3A_399 = arith.constant 0 : i32
        %dma_wait3A_400 = tpu.memref_slice %arg7[%run_scoped3A_289, %dma_wait3A_399] : memref<16x128xi32, #tpu.memory_space<vmem>> -> memref<1x128xi32, #tpu.memory_space<vmem>>
        %dma_wait3A_401 = tpu.memref_squeeze %dma_wait3A_400 : memref<1x128xi32, #tpu.memory_space<vmem>> -> memref<128xi32, #tpu.memory_space<vmem>>
        %dma_wait3A_402 = arith.constant 0 : i32
        %dma_wait3A_403 = arith.constant 0 : i32
        %dma_wait3A_404 = tpu.memref_slice %arg17[%dma_wait3A_402, %dma_wait3A_403] : memref<100352x16xf32, #tpu.memory_space<vmem_shared>> -> memref<100352x16xf32, #tpu.memory_space<vmem_shared>>
        tpu.wait_indirect_dma semaphore(%run_scoped3A_392 : memref<!tpu.dma_semaphore, #tpu.memory_space<semaphore_mem>>) src(%arg13 : memref<128x16xf32, #tpu.memory_space<vmem>>) dst(%dma_wait3A_404 : memref<100352x16xf32, #tpu.memory_space<vmem_shared>>)
        tpu.yield
      }) : () -> ()
      %dma_start3A_290 = arith.constant 13 : i32
      %dma_start3A_291 = arith.constant 0 : i32
      %dma_start3A_292 = tpu.memref_slice %arg6[%dma_start3A_290, %dma_start3A_291] : memref<16x128xi32, #tpu.memory_space<vmem>> -> memref<1x128xi32, #tpu.memory_space<vmem>>
      %dma_start3A_293 = tpu.memref_squeeze %dma_start3A_292 : memref<1x128xi32, #tpu.memory_space<vmem>> -> memref<128xi32, #tpu.memory_space<vmem>>
      %dma_start3A_294 = arith.constant 0 : i32
      %dma_start3A_295 = arith.constant 0 : i32
      %dma_start3A_296 = tpu.memref_slice %arg2[%dma_start3A_294, %dma_start3A_295] : memref<100000x16xf32, #tpu.memory_space<hbm>> -> memref<100000x16xf32, #tpu.memory_space<hbm>>
      tpu.enqueue_indirect_dma source(%dma_start3A_296 : memref<100000x16xf32, #tpu.memory_space<hbm>>) target(%arg13 : memref<128x16xf32, #tpu.memory_space<vmem>>) offsets(%dma_start3A_293 : memref<128xi32, #tpu.memory_space<vmem>>) semaphore(%arg23 : memref<!tpu.dma_semaphore, #tpu.memory_space<semaphore_mem>>)
      %dma_wait3A_297 = arith.constant 6 : i32
      %dma_wait3A_298 = arith.constant 0 : i32
      %dma_wait3A_299 = tpu.memref_slice %arg6[%dma_wait3A_297, %dma_wait3A_298] : memref<16x128xi32, #tpu.memory_space<vmem>> -> memref<1x128xi32, #tpu.memory_space<vmem>>
      %dma_wait3A_300 = tpu.memref_squeeze %dma_wait3A_299 : memref<1x128xi32, #tpu.memory_space<vmem>> -> memref<128xi32, #tpu.memory_space<vmem>>
      %dma_wait3A_301 = arith.constant 0 : i32
      %dma_wait3A_302 = arith.constant 0 : i32
      %dma_wait3A_303 = tpu.memref_slice %arg2[%dma_wait3A_301, %dma_wait3A_302] : memref<100000x16xf32, #tpu.memory_space<hbm>> -> memref<100000x16xf32, #tpu.memory_space<hbm>>
      tpu.wait_indirect_dma semaphore(%arg24 : memref<!tpu.dma_semaphore, #tpu.memory_space<semaphore_mem>>) src(%dma_wait3A_303 : memref<100000x16xf32, #tpu.memory_space<hbm>>) dst(%arg14 : memref<128x16xf32, #tpu.memory_space<vmem>>)
      %run_scoped3A_304 = arith.constant 6 : i32
      "tpu.region"() ({
        %run_scoped3A_392 = tpu.sem_alloc : memref<!tpu.dma_semaphore, #tpu.memory_space<semaphore_mem>>
        %dma_start3A_393 = arith.constant 0 : i32
        %dma_start3A_394 = tpu.memref_slice %arg7[%run_scoped3A_304, %dma_start3A_393] : memref<16x128xi32, #tpu.memory_space<vmem>> -> memref<1x128xi32, #tpu.memory_space<vmem>>
        %dma_start3A_395 = tpu.memref_squeeze %dma_start3A_394 : memref<1x128xi32, #tpu.memory_space<vmem>> -> memref<128xi32, #tpu.memory_space<vmem>>
        %dma_start3A_396 = arith.constant 0 : i32
        %dma_start3A_397 = arith.constant 0 : i32
        %dma_start3A_398 = tpu.memref_slice %arg17[%dma_start3A_396, %dma_start3A_397] : memref<100352x16xf32, #tpu.memory_space<vmem_shared>> -> memref<100352x16xf32, #tpu.memory_space<vmem_shared>>
        tpu.enqueue_indirect_dma source(%arg14 : memref<128x16xf32, #tpu.memory_space<vmem>>) target(%dma_start3A_398 : memref<100352x16xf32, #tpu.memory_space<vmem_shared>>) offsets(%dma_start3A_395 : memref<128xi32, #tpu.memory_space<vmem>>) semaphore(%run_scoped3A_392 : memref<!tpu.dma_semaphore, #tpu.memory_space<semaphore_mem>>) {add = true}
        %dma_wait3A_399 = arith.constant 0 : i32
        %dma_wait3A_400 = tpu.memref_slice %arg7[%run_scoped3A_304, %dma_wait3A_399] : memref<16x128xi32, #tpu.memory_space<vmem>> -> memref<1x128xi32, #tpu.memory_space<vmem>>
        %dma_wait3A_401 = tpu.memref_squeeze %dma_wait3A_400 : memref<1x128xi32, #tpu.memory_space<vmem>> -> memref<128xi32, #tpu.memory_space<vmem>>
        %dma_wait3A_402 = arith.constant 0 : i32
        %dma_wait3A_403 = arith.constant 0 : i32
        %dma_wait3A_404 = tpu.memref_slice %arg17[%dma_wait3A_402, %dma_wait3A_403] : memref<100352x16xf32, #tpu.memory_space<vmem_shared>> -> memref<100352x16xf32, #tpu.memory_space<vmem_shared>>
        tpu.wait_indirect_dma semaphore(%run_scoped3A_392 : memref<!tpu.dma_semaphore, #tpu.memory_space<semaphore_mem>>) src(%arg14 : memref<128x16xf32, #tpu.memory_space<vmem>>) dst(%dma_wait3A_404 : memref<100352x16xf32, #tpu.memory_space<vmem_shared>>)
        tpu.yield
      }) : () -> ()
      %dma_start3A_305 = arith.constant 14 : i32
      %dma_start3A_306 = arith.constant 0 : i32
      %dma_start3A_307 = tpu.memref_slice %arg6[%dma_start3A_305, %dma_start3A_306] : memref<16x128xi32, #tpu.memory_space<vmem>> -> memref<1x128xi32, #tpu.memory_space<vmem>>
      %dma_start3A_308 = tpu.memref_squeeze %dma_start3A_307 : memref<1x128xi32, #tpu.memory_space<vmem>> -> memref<128xi32, #tpu.memory_space<vmem>>
      %dma_start3A_309 = arith.constant 0 : i32
      %dma_start3A_310 = arith.constant 0 : i32
      %dma_start3A_311 = tpu.memref_slice %arg2[%dma_start3A_309, %dma_start3A_310] : memref<100000x16xf32, #tpu.memory_space<hbm>> -> memref<100000x16xf32, #tpu.memory_space<hbm>>
      tpu.enqueue_indirect_dma source(%dma_start3A_311 : memref<100000x16xf32, #tpu.memory_space<hbm>>) target(%arg14 : memref<128x16xf32, #tpu.memory_space<vmem>>) offsets(%dma_start3A_308 : memref<128xi32, #tpu.memory_space<vmem>>) semaphore(%arg24 : memref<!tpu.dma_semaphore, #tpu.memory_space<semaphore_mem>>)
      %dma_wait3A_312 = arith.constant 7 : i32
      %dma_wait3A_313 = arith.constant 0 : i32
      %dma_wait3A_314 = tpu.memref_slice %arg6[%dma_wait3A_312, %dma_wait3A_313] : memref<16x128xi32, #tpu.memory_space<vmem>> -> memref<1x128xi32, #tpu.memory_space<vmem>>
      %dma_wait3A_315 = tpu.memref_squeeze %dma_wait3A_314 : memref<1x128xi32, #tpu.memory_space<vmem>> -> memref<128xi32, #tpu.memory_space<vmem>>
      %dma_wait3A_316 = arith.constant 0 : i32
      %dma_wait3A_317 = arith.constant 0 : i32
      %dma_wait3A_318 = tpu.memref_slice %arg2[%dma_wait3A_316, %dma_wait3A_317] : memref<100000x16xf32, #tpu.memory_space<hbm>> -> memref<100000x16xf32, #tpu.memory_space<hbm>>
      tpu.wait_indirect_dma semaphore(%arg25 : memref<!tpu.dma_semaphore, #tpu.memory_space<semaphore_mem>>) src(%dma_wait3A_318 : memref<100000x16xf32, #tpu.memory_space<hbm>>) dst(%arg15 : memref<128x16xf32, #tpu.memory_space<vmem>>)
      %run_scoped3A_319 = arith.constant 7 : i32
      "tpu.region"() ({
        %run_scoped3A_392 = tpu.sem_alloc : memref<!tpu.dma_semaphore, #tpu.memory_space<semaphore_mem>>
        %dma_start3A_393 = arith.constant 0 : i32
        %dma_start3A_394 = tpu.memref_slice %arg7[%run_scoped3A_319, %dma_start3A_393] : memref<16x128xi32, #tpu.memory_space<vmem>> -> memref<1x128xi32, #tpu.memory_space<vmem>>
        %dma_start3A_395 = tpu.memref_squeeze %dma_start3A_394 : memref<1x128xi32, #tpu.memory_space<vmem>> -> memref<128xi32, #tpu.memory_space<vmem>>
        %dma_start3A_396 = arith.constant 0 : i32
        %dma_start3A_397 = arith.constant 0 : i32
        %dma_start3A_398 = tpu.memref_slice %arg17[%dma_start3A_396, %dma_start3A_397] : memref<100352x16xf32, #tpu.memory_space<vmem_shared>> -> memref<100352x16xf32, #tpu.memory_space<vmem_shared>>
        tpu.enqueue_indirect_dma source(%arg15 : memref<128x16xf32, #tpu.memory_space<vmem>>) target(%dma_start3A_398 : memref<100352x16xf32, #tpu.memory_space<vmem_shared>>) offsets(%dma_start3A_395 : memref<128xi32, #tpu.memory_space<vmem>>) semaphore(%run_scoped3A_392 : memref<!tpu.dma_semaphore, #tpu.memory_space<semaphore_mem>>) {add = true}
        %dma_wait3A_399 = arith.constant 0 : i32
        %dma_wait3A_400 = tpu.memref_slice %arg7[%run_scoped3A_319, %dma_wait3A_399] : memref<16x128xi32, #tpu.memory_space<vmem>> -> memref<1x128xi32, #tpu.memory_space<vmem>>
        %dma_wait3A_401 = tpu.memref_squeeze %dma_wait3A_400 : memref<1x128xi32, #tpu.memory_space<vmem>> -> memref<128xi32, #tpu.memory_space<vmem>>
        %dma_wait3A_402 = arith.constant 0 : i32
        %dma_wait3A_403 = arith.constant 0 : i32
        %dma_wait3A_404 = tpu.memref_slice %arg17[%dma_wait3A_402, %dma_wait3A_403] : memref<100352x16xf32, #tpu.memory_space<vmem_shared>> -> memref<100352x16xf32, #tpu.memory_space<vmem_shared>>
        tpu.wait_indirect_dma semaphore(%run_scoped3A_392 : memref<!tpu.dma_semaphore, #tpu.memory_space<semaphore_mem>>) src(%arg15 : memref<128x16xf32, #tpu.memory_space<vmem>>) dst(%dma_wait3A_404 : memref<100352x16xf32, #tpu.memory_space<vmem_shared>>)
        tpu.yield
      }) : () -> ()
      %dma_start3A_320 = arith.constant 15 : i32
      %dma_start3A_321 = arith.constant 0 : i32
      %dma_start3A_322 = tpu.memref_slice %arg6[%dma_start3A_320, %dma_start3A_321] : memref<16x128xi32, #tpu.memory_space<vmem>> -> memref<1x128xi32, #tpu.memory_space<vmem>>
      %dma_start3A_323 = tpu.memref_squeeze %dma_start3A_322 : memref<1x128xi32, #tpu.memory_space<vmem>> -> memref<128xi32, #tpu.memory_space<vmem>>
      %dma_start3A_324 = arith.constant 0 : i32
      %dma_start3A_325 = arith.constant 0 : i32
      %dma_start3A_326 = tpu.memref_slice %arg2[%dma_start3A_324, %dma_start3A_325] : memref<100000x16xf32, #tpu.memory_space<hbm>> -> memref<100000x16xf32, #tpu.memory_space<hbm>>
      tpu.enqueue_indirect_dma source(%dma_start3A_326 : memref<100000x16xf32, #tpu.memory_space<hbm>>) target(%arg15 : memref<128x16xf32, #tpu.memory_space<vmem>>) offsets(%dma_start3A_323 : memref<128xi32, #tpu.memory_space<vmem>>) semaphore(%arg25 : memref<!tpu.dma_semaphore, #tpu.memory_space<semaphore_mem>>)
      %dma_wait3A_327 = arith.constant 8 : i32
      %dma_wait3A_328 = arith.constant 0 : i32
      %dma_wait3A_329 = tpu.memref_slice %arg6[%dma_wait3A_327, %dma_wait3A_328] : memref<16x128xi32, #tpu.memory_space<vmem>> -> memref<1x128xi32, #tpu.memory_space<vmem>>
      %dma_wait3A_330 = tpu.memref_squeeze %dma_wait3A_329 : memref<1x128xi32, #tpu.memory_space<vmem>> -> memref<128xi32, #tpu.memory_space<vmem>>
      %dma_wait3A_331 = arith.constant 0 : i32
      %dma_wait3A_332 = arith.constant 0 : i32
      %dma_wait3A_333 = tpu.memref_slice %arg2[%dma_wait3A_331, %dma_wait3A_332] : memref<100000x16xf32, #tpu.memory_space<hbm>> -> memref<100000x16xf32, #tpu.memory_space<hbm>>
      tpu.wait_indirect_dma semaphore(%arg18 : memref<!tpu.dma_semaphore, #tpu.memory_space<semaphore_mem>>) src(%dma_wait3A_333 : memref<100000x16xf32, #tpu.memory_space<hbm>>) dst(%arg8 : memref<128x16xf32, #tpu.memory_space<vmem>>)
      %run_scoped3A_334 = arith.constant 8 : i32
      "tpu.region"() ({
        %run_scoped3A_392 = tpu.sem_alloc : memref<!tpu.dma_semaphore, #tpu.memory_space<semaphore_mem>>
        %dma_start3A_393 = arith.constant 0 : i32
        %dma_start3A_394 = tpu.memref_slice %arg7[%run_scoped3A_334, %dma_start3A_393] : memref<16x128xi32, #tpu.memory_space<vmem>> -> memref<1x128xi32, #tpu.memory_space<vmem>>
        %dma_start3A_395 = tpu.memref_squeeze %dma_start3A_394 : memref<1x128xi32, #tpu.memory_space<vmem>> -> memref<128xi32, #tpu.memory_space<vmem>>
        %dma_start3A_396 = arith.constant 0 : i32
        %dma_start3A_397 = arith.constant 0 : i32
        %dma_start3A_398 = tpu.memref_slice %arg17[%dma_start3A_396, %dma_start3A_397] : memref<100352x16xf32, #tpu.memory_space<vmem_shared>> -> memref<100352x16xf32, #tpu.memory_space<vmem_shared>>
        tpu.enqueue_indirect_dma source(%arg8 : memref<128x16xf32, #tpu.memory_space<vmem>>) target(%dma_start3A_398 : memref<100352x16xf32, #tpu.memory_space<vmem_shared>>) offsets(%dma_start3A_395 : memref<128xi32, #tpu.memory_space<vmem>>) semaphore(%run_scoped3A_392 : memref<!tpu.dma_semaphore, #tpu.memory_space<semaphore_mem>>) {add = true}
        %dma_wait3A_399 = arith.constant 0 : i32
        %dma_wait3A_400 = tpu.memref_slice %arg7[%run_scoped3A_334, %dma_wait3A_399] : memref<16x128xi32, #tpu.memory_space<vmem>> -> memref<1x128xi32, #tpu.memory_space<vmem>>
        %dma_wait3A_401 = tpu.memref_squeeze %dma_wait3A_400 : memref<1x128xi32, #tpu.memory_space<vmem>> -> memref<128xi32, #tpu.memory_space<vmem>>
        %dma_wait3A_402 = arith.constant 0 : i32
        %dma_wait3A_403 = arith.constant 0 : i32
        %dma_wait3A_404 = tpu.memref_slice %arg17[%dma_wait3A_402, %dma_wait3A_403] : memref<100352x16xf32, #tpu.memory_space<vmem_shared>> -> memref<100352x16xf32, #tpu.memory_space<vmem_shared>>
        tpu.wait_indirect_dma semaphore(%run_scoped3A_392 : memref<!tpu.dma_semaphore, #tpu.memory_space<semaphore_mem>>) src(%arg8 : memref<128x16xf32, #tpu.memory_space<vmem>>) dst(%dma_wait3A_404 : memref<100352x16xf32, #tpu.memory_space<vmem_shared>>)
        tpu.yield
      }) : () -> ()
      %dma_wait3A_335 = arith.constant 9 : i32
      %dma_wait3A_336 = arith.constant 0 : i32
      %dma_wait3A_337 = tpu.memref_slice %arg6[%dma_wait3A_335, %dma_wait3A_336] : memref<16x128xi32, #tpu.memory_space<vmem>> -> memref<1x128xi32, #tpu.memory_space<vmem>>
      %dma_wait3A_338 = tpu.memref_squeeze %dma_wait3A_337 : memref<1x128xi32, #tpu.memory_space<vmem>> -> memref<128xi32, #tpu.memory_space<vmem>>
      %dma_wait3A_339 = arith.constant 0 : i32
      %dma_wait3A_340 = arith.constant 0 : i32
      %dma_wait3A_341 = tpu.memref_slice %arg2[%dma_wait3A_339, %dma_wait3A_340] : memref<100000x16xf32, #tpu.memory_space<hbm>> -> memref<100000x16xf32, #tpu.memory_space<hbm>>
      tpu.wait_indirect_dma semaphore(%arg19 : memref<!tpu.dma_semaphore, #tpu.memory_space<semaphore_mem>>) src(%dma_wait3A_341 : memref<100000x16xf32, #tpu.memory_space<hbm>>) dst(%arg9 : memref<128x16xf32, #tpu.memory_space<vmem>>)
      %run_scoped3A_342 = arith.constant 9 : i32
      "tpu.region"() ({
        %run_scoped3A_392 = tpu.sem_alloc : memref<!tpu.dma_semaphore, #tpu.memory_space<semaphore_mem>>
        %dma_start3A_393 = arith.constant 0 : i32
        %dma_start3A_394 = tpu.memref_slice %arg7[%run_scoped3A_342, %dma_start3A_393] : memref<16x128xi32, #tpu.memory_space<vmem>> -> memref<1x128xi32, #tpu.memory_space<vmem>>
        %dma_start3A_395 = tpu.memref_squeeze %dma_start3A_394 : memref<1x128xi32, #tpu.memory_space<vmem>> -> memref<128xi32, #tpu.memory_space<vmem>>
        %dma_start3A_396 = arith.constant 0 : i32
        %dma_start3A_397 = arith.constant 0 : i32
        %dma_start3A_398 = tpu.memref_slice %arg17[%dma_start3A_396, %dma_start3A_397] : memref<100352x16xf32, #tpu.memory_space<vmem_shared>> -> memref<100352x16xf32, #tpu.memory_space<vmem_shared>>
        tpu.enqueue_indirect_dma source(%arg9 : memref<128x16xf32, #tpu.memory_space<vmem>>) target(%dma_start3A_398 : memref<100352x16xf32, #tpu.memory_space<vmem_shared>>) offsets(%dma_start3A_395 : memref<128xi32, #tpu.memory_space<vmem>>) semaphore(%run_scoped3A_392 : memref<!tpu.dma_semaphore, #tpu.memory_space<semaphore_mem>>) {add = true}
        %dma_wait3A_399 = arith.constant 0 : i32
        %dma_wait3A_400 = tpu.memref_slice %arg7[%run_scoped3A_342, %dma_wait3A_399] : memref<16x128xi32, #tpu.memory_space<vmem>> -> memref<1x128xi32, #tpu.memory_space<vmem>>
        %dma_wait3A_401 = tpu.memref_squeeze %dma_wait3A_400 : memref<1x128xi32, #tpu.memory_space<vmem>> -> memref<128xi32, #tpu.memory_space<vmem>>
        %dma_wait3A_402 = arith.constant 0 : i32
        %dma_wait3A_403 = arith.constant 0 : i32
        %dma_wait3A_404 = tpu.memref_slice %arg17[%dma_wait3A_402, %dma_wait3A_403] : memref<100352x16xf32, #tpu.memory_space<vmem_shared>> -> memref<100352x16xf32, #tpu.memory_space<vmem_shared>>
        tpu.wait_indirect_dma semaphore(%run_scoped3A_392 : memref<!tpu.dma_semaphore, #tpu.memory_space<semaphore_mem>>) src(%arg9 : memref<128x16xf32, #tpu.memory_space<vmem>>) dst(%dma_wait3A_404 : memref<100352x16xf32, #tpu.memory_space<vmem_shared>>)
        tpu.yield
      }) : () -> ()
      %dma_wait3A_343 = arith.constant 10 : i32
      %dma_wait3A_344 = arith.constant 0 : i32
      %dma_wait3A_345 = tpu.memref_slice %arg6[%dma_wait3A_343, %dma_wait3A_344] : memref<16x128xi32, #tpu.memory_space<vmem>> -> memref<1x128xi32, #tpu.memory_space<vmem>>
      %dma_wait3A_346 = tpu.memref_squeeze %dma_wait3A_345 : memref<1x128xi32, #tpu.memory_space<vmem>> -> memref<128xi32, #tpu.memory_space<vmem>>
      %dma_wait3A_347 = arith.constant 0 : i32
      %dma_wait3A_348 = arith.constant 0 : i32
      %dma_wait3A_349 = tpu.memref_slice %arg2[%dma_wait3A_347, %dma_wait3A_348] : memref<100000x16xf32, #tpu.memory_space<hbm>> -> memref<100000x16xf32, #tpu.memory_space<hbm>>
      tpu.wait_indirect_dma semaphore(%arg20 : memref<!tpu.dma_semaphore, #tpu.memory_space<semaphore_mem>>) src(%dma_wait3A_349 : memref<100000x16xf32, #tpu.memory_space<hbm>>) dst(%arg10 : memref<128x16xf32, #tpu.memory_space<vmem>>)
      %run_scoped3A_350 = arith.constant 10 : i32
      "tpu.region"() ({
        %run_scoped3A_392 = tpu.sem_alloc : memref<!tpu.dma_semaphore, #tpu.memory_space<semaphore_mem>>
        %dma_start3A_393 = arith.constant 0 : i32
        %dma_start3A_394 = tpu.memref_slice %arg7[%run_scoped3A_350, %dma_start3A_393] : memref<16x128xi32, #tpu.memory_space<vmem>> -> memref<1x128xi32, #tpu.memory_space<vmem>>
        %dma_start3A_395 = tpu.memref_squeeze %dma_start3A_394 : memref<1x128xi32, #tpu.memory_space<vmem>> -> memref<128xi32, #tpu.memory_space<vmem>>
        %dma_start3A_396 = arith.constant 0 : i32
        %dma_start3A_397 = arith.constant 0 : i32
        %dma_start3A_398 = tpu.memref_slice %arg17[%dma_start3A_396, %dma_start3A_397] : memref<100352x16xf32, #tpu.memory_space<vmem_shared>> -> memref<100352x16xf32, #tpu.memory_space<vmem_shared>>
        tpu.enqueue_indirect_dma source(%arg10 : memref<128x16xf32, #tpu.memory_space<vmem>>) target(%dma_start3A_398 : memref<100352x16xf32, #tpu.memory_space<vmem_shared>>) offsets(%dma_start3A_395 : memref<128xi32, #tpu.memory_space<vmem>>) semaphore(%run_scoped3A_392 : memref<!tpu.dma_semaphore, #tpu.memory_space<semaphore_mem>>) {add = true}
        %dma_wait3A_399 = arith.constant 0 : i32
        %dma_wait3A_400 = tpu.memref_slice %arg7[%run_scoped3A_350, %dma_wait3A_399] : memref<16x128xi32, #tpu.memory_space<vmem>> -> memref<1x128xi32, #tpu.memory_space<vmem>>
        %dma_wait3A_401 = tpu.memref_squeeze %dma_wait3A_400 : memref<1x128xi32, #tpu.memory_space<vmem>> -> memref<128xi32, #tpu.memory_space<vmem>>
        %dma_wait3A_402 = arith.constant 0 : i32
        %dma_wait3A_403 = arith.constant 0 : i32
        %dma_wait3A_404 = tpu.memref_slice %arg17[%dma_wait3A_402, %dma_wait3A_403] : memref<100352x16xf32, #tpu.memory_space<vmem_shared>> -> memref<100352x16xf32, #tpu.memory_space<vmem_shared>>
        tpu.wait_indirect_dma semaphore(%run_scoped3A_392 : memref<!tpu.dma_semaphore, #tpu.memory_space<semaphore_mem>>) src(%arg10 : memref<128x16xf32, #tpu.memory_space<vmem>>) dst(%dma_wait3A_404 : memref<100352x16xf32, #tpu.memory_space<vmem_shared>>)
        tpu.yield
      }) : () -> ()
      %dma_wait3A_351 = arith.constant 11 : i32
      %dma_wait3A_352 = arith.constant 0 : i32
      %dma_wait3A_353 = tpu.memref_slice %arg6[%dma_wait3A_351, %dma_wait3A_352] : memref<16x128xi32, #tpu.memory_space<vmem>> -> memref<1x128xi32, #tpu.memory_space<vmem>>
      %dma_wait3A_354 = tpu.memref_squeeze %dma_wait3A_353 : memref<1x128xi32, #tpu.memory_space<vmem>> -> memref<128xi32, #tpu.memory_space<vmem>>
      %dma_wait3A_355 = arith.constant 0 : i32
      %dma_wait3A_356 = arith.constant 0 : i32
      %dma_wait3A_357 = tpu.memref_slice %arg2[%dma_wait3A_355, %dma_wait3A_356] : memref<100000x16xf32, #tpu.memory_space<hbm>> -> memref<100000x16xf32, #tpu.memory_space<hbm>>
      tpu.wait_indirect_dma semaphore(%arg21 : memref<!tpu.dma_semaphore, #tpu.memory_space<semaphore_mem>>) src(%dma_wait3A_357 : memref<100000x16xf32, #tpu.memory_space<hbm>>) dst(%arg11 : memref<128x16xf32, #tpu.memory_space<vmem>>)
      %run_scoped3A_358 = arith.constant 11 : i32
      "tpu.region"() ({
        %run_scoped3A_392 = tpu.sem_alloc : memref<!tpu.dma_semaphore, #tpu.memory_space<semaphore_mem>>
        %dma_start3A_393 = arith.constant 0 : i32
        %dma_start3A_394 = tpu.memref_slice %arg7[%run_scoped3A_358, %dma_start3A_393] : memref<16x128xi32, #tpu.memory_space<vmem>> -> memref<1x128xi32, #tpu.memory_space<vmem>>
        %dma_start3A_395 = tpu.memref_squeeze %dma_start3A_394 : memref<1x128xi32, #tpu.memory_space<vmem>> -> memref<128xi32, #tpu.memory_space<vmem>>
        %dma_start3A_396 = arith.constant 0 : i32
        %dma_start3A_397 = arith.constant 0 : i32
        %dma_start3A_398 = tpu.memref_slice %arg17[%dma_start3A_396, %dma_start3A_397] : memref<100352x16xf32, #tpu.memory_space<vmem_shared>> -> memref<100352x16xf32, #tpu.memory_space<vmem_shared>>
        tpu.enqueue_indirect_dma source(%arg11 : memref<128x16xf32, #tpu.memory_space<vmem>>) target(%dma_start3A_398 : memref<100352x16xf32, #tpu.memory_space<vmem_shared>>) offsets(%dma_start3A_395 : memref<128xi32, #tpu.memory_space<vmem>>) semaphore(%run_scoped3A_392 : memref<!tpu.dma_semaphore, #tpu.memory_space<semaphore_mem>>) {add = true}
        %dma_wait3A_399 = arith.constant 0 : i32
        %dma_wait3A_400 = tpu.memref_slice %arg7[%run_scoped3A_358, %dma_wait3A_399] : memref<16x128xi32, #tpu.memory_space<vmem>> -> memref<1x128xi32, #tpu.memory_space<vmem>>
        %dma_wait3A_401 = tpu.memref_squeeze %dma_wait3A_400 : memref<1x128xi32, #tpu.memory_space<vmem>> -> memref<128xi32, #tpu.memory_space<vmem>>
        %dma_wait3A_402 = arith.constant 0 : i32
        %dma_wait3A_403 = arith.constant 0 : i32
        %dma_wait3A_404 = tpu.memref_slice %arg17[%dma_wait3A_402, %dma_wait3A_403] : memref<100352x16xf32, #tpu.memory_space<vmem_shared>> -> memref<100352x16xf32, #tpu.memory_space<vmem_shared>>
        tpu.wait_indirect_dma semaphore(%run_scoped3A_392 : memref<!tpu.dma_semaphore, #tpu.memory_space<semaphore_mem>>) src(%arg11 : memref<128x16xf32, #tpu.memory_space<vmem>>) dst(%dma_wait3A_404 : memref<100352x16xf32, #tpu.memory_space<vmem_shared>>)
        tpu.yield
      }) : () -> ()
      %dma_wait3A_359 = arith.constant 12 : i32
      %dma_wait3A_360 = arith.constant 0 : i32
      %dma_wait3A_361 = tpu.memref_slice %arg6[%dma_wait3A_359, %dma_wait3A_360] : memref<16x128xi32, #tpu.memory_space<vmem>> -> memref<1x128xi32, #tpu.memory_space<vmem>>
      %dma_wait3A_362 = tpu.memref_squeeze %dma_wait3A_361 : memref<1x128xi32, #tpu.memory_space<vmem>> -> memref<128xi32, #tpu.memory_space<vmem>>
      %dma_wait3A_363 = arith.constant 0 : i32
      %dma_wait3A_364 = arith.constant 0 : i32
      %dma_wait3A_365 = tpu.memref_slice %arg2[%dma_wait3A_363, %dma_wait3A_364] : memref<100000x16xf32, #tpu.memory_space<hbm>> -> memref<100000x16xf32, #tpu.memory_space<hbm>>
      tpu.wait_indirect_dma semaphore(%arg22 : memref<!tpu.dma_semaphore, #tpu.memory_space<semaphore_mem>>) src(%dma_wait3A_365 : memref<100000x16xf32, #tpu.memory_space<hbm>>) dst(%arg12 : memref<128x16xf32, #tpu.memory_space<vmem>>)
      %run_scoped3A_366 = arith.constant 12 : i32
      "tpu.region"() ({
        %run_scoped3A_392 = tpu.sem_alloc : memref<!tpu.dma_semaphore, #tpu.memory_space<semaphore_mem>>
        %dma_start3A_393 = arith.constant 0 : i32
        %dma_start3A_394 = tpu.memref_slice %arg7[%run_scoped3A_366, %dma_start3A_393] : memref<16x128xi32, #tpu.memory_space<vmem>> -> memref<1x128xi32, #tpu.memory_space<vmem>>
        %dma_start3A_395 = tpu.memref_squeeze %dma_start3A_394 : memref<1x128xi32, #tpu.memory_space<vmem>> -> memref<128xi32, #tpu.memory_space<vmem>>
        %dma_start3A_396 = arith.constant 0 : i32
        %dma_start3A_397 = arith.constant 0 : i32
        %dma_start3A_398 = tpu.memref_slice %arg17[%dma_start3A_396, %dma_start3A_397] : memref<100352x16xf32, #tpu.memory_space<vmem_shared>> -> memref<100352x16xf32, #tpu.memory_space<vmem_shared>>
        tpu.enqueue_indirect_dma source(%arg12 : memref<128x16xf32, #tpu.memory_space<vmem>>) target(%dma_start3A_398 : memref<100352x16xf32, #tpu.memory_space<vmem_shared>>) offsets(%dma_start3A_395 : memref<128xi32, #tpu.memory_space<vmem>>) semaphore(%run_scoped3A_392 : memref<!tpu.dma_semaphore, #tpu.memory_space<semaphore_mem>>) {add = true}
        %dma_wait3A_399 = arith.constant 0 : i32
        %dma_wait3A_400 = tpu.memref_slice %arg7[%run_scoped3A_366, %dma_wait3A_399] : memref<16x128xi32, #tpu.memory_space<vmem>> -> memref<1x128xi32, #tpu.memory_space<vmem>>
        %dma_wait3A_401 = tpu.memref_squeeze %dma_wait3A_400 : memref<1x128xi32, #tpu.memory_space<vmem>> -> memref<128xi32, #tpu.memory_space<vmem>>
        %dma_wait3A_402 = arith.constant 0 : i32
        %dma_wait3A_403 = arith.constant 0 : i32
        %dma_wait3A_404 = tpu.memref_slice %arg17[%dma_wait3A_402, %dma_wait3A_403] : memref<100352x16xf32, #tpu.memory_space<vmem_shared>> -> memref<100352x16xf32, #tpu.memory_space<vmem_shared>>
        tpu.wait_indirect_dma semaphore(%run_scoped3A_392 : memref<!tpu.dma_semaphore, #tpu.memory_space<semaphore_mem>>) src(%arg12 : memref<128x16xf32, #tpu.memory_space<vmem>>) dst(%dma_wait3A_404 : memref<100352x16xf32, #tpu.memory_space<vmem_shared>>)
        tpu.yield
      }) : () -> ()
      %dma_wait3A_367 = arith.constant 13 : i32
      %dma_wait3A_368 = arith.constant 0 : i32
      %dma_wait3A_369 = tpu.memref_slice %arg6[%dma_wait3A_367, %dma_wait3A_368] : memref<16x128xi32, #tpu.memory_space<vmem>> -> memref<1x128xi32, #tpu.memory_space<vmem>>
      %dma_wait3A_370 = tpu.memref_squeeze %dma_wait3A_369 : memref<1x128xi32, #tpu.memory_space<vmem>> -> memref<128xi32, #tpu.memory_space<vmem>>
      %dma_wait3A_371 = arith.constant 0 : i32
      %dma_wait3A_372 = arith.constant 0 : i32
      %dma_wait3A_373 = tpu.memref_slice %arg2[%dma_wait3A_371, %dma_wait3A_372] : memref<100000x16xf32, #tpu.memory_space<hbm>> -> memref<100000x16xf32, #tpu.memory_space<hbm>>
      tpu.wait_indirect_dma semaphore(%arg23 : memref<!tpu.dma_semaphore, #tpu.memory_space<semaphore_mem>>) src(%dma_wait3A_373 : memref<100000x16xf32, #tpu.memory_space<hbm>>) dst(%arg13 : memref<128x16xf32, #tpu.memory_space<vmem>>)
      %run_scoped3A_374 = arith.constant 13 : i32
      "tpu.region"() ({
        %run_scoped3A_392 = tpu.sem_alloc : memref<!tpu.dma_semaphore, #tpu.memory_space<semaphore_mem>>
        %dma_start3A_393 = arith.constant 0 : i32
        %dma_start3A_394 = tpu.memref_slice %arg7[%run_scoped3A_374, %dma_start3A_393] : memref<16x128xi32, #tpu.memory_space<vmem>> -> memref<1x128xi32, #tpu.memory_space<vmem>>
        %dma_start3A_395 = tpu.memref_squeeze %dma_start3A_394 : memref<1x128xi32, #tpu.memory_space<vmem>> -> memref<128xi32, #tpu.memory_space<vmem>>
        %dma_start3A_396 = arith.constant 0 : i32
        %dma_start3A_397 = arith.constant 0 : i32
        %dma_start3A_398 = tpu.memref_slice %arg17[%dma_start3A_396, %dma_start3A_397] : memref<100352x16xf32, #tpu.memory_space<vmem_shared>> -> memref<100352x16xf32, #tpu.memory_space<vmem_shared>>
        tpu.enqueue_indirect_dma source(%arg13 : memref<128x16xf32, #tpu.memory_space<vmem>>) target(%dma_start3A_398 : memref<100352x16xf32, #tpu.memory_space<vmem_shared>>) offsets(%dma_start3A_395 : memref<128xi32, #tpu.memory_space<vmem>>) semaphore(%run_scoped3A_392 : memref<!tpu.dma_semaphore, #tpu.memory_space<semaphore_mem>>) {add = true}
        %dma_wait3A_399 = arith.constant 0 : i32
        %dma_wait3A_400 = tpu.memref_slice %arg7[%run_scoped3A_374, %dma_wait3A_399] : memref<16x128xi32, #tpu.memory_space<vmem>> -> memref<1x128xi32, #tpu.memory_space<vmem>>
        %dma_wait3A_401 = tpu.memref_squeeze %dma_wait3A_400 : memref<1x128xi32, #tpu.memory_space<vmem>> -> memref<128xi32, #tpu.memory_space<vmem>>
        %dma_wait3A_402 = arith.constant 0 : i32
        %dma_wait3A_403 = arith.constant 0 : i32
        %dma_wait3A_404 = tpu.memref_slice %arg17[%dma_wait3A_402, %dma_wait3A_403] : memref<100352x16xf32, #tpu.memory_space<vmem_shared>> -> memref<100352x16xf32, #tpu.memory_space<vmem_shared>>
        tpu.wait_indirect_dma semaphore(%run_scoped3A_392 : memref<!tpu.dma_semaphore, #tpu.memory_space<semaphore_mem>>) src(%arg13 : memref<128x16xf32, #tpu.memory_space<vmem>>) dst(%dma_wait3A_404 : memref<100352x16xf32, #tpu.memory_space<vmem_shared>>)
        tpu.yield
      }) : () -> ()
      %dma_wait3A_375 = arith.constant 14 : i32
      %dma_wait3A_376 = arith.constant 0 : i32
      %dma_wait3A_377 = tpu.memref_slice %arg6[%dma_wait3A_375, %dma_wait3A_376] : memref<16x128xi32, #tpu.memory_space<vmem>> -> memref<1x128xi32, #tpu.memory_space<vmem>>
      %dma_wait3A_378 = tpu.memref_squeeze %dma_wait3A_377 : memref<1x128xi32, #tpu.memory_space<vmem>> -> memref<128xi32, #tpu.memory_space<vmem>>
      %dma_wait3A_379 = arith.constant 0 : i32
      %dma_wait3A_380 = arith.constant 0 : i32
      %dma_wait3A_381 = tpu.memref_slice %arg2[%dma_wait3A_379, %dma_wait3A_380] : memref<100000x16xf32, #tpu.memory_space<hbm>> -> memref<100000x16xf32, #tpu.memory_space<hbm>>
      tpu.wait_indirect_dma semaphore(%arg24 : memref<!tpu.dma_semaphore, #tpu.memory_space<semaphore_mem>>) src(%dma_wait3A_381 : memref<100000x16xf32, #tpu.memory_space<hbm>>) dst(%arg14 : memref<128x16xf32, #tpu.memory_space<vmem>>)
      %run_scoped3A_382 = arith.constant 14 : i32
      "tpu.region"() ({
        %run_scoped3A_392 = tpu.sem_alloc : memref<!tpu.dma_semaphore, #tpu.memory_space<semaphore_mem>>
        %dma_start3A_393 = arith.constant 0 : i32
        %dma_start3A_394 = tpu.memref_slice %arg7[%run_scoped3A_382, %dma_start3A_393] : memref<16x128xi32, #tpu.memory_space<vmem>> -> memref<1x128xi32, #tpu.memory_space<vmem>>
        %dma_start3A_395 = tpu.memref_squeeze %dma_start3A_394 : memref<1x128xi32, #tpu.memory_space<vmem>> -> memref<128xi32, #tpu.memory_space<vmem>>
        %dma_start3A_396 = arith.constant 0 : i32
        %dma_start3A_397 = arith.constant 0 : i32
        %dma_start3A_398 = tpu.memref_slice %arg17[%dma_start3A_396, %dma_start3A_397] : memref<100352x16xf32, #tpu.memory_space<vmem_shared>> -> memref<100352x16xf32, #tpu.memory_space<vmem_shared>>
        tpu.enqueue_indirect_dma source(%arg14 : memref<128x16xf32, #tpu.memory_space<vmem>>) target(%dma_start3A_398 : memref<100352x16xf32, #tpu.memory_space<vmem_shared>>) offsets(%dma_start3A_395 : memref<128xi32, #tpu.memory_space<vmem>>) semaphore(%run_scoped3A_392 : memref<!tpu.dma_semaphore, #tpu.memory_space<semaphore_mem>>) {add = true}
        %dma_wait3A_399 = arith.constant 0 : i32
        %dma_wait3A_400 = tpu.memref_slice %arg7[%run_scoped3A_382, %dma_wait3A_399] : memref<16x128xi32, #tpu.memory_space<vmem>> -> memref<1x128xi32, #tpu.memory_space<vmem>>
        %dma_wait3A_401 = tpu.memref_squeeze %dma_wait3A_400 : memref<1x128xi32, #tpu.memory_space<vmem>> -> memref<128xi32, #tpu.memory_space<vmem>>
        %dma_wait3A_402 = arith.constant 0 : i32
        %dma_wait3A_403 = arith.constant 0 : i32
        %dma_wait3A_404 = tpu.memref_slice %arg17[%dma_wait3A_402, %dma_wait3A_403] : memref<100352x16xf32, #tpu.memory_space<vmem_shared>> -> memref<100352x16xf32, #tpu.memory_space<vmem_shared>>
        tpu.wait_indirect_dma semaphore(%run_scoped3A_392 : memref<!tpu.dma_semaphore, #tpu.memory_space<semaphore_mem>>) src(%arg14 : memref<128x16xf32, #tpu.memory_space<vmem>>) dst(%dma_wait3A_404 : memref<100352x16xf32, #tpu.memory_space<vmem_shared>>)
        tpu.yield
      }) : () -> ()
      %dma_wait3A_383 = arith.constant 15 : i32
      %dma_wait3A_384 = arith.constant 0 : i32
      %dma_wait3A_385 = tpu.memref_slice %arg6[%dma_wait3A_383, %dma_wait3A_384] : memref<16x128xi32, #tpu.memory_space<vmem>> -> memref<1x128xi32, #tpu.memory_space<vmem>>
      %dma_wait3A_386 = tpu.memref_squeeze %dma_wait3A_385 : memref<1x128xi32, #tpu.memory_space<vmem>> -> memref<128xi32, #tpu.memory_space<vmem>>
      %dma_wait3A_387 = arith.constant 0 : i32
      %dma_wait3A_388 = arith.constant 0 : i32
      %dma_wait3A_389 = tpu.memref_slice %arg2[%dma_wait3A_387, %dma_wait3A_388] : memref<100000x16xf32, #tpu.memory_space<hbm>> -> memref<100000x16xf32, #tpu.memory_space<hbm>>
      tpu.wait_indirect_dma semaphore(%arg25 : memref<!tpu.dma_semaphore, #tpu.memory_space<semaphore_mem>>) src(%dma_wait3A_389 : memref<100000x16xf32, #tpu.memory_space<hbm>>) dst(%arg15 : memref<128x16xf32, #tpu.memory_space<vmem>>)
      %run_scoped3A_390 = arith.constant 15 : i32
      "tpu.region"() ({
        %run_scoped3A_392 = tpu.sem_alloc : memref<!tpu.dma_semaphore, #tpu.memory_space<semaphore_mem>>
        %dma_start3A_393 = arith.constant 0 : i32
        %dma_start3A_394 = tpu.memref_slice %arg7[%run_scoped3A_390, %dma_start3A_393] : memref<16x128xi32, #tpu.memory_space<vmem>> -> memref<1x128xi32, #tpu.memory_space<vmem>>
        %dma_start3A_395 = tpu.memref_squeeze %dma_start3A_394 : memref<1x128xi32, #tpu.memory_space<vmem>> -> memref<128xi32, #tpu.memory_space<vmem>>
        %dma_start3A_396 = arith.constant 0 : i32
        %dma_start3A_397 = arith.constant 0 : i32
        %dma_start3A_398 = tpu.memref_slice %arg17[%dma_start3A_396, %dma_start3A_397] : memref<100352x16xf32, #tpu.memory_space<vmem_shared>> -> memref<100352x16xf32, #tpu.memory_space<vmem_shared>>
        tpu.enqueue_indirect_dma source(%arg15 : memref<128x16xf32, #tpu.memory_space<vmem>>) target(%dma_start3A_398 : memref<100352x16xf32, #tpu.memory_space<vmem_shared>>) offsets(%dma_start3A_395 : memref<128xi32, #tpu.memory_space<vmem>>) semaphore(%run_scoped3A_392 : memref<!tpu.dma_semaphore, #tpu.memory_space<semaphore_mem>>) {add = true}
        %dma_wait3A_399 = arith.constant 0 : i32
        %dma_wait3A_400 = tpu.memref_slice %arg7[%run_scoped3A_390, %dma_wait3A_399] : memref<16x128xi32, #tpu.memory_space<vmem>> -> memref<1x128xi32, #tpu.memory_space<vmem>>
        %dma_wait3A_401 = tpu.memref_squeeze %dma_wait3A_400 : memref<1x128xi32, #tpu.memory_space<vmem>> -> memref<128xi32, #tpu.memory_space<vmem>>
        %dma_wait3A_402 = arith.constant 0 : i32
        %dma_wait3A_403 = arith.constant 0 : i32
        %dma_wait3A_404 = tpu.memref_slice %arg17[%dma_wait3A_402, %dma_wait3A_403] : memref<100352x16xf32, #tpu.memory_space<vmem_shared>> -> memref<100352x16xf32, #tpu.memory_space<vmem_shared>>
        tpu.wait_indirect_dma semaphore(%run_scoped3A_392 : memref<!tpu.dma_semaphore, #tpu.memory_space<semaphore_mem>>) src(%arg15 : memref<128x16xf32, #tpu.memory_space<vmem>>) dst(%dma_wait3A_404 : memref<100352x16xf32, #tpu.memory_space<vmem_shared>>)
        tpu.yield
      }) : () -> ()
      %scan3A_391 = arith.constant 0 : i32
      scf.yield %scan3A_391 : i32
    }
    %scan3A_143 = arith.constant 49 : i32
    %barrier3A_144 = arith.constant 0 : index
    tpu.barrier barrier_id(%barrier3A_144)
    %mul3A_145 = arith.constant 6272 : i32
    %mul3A_146 = arith.muli %arg1, %mul3A_145 : i32
    %mul3A_147 = arith.constant 6272 : i32
    %mul3A_148 = arith.muli %arg1, %mul3A_147 : i32
    "tpu.region"() ({
      %run_scoped3A = tpu.sem_alloc : memref<!tpu.dma_semaphore, #tpu.memory_space<semaphore_mem>>
      %dma_start3A = arith.constant 0 : i32
      %dma_start3A_149 = tpu.memref_slice %arg5[%arg0, %mul3A_148, %dma_start3A] : memref<2x100352x16xf32, #tpu.memory_space<hbm>> -> memref<1x6272x16xf32, #tpu.memory_space<hbm>>
      %dma_start3A_150 = tpu.memref_squeeze %dma_start3A_149 : memref<1x6272x16xf32, #tpu.memory_space<hbm>> -> memref<6272x16xf32, #tpu.memory_space<hbm>>
      %dma_start3A_151 = arith.constant 0 : i32
      %dma_start3A_152 = tpu.memref_slice %arg17[%mul3A_146, %dma_start3A_151] : memref<100352x16xf32, #tpu.memory_space<vmem_shared>> -> memref<6272x16xf32, #tpu.memory_space<vmem_shared>>
      tpu.enqueue_dma source(%dma_start3A_152 : memref<6272x16xf32, #tpu.memory_space<vmem_shared>>) target(%dma_start3A_150 : memref<6272x16xf32, #tpu.memory_space<hbm>>) target_semaphore(%run_scoped3A : memref<!tpu.dma_semaphore, #tpu.memory_space<semaphore_mem>>)
      %dma_wait3A = arith.constant 0 : i32
      %dma_wait3A_153 = tpu.memref_slice %arg5[%arg0, %mul3A_148, %dma_wait3A] : memref<2x100352x16xf32, #tpu.memory_space<hbm>> -> memref<1x6272x16xf32, #tpu.memory_space<hbm>>
      %dma_wait3A_154 = tpu.memref_squeeze %dma_wait3A_153 : memref<1x6272x16xf32, #tpu.memory_space<hbm>> -> memref<6272x16xf32, #tpu.memory_space<hbm>>
      %dma_wait3A_155 = arith.constant 0 : i32
      %dma_wait3A_156 = tpu.memref_slice %arg17[%mul3A_146, %dma_wait3A_155] : memref<100352x16xf32, #tpu.memory_space<vmem_shared>> -> memref<6272x16xf32, #tpu.memory_space<vmem_shared>>
      tpu.wait_dma2 semaphore(%run_scoped3A : memref<!tpu.dma_semaphore, #tpu.memory_space<semaphore_mem>>) src(%dma_wait3A_156 : memref<6272x16xf32, #tpu.memory_space<vmem_shared>>) dst(%dma_wait3A_154 : memref<6272x16xf32, #tpu.memory_space<hbm>>)
      tpu.yield
    }) : () -> ()
    return
  }
}

module attributes {stable_mosaic.version = 14 : i64} {
  func.func @k2_body(%arg0: i32, %arg1: memref<2000x1xf32, #tpu.memory_space<vmem>>, %arg2: memref<2000x128xf32, #tpu.memory_space<vmem>>, %arg3: memref<128x16xf32, #tpu.memory_space<vmem>>, %arg4: memref<2000x16xf32, #tpu.memory_space<vmem>>, %arg5: memref<2000x1xf32, #tpu.memory_space<vmem>>) attributes {dimension_semantics = [#tpu.dimension_semantics<arbitrary>], iteration_bounds = array<i64: 50>, scalar_prefetch = 0 : i64, scratch_operands = 0 : i64, tpu.core_type = #tpu.core_type<tc>, window_params = [{transform_indices = @transform_0, window_bounds = array<i64: 2000, 1>}, {transform_indices = @transform_1, window_bounds = array<i64: 2000, 128>}, {pipeline_mode = #tpu.pipeline_mode<synchronous>, transform_indices = @transform_2, window_bounds = array<i64: 128, 16>}, {transform_indices = @transform_3, window_bounds = array<i64: 2000, 16>}, {transform_indices = @transform_4, window_bounds = array<i64: 2000, 1>}]} {
    %get3A = arith.constant 0 : index
    %get3A_0 = arith.constant 0 : index
    %get3A_1 = vector.load %arg1[%get3A, %get3A_0] : memref<2000x1xf32, #tpu.memory_space<vmem>>, vector<2000x1xf32>
    %add3A = arith.constant 1.000000e+00 : f32
    %add3A_2 = vector.broadcast %add3A : f32 to vector<2000x1xf32>
    %add3A_3 = arith.addf %get3A_1, %add3A_2 : vector<2000x1xf32>
    %rsqrt3A = math.rsqrt %add3A_3 : vector<2000x1xf32>
    %get3A_4 = arith.constant 0 : index
    %get3A_5 = arith.constant 0 : index
    %get3A_6 = vector.load %arg2[%get3A_4, %get3A_5] : memref<2000x128xf32, #tpu.memory_space<vmem>>, vector<2000x128xf32>
    %get3A_7 = arith.constant 0 : index
    %get3A_8 = arith.constant 0 : index
    %get3A_9 = vector.load %arg3[%get3A_7, %get3A_8] : memref<128x16xf32, #tpu.memory_space<vmem>>, vector<128x16xf32>
    %dot_general3A = arith.constant dense<0.000000e+00> : vector<2000x16xf32>
    %dot_general3A_10 = tpu.matmul %get3A_6, %get3A_9, %dot_general3A {dimension_numbers = #tpu.dot_dimension_numbers<[1], [0], [0], [1], [0, 0, 1, 1], [], []>, transpose_lhs_hint = false} : vector<2000x128xf32>, vector<128x16xf32>, vector<2000x16xf32> -> vector<2000x16xf32>
    %mul3A = vector.broadcast %rsqrt3A : vector<2000x1xf32> to vector<2000x16xf32>
    %mul3A_11 = arith.mulf %dot_general3A_10, %mul3A : vector<2000x16xf32>
    %swap3A = arith.constant 0 : index
    %swap3A_12 = arith.constant 0 : index
    %swap3A_13 = vector.load %arg4[%swap3A, %swap3A_12] : memref<2000x16xf32, #tpu.memory_space<vmem>>, vector<2000x16xf32>
    tpu.vector_store %arg4[%swap3A, %swap3A_12], %mul3A_11 {strides = array<i32>} : memref<2000x16xf32, #tpu.memory_space<vmem>>, vector<2000x16xf32>,
    %swap3A_14 = arith.constant 0 : index
    %swap3A_15 = arith.constant 0 : index
    %swap3A_16 = vector.load %arg5[%swap3A_14, %swap3A_15] : memref<2000x1xf32, #tpu.memory_space<vmem>>, vector<2000x1xf32>
    tpu.vector_store %arg5[%swap3A_14, %swap3A_15], %rsqrt3A {strides = array<i32>} : memref<2000x1xf32, #tpu.memory_space<vmem>>, vector<2000x1xf32>,
    return
  }
  func.func @transform_0(%arg0: i32) -> (i32, i32) {
    %c0_i32 = arith.constant 0 : i32
    %c0_i32_0 = arith.constant 0 : i32
    return %arg0, %c0_i32 : i32, i32
  }
  func.func @transform_1(%arg0: i32) -> (i32, i32) {
    %c0_i32 = arith.constant 0 : i32
    %c0_i32_0 = arith.constant 0 : i32
    return %arg0, %c0_i32 : i32, i32
  }
  func.func @transform_2(%arg0: i32) -> (i32, i32) {
    %c0_i32 = arith.constant 0 : i32
    %c0_i32_0 = arith.constant 0 : i32
    %c0_i32_1 = arith.constant 0 : i32
    return %c0_i32, %c0_i32_0 : i32, i32
  }
  func.func @transform_3(%arg0: i32) -> (i32, i32) {
    %c0_i32 = arith.constant 0 : i32
    %c0_i32_0 = arith.constant 0 : i32
    return %arg0, %c0_i32 : i32, i32
  }
  func.func @transform_4(%arg0: i32) -> (i32, i32) {
    %c0_i32 = arith.constant 0 : i32
    %c0_i32_0 = arith.constant 0 : i32
    return %arg0, %c0_i32 : i32, i32
  }
}

module attributes {stable_mosaic.version = 14 : i64} {
  func.func @k4_body(%arg0: i32, %arg1: memref<2x2000x16xf32, #tpu.memory_space<vmem>>, %arg2: memref<2000x16xf32, #tpu.memory_space<vmem>>, %arg3: memref<2000x1xf32, #tpu.memory_space<vmem>>, %arg4: memref<1x16xf32, #tpu.memory_space<vmem>>, %arg5: memref<2000x16xf32, #tpu.memory_space<vmem>>) attributes {dimension_semantics = [#tpu.dimension_semantics<arbitrary>], iteration_bounds = array<i64: 50>, scalar_prefetch = 0 : i64, scratch_operands = 0 : i64, tpu.core_type = #tpu.core_type<tc>, window_params = [{transform_indices = @transform_0, window_bounds = array<i64: 2, 2000, 16>}, {transform_indices = @transform_1, window_bounds = array<i64: 2000, 16>}, {transform_indices = @transform_2, window_bounds = array<i64: 2000, 1>}, {pipeline_mode = #tpu.pipeline_mode<synchronous>, transform_indices = @transform_3, window_bounds = array<i64: 1, 16>}, {transform_indices = @transform_4, window_bounds = array<i64: 2000, 16>}]} {
    %get3A = arith.constant 0 : index
    %get3A_0 = arith.constant 0 : index
    %get3A_1 = arith.constant 0 : index
    %get3A_2 = vector.load %arg1[%get3A, %get3A_0, %get3A_1] : memref<2x2000x16xf32, #tpu.memory_space<vmem>>, vector<1x2000x16xf32>
    %get3A_3 = vector.shape_cast %get3A_2 : vector<1x2000x16xf32> to vector<2000x16xf32>
    %get3A_4 = arith.constant 1 : index
    %get3A_5 = arith.constant 0 : index
    %get3A_6 = arith.constant 0 : index
    %get3A_7 = vector.load %arg1[%get3A_4, %get3A_5, %get3A_6] : memref<2x2000x16xf32, #tpu.memory_space<vmem>>, vector<1x2000x16xf32>
    %get3A_8 = vector.shape_cast %get3A_7 : vector<1x2000x16xf32> to vector<2000x16xf32>
    %add3A = arith.addf %get3A_3, %get3A_8 : vector<2000x16xf32>
    %get3A_9 = arith.constant 0 : index
    %get3A_10 = arith.constant 0 : index
    %get3A_11 = vector.load %arg2[%get3A_9, %get3A_10] : memref<2000x16xf32, #tpu.memory_space<vmem>>, vector<2000x16xf32>
    %add3A_12 = arith.addf %add3A, %get3A_11 : vector<2000x16xf32>
    %get3A_13 = arith.constant 0 : index
    %get3A_14 = arith.constant 0 : index
    %get3A_15 = vector.load %arg3[%get3A_13, %get3A_14] : memref<2000x1xf32, #tpu.memory_space<vmem>>, vector<2000x1xf32>
    %mul3A = vector.broadcast %get3A_15 : vector<2000x1xf32> to vector<2000x16xf32>
    %mul3A_16 = arith.mulf %add3A_12, %mul3A : vector<2000x16xf32>
    %get3A_17 = arith.constant 0 : index
    %get3A_18 = arith.constant 0 : index
    %get3A_19 = vector.load %arg4[%get3A_17, %get3A_18] : memref<1x16xf32, #tpu.memory_space<vmem>>, vector<1x16xf32>
    %add3A_20 = vector.broadcast %get3A_19 : vector<1x16xf32> to vector<2000x16xf32>
    %add3A_21 = arith.addf %mul3A_16, %add3A_20 : vector<2000x16xf32>
    %max3A = arith.constant 0.000000e+00 : f32
    %max3A_22 = vector.broadcast %max3A : f32 to vector<2000x16xf32>
    %max3A_23 = arith.maximumf %add3A_21, %max3A_22 : vector<2000x16xf32>
    %get3A_24 = arith.constant 0 : index
    %get3A_25 = arith.constant 0 : index
    %get3A_26 = vector.load %arg3[%get3A_24, %get3A_25] : memref<2000x1xf32, #tpu.memory_space<vmem>>, vector<2000x1xf32>
    %mul3A_27 = vector.broadcast %get3A_26 : vector<2000x1xf32> to vector<2000x16xf32>
    %mul3A_28 = arith.mulf %max3A_23, %mul3A_27 : vector<2000x16xf32>
    %swap3A = arith.constant 0 : index
    %swap3A_29 = arith.constant 0 : index
    %swap3A_30 = vector.load %arg5[%swap3A, %swap3A_29] : memref<2000x16xf32, #tpu.memory_space<vmem>>, vector<2000x16xf32>
    tpu.vector_store %arg5[%swap3A, %swap3A_29], %mul3A_28 {strides = array<i32>} : memref<2000x16xf32, #tpu.memory_space<vmem>>, vector<2000x16xf32>,
    return
  }
  func.func @transform_0(%arg0: i32) -> (i32, i32, i32) {
    %c0_i32 = arith.constant 0 : i32
    %c0_i32_0 = arith.constant 0 : i32
    %c0_i32_1 = arith.constant 0 : i32
    return %c0_i32, %arg0, %c0_i32_0 : i32, i32, i32
  }
  func.func @transform_1(%arg0: i32) -> (i32, i32) {
    %c0_i32 = arith.constant 0 : i32
    %c0_i32_0 = arith.constant 0 : i32
    return %arg0, %c0_i32 : i32, i32
  }
  func.func @transform_2(%arg0: i32) -> (i32, i32) {
    %c0_i32 = arith.constant 0 : i32
    %c0_i32_0 = arith.constant 0 : i32
    return %arg0, %c0_i32 : i32, i32
  }
  func.func @transform_3(%arg0: i32) -> (i32, i32) {
    %c0_i32 = arith.constant 0 : i32
    %c0_i32_0 = arith.constant 0 : i32
    %c0_i32_1 = arith.constant 0 : i32
    return %c0_i32, %c0_i32_0 : i32, i32
  }
  func.func @transform_4(%arg0: i32) -> (i32, i32) {
    %c0_i32 = arith.constant 0 : i32
    %c0_i32_0 = arith.constant 0 : i32
    return %arg0, %c0_i32 : i32, i32
  }
}

module attributes {stable_mosaic.version = 14 : i64} {
  func.func @k6_body(%arg0: i32, %arg1: memref<2x2000x16xf32, #tpu.memory_space<vmem>>, %arg2: memref<2000x16xf32, #tpu.memory_space<vmem>>, %arg3: memref<2000x1xf32, #tpu.memory_space<vmem>>, %arg4: memref<16x40xf32, #tpu.memory_space<vmem>>, %arg5: memref<1x40xf32, #tpu.memory_space<vmem>>, %arg6: memref<2000x40xf32, #tpu.memory_space<vmem>>) attributes {dimension_semantics = [#tpu.dimension_semantics<arbitrary>], iteration_bounds = array<i64: 50>, scalar_prefetch = 0 : i64, scratch_operands = 0 : i64, tpu.core_type = #tpu.core_type<tc>, window_params = [{transform_indices = @transform_0, window_bounds = array<i64: 2, 2000, 16>}, {transform_indices = @transform_1, window_bounds = array<i64: 2000, 16>}, {transform_indices = @transform_2, window_bounds = array<i64: 2000, 1>}, {pipeline_mode = #tpu.pipeline_mode<synchronous>, transform_indices = @transform_3, window_bounds = array<i64: 16, 40>}, {pipeline_mode = #tpu.pipeline_mode<synchronous>, transform_indices = @transform_4, window_bounds = array<i64: 1, 40>}, {transform_indices = @transform_5, window_bounds = array<i64: 2000, 40>}]} {
    %get3A = arith.constant 0 : index
    %get3A_0 = arith.constant 0 : index
    %get3A_1 = arith.constant 0 : index
    %get3A_2 = vector.load %arg1[%get3A, %get3A_0, %get3A_1] : memref<2x2000x16xf32, #tpu.memory_space<vmem>>, vector<1x2000x16xf32>
    %get3A_3 = vector.shape_cast %get3A_2 : vector<1x2000x16xf32> to vector<2000x16xf32>
    %get3A_4 = arith.constant 1 : index
    %get3A_5 = arith.constant 0 : index
    %get3A_6 = arith.constant 0 : index
    %get3A_7 = vector.load %arg1[%get3A_4, %get3A_5, %get3A_6] : memref<2x2000x16xf32, #tpu.memory_space<vmem>>, vector<1x2000x16xf32>
    %get3A_8 = vector.shape_cast %get3A_7 : vector<1x2000x16xf32> to vector<2000x16xf32>
    %add3A = arith.addf %get3A_3, %get3A_8 : vector<2000x16xf32>
    %get3A_9 = arith.constant 0 : index
    %get3A_10 = arith.constant 0 : index
    %get3A_11 = vector.load %arg2[%get3A_9, %get3A_10] : memref<2000x16xf32, #tpu.memory_space<vmem>>, vector<2000x16xf32>
    %add3A_12 = arith.addf %add3A, %get3A_11 : vector<2000x16xf32>
    %get3A_13 = arith.constant 0 : index
    %get3A_14 = arith.constant 0 : index
    %get3A_15 = vector.load %arg3[%get3A_13, %get3A_14] : memref<2000x1xf32, #tpu.memory_space<vmem>>, vector<2000x1xf32>
    %mul3A = vector.broadcast %get3A_15 : vector<2000x1xf32> to vector<2000x16xf32>
    %mul3A_16 = arith.mulf %add3A_12, %mul3A : vector<2000x16xf32>
    %get3A_17 = arith.constant 0 : index
    %get3A_18 = arith.constant 0 : index
    %get3A_19 = vector.load %arg4[%get3A_17, %get3A_18] : memref<16x40xf32, #tpu.memory_space<vmem>>, vector<16x40xf32>
    %dot_general3A = arith.constant dense<0.000000e+00> : vector<2000x40xf32>
    %dot_general3A_20 = tpu.matmul %mul3A_16, %get3A_19, %dot_general3A {dimension_numbers = #tpu.dot_dimension_numbers<[1], [0], [0], [1], [0, 0, 1, 1], [], []>, transpose_lhs_hint = false} : vector<2000x16xf32>, vector<16x40xf32>, vector<2000x40xf32> -> vector<2000x40xf32>
    %get3A_21 = arith.constant 0 : index
    %get3A_22 = arith.constant 0 : index
    %get3A_23 = vector.load %arg5[%get3A_21, %get3A_22] : memref<1x40xf32, #tpu.memory_space<vmem>>, vector<1x40xf32>
    %add3A_24 = vector.broadcast %get3A_23 : vector<1x40xf32> to vector<2000x40xf32>
    %add3A_25 = arith.addf %dot_general3A_20, %add3A_24 : vector<2000x40xf32>
    %swap3A = arith.constant 0 : index
    %swap3A_26 = arith.constant 0 : index
    %swap3A_27 = vector.load %arg6[%swap3A, %swap3A_26] : memref<2000x40xf32, #tpu.memory_space<vmem>>, vector<2000x40xf32>
    tpu.vector_store %arg6[%swap3A, %swap3A_26], %add3A_25 {strides = array<i32>} : memref<2000x40xf32, #tpu.memory_space<vmem>>, vector<2000x40xf32>,
    return
  }
  func.func @transform_0(%arg0: i32) -> (i32, i32, i32) {
    %c0_i32 = arith.constant 0 : i32
    %c0_i32_0 = arith.constant 0 : i32
    %c0_i32_1 = arith.constant 0 : i32
    return %c0_i32, %arg0, %c0_i32_0 : i32, i32, i32
  }
  func.func @transform_1(%arg0: i32) -> (i32, i32) {
    %c0_i32 = arith.constant 0 : i32
    %c0_i32_0 = arith.constant 0 : i32
    return %arg0, %c0_i32 : i32, i32
  }
  func.func @transform_2(%arg0: i32) -> (i32, i32) {
    %c0_i32 = arith.constant 0 : i32
    %c0_i32_0 = arith.constant 0 : i32
    return %arg0, %c0_i32 : i32, i32
  }
  func.func @transform_3(%arg0: i32) -> (i32, i32) {
    %c0_i32 = arith.constant 0 : i32
    %c0_i32_0 = arith.constant 0 : i32
    %c0_i32_1 = arith.constant 0 : i32
    return %c0_i32, %c0_i32_0 : i32, i32
  }
  func.func @transform_4(%arg0: i32) -> (i32, i32) {
    %c0_i32 = arith.constant 0 : i32
    %c0_i32_0 = arith.constant 0 : i32
    %c0_i32_1 = arith.constant 0 : i32
    return %c0_i32, %c0_i32_0 : i32, i32
  }
  func.func @transform_5(%arg0: i32) -> (i32, i32) {
    %c0_i32 = arith.constant 0 : i32
    %c0_i32_0 = arith.constant 0 : i32
    return %arg0, %c0_i32 : i32, i32
  }
}

</mosaic_0001>

<sc_bundles>
// kernel: kernel.11.cloned.1.call-start
scs
__scs_entry_jumppad:
0x0: {  	(pc) =	sbr.rel $0x88, $3  }
0x1: {  	(tag) =	ssettag $0x0;
	lr =	simm.s32 $0x1  }
0x2: {  	[smem:$0x3F9B] =	sst lr;
	_ =	strace $0xD0000000  }
0x3: {  	_ = 	snop  }
0x4: {  	_ = 	snop  }
0x5: {  	_ = 	snop  }
0x6: {  	_ = 	snop  }
0x7: {  	_ = 	snop  }
__scs_overlays_trampoline_lowered:
0x8: {  	[smem:$0x3FAA] =	sst s0  }
0x9: {  	[smem:$0x3FAB] =	sst s1  }
0xa: {  	[smem:$0x3FAC] =	sst s2  }
0xb: {  	[smem:$0x3FAD] =	sst s3  }
0xc: {  	[smem:$0x3FAE] =	sst s4  }
0xd: {  	[smem:$0x3FAF] =	sst s5  }
0xe: {  	[smem:$0x3FB0] =	sst s6  }
0xf: {  	[smem:$0x3FB1] =	sst s7  }
0x10: {  	[smem:$0x3FB2] =	sst s8  }
0x11: {  	[smem:$0x3FB3] =	sst s9;
	s0 =	simm.s32 @!p0 $0x0  }
0x12: {  	s1 =	sld [smem:$0x3F99];
	s0 =	simm.s32 @p0 $0x1  }
0x13: {  	[smem:$0x3FB4] =	sst s0;
	s0 =	simm.s32 @!p1 $0x0  }
0x14: {  	s2 =	sld [smem:$0x3F98];
	s0 =	simm.s32 @p1 $0x1  }
0x15: {  	[smem:$0x3FB5] =	sst s0;
	s0 =	simm.s32 @!p2 $0x0  }
0x16: {  	s3 =	sld [smem:$0x3FDB];
	s0 =	simm.s32 @p2 $0x1  }
0x17: {  	s4 =	simm.s32 $0x1BF5;
	[smem:$0x3FB7] =	sst s0  }
0x18: {  	s0 =	sld [smem:$0x3F9A];
	_ =	swait.ge [sflag:s4], $0x0  }
0x19: {  	s7 =	sld [smem:$0x3F9B]  }
0x1a: {  	s8 =	sadd.s32 $0xFFFFE003, lr  }
0x1b: {  	s9 =	sadd.s32 $0xFFFFFEF7, lr;
	s5 =	simm.s32 $0xFFFFFFFF;
	p2 =	slt.u32 s8, $0xFFFFF086  }
0x1c: {  	p1 =	slt.u32 s9, $0xF7A;
	s5 =	simm.s32 @!p2 $0x0  }
0x1d: {  	s5 =	simm.s32 @p1 $0x1;
	p0 =	seq.s32 s7, s2  }
0x1e: {  	s7 =	smul.u32 @!p0 $0xF7A, s2;
	p2 =	seq.s32 @!p0 s5, $0x0  }
0x1f: {  	s9 =	smul.u32 $0xF7A, s1;
	s8 =	simm.s32 @!p0 $0x1BF5;
	p2 =	por !p2, p0  }
0x20: {  	[sflag:s8] =	ssyncset.s32 @!p0 $0xFFFFF086;
	s6 =	sadd.s32 @!p0 s3, s7;
	s7 =	simm.s32 @!p0 $0x108  }
0x21: {  	s3 =	sadd.s32 s3, s9;
	s6 =	sadd.s32 @!p0 $0x88, s6;
	s7 =	simm.s32 @p2 $0x1082  }
0x22: {  	[simem:s7], [sflag:s8] =	dma.local @!p0 [hbm:s6], $0xF7A  }
0x23: {  	s9 =	sor.u32 $0xD0000000, s2;
	s6 =	simm.s32 $0x108;
	_ =	swait.ge @!p0 [sflag:s8], $0x0  }
0x24: {  	s3 =	sadd.s32 $0x88, s3;
	s6 =	simm.s32 @!p1 $0x1082;
	[sflag:s4] =	ssyncset.s32 $0xFFFFF086  }
0x25: {  	[simem:s6], [sflag:s4] =	dma.local [hbm:s3], $0xF7A  }
0x26: {  	[smem:$0x3F9B] =	sst s1;
	(tag) =	ssettag s2;
	_ =	strace s9  }
0x27: {  	s1 =	sld [smem:$0x3FAB]  }
0x28: {  	s2 =	sld [smem:$0x3FAC]  }
0x29: {  	s4 =	sld [smem:$0x3FAE]  }
0x2a: {  	p0 =	seq.s32 s5, $0x0;
	s5 =	sld [smem:$0x3FAF]  }
0x2b: {  	s6 =	sld [smem:$0x3FB0]  }
0x2c: {  	s7 =	sld [smem:$0x3FB1]  }
0x2d: {  	s3 =	simm.s32 $0x108;
	s8 =	sld [smem:$0x3FB2]  }
0x2e: {  	s3 =	simm.s32 @!p0 $0x1082;
	s9 =	sld [smem:$0x3FB3]  }
0x2f: {  	lr =	sadd.s32 s0, s3;
	s0 =	sld [smem:$0x3FAA]  }
0x30: {  	s3 =	sld [smem:$0x3FAD]  }
0x31: {  	[smem:$0x3FB6] =	sst s10  }
0x32: {  	s10 =	sld [smem:$0x3FB4];
	_ =	sdelay $0x3  }
0x33: {  	p0 =	seq.s32 s10, $0x1;
	s10 =	sld [smem:$0x3FB6];
	_ =	sdelay $0x3  }
0x34: {  	[smem:$0x3FB6] =	sst s10  }
0x35: {  	s10 =	sld [smem:$0x3FB5];
	_ =	sdelay $0x3  }
0x36: {  	p1 =	seq.s32 s10, $0x1;
	s10 =	sld [smem:$0x3FB6];
	_ =	sdelay $0x3  }
0x37: {  	[smem:$0x3FB6] =	sst s10  }
0x38: {  	s10 =	sld [smem:$0x3FB7]  }
0x39: {  	_ = 	snop;
	(pc) =	sbr.ind lr, $3  }
0x3a: {  	_ = 	snop  }
0x3b: {  	_ = 	snop  }
0x3c: {  	p2 =	seq.s32 s10, $0x1;
	s10 =	sld [smem:$0x3FB6]  }
0x3d: {  	_ =	shalt  }
0x3e: {  	_ =	shalt  }
0x3f: {  	_ =	shalt  }
0x40: {  	_ =	shalt  }
0x41: {  	_ =	shalt  }
0x42: {  	_ =	shalt  }
0x43: {  	_ =	shalt  }
0x44: {  	_ =	shalt  }
0x45: {  	_ =	shalt  }
0x46: {  	_ =	shalt  }
0x47: {  	_ =	shalt  }
0x48: {  	_ =	shalt  }
0x49: {  	_ =	shalt  }
0x4a: {  	_ =	shalt  }
0x4b: {  	_ =	shalt  }
0x4c: {  	_ =	shalt  }
0x4d: {  	_ =	shalt  }
0x4e: {  	_ =	shalt  }
0x4f: {  	_ =	shalt  }
0x50: {  	_ =	shalt  }
0x51: {  	_ =	shalt  }
0x52: {  	_ =	shalt  }
0x53: {  	_ =	shalt  }
0x54: {  	_ =	shalt  }
0x55: {  	_ =	shalt  }
0x56: {  	_ =	shalt  }
0x57: {  	_ =	shalt  }
0x58: {  	_ =	shalt  }
0x59: {  	_ =	shalt  }
0x5a: {  	_ =	shalt  }
0x5b: {  	_ =	shalt  }
0x5c: {  	_ =	shalt  }
0x5d: {  	_ =	shalt  }
0x5e: {  	_ =	shalt  }
0x5f: {  	_ =	shalt  }
0x60: {  	_ =	shalt  }
0x61: {  	_ =	shalt  }
0x62: {  	_ =	shalt  }
0x63: {  	_ =	shalt  }
0x64: {  	_ =	shalt  }
0x65: {  	_ =	shalt  }
0x66: {  	_ =	shalt  }
0x67: {  	_ =	shalt  }
0x68: {  	_ =	shalt  }
0x69: {  	_ =	shalt  }
0x6a: {  	_ =	shalt  }
0x6b: {  	_ =	shalt  }
0x6c: {  	_ =	shalt  }
0x6d: {  	_ =	shalt  }
0x6e: {  	_ =	shalt  }
0x6f: {  	_ =	shalt  }
0x70: {  	_ =	shalt  }
0x71: {  	_ =	shalt  }
0x72: {  	_ =	shalt  }
0x73: {  	_ =	shalt  }
0x74: {  	_ =	shalt  }
0x75: {  	_ =	shalt  }
0x76: {  	_ =	shalt  }
0x77: {  	_ =	shalt  }
0x78: {  	_ =	shalt  }
0x79: {  	_ =	shalt  }
0x7a: {  	_ =	shalt  }
0x7b: {  	_ =	shalt  }
0x7c: {  	_ =	shalt  }
0x7d: {  	_ =	shalt  }
0x7e: {  	_ =	shalt  }
0x7f: {  	_ =	shalt  }
0x80: {  	_ =	shalt  }
0x81: {  	_ =	shalt  }
0x82: {  	_ =	shalt  }
0x83: {  	_ =	shalt  }
0x84: {  	_ =	shalt  }
0x85: {  	_ =	shalt  }
0x86: {  	_ =	shalt  }
0x87: {  	_ =	shalt  }
.Lfunc_end0:
.L_simem_size_0:
called_computation.1_lowered:
.L_overlay_start_0:
0x88: {  	s2 =	sld [smem:$0x3FD9]  }
0x89: {  	s3 =	sld [smem:$0x3FFE];
	_ =	sdelay $0x1  }
0x8a: {  	s1 =	srdreg.scid  }
0x8b: {  	s0 =	sand.u32 $0x1, s1  }
0x8c: {  	s17 =	sshll.u32 s0, $0xA;
	s2 =	sadd.s32 s3, s2  }
0x8d: {  	s2 =	sadd.s32 s2, s17  }
0x8e: {  	[smem:$0x3FC2] =	sst s2  }
0x8f: {  	_ = 	snop  }
0x90: {  	s2 =	sld [smem:$0x3FD0];
	(tm) =	ssettm $0x1  }
0x91: {  	s18 =	sld [smem:$0x3FFB];
	_ =	sdelay $0x3  }
0x92: {  	_ =	strace s18  }
0x93: {  	s3 =	sld [smem:$0x3FFC];
	_ =	sdelay $0x3  }
0x94: {  	_ =	strace s3  }
0x95: {  	s3 =	sld [smem:$0x3FFD];
	_ =	sdelay $0x3  }
0x96: {  	_ =	strace s3  }
0x97: {  	_ =	strace $0x8FFFFFFF  }
0x98: {  	s19 =	sld [smem:$0x3FDB];
	_ =	sdelay $0x1  }
0x99: {  	s4 =	simm.s32 $_scs_section_size  }
0x9a: {  	s5 =	simm.s32 $_size__tile_overlayer_lowered;
	s6 =	simm.s32 $_tile_overlayer_lowered  }
0x9b: {  	s22 =	simm.s32 $0x1BFF;
	s21 =	sshll.u32 s6, $0x1;
	s3 =	sadd.s32 s4, s19  }
0x9c: {  	s7 =	simm.s32 $0x0;
	s20 =	sshll.u32 s5, $0x1;
	s5 =	sadd.s32 s21, s3  }
0x9d: {  	[timem:s7], [sflag:s22] =	dma.local [hbm:s5], s20  }
0x9e: {  	_ =	swait.ge [sflag:s22], s20  }
0x9f: {  	s4 =	ssub.s32 $0x0, s20;
	[sflag:s22] =	ssyncset.done $0x0  }
0xa0: {  	[sflag:s22] =	ssyncadd.s32 s4;
	_ =	sdelay $0x1  }
0xa1: {  	s23 =	simm.s32 $0x1B8B  }
0xa2: {  	_ =	swait.ge [sflag:s23], $0x1  }
0xa3: {  	[sflag:s23] =	ssyncset.done $0x0  }
0xa4: {  	s25 =	simm.s32 $0x1B8E;
	s24 =	sld [smem:$0x3FFE];
	[sflag:s23] =	ssyncadd.s32 $0xFFFFFFFF  }
0xa5: {  	s26 =	simm.s32 $execute0_lowered;
	[smem:$0x3FD2] =	sst s25  }
0xa6: {  	s5 =	sshll.u32 s26, $0x1;
	_ =	strace $0x80000049;
	[dreg:$0x1] =	wrdreg $0xFFFFFFFF  }
0xa7: {  	s28 =	simm.s32 $_size_execute0_lowered;
	s3 =	sadd.s32 s3, s5;
	[dreg:$0x0] =	wrdreg $0x0  }
0xa8: {  	s5 =	sshll.u32 s28, $0x1;
	[dreg:$0x2] =	wrdreg s3  }
0xa9: {  	[dreg:$0x3] =	wrdreg s5  }
0xaa: {  	[dreg:$0x4] =	wrdreg $0xC0  }
0xab: {  	_ =	task [dreg:s7], $0x5FFFF  }
0xac: {  	[dreg:$0x1] =	wrdreg $0xFFFFFFFF  }
0xad: {  	[dreg:$0x0] =	wrdreg $0x60  }
0xae: {  	[dreg:$0x2] =	wrdreg s24  }
0xaf: {  	[dreg:$0x3] =	wrdreg s2  }
0xb0: {  	[dreg:$0x4] =	wrdreg $0x5C400  }
0xb1: {  	[dreg:$0x5] =	wrdreg $0x9  }
0xb2: {  	_ =	task.clear_ibuf [dreg:s7], $0x6FFFF;
	_ =	strace $0x90000049  }
0xb3: {  	s29 =	simm.s32 $0x9;
	_ =	strace $0x8000004B  }
0xb4: {  	_ =	swait.ge [sflag:s29], $0x1  }
0xb5: {  	[sflag:s29] =	ssyncadd.s32 $0xFFFFFFFF  }
0xb6: {  	_ =	strace $0x9000004B  }
0xb7: {  	_ =	sfence  }
0xb8: {  	s30 =	sld [smem:$0x0];
	_ =	sdelay $0x2  }
0xb9: {  	s31 =	sshll.u32 s1, $0xD;
	s1 =	sshrl.u32 s1, $0x2  }
0xba: {  	s3 =	sand.u32 $0x4000, s31;
	s1 =	sadd.s32 s1, s30  }
0xbb: {  	s0 =	sor.u32 s3, s0;
	s1 =	sshll.u32 s1, $0x11  }
0xbc: {  	s0 =	sor.u32 s1, s0  }
0xbd: {  	s0 =	sadd.s32 $0x8F2B, s0  }
0xbe: {  	[sflag:s0] =	ssyncadd.remote.s32 $0x1  }
0xbf: {  	_ =	sfence.sel $0xFFFF  }
0xc0: {  	[dreg:$0x0] =	wrdreg $0xFFFFFFFF;
	(pc) =	sbr.abs _section_cstart, $3  }
0xc1: {  	[dreg:$0x1] =	wrdreg $0xFFFFFFFF  }
0xc2: {  	_ =	task.clear_ibuf [dreg:s7], $0x2FFFF;
	_ =	strace $0x9FFFFFFF  }
0xc3: {  	(tm) =	ssettm $0x7FFFFFFF  }
tec
execute0_lowered:
.L_overlay_start_1:
0x0: {  	(tag) =	ssettag $0x1  }
0x1: {  	s0 =	rddreg [dreg:$0x0]  }
0x2: {  	s5 =	rddreg [dreg:$0x1]  }
0x3: {  	s2 =	rddreg [dreg:$0x2];
	s3 =	simm.s32 $0x0  }
0x4: {  	s23 =	simm.s32 $0x100;
	[smem:$0x7FF] =	sst s3  }
0x5: {  	s24 =	simm.s32 $0x180;
	_ =	strace $0x8000004A;
	[dreg:$0x6] =	wrdreg s23  }
0x6: {  	s25 =	simm.s32 $0x200;
	[dreg:$0x7] =	wrdreg s24  }
0x7: {  	s12 =	simm.s32 $0x380;
	[dreg:$0x8] =	wrdreg s25  }
0x8: {  	s13 =	simm.s32 $0x400;
	[dreg:$0xb] =	wrdreg s12  }
0x9: {  	s15 =	simm.s32 $0x880;
	[dreg:$0xc] =	wrdreg s13  }
0xa: {  	s1 =	srdreg.scid;
	s16 =	simm.s32 $0x480;
	[dreg:$0xd] =	wrdreg s15  }
0xb: {  	s10 =	stileid.u32;
	s18 =	simm.s32 $0x900;
	[dreg:$0xe] =	wrdreg s16  }
0xc: {  	s1 =	sand.u32 $0x1, s1;
	[dreg:$0xf] =	wrdreg s18;
	s24 =	simm.s32 $0x580  }
0xd: {  	s4 =	smul.u32 $0x31000, s10;
	s12 =	simm.s32 $0xA80;
	[dreg:$0x12] =	wrdreg s24  }
0xe: {  	s20 =	smul.u32 $0x18800, s10;
	s16 =	simm.s32 $0xB00;
	[dreg:$0x15] =	wrdreg s12  }
0xf: {  	s6 =	smul.u32 $0x18800, s1;
	s18 =	simm.s32 $0x700;
	[dreg:$0x17] =	wrdreg s16  }
0x10: {  	s8 =	smul.u32 $0x188000, s1;
	[dreg:$0x18] =	wrdreg s18;
	s24 =	simm.s32 $0xC00  }
0x11: {  	s1 =	ssub.s32 $0x2, s1;
	s11 =	sadd.s32 s20, s2;
	[dreg:$0x1b] =	wrdreg s24  }
0x12: {  	s21 =	sadd.s32 s20, s8;
	s8 =	simm.s32 $0x280;
	[dreg:$0x1e] =	wrdreg s11  }
0x13: {  	s26 =	sshrl.u32 s1, $0x1;
	s20 =	simm.s32 $0x500;
	[dreg:$0x9] =	wrdreg s8  }
0x14: {  	s1 =	ssub.s32 s1, s26;
	s26 =	simm.s32 $0xA00;
	[dreg:$0x10] =	wrdreg s20  }
0x15: {  	s4 =	sadd.s32 s6, s4;
	[dreg:$0x13] =	wrdreg s26;
	s20 =	simm.s32 $0xB80  }
0x16: {  	s7 =	sshrl.u32 s4, $0x3;
	s26 =	simm.s32 $0xC80;
	[dreg:$0x19] =	wrdreg s20  }
0x17: {  	s10 =	smul.u32 $0x62000, s10;
	s5 =	sadd.s32 s7, s5;
	[dreg:$0x1c] =	wrdreg s26  }
0x18: {  	s9 =	sadd.s32 s7, s0;
	s26 =	smax.u32 s1, $0x1;
	[dreg:$0x4] =	wrdreg s5  }
0x19: {  	s22 =	sadd.s32 $0x69C00, s9;
	[smem:$0x7FD] =	sst s26  }
0x1a: {  	s14 =	sshrl.u32 s10, $0x2;
	s9 =	simm.s32 $0x300;
	[dreg:$0x5] =	wrdreg s22  }
0x1b: {  	s5 =	sadd.s32 s14, s2;
	s14 =	simm.s32 $0x680;
	[dreg:$0xa] =	wrdreg s9  }
0x1c: {  	s17 =	sadd.s32 $0xC40, s5;
	[dreg:$0x16] =	wrdreg s14  }
0x1d: {  	s19 =	sadd.s32 $0x1880, s5;
	[dreg:$0x1f] =	wrdreg s17  }
0x1e: {  	s7 =	sshrl.u32 s21, $0x3;
	s21 =	sadd.s32 $0x24C0, s5;
	[smem:$0x7DE] =	sst s19  }
0x1f: {  	s23 =	sadd.s32 $0x3100, s5;
	[smem:$0x7DF] =	sst s21  }
0x20: {  	s22 =	simm.s32 $0x980;
	[smem:$0x7E0] =	sst s23  }
0x21: {  	s25 =	sadd.s32 $0x3D40, s5;
	[dreg:$0x11] =	wrdreg s22  }
0x22: {  	s8 =	sadd.s32 $0x4980, s5;
	[smem:$0x7E1] =	sst s25  }
0x23: {  	s10 =	sadd.s32 $0x55C0, s5;
	[smem:$0x7E2] =	sst s8  }
0x24: {  	s9 =	simm.s32 $0x600;
	[smem:$0x7E3] =	sst s10  }
0x25: {  	s13 =	sadd.s32 $0x6200, s5;
	[dreg:$0x14] =	wrdreg s9  }
0x26: {  	s15 =	sadd.s32 $0x6E40, s5;
	[smem:$0x7E4] =	sst s13  }
0x27: {  	s12 =	sadd.s32 $0xD040, s5;
	[smem:$0x7E5] =	sst s15  }
0x28: {  	s14 =	sadd.s32 $0xE8C0, s5;
	[smem:$0x7ED] =	sst s12  }
0x29: {  	s16 =	sadd.s32 $0x10140, s5;
	[smem:$0x7EF] =	sst s14  }
0x2a: {  	s18 =	sadd.s32 $0x119C0, s5;
	[smem:$0x7F1] =	sst s16  }
0x2b: {  	s4 =	sadd.s32 $0x1A00, s0;
	s20 =	sadd.s32 $0x13240, s5;
	[smem:$0x7F3] =	sst s18  }
0x2c: {  	s0 =	sadd.s32 s7, s0;
	s24 =	sadd.s32 $0x16340, s5;
	[smem:$0x7F5] =	sst s20  }
0x2d: {  	s0 =	sadd.s32 $0xCBC00, s0;
	[smem:$0x7F9] =	sst s24  }
0x2e: {  	s17 =	sadd.s32 $0x7A80, s5;
	[smem:$0x7FC] =	sst s0  }
0x2f: {  	s28 =	simm.s32 $0x4;
	s19 =	sadd.s32 $0x86C0, s5;
	[smem:$0x7E6] =	sst s17  }
0x30: {  	s29 =	simm.s32 $0x5;
	s21 =	sadd.s32 $0x9300, s5;
	[smem:$0x7E7] =	sst s19  }
0x31: {  	s30 =	simm.s32 $0x6;
	s23 =	sadd.s32 $0x9F40, s5;
	[smem:$0x7E8] =	sst s21  }
0x32: {  	s31 =	simm.s32 $0x7;
	s22 =	simm.s32 $0x780;
	[smem:$0x7E9] =	sst s23  }
0x33: {  	s6 =	simm.s32 $0xE00;
	s25 =	sadd.s32 $0xAB80, s5;
	[dreg:$0x1a] =	wrdreg s22  }
0x34: {  	s1 =	simm.s32 $0x8;
	s8 =	sadd.s32 $0xB7C0, s5;
	[smem:$0x7EA] =	sst s25  }
0x35: {  	s26 =	simm.s32 $0x3;
	s10 =	sadd.s32 $0xC400, s5;
	[smem:$0x7EB] =	sst s8  }
0x36: {  	s7 =	simm.s32 $0xE80;
	s9 =	simm.s32 $0xD00;
	[smem:$0x7EC] =	sst s10  }
0x37: {  	s13 =	sadd.s32 $0xDC80, s5;
	s15 =	sadd.s32 $0xF500, s5;
	[dreg:$0x1d] =	wrdreg s9  }
0x38: {  	s14 =	simm.s32 $0x800;
	s16 =	simm.s32 $0x1000;
	[smem:$0x7EE] =	sst s13  }
0x39: {  	s18 =	simm.s32 $0x2000;
	[smem:$0x7F0] =	sst s15;
	s17 =	sadd.s32 $0x10D80, s5  }
0x3a: {  	s20 =	simm.s32 $0x3000;
	s19 =	sadd.s32 $0x12600, s5;
	[smem:$0x7F2] =	sst s17  }
0x3b: {  	s24 =	simm.s32 $0x1;
	s21 =	sadd.s32 $0x13E80, s5;
	[smem:$0x7F4] =	sst s19  }
0x3c: {  	s0 =	simm.s32 $0xD80;
	s22 =	sadd.s32 $0x14AC0, s5;
	[smem:$0x7F6] =	sst s21  }
0x3d: {  	s23 =	sadd.s32 $0x15700, s5;
	s25 =	sadd.s32 $0x16F80, s5;
	[smem:$0x7F7] =	sst s22  }
0x3e: {  	s5 =	sadd.s32 $0x17BC0, s5;
	s13 =	simm.s32 $0x9;
	[smem:$0x7F8] =	sst s23  }
0x3f: {  	s15 =	simm.s32 $0x80;
	s8 =	simm.s32 $0xF00;
	[smem:$0x7FA] =	sst s25  }
0x40: {  	s9 =	simm.s32 $0xF80;
	s10 =	simm.s32 $0x0;
	[smem:$0x7FB] =	sst s5  }
0x41: {  	s17 =	simm.s32 $0x1800;
	s19 =	simm.s32 $0x2800;
	s21 =	simm.s32 $0x3800  }
0x42: {  	v0 =	vimm.f32 $0.0e+00;
	s22 =	simm.s32 $0x4000;
	s23 =	simm.s32 $0x4800;
	s25 =	simm.s32 $0x2  }
.LBB2_1:
0x43: {  	[smem:$0x7DD] =	sst s10;
	s5 =	simm.s32 $0x40;
	s10 =	simm.s32 $0x0  }
.LBB2_2:
0x44: {  	p0 =	sne.s32 s5, $0x30C0;
	[tilespmem:s10+$0x5000] =	vst v0;
	s10 =	smov.u32 s5;
	s5 =	sadd.s32 $0x40, s5  }
.Ltmp0:
0x45: {  	(pc) =	sbr.rel @p0 .LBB2_2-.Ltmp0, $2  }
0x46: {  	_ =	sdelay $0x2  }
0x47: {  	s10 =	sshra.s32 s10, $0x2  }
0x48: {  	[tilespmem:s10+$0x5000] =	vst v0;
	s10 =	simm.s32 $0x5000  }
0x49: {  	[spmem:s11] =	stream.linear.scatter [tilespmem:s10], [sflag:$0x9], $0xC40, $0x38;
	[tilespmem:$0x1E440] =	vst v63  }
0x4a: {  	_ =	swait.ge [sflag:s13], $0xC40  }
0x4b: {  	[sflag:s13] =	ssyncset.done $0x0  }
0x4c: {  	s5 =	rddreg [dreg:$0x1f];
	[sflag:s13] =	ssyncadd.s32 $0xFFFFF3C0  }
0x4d: {  	[spmem:s5] =	stream.linear.scatter [tilespmem:s10], [sflag:$0x9], $0xC40, $0x38;
	[tilespmem:$0x1E440] =	vst v63  }
0x4e: {  	_ =	swait.ge [sflag:s13], $0xC40  }
0x4f: {  	s12 =	sld [smem:$0x7DE]  }
0x50: {  	[sflag:s13] =	ssyncset.done $0x0  }
0x51: {  	[sflag:s13] =	ssyncadd.s32 $0xFFFFF3C0  }
0x52: {  	[spmem:s12] =	stream.linear.scatter [tilespmem:s10], [sflag:$0x9], $0xC40, $0x38;
	[tilespmem:$0x1E440] =	vst v63  }
0x53: {  	_ =	swait.ge [sflag:s13], $0xC40  }
0x54: {  	s11 =	sld [smem:$0x7DF]  }
0x55: {  	[sflag:s13] =	ssyncset.done $0x0  }
0x56: {  	[sflag:s13] =	ssyncadd.s32 $0xFFFFF3C0  }
0x57: {  	[spmem:s11] =	stream.linear.scatter [tilespmem:s10], [sflag:$0x9], $0xC40, $0x38;
	[tilespmem:$0x1E440] =	vst v63  }
0x58: {  	_ =	swait.ge [sflag:s13], $0xC40  }
0x59: {  	s12 =	sld [smem:$0x7E0]  }
0x5a: {  	[sflag:s13] =	ssyncset.done $0x0  }
0x5b: {  	[sflag:s13] =	ssyncadd.s32 $0xFFFFF3C0  }
0x5c: {  	[spmem:s12] =	stream.linear.scatter [tilespmem:s10], [sflag:$0x9], $0xC40, $0x38;
	[tilespmem:$0x1E440] =	vst v63  }
0x5d: {  	_ =	swait.ge [sflag:s13], $0xC40  }
0x5e: {  	s11 =	sld [smem:$0x7E1]  }
0x5f: {  	[sflag:s13] =	ssyncset.done $0x0  }
0x60: {  	[sflag:s13] =	ssyncadd.s32 $0xFFFFF3C0  }
0x61: {  	[spmem:s11] =	stream.linear.scatter [tilespmem:s10], [sflag:$0x9], $0xC40, $0x38;
	[tilespmem:$0x1E440] =	vst v63  }
0x62: {  	_ =	swait.ge [sflag:s13], $0xC40  }
0x63: {  	s12 =	sld [smem:$0x7E2]  }
0x64: {  	[sflag:s13] =	ssyncset.done $0x0  }
0x65: {  	[sflag:s13] =	ssyncadd.s32 $0xFFFFF3C0  }
0x66: {  	[spmem:s12] =	stream.linear.scatter [tilespmem:s10], [sflag:$0x9], $0xC40, $0x38;
	[tilespmem:$0x1E440] =	vst v63  }
0x67: {  	_ =	swait.ge [sflag:s13], $0xC40  }
0x68: {  	s11 =	sld [smem:$0x7E3]  }
0x69: {  	[sflag:s13] =	ssyncset.done $0x0  }
0x6a: {  	[sflag:s13] =	ssyncadd.s32 $0xFFFFF3C0  }
0x6b: {  	[spmem:s11] =	stream.linear.scatter [tilespmem:s10], [sflag:$0x9], $0xC40, $0x38;
	[tilespmem:$0x1E440] =	vst v63  }
0x6c: {  	_ =	swait.ge [sflag:s13], $0xC40  }
0x6d: {  	s12 =	sld [smem:$0x7E4]  }
0x6e: {  	[sflag:s13] =	ssyncset.done $0x0  }
0x6f: {  	[sflag:s13] =	ssyncadd.s32 $0xFFFFF3C0  }
0x70: {  	[spmem:s12] =	stream.linear.scatter [tilespmem:s10], [sflag:$0x9], $0xC40, $0x38;
	[tilespmem:$0x1E440] =	vst v63  }
0x71: {  	_ =	swait.ge [sflag:s13], $0xC40  }
0x72: {  	s11 =	sld [smem:$0x7E5]  }
0x73: {  	[sflag:s13] =	ssyncset.done $0x0  }
0x74: {  	[sflag:s13] =	ssyncadd.s32 $0xFFFFF3C0  }
0x75: {  	[spmem:s11] =	stream.linear.scatter [tilespmem:s10], [sflag:$0x9], $0xC40, $0x38;
	[tilespmem:$0x1E440] =	vst v63  }
0x76: {  	_ =	swait.ge [sflag:s13], $0xC40  }
0x77: {  	s12 =	sld [smem:$0x7E6]  }
0x78: {  	[sflag:s13] =	ssyncset.done $0x0  }
0x79: {  	[sflag:s13] =	ssyncadd.s32 $0xFFFFF3C0  }
0x7a: {  	[spmem:s12] =	stream.linear.scatter [tilespmem:s10], [sflag:$0x9], $0xC40, $0x38;
	[tilespmem:$0x1E440] =	vst v63  }
0x7b: {  	_ =	swait.ge [sflag:s13], $0xC40  }
0x7c: {  	s11 =	sld [smem:$0x7E7]  }
0x7d: {  	[sflag:s13] =	ssyncset.done $0x0  }
0x7e: {  	[sflag:s13] =	ssyncadd.s32 $0xFFFFF3C0  }
0x7f: {  	[spmem:s11] =	stream.linear.scatter [tilespmem:s10], [sflag:$0x9], $0xC40, $0x38;
	[tilespmem:$0x1E440] =	vst v63  }
0x80: {  	_ =	swait.ge [sflag:s13], $0xC40  }
0x81: {  	s12 =	sld [smem:$0x7E8]  }
0x82: {  	[sflag:s13] =	ssyncset.done $0x0  }
0x83: {  	[sflag:s13] =	ssyncadd.s32 $0xFFFFF3C0  }
0x84: {  	[spmem:s12] =	stream.linear.scatter [tilespmem:s10], [sflag:$0x9], $0xC40, $0x38;
	[tilespmem:$0x1E440] =	vst v63  }
0x85: {  	_ =	swait.ge [sflag:s13], $0xC40  }
0x86: {  	s11 =	sld [smem:$0x7E9]  }
0x87: {  	[sflag:s13] =	ssyncset.done $0x0  }
0x88: {  	[sflag:s13] =	ssyncadd.s32 $0xFFFFF3C0  }
0x89: {  	[spmem:s11] =	stream.linear.scatter [tilespmem:s10], [sflag:$0x9], $0xC40, $0x38;
	[tilespmem:$0x1E440] =	vst v63  }
0x8a: {  	_ =	swait.ge [sflag:s13], $0xC40  }
0x8b: {  	s12 =	sld [smem:$0x7EA]  }
0x8c: {  	[sflag:s13] =	ssyncset.done $0x0  }
0x8d: {  	[sflag:s13] =	ssyncadd.s32 $0xFFFFF3C0  }
0x8e: {  	[spmem:s12] =	stream.linear.scatter [tilespmem:s10], [sflag:$0x9], $0xC40, $0x38;
	[tilespmem:$0x1E440] =	vst v63  }
0x8f: {  	_ =	swait.ge [sflag:s13], $0xC40  }
0x90: {  	s11 =	sld [smem:$0x7EB]  }
0x91: {  	[sflag:s13] =	ssyncset.done $0x0  }
0x92: {  	[sflag:s13] =	ssyncadd.s32 $0xFFFFF3C0  }
0x93: {  	[spmem:s11] =	stream.linear.scatter [tilespmem:s10], [sflag:$0x9], $0xC40, $0x38;
	[tilespmem:$0x1E440] =	vst v63  }
0x94: {  	_ =	swait.ge [sflag:s13], $0xC40  }
0x95: {  	s12 =	sld [smem:$0x7EC]  }
0x96: {  	[sflag:s13] =	ssyncset.done $0x0  }
0x97: {  	[sflag:s13] =	ssyncadd.s32 $0xFFFFF3C0  }
0x98: {  	[spmem:s12] =	stream.linear.scatter [tilespmem:s10], [sflag:$0x9], $0xC40, $0x38;
	[tilespmem:$0x1E440] =	vst v63  }
0x99: {  	_ =	swait.ge [sflag:s13], $0xC40  }
0x9a: {  	s11 =	sld [smem:$0x7ED]  }
0x9b: {  	[sflag:s13] =	ssyncset.done $0x0  }
0x9c: {  	[sflag:s13] =	ssyncadd.s32 $0xFFFFF3C0  }
0x9d: {  	[spmem:s11] =	stream.linear.scatter [tilespmem:s10], [sflag:$0x9], $0xC40, $0x38;
	[tilespmem:$0x1E440] =	vst v63  }
0x9e: {  	_ =	swait.ge [sflag:s13], $0xC40  }
0x9f: {  	s12 =	sld [smem:$0x7EE]  }
0xa0: {  	[sflag:s13] =	ssyncset.done $0x0  }
0xa1: {  	[sflag:s13] =	ssyncadd.s32 $0xFFFFF3C0  }
0xa2: {  	[spmem:s12] =	stream.linear.scatter [tilespmem:s10], [sflag:$0x9], $0xC40, $0x38;
	[tilespmem:$0x1E440] =	vst v63  }
0xa3: {  	_ =	swait.ge [sflag:s13], $0xC40  }
0xa4: {  	s11 =	sld [smem:$0x7EF]  }
0xa5: {  	[sflag:s13] =	ssyncset.done $0x0  }
0xa6: {  	[sflag:s13] =	ssyncadd.s32 $0xFFFFF3C0  }
0xa7: {  	[spmem:s11] =	stream.linear.scatter [tilespmem:s10], [sflag:$0x9], $0xC40, $0x38;
	[tilespmem:$0x1E440] =	vst v63  }
0xa8: {  	_ =	swait.ge [sflag:s13], $0xC40  }
0xa9: {  	s12 =	sld [smem:$0x7F0]  }
0xaa: {  	[sflag:s13] =	ssyncset.done $0x0  }
0xab: {  	[sflag:s13] =	ssyncadd.s32 $0xFFFFF3C0  }
0xac: {  	[spmem:s12] =	stream.linear.scatter [tilespmem:s10], [sflag:$0x9], $0xC40, $0x38;
	[tilespmem:$0x1E440] =	vst v63  }
0xad: {  	_ =	swait.ge [sflag:s13], $0xC40  }
0xae: {  	s11 =	sld [smem:$0x7F1]  }
0xaf: {  	[sflag:s13] =	ssyncset.done $0x0  }
0xb0: {  	[sflag:s13] =	ssyncadd.s32 $0xFFFFF3C0  }
0xb1: {  	[spmem:s11] =	stream.linear.scatter [tilespmem:s10], [sflag:$0x9], $0xC40, $0x38;
	[tilespmem:$0x1E440] =	vst v63  }
0xb2: {  	_ =	swait.ge [sflag:s13], $0xC40  }
0xb3: {  	s12 =	sld [smem:$0x7F2]  }
0xb4: {  	[sflag:s13] =	ssyncset.done $0x0  }
0xb5: {  	[sflag:s13] =	ssyncadd.s32 $0xFFFFF3C0  }
0xb6: {  	[spmem:s12] =	stream.linear.scatter [tilespmem:s10], [sflag:$0x9], $0xC40, $0x38;
	[tilespmem:$0x1E440] =	vst v63  }
0xb7: {  	_ =	swait.ge [sflag:s13], $0xC40  }
0xb8: {  	s11 =	sld [smem:$0x7F3]  }
0xb9: {  	[sflag:s13] =	ssyncset.done $0x0  }
0xba: {  	[sflag:s13] =	ssyncadd.s32 $0xFFFFF3C0  }
0xbb: {  	[spmem:s11] =	stream.linear.scatter [tilespmem:s10], [sflag:$0x9], $0xC40, $0x38;
	[tilespmem:$0x1E440] =	vst v63  }
0xbc: {  	_ =	swait.ge [sflag:s13], $0xC40  }
0xbd: {  	s12 =	sld [smem:$0x7F4]  }
0xbe: {  	[sflag:s13] =	ssyncset.done $0x0  }
0xbf: {  	[sflag:s13] =	ssyncadd.s32 $0xFFFFF3C0  }
0xc0: {  	[spmem:s12] =	stream.linear.scatter [tilespmem:s10], [sflag:$0x9], $0xC40, $0x38;
	[tilespmem:$0x1E440] =	vst v63  }
0xc1: {  	_ =	swait.ge [sflag:s13], $0xC40  }
0xc2: {  	s11 =	sld [smem:$0x7F5]  }
0xc3: {  	[sflag:s13] =	ssyncset.done $0x0  }
0xc4: {  	[sflag:s13] =	ssyncadd.s32 $0xFFFFF3C0  }
0xc5: {  	[spmem:s11] =	stream.linear.scatter [tilespmem:s10], [sflag:$0x9], $0xC40, $0x38;
	[tilespmem:$0x1E440] =	vst v63  }
0xc6: {  	_ =	swait.ge [sflag:s13], $0xC40  }
0xc7: {  	s12 =	sld [smem:$0x7F6]  }
0xc8: {  	[sflag:s13] =	ssyncset.done $0x0  }
0xc9: {  	[sflag:s13] =	ssyncadd.s32 $0xFFFFF3C0  }
0xca: {  	[spmem:s12] =	stream.linear.scatter [tilespmem:s10], [sflag:$0x9], $0xC40, $0x38;
	[tilespmem:$0x1E440] =	vst v63  }
0xcb: {  	_ =	swait.ge [sflag:s13], $0xC40  }
0xcc: {  	s11 =	sld [smem:$0x7F7]  }
0xcd: {  	[sflag:s13] =	ssyncset.done $0x0  }
0xce: {  	[sflag:s13] =	ssyncadd.s32 $0xFFFFF3C0  }
0xcf: {  	[spmem:s11] =	stream.linear.scatter [tilespmem:s10], [sflag:$0x9], $0xC40, $0x38;
	[tilespmem:$0x1E440] =	vst v63  }
0xd0: {  	_ =	swait.ge [sflag:s13], $0xC40  }
0xd1: {  	s12 =	sld [smem:$0x7F8]  }
0xd2: {  	[sflag:s13] =	ssyncset.done $0x0  }
0xd3: {  	[sflag:s13] =	ssyncadd.s32 $0xFFFFF3C0  }
0xd4: {  	[spmem:s12] =	stream.linear.scatter [tilespmem:s10], [sflag:$0x9], $0xC40, $0x38;
	[tilespmem:$0x1E440] =	vst v63  }
0xd5: {  	_ =	swait.ge [sflag:s13], $0xC40  }
0xd6: {  	s11 =	sld [smem:$0x7F9]  }
0xd7: {  	[sflag:s13] =	ssyncset.done $0x0  }
0xd8: {  	[sflag:s13] =	ssyncadd.s32 $0xFFFFF3C0  }
0xd9: {  	[spmem:s11] =	stream.linear.scatter [tilespmem:s10], [sflag:$0x9], $0xC40, $0x38;
	[tilespmem:$0x1E440] =	vst v63  }
0xda: {  	_ =	swait.ge [sflag:s13], $0xC40  }
0xdb: {  	s12 =	sld [smem:$0x7FA]  }
0xdc: {  	[sflag:s13] =	ssyncset.done $0x0  }
0xdd: {  	[sflag:s13] =	ssyncadd.s32 $0xFFFFF3C0  }
0xde: {  	[spmem:s12] =	stream.linear.scatter [tilespmem:s10], [sflag:$0x9], $0xC40, $0x38;
	[tilespmem:$0x1E440] =	vst v63  }
0xdf: {  	_ =	swait.ge [sflag:s13], $0xC40  }
0xe0: {  	s11 =	sld [smem:$0x7FB]  }
0xe1: {  	[sflag:s13] =	ssyncset.done $0x0  }
0xe2: {  	[sflag:s13] =	ssyncadd.s32 $0xFFFFF3C0  }
0xe3: {  	[spmem:s11] =	stream.linear.scatter [tilespmem:s10], [sflag:$0x9], $0xC40, $0x38;
	[tilespmem:$0x1E440] =	vst v63  }
0xe4: {  	_ =	swait.ge [sflag:s13], $0xC40  }
0xe5: {  	[sflag:s13] =	ssyncset.done $0x0  }
0xe6: {  	[sflag:s13] =	ssyncadd.s32 $0xFFFFF3C0  }
0xe7: {  	[bflag:$0x0] =	sbarrier.arrive $0xFFFF  }
0xe8: {  	s12 =	rddreg [dreg:$0x5]  }
0xe9: {  	s5 =	sadd.s32 $0x0, s12  }
0xea: {  	[tilespmem:s3], [sflag:$0x9] =	stream.linear.gather [hbm4b:s5+s3], $0x800, $0x38;
	[tilespmem:$0x1E440] =	vst v63  }
0xeb: {  	_ =	swait.ge [sflag:s13], $0x800  }
0xec: {  	s10 =	rddreg [dreg:$0x4];
	[sflag:s13] =	ssyncset.done $0x0  }
0xed: {  	[sflag:s13] =	ssyncadd.s32 $0xFFFFF800;
	s5 =	sadd.s32 $0x0, s10  }
0xee: {  	[tilespmem:s14], [sflag:$0x9] =	stream.linear.gather [hbm4b:s5+s3], $0x800, $0x38;
	[tilespmem:$0x1E440] =	vst v63  }
0xef: {  	_ =	swait.ge [sflag:s13], $0x800  }
0xf0: {  	[sflag:s13] =	ssyncset.done $0x0  }
0xf1: {  	[sflag:s13] =	ssyncadd.s32 $0xFFFFF800  }
0xf2: {  	[tilespmem:s16], [sflag:$0x1] =	stream.indirect.gather [hbm4b:s4+s15], $0x10, s3, s15, $0xb8;
	[tilespmem:$0x1E440] =	vst v63  }
0xf3: {  	_ = 	snop  }
0xf4: {  	[tilespmem:s17], [sflag:$0x2] =	stream.indirect.gather [hbm4b:s4+s15], $0x10, s15, s15, $0xb8;
	[tilespmem:$0x1E440] =	vst v63  }
0xf5: {  	s11 =	rddreg [dreg:$0x6]  }
0xf6: {  	[tilespmem:s18], [sflag:$0x3] =	stream.indirect.gather [hbm4b:s4+s15], $0x10, s11, s15, $0xb8;
	[tilespmem:$0x1E440] =	vst v63  }
0xf7: {  	s12 =	rddreg [dreg:$0x7]  }
0xf8: {  	[tilespmem:s19], [sflag:$0x4] =	stream.indirect.gather [hbm4b:s4+s15], $0x10, s12, s15, $0xb8;
	[tilespmem:$0x1E440] =	vst v63  }
0xf9: {  	s11 =	rddreg [dreg:$0x8]  }
0xfa: {  	[tilespmem:s20], [sflag:$0x5] =	stream.indirect.gather [hbm4b:s4+s15], $0x10, s11, s15, $0xb8;
	[tilespmem:$0x1E440] =	vst v63  }
0xfb: {  	s12 =	rddreg [dreg:$0x9]  }
0xfc: {  	[tilespmem:s21], [sflag:$0x6] =	stream.indirect.gather [hbm4b:s4+s15], $0x10, s12, s15, $0xb8;
	[tilespmem:$0x1E440] =	vst v63  }
0xfd: {  	s11 =	rddreg [dreg:$0xa]  }
0xfe: {  	[tilespmem:s22], [sflag:$0x7] =	stream.indirect.gather [hbm4b:s4+s15], $0x10, s11, s15, $0xb8;
	[tilespmem:$0x1E440] =	vst v63  }
0xff: {  	s12 =	rddreg [dreg:$0xb]  }
0x100: {  	[tilespmem:s23], [sflag:$0x8] =	stream.indirect.gather [hbm4b:s4+s15], $0x10, s12, s15, $0xb8;
	[tilespmem:$0x1E440] =	vst v63  }
0x101: {  	_ =	swait.ge [sflag:s24], $0x800  }
0x102: {  	[sflag:s24] =	ssyncset.done $0x0  }
0x103: {  	[sflag:s24] =	ssyncadd.s32 $0xFFFFF800  }
0x104: {  	[spmem:s2] =	stream.indirect.scatter.add.f32 [tilespmem:s16], [sflag:$0x9], $0x10, s14, s15, $0xb8;
	[tilespmem:$0x1E440] =	vst v63  }
0x105: {  	_ =	swait.ge [sflag:s13], $0x800  }
0x106: {  	[sflag:s13] =	ssyncset.done $0x0  }
0x107: {  	s10 =	rddreg [dreg:$0xc];
	[sflag:s13] =	ssyncadd.s32 $0xFFFFF800  }
0x108: {  	[tilespmem:s16], [sflag:$0x1] =	stream.indirect.gather [hbm4b:s4+s15], $0x10, s10, s15, $0xb8;
	[tilespmem:$0x1E440] =	vst v63  }
0x109: {  	_ =	swait.ge [sflag:s25], $0x800  }
0x10a: {  	[sflag:s25] =	ssyncset.done $0x0  }
0x10b: {  	s11 =	rddreg [dreg:$0xd];
	[sflag:s25] =	ssyncadd.s32 $0xFFFFF800  }
0x10c: {  	[spmem:s2] =	stream.indirect.scatter.add.f32 [tilespmem:s17], [sflag:$0x9], $0x10, s11, s15, $0xb8;
	[tilespmem:$0x1E440] =	vst v63  }
0x10d: {  	_ =	swait.ge [sflag:s13], $0x800  }
0x10e: {  	[sflag:s13] =	ssyncset.done $0x0  }
0x10f: {  	s12 =	rddreg [dreg:$0xe];
	[sflag:s13] =	ssyncadd.s32 $0xFFFFF800  }
0x110: {  	[tilespmem:s17], [sflag:$0x2] =	stream.indirect.gather [hbm4b:s4+s15], $0x10, s12, s15, $0xb8;
	[tilespmem:$0x1E440] =	vst v63  }
0x111: {  	_ =	swait.ge [sflag:s26], $0x800  }
0x112: {  	[sflag:s26] =	ssyncset.done $0x0  }
0x113: {  	s10 =	rddreg [dreg:$0xf];
	[sflag:s26] =	ssyncadd.s32 $0xFFFFF800  }
0x114: {  	[spmem:s2] =	stream.indirect.scatter.add.f32 [tilespmem:s18], [sflag:$0x9], $0x10, s10, s15, $0xb8;
	[tilespmem:$0x1E440] =	vst v63  }
0x115: {  	_ =	swait.ge [sflag:s13], $0x800  }
0x116: {  	[sflag:s13] =	ssyncset.done $0x0  }
0x117: {  	s11 =	rddreg [dreg:$0x10];
	[sflag:s13] =	ssyncadd.s32 $0xFFFFF800  }
0x118: {  	[tilespmem:s18], [sflag:$0x3] =	stream.indirect.gather [hbm4b:s4+s15], $0x10, s11, s15, $0xb8;
	[tilespmem:$0x1E440] =	vst v63  }
0x119: {  	_ =	swait.ge [sflag:s28], $0x800  }
0x11a: {  	[sflag:s28] =	ssyncset.done $0x0  }
0x11b: {  	s12 =	rddreg [dreg:$0x11];
	[sflag:s28] =	ssyncadd.s32 $0xFFFFF800  }
0x11c: {  	[spmem:s2] =	stream.indirect.scatter.add.f32 [tilespmem:s19], [sflag:$0x9], $0x10, s12, s15, $0xb8;
	[tilespmem:$0x1E440] =	vst v63  }
0x11d: {  	_ =	swait.ge [sflag:s13], $0x800  }
0x11e: {  	[sflag:s13] =	ssyncset.done $0x0  }
0x11f: {  	s10 =	rddreg [dreg:$0x12];
	[sflag:s13] =	ssyncadd.s32 $0xFFFFF800  }
0x120: {  	[tilespmem:s19], [sflag:$0x4] =	stream.indirect.gather [hbm4b:s4+s15], $0x10, s10, s15, $0xb8;
	[tilespmem:$0x1E440] =	vst v63  }
0x121: {  	_ =	swait.ge [sflag:s29], $0x800  }
0x122: {  	[sflag:s29] =	ssyncset.done $0x0  }
0x123: {  	s11 =	rddreg [dreg:$0x13];
	[sflag:s29] =	ssyncadd.s32 $0xFFFFF800  }
0x124: {  	[spmem:s2] =	stream.indirect.scatter.add.f32 [tilespmem:s20], [sflag:$0x9], $0x10, s11, s15, $0xb8;
	[tilespmem:$0x1E440] =	vst v63  }
0x125: {  	_ =	swait.ge [sflag:s13], $0x800  }
0x126: {  	[sflag:s13] =	ssyncset.done $0x0  }
0x127: {  	s12 =	rddreg [dreg:$0x14];
	[sflag:s13] =	ssyncadd.s32 $0xFFFFF800  }
0x128: {  	[tilespmem:s20], [sflag:$0x5] =	stream.indirect.gather [hbm4b:s4+s15], $0x10, s12, s15, $0xb8;
	[tilespmem:$0x1E440] =	vst v63  }
0x129: {  	_ =	swait.ge [sflag:s30], $0x800  }
0x12a: {  	[sflag:s30] =	ssyncset.done $0x0  }
0x12b: {  	s10 =	rddreg [dreg:$0x15];
	[sflag:s30] =	ssyncadd.s32 $0xFFFFF800  }
0x12c: {  	[spmem:s2] =	stream.indirect.scatter.add.f32 [tilespmem:s21], [sflag:$0x9], $0x10, s10, s15, $0xb8;
	[tilespmem:$0x1E440] =	vst v63  }
0x12d: {  	_ =	swait.ge [sflag:s13], $0x800  }
0x12e: {  	[sflag:s13] =	ssyncset.done $0x0  }
0x12f: {  	s11 =	rddreg [dreg:$0x16];
	[sflag:s13] =	ssyncadd.s32 $0xFFFFF800  }
0x130: {  	[tilespmem:s21], [sflag:$0x6] =	stream.indirect.gather [hbm4b:s4+s15], $0x10, s11, s15, $0xb8;
	[tilespmem:$0x1E440] =	vst v63  }
0x131: {  	_ =	swait.ge [sflag:s31], $0x800  }
0x132: {  	[sflag:s31] =	ssyncset.done $0x0  }
0x133: {  	s12 =	rddreg [dreg:$0x17];
	[sflag:s31] =	ssyncadd.s32 $0xFFFFF800  }
0x134: {  	[spmem:s2] =	stream.indirect.scatter.add.f32 [tilespmem:s22], [sflag:$0x9], $0x10, s12, s15, $0xb8;
	[tilespmem:$0x1E440] =	vst v63  }
0x135: {  	_ =	swait.ge [sflag:s13], $0x800  }
0x136: {  	[sflag:s13] =	ssyncset.done $0x0  }
0x137: {  	s10 =	rddreg [dreg:$0x18];
	[sflag:s13] =	ssyncadd.s32 $0xFFFFF800  }
0x138: {  	[tilespmem:s22], [sflag:$0x7] =	stream.indirect.gather [hbm4b:s4+s15], $0x10, s10, s15, $0xb8;
	[tilespmem:$0x1E440] =	vst v63  }
0x139: {  	_ =	swait.ge [sflag:s1], $0x800  }
0x13a: {  	[sflag:s1] =	ssyncset.done $0x0  }
0x13b: {  	s11 =	rddreg [dreg:$0x19];
	[sflag:s1] =	ssyncadd.s32 $0xFFFFF800  }
0x13c: {  	[spmem:s2] =	stream.indirect.scatter.add.f32 [tilespmem:s23], [sflag:$0x9], $0x10, s11, s15, $0xb8;
	[tilespmem:$0x1E440] =	vst v63  }
0x13d: {  	_ =	swait.ge [sflag:s13], $0x800  }
0x13e: {  	[sflag:s13] =	ssyncset.done $0x0  }
0x13f: {  	s12 =	rddreg [dreg:$0x1a];
	[sflag:s13] =	ssyncadd.s32 $0xFFFFF800  }
0x140: {  	[tilespmem:s23], [sflag:$0x8] =	stream.indirect.gather [hbm4b:s4+s15], $0x10, s12, s15, $0xb8;
	[tilespmem:$0x1E440] =	vst v63  }
0x141: {  	_ =	swait.ge [sflag:s24], $0x800  }
0x142: {  	[sflag:s24] =	ssyncset.done $0x0  }
0x143: {  	s10 =	rddreg [dreg:$0x1b];
	[sflag:s24] =	ssyncadd.s32 $0xFFFFF800  }
0x144: {  	[spmem:s2] =	stream.indirect.scatter.add.f32 [tilespmem:s16], [sflag:$0x9], $0x10, s10, s15, $0xb8;
	[tilespmem:$0x1E440] =	vst v63  }
0x145: {  	_ =	swait.ge [sflag:s13], $0x800  }
0x146: {  	[sflag:s13] =	ssyncset.done $0x0  }
0x147: {  	[sflag:s13] =	ssyncadd.s32 $0xFFFFF800  }
0x148: {  	_ =	swait.ge [sflag:s25], $0x800  }
0x149: {  	[sflag:s25] =	ssyncset.done $0x0  }
0x14a: {  	s11 =	rddreg [dreg:$0x1c];
	[sflag:s25] =	ssyncadd.s32 $0xFFFFF800  }
0x14b: {  	[spmem:s2] =	stream.indirect.scatter.add.f32 [tilespmem:s17], [sflag:$0x9], $0x10, s11, s15, $0xb8;
	[tilespmem:$0x1E440] =	vst v63  }
0x14c: {  	_ =	swait.ge [sflag:s13], $0x800  }
0x14d: {  	[sflag:s13] =	ssyncset.done $0x0  }
0x14e: {  	[sflag:s13] =	ssyncadd.s32 $0xFFFFF800  }
0x14f: {  	_ =	swait.ge [sflag:s26], $0x800  }
0x150: {  	[sflag:s26] =	ssyncset.done $0x0  }
0x151: {  	s12 =	rddreg [dreg:$0x1d];
	[sflag:s26] =	ssyncadd.s32 $0xFFFFF800  }
0x152: {  	[spmem:s2] =	stream.indirect.scatter.add.f32 [tilespmem:s18], [sflag:$0x9], $0x10, s12, s15, $0xb8;
	[tilespmem:$0x1E440] =	vst v63  }
0x153: {  	_ =	swait.ge [sflag:s13], $0x800  }
0x154: {  	[sflag:s13] =	ssyncset.done $0x0  }
0x155: {  	[sflag:s13] =	ssyncadd.s32 $0xFFFFF800  }
0x156: {  	_ =	swait.ge [sflag:s28], $0x800  }
0x157: {  	[sflag:s28] =	ssyncset.done $0x0  }
0x158: {  	[sflag:s28] =	ssyncadd.s32 $0xFFFFF800  }
0x159: {  	[spmem:s2] =	stream.indirect.scatter.add.f32 [tilespmem:s19], [sflag:$0x9], $0x10, s0, s15, $0xb8;
	[tilespmem:$0x1E440] =	vst v63  }
0x15a: {  	_ =	swait.ge [sflag:s13], $0x800  }
0x15b: {  	[sflag:s13] =	ssyncset.done $0x0  }
0x15c: {  	[sflag:s13] =	ssyncadd.s32 $0xFFFFF800  }
0x15d: {  	_ =	swait.ge [sflag:s29], $0x800  }
0x15e: {  	[sflag:s29] =	ssyncset.done $0x0  }
0x15f: {  	[sflag:s29] =	ssyncadd.s32 $0xFFFFF800  }
0x160: {  	[spmem:s2] =	stream.indirect.scatter.add.f32 [tilespmem:s20], [sflag:$0x9], $0x10, s6, s15, $0xb8;
	[tilespmem:$0x1E440] =	vst v63  }
0x161: {  	_ =	swait.ge [sflag:s13], $0x800  }
0x162: {  	[sflag:s13] =	ssyncset.done $0x0  }
0x163: {  	[sflag:s13] =	ssyncadd.s32 $0xFFFFF800  }
0x164: {  	_ =	swait.ge [sflag:s30], $0x800  }
0x165: {  	[sflag:s30] =	ssyncset.done $0x0  }
0x166: {  	[sflag:s30] =	ssyncadd.s32 $0xFFFFF800  }
0x167: {  	[spmem:s2] =	stream.indirect.scatter.add.f32 [tilespmem:s21], [sflag:$0x9], $0x10, s7, s15, $0xb8;
	[tilespmem:$0x1E440] =	vst v63  }
0x168: {  	_ =	swait.ge [sflag:s13], $0x800  }
0x169: {  	[sflag:s13] =	ssyncset.done $0x0  }
0x16a: {  	[sflag:s13] =	ssyncadd.s32 $0xFFFFF800  }
0x16b: {  	_ =	swait.ge [sflag:s31], $0x800  }
0x16c: {  	[sflag:s31] =	ssyncset.done $0x0  }
0x16d: {  	[sflag:s31] =	ssyncadd.s32 $0xFFFFF800  }
0x16e: {  	[spmem:s2] =	stream.indirect.scatter.add.f32 [tilespmem:s22], [sflag:$0x9], $0x10, s8, s15, $0xb8;
	[tilespmem:$0x1E440] =	vst v63  }
0x16f: {  	_ =	swait.ge [sflag:s13], $0x800  }
0x170: {  	[sflag:s13] =	ssyncset.done $0x0  }
0x171: {  	[sflag:s13] =	ssyncadd.s32 $0xFFFFF800  }
0x172: {  	_ =	swait.ge [sflag:s1], $0x800  }
0x173: {  	[sflag:s1] =	ssyncset.done $0x0  }
0x174: {  	[sflag:s1] =	ssyncadd.s32 $0xFFFFF800  }
0x175: {  	[spmem:s2] =	stream.indirect.scatter.add.f32 [tilespmem:s23], [sflag:$0x9], $0x10, s9, s15, $0xb8;
	[tilespmem:$0x1E440] =	vst v63  }
0x176: {  	s5 =	simm.s32 $0x200;
	_ =	swait.ge [sflag:s13], $0x800  }
0x177: {  	s11 =	simm.s32 $0x100;
	s10 =	rddreg [dreg:$0x5];
	[sflag:s13] =	ssyncset.done $0x0  }
.LBB2_4:
0x178: {  	[sflag:s13] =	ssyncadd.s32 $0xFFFFF800;
	s10 =	sadd.s32 s11, s10  }
0x179: {  	[tilespmem:s3], [sflag:$0x9] =	stream.linear.gather [hbm4b:s10+s3], $0x800, $0x38;
	[tilespmem:$0x1E440] =	vst v63  }
0x17a: {  	_ =	swait.ge [sflag:s13], $0x800  }
0x17b: {  	s10 =	rddreg [dreg:$0x4];
	[sflag:s13] =	ssyncset.done $0x0  }
0x17c: {  	[sflag:s13] =	ssyncadd.s32 $0xFFFFF800;
	s10 =	sadd.s32 s11, s10  }
0x17d: {  	[tilespmem:s14], [sflag:$0x9] =	stream.linear.gather [hbm4b:s10+s3], $0x800, $0x38;
	[tilespmem:$0x1E440] =	vst v63  }
0x17e: {  	_ =	swait.ge [sflag:s13], $0x800  }
0x17f: {  	[sflag:s13] =	ssyncset.done $0x0  }
0x180: {  	[sflag:s13] =	ssyncadd.s32 $0xFFFFF800  }
0x181: {  	[tilespmem:s16], [sflag:$0x1] =	stream.indirect.gather [hbm4b:s4+s15], $0x10, s3, s15, $0xb8;
	[tilespmem:$0x1E440] =	vst v63  }
0x182: {  	_ = 	snop  }
0x183: {  	[tilespmem:s17], [sflag:$0x2] =	stream.indirect.gather [hbm4b:s4+s15], $0x10, s15, s15, $0xb8;
	[tilespmem:$0x1E440] =	vst v63  }
0x184: {  	s12 =	smov.u32 s5;
	s10 =	rddreg [dreg:$0x6]  }
0x185: {  	[tilespmem:s18], [sflag:$0x3] =	stream.indirect.gather [hbm4b:s4+s15], $0x10, s10, s15, $0xb8;
	[tilespmem:$0x1E440] =	vst v63  }
0x186: {  	s11 =	smov.u32 s12;
	s12 =	rddreg [dreg:$0x7]  }
0x187: {  	[tilespmem:s19], [sflag:$0x4] =	stream.indirect.gather [hbm4b:s4+s15], $0x10, s12, s15, $0xb8;
	[tilespmem:$0x1E440] =	vst v63  }
0x188: {  	s10 =	rddreg [dreg:$0x8]  }
0x189: {  	[tilespmem:s20], [sflag:$0x5] =	stream.indirect.gather [hbm4b:s4+s15], $0x10, s10, s15, $0xb8;
	[tilespmem:$0x1E440] =	vst v63  }
0x18a: {  	s12 =	rddreg [dreg:$0x9]  }
0x18b: {  	[tilespmem:s21], [sflag:$0x6] =	stream.indirect.gather [hbm4b:s4+s15], $0x10, s12, s15, $0xb8;
	[tilespmem:$0x1E440] =	vst v63  }
0x18c: {  	s10 =	rddreg [dreg:$0xa]  }
0x18d: {  	[tilespmem:s22], [sflag:$0x7] =	stream.indirect.gather [hbm4b:s4+s15], $0x10, s10, s15, $0xb8;
	[tilespmem:$0x1E440] =	vst v63  }
0x18e: {  	s12 =	rddreg [dreg:$0xb]  }
0x18f: {  	[tilespmem:s23], [sflag:$0x8] =	stream.indirect.gather [hbm4b:s4+s15], $0x10, s12, s15, $0xb8;
	[tilespmem:$0x1E440] =	vst v63  }
0x190: {  	_ =	swait.ge [sflag:s24], $0x800  }
0x191: {  	[sflag:s24] =	ssyncset.done $0x0  }
0x192: {  	[sflag:s24] =	ssyncadd.s32 $0xFFFFF800  }
0x193: {  	[spmem:s2] =	stream.indirect.scatter.add.f32 [tilespmem:s16], [sflag:$0x9], $0x10, s14, s15, $0xb8;
	[tilespmem:$0x1E440] =	vst v63  }
0x194: {  	_ =	swait.ge [sflag:s13], $0x800  }
0x195: {  	[sflag:s13] =	ssyncset.done $0x0  }
0x196: {  	s12 =	rddreg [dreg:$0xc];
	[sflag:s13] =	ssyncadd.s32 $0xFFFFF800  }
0x197: {  	[tilespmem:s16], [sflag:$0x1] =	stream.indirect.gather [hbm4b:s4+s15], $0x10, s12, s15, $0xb8;
	[tilespmem:$0x1E440] =	vst v63  }
0x198: {  	_ =	swait.ge [sflag:s25], $0x800  }
0x199: {  	[sflag:s25] =	ssyncset.done $0x0  }
0x19a: {  	s12 =	rddreg [dreg:$0xd];
	[sflag:s25] =	ssyncadd.s32 $0xFFFFF800  }
0x19b: {  	[spmem:s2] =	stream.indirect.scatter.add.f32 [tilespmem:s17], [sflag:$0x9], $0x10, s12, s15, $0xb8;
	[tilespmem:$0x1E440] =	vst v63  }
0x19c: {  	_ =	swait.ge [sflag:s13], $0x800  }
0x19d: {  	[sflag:s13] =	ssyncset.done $0x0  }
0x19e: {  	s12 =	rddreg [dreg:$0xe];
	[sflag:s13] =	ssyncadd.s32 $0xFFFFF800  }
0x19f: {  	[tilespmem:s17], [sflag:$0x2] =	stream.indirect.gather [hbm4b:s4+s15], $0x10, s12, s15, $0xb8;
	[tilespmem:$0x1E440] =	vst v63  }
0x1a0: {  	_ =	swait.ge [sflag:s26], $0x800  }
0x1a1: {  	[sflag:s26] =	ssyncset.done $0x0  }
0x1a2: {  	s12 =	rddreg [dreg:$0xf];
	[sflag:s26] =	ssyncadd.s32 $0xFFFFF800  }
0x1a3: {  	[spmem:s2] =	stream.indirect.scatter.add.f32 [tilespmem:s18], [sflag:$0x9], $0x10, s12, s15, $0xb8;
	[tilespmem:$0x1E440] =	vst v63  }
0x1a4: {  	_ =	swait.ge [sflag:s13], $0x800  }
0x1a5: {  	[sflag:s13] =	ssyncset.done $0x0  }
0x1a6: {  	s12 =	rddreg [dreg:$0x10];
	[sflag:s13] =	ssyncadd.s32 $0xFFFFF800  }
0x1a7: {  	[tilespmem:s18], [sflag:$0x3] =	stream.indirect.gather [hbm4b:s4+s15], $0x10, s12, s15, $0xb8;
	[tilespmem:$0x1E440] =	vst v63  }
0x1a8: {  	_ =	swait.ge [sflag:s28], $0x800  }
0x1a9: {  	[sflag:s28] =	ssyncset.done $0x0  }
0x1aa: {  	s12 =	rddreg [dreg:$0x11];
	[sflag:s28] =	ssyncadd.s32 $0xFFFFF800  }
0x1ab: {  	[spmem:s2] =	stream.indirect.scatter.add.f32 [tilespmem:s19], [sflag:$0x9], $0x10, s12, s15, $0xb8;
	[tilespmem:$0x1E440] =	vst v63  }
0x1ac: {  	_ =	swait.ge [sflag:s13], $0x800  }
0x1ad: {  	[sflag:s13] =	ssyncset.done $0x0  }
0x1ae: {  	s12 =	rddreg [dreg:$0x12];
	[sflag:s13] =	ssyncadd.s32 $0xFFFFF800  }
0x1af: {  	[tilespmem:s19], [sflag:$0x4] =	stream.indirect.gather [hbm4b:s4+s15], $0x10, s12, s15, $0xb8;
	[tilespmem:$0x1E440] =	vst v63  }
0x1b0: {  	_ =	swait.ge [sflag:s29], $0x800  }
0x1b1: {  	[sflag:s29] =	ssyncset.done $0x0  }
0x1b2: {  	s12 =	rddreg [dreg:$0x13];
	[sflag:s29] =	ssyncadd.s32 $0xFFFFF800  }
0x1b3: {  	[spmem:s2] =	stream.indirect.scatter.add.f32 [tilespmem:s20], [sflag:$0x9], $0x10, s12, s15, $0xb8;
	[tilespmem:$0x1E440] =	vst v63  }
0x1b4: {  	_ =	swait.ge [sflag:s13], $0x800  }
0x1b5: {  	[sflag:s13] =	ssyncset.done $0x0  }
0x1b6: {  	s12 =	rddreg [dreg:$0x14];
	[sflag:s13] =	ssyncadd.s32 $0xFFFFF800  }
0x1b7: {  	[tilespmem:s20], [sflag:$0x5] =	stream.indirect.gather [hbm4b:s4+s15], $0x10, s12, s15, $0xb8;
	[tilespmem:$0x1E440] =	vst v63  }
0x1b8: {  	_ =	swait.ge [sflag:s30], $0x800  }
0x1b9: {  	[sflag:s30] =	ssyncset.done $0x0  }
0x1ba: {  	s12 =	rddreg [dreg:$0x15];
	[sflag:s30] =	ssyncadd.s32 $0xFFFFF800  }
0x1bb: {  	[spmem:s2] =	stream.indirect.scatter.add.f32 [tilespmem:s21], [sflag:$0x9], $0x10, s12, s15, $0xb8;
	[tilespmem:$0x1E440] =	vst v63  }
0x1bc: {  	_ =	swait.ge [sflag:s13], $0x800  }
0x1bd: {  	[sflag:s13] =	ssyncset.done $0x0  }
0x1be: {  	s12 =	rddreg [dreg:$0x16];
	[sflag:s13] =	ssyncadd.s32 $0xFFFFF800  }
0x1bf: {  	[tilespmem:s21], [sflag:$0x6] =	stream.indirect.gather [hbm4b:s4+s15], $0x10, s12, s15, $0xb8;
	[tilespmem:$0x1E440] =	vst v63  }
0x1c0: {  	_ =	swait.ge [sflag:s31], $0x800  }
0x1c1: {  	[sflag:s31] =	ssyncset.done $0x0  }
0x1c2: {  	s12 =	rddreg [dreg:$0x17];
	[sflag:s31] =	ssyncadd.s32 $0xFFFFF800  }
0x1c3: {  	[spmem:s2] =	stream.indirect.scatter.add.f32 [tilespmem:s22], [sflag:$0x9], $0x10, s12, s15, $0xb8;
	[tilespmem:$0x1E440] =	vst v63  }
0x1c4: {  	_ =	swait.ge [sflag:s13], $0x800  }
0x1c5: {  	[sflag:s13] =	ssyncset.done $0x0  }
0x1c6: {  	s12 =	rddreg [dreg:$0x18];
	[sflag:s13] =	ssyncadd.s32 $0xFFFFF800  }
0x1c7: {  	[tilespmem:s22], [sflag:$0x7] =	stream.indirect.gather [hbm4b:s4+s15], $0x10, s12, s15, $0xb8;
	[tilespmem:$0x1E440] =	vst v63  }
0x1c8: {  	_ =	swait.ge [sflag:s1], $0x800  }
0x1c9: {  	[sflag:s1] =	ssyncset.done $0x0  }
0x1ca: {  	s12 =	rddreg [dreg:$0x19];
	[sflag:s1] =	ssyncadd.s32 $0xFFFFF800  }
0x1cb: {  	[spmem:s2] =	stream.indirect.scatter.add.f32 [tilespmem:s23], [sflag:$0x9], $0x10, s12, s15, $0xb8;
	[tilespmem:$0x1E440] =	vst v63  }
0x1cc: {  	_ =	swait.ge [sflag:s13], $0x800  }
0x1cd: {  	[sflag:s13] =	ssyncset.done $0x0  }
0x1ce: {  	s12 =	rddreg [dreg:$0x1a];
	[sflag:s13] =	ssyncadd.s32 $0xFFFFF800  }
0x1cf: {  	[tilespmem:s23], [sflag:$0x8] =	stream.indirect.gather [hbm4b:s4+s15], $0x10, s12, s15, $0xb8;
	[tilespmem:$0x1E440] =	vst v63  }
0x1d0: {  	_ =	swait.ge [sflag:s24], $0x800  }
0x1d1: {  	[sflag:s24] =	ssyncset.done $0x0  }
0x1d2: {  	s12 =	rddreg [dreg:$0x1b];
	[sflag:s24] =	ssyncadd.s32 $0xFFFFF800  }
0x1d3: {  	[spmem:s2] =	stream.indirect.scatter.add.f32 [tilespmem:s16], [sflag:$0x9], $0x10, s12, s15, $0xb8;
	[tilespmem:$0x1E440] =	vst v63  }
0x1d4: {  	_ =	swait.ge [sflag:s13], $0x800  }
0x1d5: {  	[sflag:s13] =	ssyncset.done $0x0  }
0x1d6: {  	[sflag:s13] =	ssyncadd.s32 $0xFFFFF800  }
0x1d7: {  	_ =	swait.ge [sflag:s25], $0x800  }
0x1d8: {  	[sflag:s25] =	ssyncset.done $0x0  }
0x1d9: {  	s12 =	rddreg [dreg:$0x1c];
	[sflag:s25] =	ssyncadd.s32 $0xFFFFF800  }
0x1da: {  	[spmem:s2] =	stream.indirect.scatter.add.f32 [tilespmem:s17], [sflag:$0x9], $0x10, s12, s15, $0xb8;
	[tilespmem:$0x1E440] =	vst v63  }
0x1db: {  	_ =	swait.ge [sflag:s13], $0x800  }
0x1dc: {  	[sflag:s13] =	ssyncset.done $0x0  }
0x1dd: {  	[sflag:s13] =	ssyncadd.s32 $0xFFFFF800  }
0x1de: {  	_ =	swait.ge [sflag:s26], $0x800  }
0x1df: {  	[sflag:s26] =	ssyncset.done $0x0  }
0x1e0: {  	s12 =	rddreg [dreg:$0x1d];
	[sflag:s26] =	ssyncadd.s32 $0xFFFFF800  }
0x1e1: {  	[spmem:s2] =	stream.indirect.scatter.add.f32 [tilespmem:s18], [sflag:$0x9], $0x10, s12, s15, $0xb8;
	[tilespmem:$0x1E440] =	vst v63  }
0x1e2: {  	_ =	swait.ge [sflag:s13], $0x800  }
0x1e3: {  	[sflag:s13] =	ssyncset.done $0x0  }
0x1e4: {  	[sflag:s13] =	ssyncadd.s32 $0xFFFFF800  }
0x1e5: {  	_ =	swait.ge [sflag:s28], $0x800  }
0x1e6: {  	[sflag:s28] =	ssyncset.done $0x0  }
0x1e7: {  	[sflag:s28] =	ssyncadd.s32 $0xFFFFF800  }
0x1e8: {  	[spmem:s2] =	stream.indirect.scatter.add.f32 [tilespmem:s19], [sflag:$0x9], $0x10, s0, s15, $0xb8;
	[tilespmem:$0x1E440] =	vst v63  }
0x1e9: {  	_ =	swait.ge [sflag:s13], $0x800  }
0x1ea: {  	[sflag:s13] =	ssyncset.done $0x0  }
0x1eb: {  	[sflag:s13] =	ssyncadd.s32 $0xFFFFF800  }
0x1ec: {  	_ =	swait.ge [sflag:s29], $0x800  }
0x1ed: {  	[sflag:s29] =	ssyncset.done $0x0  }
0x1ee: {  	[sflag:s29] =	ssyncadd.s32 $0xFFFFF800  }
0x1ef: {  	[spmem:s2] =	stream.indirect.scatter.add.f32 [tilespmem:s20], [sflag:$0x9], $0x10, s6, s15, $0xb8;
	[tilespmem:$0x1E440] =	vst v63  }
0x1f0: {  	_ =	swait.ge [sflag:s13], $0x800  }
0x1f1: {  	[sflag:s13] =	ssyncset.done $0x0  }
0x1f2: {  	[sflag:s13] =	ssyncadd.s32 $0xFFFFF800  }
0x1f3: {  	_ =	swait.ge [sflag:s30], $0x800  }
0x1f4: {  	[sflag:s30] =	ssyncset.done $0x0  }
0x1f5: {  	[sflag:s30] =	ssyncadd.s32 $0xFFFFF800  }
0x1f6: {  	[spmem:s2] =	stream.indirect.scatter.add.f32 [tilespmem:s21], [sflag:$0x9], $0x10, s7, s15, $0xb8;
	[tilespmem:$0x1E440] =	vst v63  }
0x1f7: {  	_ =	swait.ge [sflag:s13], $0x800  }
0x1f8: {  	[sflag:s13] =	ssyncset.done $0x0  }
0x1f9: {  	[sflag:s13] =	ssyncadd.s32 $0xFFFFF800  }
0x1fa: {  	_ =	swait.ge [sflag:s31], $0x800  }
0x1fb: {  	[sflag:s31] =	ssyncset.done $0x0  }
0x1fc: {  	[sflag:s31] =	ssyncadd.s32 $0xFFFFF800  }
0x1fd: {  	[spmem:s2] =	stream.indirect.scatter.add.f32 [tilespmem:s22], [sflag:$0x9], $0x10, s8, s15, $0xb8;
	[tilespmem:$0x1E440] =	vst v63  }
0x1fe: {  	_ =	swait.ge [sflag:s13], $0x800  }
0x1ff: {  	[sflag:s13] =	ssyncset.done $0x0  }
0x200: {  	[sflag:s13] =	ssyncadd.s32 $0xFFFFF800  }
0x201: {  	p0 =	sne.s32 s5, $0x3000;
	_ =	swait.ge [sflag:s1], $0x800  }
.Ltmp1:
0x202: {  	[sflag:s1] =	ssyncset.done $0x0;
	(pc) =	sbr.rel @p0 .LBB2_4-.Ltmp1, $4  }
0x203: {  	[sflag:s1] =	ssyncadd.s32 $0xFFFFF800  }
0x204: {  	[spmem:s2] =	stream.indirect.scatter.add.f32 [tilespmem:s23], [sflag:$0x9], $0x10, s9, s15, $0xb8;
	[tilespmem:$0x1E440] =	vst v63  }
0x205: {  	_ =	swait.ge [sflag:s13], $0x800  }
0x206: {  	s5 =	sadd.s32 $0x100, s5;
	s10 =	rddreg [dreg:$0x5];
	[sflag:s13] =	ssyncset.done $0x0  }
0x207: {  	[sflag:s13] =	ssyncadd.s32 $0xFFFFF800;
	s5 =	sadd.s32 s11, s10  }
0x208: {  	[tilespmem:s3], [sflag:$0x9] =	stream.linear.gather [hbm4b:s5+s3], $0x800, $0x38;
	[tilespmem:$0x1E440] =	vst v63  }
0x209: {  	_ =	swait.ge [sflag:s13], $0x800  }
0x20a: {  	s12 =	rddreg [dreg:$0x4];
	[sflag:s13] =	ssyncset.done $0x0  }
0x20b: {  	[sflag:s13] =	ssyncadd.s32 $0xFFFFF800;
	s5 =	sadd.s32 s11, s12  }
0x20c: {  	[tilespmem:s14], [sflag:$0x9] =	stream.linear.gather [hbm4b:s5+s3], $0x800, $0x38;
	[tilespmem:$0x1E440] =	vst v63  }
0x20d: {  	_ =	swait.ge [sflag:s13], $0x800  }
0x20e: {  	[sflag:s13] =	ssyncset.done $0x0  }
0x20f: {  	[sflag:s13] =	ssyncadd.s32 $0xFFFFF800  }
0x210: {  	[tilespmem:s16], [sflag:$0x1] =	stream.indirect.gather [hbm4b:s4+s15], $0x10, s3, s15, $0xb8;
	[tilespmem:$0x1E440] =	vst v63  }
0x211: {  	_ = 	snop  }
0x212: {  	[tilespmem:s17], [sflag:$0x2] =	stream.indirect.gather [hbm4b:s4+s15], $0x10, s15, s15, $0xb8;
	[tilespmem:$0x1E440] =	vst v63  }
0x213: {  	s10 =	rddreg [dreg:$0x6]  }
0x214: {  	[tilespmem:s18], [sflag:$0x3] =	stream.indirect.gather [hbm4b:s4+s15], $0x10, s10, s15, $0xb8;
	[tilespmem:$0x1E440] =	vst v63  }
0x215: {  	s11 =	rddreg [dreg:$0x7]  }
0x216: {  	[tilespmem:s19], [sflag:$0x4] =	stream.indirect.gather [hbm4b:s4+s15], $0x10, s11, s15, $0xb8;
	[tilespmem:$0x1E440] =	vst v63  }
0x217: {  	s12 =	rddreg [dreg:$0x8]  }
0x218: {  	[tilespmem:s20], [sflag:$0x5] =	stream.indirect.gather [hbm4b:s4+s15], $0x10, s12, s15, $0xb8;
	[tilespmem:$0x1E440] =	vst v63  }
0x219: {  	s11 =	rddreg [dreg:$0x9]  }
0x21a: {  	[tilespmem:s21], [sflag:$0x6] =	stream.indirect.gather [hbm4b:s4+s15], $0x10, s11, s15, $0xb8;
	[tilespmem:$0x1E440] =	vst v63  }
0x21b: {  	s12 =	rddreg [dreg:$0xa]  }
0x21c: {  	[tilespmem:s22], [sflag:$0x7] =	stream.indirect.gather [hbm4b:s4+s15], $0x10, s12, s15, $0xb8;
	[tilespmem:$0x1E440] =	vst v63  }
0x21d: {  	s11 =	rddreg [dreg:$0xb]  }
0x21e: {  	[tilespmem:s23], [sflag:$0x8] =	stream.indirect.gather [hbm4b:s4+s15], $0x10, s11, s15, $0xb8;
	[tilespmem:$0x1E440] =	vst v63  }
0x21f: {  	_ =	swait.ge [sflag:s24], $0x800  }
0x220: {  	[sflag:s24] =	ssyncset.done $0x0  }
0x221: {  	[sflag:s24] =	ssyncadd.s32 $0xFFFFF800  }
0x222: {  	[spmem:s2] =	stream.indirect.scatter.add.f32 [tilespmem:s16], [sflag:$0x9], $0x10, s14, s15, $0xb8;
	[tilespmem:$0x1E440] =	vst v63  }
0x223: {  	_ =	swait.ge [sflag:s13], $0x800  }
0x224: {  	[sflag:s13] =	ssyncset.done $0x0  }
0x225: {  	s12 =	rddreg [dreg:$0xc];
	[sflag:s13] =	ssyncadd.s32 $0xFFFFF800  }
0x226: {  	[tilespmem:s16], [sflag:$0x1] =	stream.indirect.gather [hbm4b:s4+s15], $0x10, s12, s15, $0xb8;
	[tilespmem:$0x1E440] =	vst v63  }
0x227: {  	_ =	swait.ge [sflag:s25], $0x800  }
0x228: {  	[sflag:s25] =	ssyncset.done $0x0  }
0x229: {  	s10 =	rddreg [dreg:$0xd];
	[sflag:s25] =	ssyncadd.s32 $0xFFFFF800  }
0x22a: {  	[spmem:s2] =	stream.indirect.scatter.add.f32 [tilespmem:s17], [sflag:$0x9], $0x10, s10, s15, $0xb8;
	[tilespmem:$0x1E440] =	vst v63  }
0x22b: {  	_ =	swait.ge [sflag:s13], $0x800  }
0x22c: {  	[sflag:s13] =	ssyncset.done $0x0  }
0x22d: {  	s11 =	rddreg [dreg:$0xe];
	[sflag:s13] =	ssyncadd.s32 $0xFFFFF800  }
0x22e: {  	[tilespmem:s17], [sflag:$0x2] =	stream.indirect.gather [hbm4b:s4+s15], $0x10, s11, s15, $0xb8;
	[tilespmem:$0x1E440] =	vst v63  }
0x22f: {  	_ =	swait.ge [sflag:s26], $0x800  }
0x230: {  	[sflag:s26] =	ssyncset.done $0x0  }
0x231: {  	s12 =	rddreg [dreg:$0xf];
	[sflag:s26] =	ssyncadd.s32 $0xFFFFF800  }
0x232: {  	[spmem:s2] =	stream.indirect.scatter.add.f32 [tilespmem:s18], [sflag:$0x9], $0x10, s12, s15, $0xb8;
	[tilespmem:$0x1E440] =	vst v63  }
0x233: {  	_ =	swait.ge [sflag:s13], $0x800  }
0x234: {  	[sflag:s13] =	ssyncset.done $0x0  }
0x235: {  	s10 =	rddreg [dreg:$0x10];
	[sflag:s13] =	ssyncadd.s32 $0xFFFFF800  }
0x236: {  	[tilespmem:s18], [sflag:$0x3] =	stream.indirect.gather [hbm4b:s4+s15], $0x10, s10, s15, $0xb8;
	[tilespmem:$0x1E440] =	vst v63  }
0x237: {  	_ =	swait.ge [sflag:s28], $0x800  }
0x238: {  	[sflag:s28] =	ssyncset.done $0x0  }
0x239: {  	s11 =	rddreg [dreg:$0x11];
	[sflag:s28] =	ssyncadd.s32 $0xFFFFF800  }
0x23a: {  	[spmem:s2] =	stream.indirect.scatter.add.f32 [tilespmem:s19], [sflag:$0x9], $0x10, s11, s15, $0xb8;
	[tilespmem:$0x1E440] =	vst v63  }
0x23b: {  	_ =	swait.ge [sflag:s13], $0x800  }
0x23c: {  	[sflag:s13] =	ssyncset.done $0x0  }
0x23d: {  	s12 =	rddreg [dreg:$0x12];
	[sflag:s13] =	ssyncadd.s32 $0xFFFFF800  }
0x23e: {  	[tilespmem:s19], [sflag:$0x4] =	stream.indirect.gather [hbm4b:s4+s15], $0x10, s12, s15, $0xb8;
	[tilespmem:$0x1E440] =	vst v63  }
0x23f: {  	_ =	swait.ge [sflag:s29], $0x800  }
0x240: {  	[sflag:s29] =	ssyncset.done $0x0  }
0x241: {  	s10 =	rddreg [dreg:$0x13];
	[sflag:s29] =	ssyncadd.s32 $0xFFFFF800  }
0x242: {  	[spmem:s2] =	stream.indirect.scatter.add.f32 [tilespmem:s20], [sflag:$0x9], $0x10, s10, s15, $0xb8;
	[tilespmem:$0x1E440] =	vst v63  }
0x243: {  	_ =	swait.ge [sflag:s13], $0x800  }
0x244: {  	[sflag:s13] =	ssyncset.done $0x0  }
0x245: {  	s11 =	rddreg [dreg:$0x14];
	[sflag:s13] =	ssyncadd.s32 $0xFFFFF800  }
0x246: {  	[tilespmem:s20], [sflag:$0x5] =	stream.indirect.gather [hbm4b:s4+s15], $0x10, s11, s15, $0xb8;
	[tilespmem:$0x1E440] =	vst v63  }
0x247: {  	_ =	swait.ge [sflag:s30], $0x800  }
0x248: {  	[sflag:s30] =	ssyncset.done $0x0  }
0x249: {  	s12 =	rddreg [dreg:$0x15];
	[sflag:s30] =	ssyncadd.s32 $0xFFFFF800  }
0x24a: {  	[spmem:s2] =	stream.indirect.scatter.add.f32 [tilespmem:s21], [sflag:$0x9], $0x10, s12, s15, $0xb8;
	[tilespmem:$0x1E440] =	vst v63  }
0x24b: {  	_ =	swait.ge [sflag:s13], $0x800  }
0x24c: {  	[sflag:s13] =	ssyncset.done $0x0  }
0x24d: {  	s10 =	rddreg [dreg:$0x16];
	[sflag:s13] =	ssyncadd.s32 $0xFFFFF800  }
0x24e: {  	[tilespmem:s21], [sflag:$0x6] =	stream.indirect.gather [hbm4b:s4+s15], $0x10, s10, s15, $0xb8;
	[tilespmem:$0x1E440] =	vst v63  }
0x24f: {  	_ =	swait.ge [sflag:s31], $0x800  }
0x250: {  	[sflag:s31] =	ssyncset.done $0x0  }
0x251: {  	s11 =	rddreg [dreg:$0x17];
	[sflag:s31] =	ssyncadd.s32 $0xFFFFF800  }
0x252: {  	[spmem:s2] =	stream.indirect.scatter.add.f32 [tilespmem:s22], [sflag:$0x9], $0x10, s11, s15, $0xb8;
	[tilespmem:$0x1E440] =	vst v63  }
0x253: {  	_ =	swait.ge [sflag:s13], $0x800  }
0x254: {  	[sflag:s13] =	ssyncset.done $0x0  }
0x255: {  	s12 =	rddreg [dreg:$0x18];
	[sflag:s13] =	ssyncadd.s32 $0xFFFFF800  }
0x256: {  	[tilespmem:s22], [sflag:$0x7] =	stream.indirect.gather [hbm4b:s4+s15], $0x10, s12, s15, $0xb8;
	[tilespmem:$0x1E440] =	vst v63  }
0x257: {  	_ =	swait.ge [sflag:s1], $0x800  }
0x258: {  	[sflag:s1] =	ssyncset.done $0x0  }
0x259: {  	s10 =	rddreg [dreg:$0x19];
	[sflag:s1] =	ssyncadd.s32 $0xFFFFF800  }
0x25a: {  	[spmem:s2] =	stream.indirect.scatter.add.f32 [tilespmem:s23], [sflag:$0x9], $0x10, s10, s15, $0xb8;
	[tilespmem:$0x1E440] =	vst v63  }
0x25b: {  	_ =	swait.ge [sflag:s13], $0x800  }
0x25c: {  	[sflag:s13] =	ssyncset.done $0x0  }
0x25d: {  	s11 =	rddreg [dreg:$0x1a];
	[sflag:s13] =	ssyncadd.s32 $0xFFFFF800  }
0x25e: {  	[tilespmem:s23], [sflag:$0x8] =	stream.indirect.gather [hbm4b:s4+s15], $0x10, s11, s15, $0xb8;
	[tilespmem:$0x1E440] =	vst v63  }
0x25f: {  	_ =	swait.ge [sflag:s24], $0x800  }
0x260: {  	[sflag:s24] =	ssyncset.done $0x0  }
0x261: {  	s12 =	rddreg [dreg:$0x1b];
	[sflag:s24] =	ssyncadd.s32 $0xFFFFF800  }
0x262: {  	[spmem:s2] =	stream.indirect.scatter.add.f32 [tilespmem:s16], [sflag:$0x9], $0x10, s12, s15, $0xb8;
	[tilespmem:$0x1E440] =	vst v63  }
0x263: {  	_ =	swait.ge [sflag:s13], $0x800  }
0x264: {  	[sflag:s13] =	ssyncset.done $0x0  }
0x265: {  	[sflag:s13] =	ssyncadd.s32 $0xFFFFF800  }
0x266: {  	_ =	swait.ge [sflag:s25], $0x800  }
0x267: {  	[sflag:s25] =	ssyncset.done $0x0  }
0x268: {  	s10 =	rddreg [dreg:$0x1c];
	[sflag:s25] =	ssyncadd.s32 $0xFFFFF800  }
0x269: {  	[spmem:s2] =	stream.indirect.scatter.add.f32 [tilespmem:s17], [sflag:$0x9], $0x10, s10, s15, $0xb8;
	[tilespmem:$0x1E440] =	vst v63  }
0x26a: {  	_ =	swait.ge [sflag:s13], $0x800  }
0x26b: {  	[sflag:s13] =	ssyncset.done $0x0  }
0x26c: {  	[sflag:s13] =	ssyncadd.s32 $0xFFFFF800  }
0x26d: {  	_ =	swait.ge [sflag:s26], $0x800  }
0x26e: {  	[sflag:s26] =	ssyncset.done $0x0  }
0x26f: {  	s11 =	rddreg [dreg:$0x1d];
	[sflag:s26] =	ssyncadd.s32 $0xFFFFF800  }
0x270: {  	[spmem:s2] =	stream.indirect.scatter.add.f32 [tilespmem:s18], [sflag:$0x9], $0x10, s11, s15, $0xb8;
	[tilespmem:$0x1E440] =	vst v63  }
0x271: {  	_ =	swait.ge [sflag:s13], $0x800  }
0x272: {  	[sflag:s13] =	ssyncset.done $0x0  }
0x273: {  	[sflag:s13] =	ssyncadd.s32 $0xFFFFF800  }
0x274: {  	_ =	swait.ge [sflag:s28], $0x800  }
0x275: {  	[sflag:s28] =	ssyncset.done $0x0  }
0x276: {  	[sflag:s28] =	ssyncadd.s32 $0xFFFFF800  }
0x277: {  	[spmem:s2] =	stream.indirect.scatter.add.f32 [tilespmem:s19], [sflag:$0x9], $0x10, s0, s15, $0xb8;
	[tilespmem:$0x1E440] =	vst v63  }
0x278: {  	_ =	swait.ge [sflag:s13], $0x800  }
0x279: {  	[sflag:s13] =	ssyncset.done $0x0  }
0x27a: {  	[sflag:s13] =	ssyncadd.s32 $0xFFFFF800  }
0x27b: {  	_ =	swait.ge [sflag:s29], $0x800  }
0x27c: {  	[sflag:s29] =	ssyncset.done $0x0  }
0x27d: {  	[sflag:s29] =	ssyncadd.s32 $0xFFFFF800  }
0x27e: {  	[spmem:s2] =	stream.indirect.scatter.add.f32 [tilespmem:s20], [sflag:$0x9], $0x10, s6, s15, $0xb8;
	[tilespmem:$0x1E440] =	vst v63  }
0x27f: {  	_ =	swait.ge [sflag:s13], $0x800  }
0x280: {  	[sflag:s13] =	ssyncset.done $0x0  }
0x281: {  	[sflag:s13] =	ssyncadd.s32 $0xFFFFF800  }
0x282: {  	_ =	swait.ge [sflag:s30], $0x800  }
0x283: {  	[sflag:s30] =	ssyncset.done $0x0  }
0x284: {  	[sflag:s30] =	ssyncadd.s32 $0xFFFFF800  }
0x285: {  	[spmem:s2] =	stream.indirect.scatter.add.f32 [tilespmem:s21], [sflag:$0x9], $0x10, s7, s15, $0xb8;
	[tilespmem:$0x1E440] =	vst v63  }
0x286: {  	_ =	swait.ge [sflag:s13], $0x800  }
0x287: {  	[sflag:s13] =	ssyncset.done $0x0  }
0x288: {  	[sflag:s13] =	ssyncadd.s32 $0xFFFFF800  }
0x289: {  	_ =	swait.ge [sflag:s31], $0x800  }
0x28a: {  	[sflag:s31] =	ssyncset.done $0x0  }
0x28b: {  	[sflag:s31] =	ssyncadd.s32 $0xFFFFF800  }
0x28c: {  	[spmem:s2] =	stream.indirect.scatter.add.f32 [tilespmem:s22], [sflag:$0x9], $0x10, s8, s15, $0xb8;
	[tilespmem:$0x1E440] =	vst v63  }
0x28d: {  	_ =	swait.ge [sflag:s13], $0x800  }
0x28e: {  	[sflag:s13] =	ssyncset.done $0x0  }
0x28f: {  	[sflag:s13] =	ssyncadd.s32 $0xFFFFF800  }
0x290: {  	_ =	swait.ge [sflag:s1], $0x800  }
0x291: {  	[sflag:s1] =	ssyncset.done $0x0  }
0x292: {  	[sflag:s1] =	ssyncadd.s32 $0xFFFFF800  }
0x293: {  	[spmem:s2] =	stream.indirect.scatter.add.f32 [tilespmem:s23], [sflag:$0x9], $0x10, s9, s15, $0xb8;
	[tilespmem:$0x1E440] =	vst v63  }
0x294: {  	_ =	swait.ge [sflag:s13], $0x800  }
0x295: {  	[sflag:s13] =	ssyncset.done $0x0  }
0x296: {  	[sflag:s13] =	ssyncadd.s32 $0xFFFFF800  }
0x297: {  	s12 =	stileid.u32;
	[bflag:$0x0] =	sbarrier.arrive $0xFFFF  }
0x298: {  	s5 =	sshll.u32 s12, $0x6;
	s12 =	sld [smem:$0x7FC]  }
0x299: {  	s11 =	rddreg [dreg:$0x1e]  }
0x29a: {  	s5 =	sor.u32 $0x1C09, s5;
	s10 =	sshrl.u32 s11, $0x3  }
0x29b: {  	[hbm:s12], [sflag:s5] =	dma.local [spmem:s10], $0x3100  }
0x29c: {  	_ =	swait.ge [sflag:s13], $0x3100  }
0x29d: {  	s5 =	sld [smem:$0x7DD]  }
0x29e: {  	s12 =	sld [smem:$0x7FD];
	_ =	sdelay $0x1  }
0x29f: {  	s10 =	sadd.s32 $0x1, s5  }
0x2a0: {  	p0 =	sne.s32 s10, s12  }
.Ltmp2:
0x2a1: {  	_ = 	snop;
	(pc) =	sbr.rel @p0 .LBB2_1-.Ltmp2, $3  }
0x2a2: {  	_ =	sdelay $0x1  }
0x2a3: {  	[sflag:s13] =	ssyncset.done $0x0  }
0x2a4: {  	[sflag:s13] =	ssyncadd.s32 $0xFFFFCF00  }
0x2a5: {  	_ =	sfence.sel $0x180000  }
0x2a6: {  	[bflag:$0x0] =	sbarrier.arrive $0xFFFF  }
0x2a7: {  	_ =	strace $0x9000004A  }
0x2a8: {  	s0 =	stileid.u32;
	[bflag:$0x2] =	sbarrier.arrive $0xFFFF  }
0x2a9: {  	p0 =	sne.s32 s0, $0x0;
	s0 =	rddreg [dreg:$0x3]  }
0x2aa: {  	s0 =	sadd.s32 @!p0 $0x100000, s0  }
0x2ab: {  	[sflag:s0] =	ssyncadd.tile.s32 @!p0 $0x1;
	_ =	shalt  }
.Lfunc_end2:
_tile_overlayer_lowered:
.L_overlay_start_2:
0x2ac: {  	(tag) =	ssettag $0x2  }
0x2ad: {  	s0 =	rddreg [dreg:$0x0];
	s2 =	stileid.u32  }
0x2ae: {  	s1 =	rddreg [dreg:$0x1];
	p0 =	sne.s32 s2, $0x0  }
0x2af: {  	s3 =	rddreg [dreg:$0x2];
	[bflag:$0x3] =	sbarrier.arrive $0xFFFF;
	s2 =	simm.s32 @!p0 $0x1C09  }
0x2b0: {  	[timem:s3], [sflag:s2] =	dma.local @!p0 [hbm:s0], s1  }
0x2b1: {  	s0 =	simm.s32 @!p0 $0x9  }
0x2b2: {  	_ =	swait.ge @!p0 [sflag:s0], s1  }
0x2b3: {  	s1 =	ssub.s32 @!p0 $0x0, s1;
	[sflag:s0] =	ssyncset.done @!p0 $0x0  }
0x2b4: {  	[sflag:s0] =	ssyncadd.s32 @!p0 s1  }
0x2b5: {  	[bflag:$0x3] =	sbarrier.arrive $0xFFFF  }
0x2b6: {  	_ =	shalt  }

// kernel: kernel.14.cloned.1.call-start
scs
__scs_entry_jumppad:
0x0: {  	(pc) =	sbr.rel $0x88, $3  }
0x1: {  	(tag) =	ssettag $0x0;
	lr =	simm.s32 $0x1  }
0x2: {  	[smem:$0x3F9B] =	sst lr;
	_ =	strace $0xD0000000  }
0x3: {  	_ = 	snop  }
0x4: {  	_ = 	snop  }
0x5: {  	_ = 	snop  }
0x6: {  	_ = 	snop  }
0x7: {  	_ = 	snop  }
__scs_overlays_trampoline_lowered:
0x8: {  	[smem:$0x3FAA] =	sst s0  }
0x9: {  	[smem:$0x3FAB] =	sst s1  }
0xa: {  	[smem:$0x3FAC] =	sst s2  }
0xb: {  	[smem:$0x3FAD] =	sst s3  }
0xc: {  	[smem:$0x3FAE] =	sst s4  }
0xd: {  	[smem:$0x3FAF] =	sst s5  }
0xe: {  	[smem:$0x3FB0] =	sst s6  }
0xf: {  	[smem:$0x3FB1] =	sst s7  }
0x10: {  	[smem:$0x3FB2] =	sst s8  }
0x11: {  	[smem:$0x3FB3] =	sst s9;
	s0 =	simm.s32 @!p0 $0x0  }
0x12: {  	s1 =	sld [smem:$0x3F99];
	s0 =	simm.s32 @p0 $0x1  }
0x13: {  	[smem:$0x3FB4] =	sst s0;
	s0 =	simm.s32 @!p1 $0x0  }
0x14: {  	s2 =	sld [smem:$0x3F98];
	s0 =	simm.s32 @p1 $0x1  }
0x15: {  	[smem:$0x3FB5] =	sst s0;
	s0 =	simm.s32 @!p2 $0x0  }
0x16: {  	s3 =	sld [smem:$0x3FDB];
	s0 =	simm.s32 @p2 $0x1  }
0x17: {  	s4 =	simm.s32 $0x1BF5;
	[smem:$0x3FB7] =	sst s0  }
0x18: {  	s0 =	sld [smem:$0x3F9A];
	_ =	swait.ge [sflag:s4], $0x0  }
0x19: {  	s7 =	sld [smem:$0x3F9B]  }
0x1a: {  	s8 =	sadd.s32 $0xFFFFE003, lr  }
0x1b: {  	s9 =	sadd.s32 $0xFFFFFEF7, lr;
	s5 =	simm.s32 $0xFFFFFFFF;
	p2 =	slt.u32 s8, $0xFFFFF086  }
0x1c: {  	p1 =	slt.u32 s9, $0xF7A;
	s5 =	simm.s32 @!p2 $0x0  }
0x1d: {  	s5 =	simm.s32 @p1 $0x1;
	p0 =	seq.s32 s7, s2  }
0x1e: {  	s7 =	smul.u32 @!p0 $0xF7A, s2;
	p2 =	seq.s32 @!p0 s5, $0x0  }
0x1f: {  	s9 =	smul.u32 $0xF7A, s1;
	s8 =	simm.s32 @!p0 $0x1BF5;
	p2 =	por !p2, p0  }
0x20: {  	[sflag:s8] =	ssyncset.s32 @!p0 $0xFFFFF086;
	s6 =	sadd.s32 @!p0 s3, s7;
	s7 =	simm.s32 @!p0 $0x108  }
0x21: {  	s3 =	sadd.s32 s3, s9;
	s6 =	sadd.s32 @!p0 $0x88, s6;
	s7 =	simm.s32 @p2 $0x1082  }
0x22: {  	[simem:s7], [sflag:s8] =	dma.local @!p0 [hbm:s6], $0xF7A  }
0x23: {  	s9 =	sor.u32 $0xD0000000, s2;
	s6 =	simm.s32 $0x108;
	_ =	swait.ge @!p0 [sflag:s8], $0x0  }
0x24: {  	s3 =	sadd.s32 $0x88, s3;
	s6 =	simm.s32 @!p1 $0x1082;
	[sflag:s4] =	ssyncset.s32 $0xFFFFF086  }
0x25: {  	[simem:s6], [sflag:s4] =	dma.local [hbm:s3], $0xF7A  }
0x26: {  	[smem:$0x3F9B] =	sst s1;
	(tag) =	ssettag s2;
	_ =	strace s9  }
0x27: {  	s1 =	sld [smem:$0x3FAB]  }
0x28: {  	s2 =	sld [smem:$0x3FAC]  }
0x29: {  	s4 =	sld [smem:$0x3FAE]  }
0x2a: {  	p0 =	seq.s32 s5, $0x0;
	s5 =	sld [smem:$0x3FAF]  }
0x2b: {  	s6 =	sld [smem:$0x3FB0]  }
0x2c: {  	s7 =	sld [smem:$0x3FB1]  }
0x2d: {  	s3 =	simm.s32 $0x108;
	s8 =	sld [smem:$0x3FB2]  }
0x2e: {  	s3 =	simm.s32 @!p0 $0x1082;
	s9 =	sld [smem:$0x3FB3]  }
0x2f: {  	lr =	sadd.s32 s0, s3;
	s0 =	sld [smem:$0x3FAA]  }
0x30: {  	s3 =	sld [smem:$0x3FAD]  }
0x31: {  	[smem:$0x3FB6] =	sst s10  }
0x32: {  	s10 =	sld [smem:$0x3FB4];
	_ =	sdelay $0x3  }
0x33: {  	p0 =	seq.s32 s10, $0x1;
	s10 =	sld [smem:$0x3FB6];
	_ =	sdelay $0x3  }
0x34: {  	[smem:$0x3FB6] =	sst s10  }
0x35: {  	s10 =	sld [smem:$0x3FB5];
	_ =	sdelay $0x3  }
0x36: {  	p1 =	seq.s32 s10, $0x1;
	s10 =	sld [smem:$0x3FB6];
	_ =	sdelay $0x3  }
0x37: {  	[smem:$0x3FB6] =	sst s10  }
0x38: {  	s10 =	sld [smem:$0x3FB7]  }
0x39: {  	_ = 	snop;
	(pc) =	sbr.ind lr, $3  }
0x3a: {  	_ = 	snop  }
0x3b: {  	_ = 	snop  }
0x3c: {  	p2 =	seq.s32 s10, $0x1;
	s10 =	sld [smem:$0x3FB6]  }
0x3d: {  	_ =	shalt  }
0x3e: {  	_ =	shalt  }
0x3f: {  	_ =	shalt  }
0x40: {  	_ =	shalt  }
0x41: {  	_ =	shalt  }
0x42: {  	_ =	shalt  }
0x43: {  	_ =	shalt  }
0x44: {  	_ =	shalt  }
0x45: {  	_ =	shalt  }
0x46: {  	_ =	shalt  }
0x47: {  	_ =	shalt  }
0x48: {  	_ =	shalt  }
0x49: {  	_ =	shalt  }
0x4a: {  	_ =	shalt  }
0x4b: {  	_ =	shalt  }
0x4c: {  	_ =	shalt  }
0x4d: {  	_ =	shalt  }
0x4e: {  	_ =	shalt  }
0x4f: {  	_ =	shalt  }
0x50: {  	_ =	shalt  }
0x51: {  	_ =	shalt  }
0x52: {  	_ =	shalt  }
0x53: {  	_ =	shalt  }
0x54: {  	_ =	shalt  }
0x55: {  	_ =	shalt  }
0x56: {  	_ =	shalt  }
0x57: {  	_ =	shalt  }
0x58: {  	_ =	shalt  }
0x59: {  	_ =	shalt  }
0x5a: {  	_ =	shalt  }
0x5b: {  	_ =	shalt  }
0x5c: {  	_ =	shalt  }
0x5d: {  	_ =	shalt  }
0x5e: {  	_ =	shalt  }
0x5f: {  	_ =	shalt  }
0x60: {  	_ =	shalt  }
0x61: {  	_ =	shalt  }
0x62: {  	_ =	shalt  }
0x63: {  	_ =	shalt  }
0x64: {  	_ =	shalt  }
0x65: {  	_ =	shalt  }
0x66: {  	_ =	shalt  }
0x67: {  	_ =	shalt  }
0x68: {  	_ =	shalt  }
0x69: {  	_ =	shalt  }
0x6a: {  	_ =	shalt  }
0x6b: {  	_ =	shalt  }
0x6c: {  	_ =	shalt  }
0x6d: {  	_ =	shalt  }
0x6e: {  	_ =	shalt  }
0x6f: {  	_ =	shalt  }
0x70: {  	_ =	shalt  }
0x71: {  	_ =	shalt  }
0x72: {  	_ =	shalt  }
0x73: {  	_ =	shalt  }
0x74: {  	_ =	shalt  }
0x75: {  	_ =	shalt  }
0x76: {  	_ =	shalt  }
0x77: {  	_ =	shalt  }
0x78: {  	_ =	shalt  }
0x79: {  	_ =	shalt  }
0x7a: {  	_ =	shalt  }
0x7b: {  	_ =	shalt  }
0x7c: {  	_ =	shalt  }
0x7d: {  	_ =	shalt  }
0x7e: {  	_ =	shalt  }
0x7f: {  	_ =	shalt  }
0x80: {  	_ =	shalt  }
0x81: {  	_ =	shalt  }
0x82: {  	_ =	shalt  }
0x83: {  	_ =	shalt  }
0x84: {  	_ =	shalt  }
0x85: {  	_ =	shalt  }
0x86: {  	_ =	shalt  }
0x87: {  	_ =	shalt  }
.Lfunc_end0:
.L_simem_size_0:
called_computation.2_lowered:
.L_overlay_start_0:
0x88: {  	s2 =	sld [smem:$0x3FD9]  }
0x89: {  	s3 =	sld [smem:$0x3FFE];
	_ =	sdelay $0x1  }
0x8a: {  	s1 =	srdreg.scid  }
0x8b: {  	s0 =	sand.u32 $0x1, s1  }
0x8c: {  	s17 =	sshll.u32 s0, $0xA;
	s2 =	sadd.s32 s3, s2  }
0x8d: {  	s2 =	sadd.s32 s2, s17  }
0x8e: {  	[smem:$0x3FC2] =	sst s2  }
0x8f: {  	_ = 	snop  }
0x90: {  	s2 =	sld [smem:$0x3FD0];
	(tm) =	ssettm $0x1  }
0x91: {  	s18 =	sld [smem:$0x3FFB];
	_ =	sdelay $0x3  }
0x92: {  	_ =	strace s18  }
0x93: {  	s3 =	sld [smem:$0x3FFC];
	_ =	sdelay $0x3  }
0x94: {  	_ =	strace s3  }
0x95: {  	s3 =	sld [smem:$0x3FFD];
	_ =	sdelay $0x3  }
0x96: {  	_ =	strace s3  }
0x97: {  	_ =	strace $0x8FFFFFFF  }
0x98: {  	s19 =	sld [smem:$0x3FDB];
	_ =	sdelay $0x1  }
0x99: {  	s4 =	simm.s32 $_scs_section_size  }
0x9a: {  	s5 =	simm.s32 $_size__tile_overlayer_lowered;
	s6 =	simm.s32 $_tile_overlayer_lowered  }
0x9b: {  	s22 =	simm.s32 $0x1BFF;
	s21 =	sshll.u32 s6, $0x1;
	s3 =	sadd.s32 s4, s19  }
0x9c: {  	s7 =	simm.s32 $0x0;
	s20 =	sshll.u32 s5, $0x1;
	s5 =	sadd.s32 s21, s3  }
0x9d: {  	[timem:s7], [sflag:s22] =	dma.local [hbm:s5], s20  }
0x9e: {  	_ =	swait.ge [sflag:s22], s20  }
0x9f: {  	s4 =	ssub.s32 $0x0, s20;
	[sflag:s22] =	ssyncset.done $0x0  }
0xa0: {  	[sflag:s22] =	ssyncadd.s32 s4;
	_ =	sdelay $0x1  }
0xa1: {  	s23 =	simm.s32 $0x1B8B  }
0xa2: {  	_ =	swait.ge [sflag:s23], $0x1  }
0xa3: {  	[sflag:s23] =	ssyncset.done $0x0  }
0xa4: {  	s25 =	simm.s32 $0x1B8E;
	s24 =	sld [smem:$0x3FFE];
	[sflag:s23] =	ssyncadd.s32 $0xFFFFFFFF  }
0xa5: {  	s26 =	simm.s32 $execute0_lowered;
	[smem:$0x3FD2] =	sst s25  }
0xa6: {  	s5 =	sshll.u32 s26, $0x1;
	_ =	strace $0x8000004C;
	[dreg:$0x1] =	wrdreg $0xFFFFFFFF  }
0xa7: {  	s28 =	simm.s32 $_size_execute0_lowered;
	s3 =	sadd.s32 s3, s5;
	[dreg:$0x0] =	wrdreg $0x0  }
0xa8: {  	s5 =	sshll.u32 s28, $0x1;
	[dreg:$0x2] =	wrdreg s3  }
0xa9: {  	[dreg:$0x3] =	wrdreg s5  }
0xaa: {  	[dreg:$0x4] =	wrdreg $0xC0  }
0xab: {  	_ =	task [dreg:s7], $0x5FFFF  }
0xac: {  	[dreg:$0x1] =	wrdreg $0xFFFFFFFF  }
0xad: {  	[dreg:$0x0] =	wrdreg $0x60  }
0xae: {  	[dreg:$0x2] =	wrdreg s24  }
0xaf: {  	[dreg:$0x3] =	wrdreg s2  }
0xb0: {  	[dreg:$0x4] =	wrdreg $0x5C400  }
0xb1: {  	[dreg:$0x5] =	wrdreg $0x9  }
0xb2: {  	_ =	task.clear_ibuf [dreg:s7], $0x6FFFF;
	_ =	strace $0x9000004C  }
0xb3: {  	s29 =	simm.s32 $0x9;
	_ =	strace $0x8000004E  }
0xb4: {  	_ =	swait.ge [sflag:s29], $0x1  }
0xb5: {  	[sflag:s29] =	ssyncadd.s32 $0xFFFFFFFF  }
0xb6: {  	_ =	strace $0x9000004E  }
0xb7: {  	_ =	sfence  }
0xb8: {  	s30 =	sld [smem:$0x0];
	_ =	sdelay $0x2  }
0xb9: {  	s31 =	sshll.u32 s1, $0xD;
	s1 =	sshrl.u32 s1, $0x2  }
0xba: {  	s3 =	sand.u32 $0x4000, s31;
	s1 =	sadd.s32 s1, s30  }
0xbb: {  	s0 =	sor.u32 s3, s0;
	s1 =	sshll.u32 s1, $0x11  }
0xbc: {  	s0 =	sor.u32 s1, s0  }
0xbd: {  	s0 =	sadd.s32 $0x8F2B, s0  }
0xbe: {  	[sflag:s0] =	ssyncadd.remote.s32 $0x1  }
0xbf: {  	_ =	sfence.sel $0xFFFF  }
0xc0: {  	[dreg:$0x0] =	wrdreg $0xFFFFFFFF;
	(pc) =	sbr.abs _section_cstart, $3  }
0xc1: {  	[dreg:$0x1] =	wrdreg $0xFFFFFFFF  }
0xc2: {  	_ =	task.clear_ibuf [dreg:s7], $0x2FFFF;
	_ =	strace $0x9FFFFFFF  }
0xc3: {  	(tm) =	ssettm $0x7FFFFFFF  }
tec
execute0_lowered:
.L_overlay_start_1:
0x0: {  	(tag) =	ssettag $0x1  }
0x1: {  	s0 =	rddreg [dreg:$0x0]  }
0x2: {  	s5 =	rddreg [dreg:$0x1]  }
0x3: {  	s2 =	rddreg [dreg:$0x2];
	s3 =	simm.s32 $0x0  }
0x4: {  	s23 =	simm.s32 $0x100;
	[smem:$0x7FF] =	sst s3  }
0x5: {  	s24 =	simm.s32 $0x180;
	_ =	strace $0x8000004D;
	[dreg:$0x6] =	wrdreg s23  }
0x6: {  	s25 =	simm.s32 $0x200;
	[dreg:$0x7] =	wrdreg s24  }
0x7: {  	s12 =	simm.s32 $0x380;
	[dreg:$0x8] =	wrdreg s25  }
0x8: {  	s13 =	simm.s32 $0x400;
	[dreg:$0xb] =	wrdreg s12  }
0x9: {  	s15 =	simm.s32 $0x880;
	[dreg:$0xc] =	wrdreg s13  }
0xa: {  	s1 =	srdreg.scid;
	s16 =	simm.s32 $0x480;
	[dreg:$0xd] =	wrdreg s15  }
0xb: {  	s10 =	stileid.u32;
	s18 =	simm.s32 $0x900;
	[dreg:$0xe] =	wrdreg s16  }
0xc: {  	s1 =	sand.u32 $0x1, s1;
	[dreg:$0xf] =	wrdreg s18;
	s24 =	simm.s32 $0x580  }
0xd: {  	s4 =	smul.u32 $0x31000, s10;
	s12 =	simm.s32 $0xA80;
	[dreg:$0x12] =	wrdreg s24  }
0xe: {  	s20 =	smul.u32 $0x18800, s10;
	s16 =	simm.s32 $0xB00;
	[dreg:$0x15] =	wrdreg s12  }
0xf: {  	s6 =	smul.u32 $0x18800, s1;
	s18 =	simm.s32 $0x700;
	[dreg:$0x17] =	wrdreg s16  }
0x10: {  	s8 =	smul.u32 $0x188000, s1;
	[dreg:$0x18] =	wrdreg s18;
	s24 =	simm.s32 $0xC00  }
0x11: {  	s1 =	ssub.s32 $0x2, s1;
	s11 =	sadd.s32 s20, s2;
	[dreg:$0x1b] =	wrdreg s24  }
0x12: {  	s21 =	sadd.s32 s20, s8;
	s8 =	simm.s32 $0x280;
	[dreg:$0x1e] =	wrdreg s11  }
0x13: {  	s26 =	sshrl.u32 s1, $0x1;
	s20 =	simm.s32 $0x500;
	[dreg:$0x9] =	wrdreg s8  }
0x14: {  	s1 =	ssub.s32 s1, s26;
	s26 =	simm.s32 $0xA00;
	[dreg:$0x10] =	wrdreg s20  }
0x15: {  	s4 =	sadd.s32 s6, s4;
	[dreg:$0x13] =	wrdreg s26;
	s20 =	simm.s32 $0xB80  }
0x16: {  	s7 =	sshrl.u32 s4, $0x3;
	s26 =	simm.s32 $0xC80;
	[dreg:$0x19] =	wrdreg s20  }
0x17: {  	s10 =	smul.u32 $0x62000, s10;
	s5 =	sadd.s32 s7, s5;
	[dreg:$0x1c] =	wrdreg s26  }
0x18: {  	s9 =	sadd.s32 s7, s0;
	s26 =	smax.u32 s1, $0x1;
	[dreg:$0x4] =	wrdreg s5  }
0x19: {  	s22 =	sadd.s32 $0x69C00, s9;
	[smem:$0x7FD] =	sst s26  }
0x1a: {  	s14 =	sshrl.u32 s10, $0x2;
	s9 =	simm.s32 $0x300;
	[dreg:$0x5] =	wrdreg s22  }
0x1b: {  	s5 =	sadd.s32 s14, s2;
	s14 =	simm.s32 $0x680;
	[dreg:$0xa] =	wrdreg s9  }
0x1c: {  	s17 =	sadd.s32 $0xC40, s5;
	[dreg:$0x16] =	wrdreg s14  }
0x1d: {  	s19 =	sadd.s32 $0x1880, s5;
	[dreg:$0x1f] =	wrdreg s17  }
0x1e: {  	s7 =	sshrl.u32 s21, $0x3;
	s21 =	sadd.s32 $0x24C0, s5;
	[smem:$0x7DE] =	sst s19  }
0x1f: {  	s23 =	sadd.s32 $0x3100, s5;
	[smem:$0x7DF] =	sst s21  }
0x20: {  	s22 =	simm.s32 $0x980;
	[smem:$0x7E0] =	sst s23  }
0x21: {  	s25 =	sadd.s32 $0x3D40, s5;
	[dreg:$0x11] =	wrdreg s22  }
0x22: {  	s8 =	sadd.s32 $0x4980, s5;
	[smem:$0x7E1] =	sst s25  }
0x23: {  	s10 =	sadd.s32 $0x55C0, s5;
	[smem:$0x7E2] =	sst s8  }
0x24: {  	s9 =	simm.s32 $0x600;
	[smem:$0x7E3] =	sst s10  }
0x25: {  	s13 =	sadd.s32 $0x6200, s5;
	[dreg:$0x14] =	wrdreg s9  }
0x26: {  	s15 =	sadd.s32 $0x6E40, s5;
	[smem:$0x7E4] =	sst s13  }
0x27: {  	s12 =	sadd.s32 $0xD040, s5;
	[smem:$0x7E5] =	sst s15  }
0x28: {  	s14 =	sadd.s32 $0xE8C0, s5;
	[smem:$0x7ED] =	sst s12  }
0x29: {  	s16 =	sadd.s32 $0x10140, s5;
	[smem:$0x7EF] =	sst s14  }
0x2a: {  	s18 =	sadd.s32 $0x119C0, s5;
	[smem:$0x7F1] =	sst s16  }
0x2b: {  	s4 =	sadd.s32 $0x1A00, s0;
	s20 =	sadd.s32 $0x13240, s5;
	[smem:$0x7F3] =	sst s18  }
0x2c: {  	s0 =	sadd.s32 s7, s0;
	s24 =	sadd.s32 $0x16340, s5;
	[smem:$0x7F5] =	sst s20  }
0x2d: {  	s0 =	sadd.s32 $0x252600, s0;
	[smem:$0x7F9] =	sst s24  }
0x2e: {  	s17 =	sadd.s32 $0x7A80, s5;
	[smem:$0x7FC] =	sst s0  }
0x2f: {  	s28 =	simm.s32 $0x4;
	s19 =	sadd.s32 $0x86C0, s5;
	[smem:$0x7E6] =	sst s17  }
0x30: {  	s29 =	simm.s32 $0x5;
	s21 =	sadd.s32 $0x9300, s5;
	[smem:$0x7E7] =	sst s19  }
0x31: {  	s30 =	simm.s32 $0x6;
	s23 =	sadd.s32 $0x9F40, s5;
	[smem:$0x7E8] =	sst s21  }
0x32: {  	s31 =	simm.s32 $0x7;
	s22 =	simm.s32 $0x780;
	[smem:$0x7E9] =	sst s23  }
0x33: {  	s6 =	simm.s32 $0xE00;
	s25 =	sadd.s32 $0xAB80, s5;
	[dreg:$0x1a] =	wrdreg s22  }
0x34: {  	s1 =	simm.s32 $0x8;
	s8 =	sadd.s32 $0xB7C0, s5;
	[smem:$0x7EA] =	sst s25  }
0x35: {  	s26 =	simm.s32 $0x3;
	s10 =	sadd.s32 $0xC400, s5;
	[smem:$0x7EB] =	sst s8  }
0x36: {  	s7 =	simm.s32 $0xE80;
	s9 =	simm.s32 $0xD00;
	[smem:$0x7EC] =	sst s10  }
0x37: {  	s13 =	sadd.s32 $0xDC80, s5;
	s15 =	sadd.s32 $0xF500, s5;
	[dreg:$0x1d] =	wrdreg s9  }
0x38: {  	s14 =	simm.s32 $0x800;
	s16 =	simm.s32 $0x1000;
	[smem:$0x7EE] =	sst s13  }
0x39: {  	s18 =	simm.s32 $0x2000;
	[smem:$0x7F0] =	sst s15;
	s17 =	sadd.s32 $0x10D80, s5  }
0x3a: {  	s20 =	simm.s32 $0x3000;
	s19 =	sadd.s32 $0x12600, s5;
	[smem:$0x7F2] =	sst s17  }
0x3b: {  	s24 =	simm.s32 $0x1;
	s21 =	sadd.s32 $0x13E80, s5;
	[smem:$0x7F4] =	sst s19  }
0x3c: {  	s0 =	simm.s32 $0xD80;
	s22 =	sadd.s32 $0x14AC0, s5;
	[smem:$0x7F6] =	sst s21  }
0x3d: {  	s23 =	sadd.s32 $0x15700, s5;
	s25 =	sadd.s32 $0x16F80, s5;
	[smem:$0x7F7] =	sst s22  }
0x3e: {  	s5 =	sadd.s32 $0x17BC0, s5;
	s13 =	simm.s32 $0x9;
	[smem:$0x7F8] =	sst s23  }
0x3f: {  	s15 =	simm.s32 $0x80;
	s8 =	simm.s32 $0xF00;
	[smem:$0x7FA] =	sst s25  }
0x40: {  	s9 =	simm.s32 $0xF80;
	s10 =	simm.s32 $0x0;
	[smem:$0x7FB] =	sst s5  }
0x41: {  	s17 =	simm.s32 $0x1800;
	s19 =	simm.s32 $0x2800;
	s21 =	simm.s32 $0x3800  }
0x42: {  	v0 =	vimm.f32 $0.0e+00;
	s22 =	simm.s32 $0x4000;
	s23 =	simm.s32 $0x4800;
	s25 =	simm.s32 $0x2  }
.LBB2_1:
0x43: {  	[smem:$0x7DD] =	sst s10;
	s5 =	simm.s32 $0x40;
	s10 =	simm.s32 $0x0  }
.LBB2_2:
0x44: {  	p0 =	sne.s32 s5, $0x30C0;
	[tilespmem:s10+$0x5000] =	vst v0;
	s10 =	smov.u32 s5;
	s5 =	sadd.s32 $0x40, s5  }
.Ltmp0:
0x45: {  	(pc) =	sbr.rel @p0 .LBB2_2-.Ltmp0, $2  }
0x46: {  	_ =	sdelay $0x2  }
0x47: {  	s10 =	sshra.s32 s10, $0x2  }
0x48: {  	[tilespmem:s10+$0x5000] =	vst v0;
	s10 =	simm.s32 $0x5000  }
0x49: {  	[spmem:s11] =	stream.linear.scatter [tilespmem:s10], [sflag:$0x9], $0xC40, $0x38;
	[tilespmem:$0x1E440] =	vst v63  }
0x4a: {  	_ =	swait.ge [sflag:s13], $0xC40  }
0x4b: {  	[sflag:s13] =	ssyncset.done $0x0  }
0x4c: {  	s5 =	rddreg [dreg:$0x1f];
	[sflag:s13] =	ssyncadd.s32 $0xFFFFF3C0  }
0x4d: {  	[spmem:s5] =	stream.linear.scatter [tilespmem:s10], [sflag:$0x9], $0xC40, $0x38;
	[tilespmem:$0x1E440] =	vst v63  }
0x4e: {  	_ =	swait.ge [sflag:s13], $0xC40  }
0x4f: {  	s12 =	sld [smem:$0x7DE]  }
0x50: {  	[sflag:s13] =	ssyncset.done $0x0  }
0x51: {  	[sflag:s13] =	ssyncadd.s32 $0xFFFFF3C0  }
0x52: {  	[spmem:s12] =	stream.linear.scatter [tilespmem:s10], [sflag:$0x9], $0xC40, $0x38;
	[tilespmem:$0x1E440] =	vst v63  }
0x53: {  	_ =	swait.ge [sflag:s13], $0xC40  }
0x54: {  	s11 =	sld [smem:$0x7DF]  }
0x55: {  	[sflag:s13] =	ssyncset.done $0x0  }
0x56: {  	[sflag:s13] =	ssyncadd.s32 $0xFFFFF3C0  }
0x57: {  	[spmem:s11] =	stream.linear.scatter [tilespmem:s10], [sflag:$0x9], $0xC40, $0x38;
	[tilespmem:$0x1E440] =	vst v63  }
0x58: {  	_ =	swait.ge [sflag:s13], $0xC40  }
0x59: {  	s12 =	sld [smem:$0x7E0]  }
0x5a: {  	[sflag:s13] =	ssyncset.done $0x0  }
0x5b: {  	[sflag:s13] =	ssyncadd.s32 $0xFFFFF3C0  }
0x5c: {  	[spmem:s12] =	stream.linear.scatter [tilespmem:s10], [sflag:$0x9], $0xC40, $0x38;
	[tilespmem:$0x1E440] =	vst v63  }
0x5d: {  	_ =	swait.ge [sflag:s13], $0xC40  }
0x5e: {  	s11 =	sld [smem:$0x7E1]  }
0x5f: {  	[sflag:s13] =	ssyncset.done $0x0  }
0x60: {  	[sflag:s13] =	ssyncadd.s32 $0xFFFFF3C0  }
0x61: {  	[spmem:s11] =	stream.linear.scatter [tilespmem:s10], [sflag:$0x9], $0xC40, $0x38;
	[tilespmem:$0x1E440] =	vst v63  }
0x62: {  	_ =	swait.ge [sflag:s13], $0xC40  }
0x63: {  	s12 =	sld [smem:$0x7E2]  }
0x64: {  	[sflag:s13] =	ssyncset.done $0x0  }
0x65: {  	[sflag:s13] =	ssyncadd.s32 $0xFFFFF3C0  }
0x66: {  	[spmem:s12] =	stream.linear.scatter [tilespmem:s10], [sflag:$0x9], $0xC40, $0x38;
	[tilespmem:$0x1E440] =	vst v63  }
0x67: {  	_ =	swait.ge [sflag:s13], $0xC40  }
0x68: {  	s11 =	sld [smem:$0x7E3]  }
0x69: {  	[sflag:s13] =	ssyncset.done $0x0  }
0x6a: {  	[sflag:s13] =	ssyncadd.s32 $0xFFFFF3C0  }
0x6b: {  	[spmem:s11] =	stream.linear.scatter [tilespmem:s10], [sflag:$0x9], $0xC40, $0x38;
	[tilespmem:$0x1E440] =	vst v63  }
0x6c: {  	_ =	swait.ge [sflag:s13], $0xC40  }
0x6d: {  	s12 =	sld [smem:$0x7E4]  }
0x6e: {  	[sflag:s13] =	ssyncset.done $0x0  }
0x6f: {  	[sflag:s13] =	ssyncadd.s32 $0xFFFFF3C0  }
0x70: {  	[spmem:s12] =	stream.linear.scatter [tilespmem:s10], [sflag:$0x9], $0xC40, $0x38;
	[tilespmem:$0x1E440] =	vst v63  }
0x71: {  	_ =	swait.ge [sflag:s13], $0xC40  }
0x72: {  	s11 =	sld [smem:$0x7E5]  }
0x73: {  	[sflag:s13] =	ssyncset.done $0x0  }
0x74: {  	[sflag:s13] =	ssyncadd.s32 $0xFFFFF3C0  }
0x75: {  	[spmem:s11] =	stream.linear.scatter [tilespmem:s10], [sflag:$0x9], $0xC40, $0x38;
	[tilespmem:$0x1E440] =	vst v63  }
0x76: {  	_ =	swait.ge [sflag:s13], $0xC40  }
0x77: {  	s12 =	sld [smem:$0x7E6]  }
0x78: {  	[sflag:s13] =	ssyncset.done $0x0  }
0x79: {  	[sflag:s13] =	ssyncadd.s32 $0xFFFFF3C0  }
0x7a: {  	[spmem:s12] =	stream.linear.scatter [tilespmem:s10], [sflag:$0x9], $0xC40, $0x38;
	[tilespmem:$0x1E440] =	vst v63  }
0x7b: {  	_ =	swait.ge [sflag:s13], $0xC40  }
0x7c: {  	s11 =	sld [smem:$0x7E7]  }
0x7d: {  	[sflag:s13] =	ssyncset.done $0x0  }
0x7e: {  	[sflag:s13] =	ssyncadd.s32 $0xFFFFF3C0  }
0x7f: {  	[spmem:s11] =	stream.linear.scatter [tilespmem:s10], [sflag:$0x9], $0xC40, $0x38;
	[tilespmem:$0x1E440] =	vst v63  }
0x80: {  	_ =	swait.ge [sflag:s13], $0xC40  }
0x81: {  	s12 =	sld [smem:$0x7E8]  }
0x82: {  	[sflag:s13] =	ssyncset.done $0x0  }
0x83: {  	[sflag:s13] =	ssyncadd.s32 $0xFFFFF3C0  }
0x84: {  	[spmem:s12] =	stream.linear.scatter [tilespmem:s10], [sflag:$0x9], $0xC40, $0x38;
	[tilespmem:$0x1E440] =	vst v63  }
0x85: {  	_ =	swait.ge [sflag:s13], $0xC40  }
0x86: {  	s11 =	sld [smem:$0x7E9]  }
0x87: {  	[sflag:s13] =	ssyncset.done $0x0  }
0x88: {  	[sflag:s13] =	ssyncadd.s32 $0xFFFFF3C0  }
0x89: {  	[spmem:s11] =	stream.linear.scatter [tilespmem:s10], [sflag:$0x9], $0xC40, $0x38;
	[tilespmem:$0x1E440] =	vst v63  }
0x8a: {  	_ =	swait.ge [sflag:s13], $0xC40  }
0x8b: {  	s12 =	sld [smem:$0x7EA]  }
0x8c: {  	[sflag:s13] =	ssyncset.done $0x0  }
0x8d: {  	[sflag:s13] =	ssyncadd.s32 $0xFFFFF3C0  }
0x8e: {  	[spmem:s12] =	stream.linear.scatter [tilespmem:s10], [sflag:$0x9], $0xC40, $0x38;
	[tilespmem:$0x1E440] =	vst v63  }
0x8f: {  	_ =	swait.ge [sflag:s13], $0xC40  }
0x90: {  	s11 =	sld [smem:$0x7EB]  }
0x91: {  	[sflag:s13] =	ssyncset.done $0x0  }
0x92: {  	[sflag:s13] =	ssyncadd.s32 $0xFFFFF3C0  }
0x93: {  	[spmem:s11] =	stream.linear.scatter [tilespmem:s10], [sflag:$0x9], $0xC40, $0x38;
	[tilespmem:$0x1E440] =	vst v63  }
0x94: {  	_ =	swait.ge [sflag:s13], $0xC40  }
0x95: {  	s12 =	sld [smem:$0x7EC]  }
0x96: {  	[sflag:s13] =	ssyncset.done $0x0  }
0x97: {  	[sflag:s13] =	ssyncadd.s32 $0xFFFFF3C0  }
0x98: {  	[spmem:s12] =	stream.linear.scatter [tilespmem:s10], [sflag:$0x9], $0xC40, $0x38;
	[tilespmem:$0x1E440] =	vst v63  }
0x99: {  	_ =	swait.ge [sflag:s13], $0xC40  }
0x9a: {  	s11 =	sld [smem:$0x7ED]  }
0x9b: {  	[sflag:s13] =	ssyncset.done $0x0  }
0x9c: {  	[sflag:s13] =	ssyncadd.s32 $0xFFFFF3C0  }
0x9d: {  	[spmem:s11] =	stream.linear.scatter [tilespmem:s10], [sflag:$0x9], $0xC40, $0x38;
	[tilespmem:$0x1E440] =	vst v63  }
0x9e: {  	_ =	swait.ge [sflag:s13], $0xC40  }
0x9f: {  	s12 =	sld [smem:$0x7EE]  }
0xa0: {  	[sflag:s13] =	ssyncset.done $0x0  }
0xa1: {  	[sflag:s13] =	ssyncadd.s32 $0xFFFFF3C0  }
0xa2: {  	[spmem:s12] =	stream.linear.scatter [tilespmem:s10], [sflag:$0x9], $0xC40, $0x38;
	[tilespmem:$0x1E440] =	vst v63  }
0xa3: {  	_ =	swait.ge [sflag:s13], $0xC40  }
0xa4: {  	s11 =	sld [smem:$0x7EF]  }
0xa5: {  	[sflag:s13] =	ssyncset.done $0x0  }
0xa6: {  	[sflag:s13] =	ssyncadd.s32 $0xFFFFF3C0  }
0xa7: {  	[spmem:s11] =	stream.linear.scatter [tilespmem:s10], [sflag:$0x9], $0xC40, $0x38;
	[tilespmem:$0x1E440] =	vst v63  }
0xa8: {  	_ =	swait.ge [sflag:s13], $0xC40  }
0xa9: {  	s12 =	sld [smem:$0x7F0]  }
0xaa: {  	[sflag:s13] =	ssyncset.done $0x0  }
0xab: {  	[sflag:s13] =	ssyncadd.s32 $0xFFFFF3C0  }
0xac: {  	[spmem:s12] =	stream.linear.scatter [tilespmem:s10], [sflag:$0x9], $0xC40, $0x38;
	[tilespmem:$0x1E440] =	vst v63  }
0xad: {  	_ =	swait.ge [sflag:s13], $0xC40  }
0xae: {  	s11 =	sld [smem:$0x7F1]  }
0xaf: {  	[sflag:s13] =	ssyncset.done $0x0  }
0xb0: {  	[sflag:s13] =	ssyncadd.s32 $0xFFFFF3C0  }
0xb1: {  	[spmem:s11] =	stream.linear.scatter [tilespmem:s10], [sflag:$0x9], $0xC40, $0x38;
	[tilespmem:$0x1E440] =	vst v63  }
0xb2: {  	_ =	swait.ge [sflag:s13], $0xC40  }
0xb3: {  	s12 =	sld [smem:$0x7F2]  }
0xb4: {  	[sflag:s13] =	ssyncset.done $0x0  }
0xb5: {  	[sflag:s13] =	ssyncadd.s32 $0xFFFFF3C0  }
0xb6: {  	[spmem:s12] =	stream.linear.scatter [tilespmem:s10], [sflag:$0x9], $0xC40, $0x38;
	[tilespmem:$0x1E440] =	vst v63  }
0xb7: {  	_ =	swait.ge [sflag:s13], $0xC40  }
0xb8: {  	s11 =	sld [smem:$0x7F3]  }
0xb9: {  	[sflag:s13] =	ssyncset.done $0x0  }
0xba: {  	[sflag:s13] =	ssyncadd.s32 $0xFFFFF3C0  }
0xbb: {  	[spmem:s11] =	stream.linear.scatter [tilespmem:s10], [sflag:$0x9], $0xC40, $0x38;
	[tilespmem:$0x1E440] =	vst v63  }
0xbc: {  	_ =	swait.ge [sflag:s13], $0xC40  }
0xbd: {  	s12 =	sld [smem:$0x7F4]  }
0xbe: {  	[sflag:s13] =	ssyncset.done $0x0  }
0xbf: {  	[sflag:s13] =	ssyncadd.s32 $0xFFFFF3C0  }
0xc0: {  	[spmem:s12] =	stream.linear.scatter [tilespmem:s10], [sflag:$0x9], $0xC40, $0x38;
	[tilespmem:$0x1E440] =	vst v63  }
0xc1: {  	_ =	swait.ge [sflag:s13], $0xC40  }
0xc2: {  	s11 =	sld [smem:$0x7F5]  }
0xc3: {  	[sflag:s13] =	ssyncset.done $0x0  }
0xc4: {  	[sflag:s13] =	ssyncadd.s32 $0xFFFFF3C0  }
0xc5: {  	[spmem:s11] =	stream.linear.scatter [tilespmem:s10], [sflag:$0x9], $0xC40, $0x38;
	[tilespmem:$0x1E440] =	vst v63  }
0xc6: {  	_ =	swait.ge [sflag:s13], $0xC40  }
0xc7: {  	s12 =	sld [smem:$0x7F6]  }
0xc8: {  	[sflag:s13] =	ssyncset.done $0x0  }
0xc9: {  	[sflag:s13] =	ssyncadd.s32 $0xFFFFF3C0  }
0xca: {  	[spmem:s12] =	stream.linear.scatter [tilespmem:s10], [sflag:$0x9], $0xC40, $0x38;
	[tilespmem:$0x1E440] =	vst v63  }
0xcb: {  	_ =	swait.ge [sflag:s13], $0xC40  }
0xcc: {  	s11 =	sld [smem:$0x7F7]  }
0xcd: {  	[sflag:s13] =	ssyncset.done $0x0  }
0xce: {  	[sflag:s13] =	ssyncadd.s32 $0xFFFFF3C0  }
0xcf: {  	[spmem:s11] =	stream.linear.scatter [tilespmem:s10], [sflag:$0x9], $0xC40, $0x38;
	[tilespmem:$0x1E440] =	vst v63  }
0xd0: {  	_ =	swait.ge [sflag:s13], $0xC40  }
0xd1: {  	s12 =	sld [smem:$0x7F8]  }
0xd2: {  	[sflag:s13] =	ssyncset.done $0x0  }
0xd3: {  	[sflag:s13] =	ssyncadd.s32 $0xFFFFF3C0  }
0xd4: {  	[spmem:s12] =	stream.linear.scatter [tilespmem:s10], [sflag:$0x9], $0xC40, $0x38;
	[tilespmem:$0x1E440] =	vst v63  }
0xd5: {  	_ =	swait.ge [sflag:s13], $0xC40  }
0xd6: {  	s11 =	sld [smem:$0x7F9]  }
0xd7: {  	[sflag:s13] =	ssyncset.done $0x0  }
0xd8: {  	[sflag:s13] =	ssyncadd.s32 $0xFFFFF3C0  }
0xd9: {  	[spmem:s11] =	stream.linear.scatter [tilespmem:s10], [sflag:$0x9], $0xC40, $0x38;
	[tilespmem:$0x1E440] =	vst v63  }
0xda: {  	_ =	swait.ge [sflag:s13], $0xC40  }
0xdb: {  	s12 =	sld [smem:$0x7FA]  }
0xdc: {  	[sflag:s13] =	ssyncset.done $0x0  }
0xdd: {  	[sflag:s13] =	ssyncadd.s32 $0xFFFFF3C0  }
0xde: {  	[spmem:s12] =	stream.linear.scatter [tilespmem:s10], [sflag:$0x9], $0xC40, $0x38;
	[tilespmem:$0x1E440] =	vst v63  }
0xdf: {  	_ =	swait.ge [sflag:s13], $0xC40  }
0xe0: {  	s11 =	sld [smem:$0x7FB]  }
0xe1: {  	[sflag:s13] =	ssyncset.done $0x0  }
0xe2: {  	[sflag:s13] =	ssyncadd.s32 $0xFFFFF3C0  }
0xe3: {  	[spmem:s11] =	stream.linear.scatter [tilespmem:s10], [sflag:$0x9], $0xC40, $0x38;
	[tilespmem:$0x1E440] =	vst v63  }
0xe4: {  	_ =	swait.ge [sflag:s13], $0xC40  }
0xe5: {  	[sflag:s13] =	ssyncset.done $0x0  }
0xe6: {  	[sflag:s13] =	ssyncadd.s32 $0xFFFFF3C0  }
0xe7: {  	[bflag:$0x0] =	sbarrier.arrive $0xFFFF  }
0xe8: {  	s12 =	rddreg [dreg:$0x5]  }
0xe9: {  	s5 =	sadd.s32 $0x0, s12  }
0xea: {  	[tilespmem:s3], [sflag:$0x9] =	stream.linear.gather [hbm4b:s5+s3], $0x800, $0x38;
	[tilespmem:$0x1E440] =	vst v63  }
0xeb: {  	_ =	swait.ge [sflag:s13], $0x800  }
0xec: {  	s10 =	rddreg [dreg:$0x4];
	[sflag:s13] =	ssyncset.done $0x0  }
0xed: {  	[sflag:s13] =	ssyncadd.s32 $0xFFFFF800;
	s5 =	sadd.s32 $0x0, s10  }
0xee: {  	[tilespmem:s14], [sflag:$0x9] =	stream.linear.gather [hbm4b:s5+s3], $0x800, $0x38;
	[tilespmem:$0x1E440] =	vst v63  }
0xef: {  	_ =	swait.ge [sflag:s13], $0x800  }
0xf0: {  	[sflag:s13] =	ssyncset.done $0x0  }
0xf1: {  	[sflag:s13] =	ssyncadd.s32 $0xFFFFF800  }
0xf2: {  	[tilespmem:s16], [sflag:$0x1] =	stream.indirect.gather [hbm4b:s4+s15], $0x10, s3, s15, $0xb8;
	[tilespmem:$0x1E440] =	vst v63  }
0xf3: {  	_ = 	snop  }
0xf4: {  	[tilespmem:s17], [sflag:$0x2] =	stream.indirect.gather [hbm4b:s4+s15], $0x10, s15, s15, $0xb8;
	[tilespmem:$0x1E440] =	vst v63  }
0xf5: {  	s11 =	rddreg [dreg:$0x6]  }
0xf6: {  	[tilespmem:s18], [sflag:$0x3] =	stream.indirect.gather [hbm4b:s4+s15], $0x10, s11, s15, $0xb8;
	[tilespmem:$0x1E440] =	vst v63  }
0xf7: {  	s12 =	rddreg [dreg:$0x7]  }
0xf8: {  	[tilespmem:s19], [sflag:$0x4] =	stream.indirect.gather [hbm4b:s4+s15], $0x10, s12, s15, $0xb8;
	[tilespmem:$0x1E440] =	vst v63  }
0xf9: {  	s11 =	rddreg [dreg:$0x8]  }
0xfa: {  	[tilespmem:s20], [sflag:$0x5] =	stream.indirect.gather [hbm4b:s4+s15], $0x10, s11, s15, $0xb8;
	[tilespmem:$0x1E440] =	vst v63  }
0xfb: {  	s12 =	rddreg [dreg:$0x9]  }
0xfc: {  	[tilespmem:s21], [sflag:$0x6] =	stream.indirect.gather [hbm4b:s4+s15], $0x10, s12, s15, $0xb8;
	[tilespmem:$0x1E440] =	vst v63  }
0xfd: {  	s11 =	rddreg [dreg:$0xa]  }
0xfe: {  	[tilespmem:s22], [sflag:$0x7] =	stream.indirect.gather [hbm4b:s4+s15], $0x10, s11, s15, $0xb8;
	[tilespmem:$0x1E440] =	vst v63  }
0xff: {  	s12 =	rddreg [dreg:$0xb]  }
0x100: {  	[tilespmem:s23], [sflag:$0x8] =	stream.indirect.gather [hbm4b:s4+s15], $0x10, s12, s15, $0xb8;
	[tilespmem:$0x1E440] =	vst v63  }
0x101: {  	_ =	swait.ge [sflag:s24], $0x800  }
0x102: {  	[sflag:s24] =	ssyncset.done $0x0  }
0x103: {  	[sflag:s24] =	ssyncadd.s32 $0xFFFFF800  }
0x104: {  	[spmem:s2] =	stream.indirect.scatter.add.f32 [tilespmem:s16], [sflag:$0x9], $0x10, s14, s15, $0xb8;
	[tilespmem:$0x1E440] =	vst v63  }
0x105: {  	_ =	swait.ge [sflag:s13], $0x800  }
0x106: {  	[sflag:s13] =	ssyncset.done $0x0  }
0x107: {  	s10 =	rddreg [dreg:$0xc];
	[sflag:s13] =	ssyncadd.s32 $0xFFFFF800  }
0x108: {  	[tilespmem:s16], [sflag:$0x1] =	stream.indirect.gather [hbm4b:s4+s15], $0x10, s10, s15, $0xb8;
	[tilespmem:$0x1E440] =	vst v63  }
0x109: {  	_ =	swait.ge [sflag:s25], $0x800  }
0x10a: {  	[sflag:s25] =	ssyncset.done $0x0  }
0x10b: {  	s11 =	rddreg [dreg:$0xd];
	[sflag:s25] =	ssyncadd.s32 $0xFFFFF800  }
0x10c: {  	[spmem:s2] =	stream.indirect.scatter.add.f32 [tilespmem:s17], [sflag:$0x9], $0x10, s11, s15, $0xb8;
	[tilespmem:$0x1E440] =	vst v63  }
0x10d: {  	_ =	swait.ge [sflag:s13], $0x800  }
0x10e: {  	[sflag:s13] =	ssyncset.done $0x0  }
0x10f: {  	s12 =	rddreg [dreg:$0xe];
	[sflag:s13] =	ssyncadd.s32 $0xFFFFF800  }
0x110: {  	[tilespmem:s17], [sflag:$0x2] =	stream.indirect.gather [hbm4b:s4+s15], $0x10, s12, s15, $0xb8;
	[tilespmem:$0x1E440] =	vst v63  }
0x111: {  	_ =	swait.ge [sflag:s26], $0x800  }
0x112: {  	[sflag:s26] =	ssyncset.done $0x0  }
0x113: {  	s10 =	rddreg [dreg:$0xf];
	[sflag:s26] =	ssyncadd.s32 $0xFFFFF800  }
0x114: {  	[spmem:s2] =	stream.indirect.scatter.add.f32 [tilespmem:s18], [sflag:$0x9], $0x10, s10, s15, $0xb8;
	[tilespmem:$0x1E440] =	vst v63  }
0x115: {  	_ =	swait.ge [sflag:s13], $0x800  }
0x116: {  	[sflag:s13] =	ssyncset.done $0x0  }
0x117: {  	s11 =	rddreg [dreg:$0x10];
	[sflag:s13] =	ssyncadd.s32 $0xFFFFF800  }
0x118: {  	[tilespmem:s18], [sflag:$0x3] =	stream.indirect.gather [hbm4b:s4+s15], $0x10, s11, s15, $0xb8;
	[tilespmem:$0x1E440] =	vst v63  }
0x119: {  	_ =	swait.ge [sflag:s28], $0x800  }
0x11a: {  	[sflag:s28] =	ssyncset.done $0x0  }
0x11b: {  	s12 =	rddreg [dreg:$0x11];
	[sflag:s28] =	ssyncadd.s32 $0xFFFFF800  }
0x11c: {  	[spmem:s2] =	stream.indirect.scatter.add.f32 [tilespmem:s19], [sflag:$0x9], $0x10, s12, s15, $0xb8;
	[tilespmem:$0x1E440] =	vst v63  }
0x11d: {  	_ =	swait.ge [sflag:s13], $0x800  }
0x11e: {  	[sflag:s13] =	ssyncset.done $0x0  }
0x11f: {  	s10 =	rddreg [dreg:$0x12];
	[sflag:s13] =	ssyncadd.s32 $0xFFFFF800  }
0x120: {  	[tilespmem:s19], [sflag:$0x4] =	stream.indirect.gather [hbm4b:s4+s15], $0x10, s10, s15, $0xb8;
	[tilespmem:$0x1E440] =	vst v63  }
0x121: {  	_ =	swait.ge [sflag:s29], $0x800  }
0x122: {  	[sflag:s29] =	ssyncset.done $0x0  }
0x123: {  	s11 =	rddreg [dreg:$0x13];
	[sflag:s29] =	ssyncadd.s32 $0xFFFFF800  }
0x124: {  	[spmem:s2] =	stream.indirect.scatter.add.f32 [tilespmem:s20], [sflag:$0x9], $0x10, s11, s15, $0xb8;
	[tilespmem:$0x1E440] =	vst v63  }
0x125: {  	_ =	swait.ge [sflag:s13], $0x800  }
0x126: {  	[sflag:s13] =	ssyncset.done $0x0  }
0x127: {  	s12 =	rddreg [dreg:$0x14];
	[sflag:s13] =	ssyncadd.s32 $0xFFFFF800  }
0x128: {  	[tilespmem:s20], [sflag:$0x5] =	stream.indirect.gather [hbm4b:s4+s15], $0x10, s12, s15, $0xb8;
	[tilespmem:$0x1E440] =	vst v63  }
0x129: {  	_ =	swait.ge [sflag:s30], $0x800  }
0x12a: {  	[sflag:s30] =	ssyncset.done $0x0  }
0x12b: {  	s10 =	rddreg [dreg:$0x15];
	[sflag:s30] =	ssyncadd.s32 $0xFFFFF800  }
0x12c: {  	[spmem:s2] =	stream.indirect.scatter.add.f32 [tilespmem:s21], [sflag:$0x9], $0x10, s10, s15, $0xb8;
	[tilespmem:$0x1E440] =	vst v63  }
0x12d: {  	_ =	swait.ge [sflag:s13], $0x800  }
0x12e: {  	[sflag:s13] =	ssyncset.done $0x0  }
0x12f: {  	s11 =	rddreg [dreg:$0x16];
	[sflag:s13] =	ssyncadd.s32 $0xFFFFF800  }
0x130: {  	[tilespmem:s21], [sflag:$0x6] =	stream.indirect.gather [hbm4b:s4+s15], $0x10, s11, s15, $0xb8;
	[tilespmem:$0x1E440] =	vst v63  }
0x131: {  	_ =	swait.ge [sflag:s31], $0x800  }
0x132: {  	[sflag:s31] =	ssyncset.done $0x0  }
0x133: {  	s12 =	rddreg [dreg:$0x17];
	[sflag:s31] =	ssyncadd.s32 $0xFFFFF800  }
0x134: {  	[spmem:s2] =	stream.indirect.scatter.add.f32 [tilespmem:s22], [sflag:$0x9], $0x10, s12, s15, $0xb8;
	[tilespmem:$0x1E440] =	vst v63  }
0x135: {  	_ =	swait.ge [sflag:s13], $0x800  }
0x136: {  	[sflag:s13] =	ssyncset.done $0x0  }
0x137: {  	s10 =	rddreg [dreg:$0x18];
	[sflag:s13] =	ssyncadd.s32 $0xFFFFF800  }
0x138: {  	[tilespmem:s22], [sflag:$0x7] =	stream.indirect.gather [hbm4b:s4+s15], $0x10, s10, s15, $0xb8;
	[tilespmem:$0x1E440] =	vst v63  }
0x139: {  	_ =	swait.ge [sflag:s1], $0x800  }
0x13a: {  	[sflag:s1] =	ssyncset.done $0x0  }
0x13b: {  	s11 =	rddreg [dreg:$0x19];
	[sflag:s1] =	ssyncadd.s32 $0xFFFFF800  }
0x13c: {  	[spmem:s2] =	stream.indirect.scatter.add.f32 [tilespmem:s23], [sflag:$0x9], $0x10, s11, s15, $0xb8;
	[tilespmem:$0x1E440] =	vst v63  }
0x13d: {  	_ =	swait.ge [sflag:s13], $0x800  }
0x13e: {  	[sflag:s13] =	ssyncset.done $0x0  }
0x13f: {  	s12 =	rddreg [dreg:$0x1a];
	[sflag:s13] =	ssyncadd.s32 $0xFFFFF800  }
0x140: {  	[tilespmem:s23], [sflag:$0x8] =	stream.indirect.gather [hbm4b:s4+s15], $0x10, s12, s15, $0xb8;
	[tilespmem:$0x1E440] =	vst v63  }
0x141: {  	_ =	swait.ge [sflag:s24], $0x800  }
0x142: {  	[sflag:s24] =	ssyncset.done $0x0  }
0x143: {  	s10 =	rddreg [dreg:$0x1b];
	[sflag:s24] =	ssyncadd.s32 $0xFFFFF800  }
0x144: {  	[spmem:s2] =	stream.indirect.scatter.add.f32 [tilespmem:s16], [sflag:$0x9], $0x10, s10, s15, $0xb8;
	[tilespmem:$0x1E440] =	vst v63  }
0x145: {  	_ =	swait.ge [sflag:s13], $0x800  }
0x146: {  	[sflag:s13] =	ssyncset.done $0x0  }
0x147: {  	[sflag:s13] =	ssyncadd.s32 $0xFFFFF800  }
0x148: {  	_ =	swait.ge [sflag:s25], $0x800  }
0x149: {  	[sflag:s25] =	ssyncset.done $0x0  }
0x14a: {  	s11 =	rddreg [dreg:$0x1c];
	[sflag:s25] =	ssyncadd.s32 $0xFFFFF800  }
0x14b: {  	[spmem:s2] =	stream.indirect.scatter.add.f32 [tilespmem:s17], [sflag:$0x9], $0x10, s11, s15, $0xb8;
	[tilespmem:$0x1E440] =	vst v63  }
0x14c: {  	_ =	swait.ge [sflag:s13], $0x800  }
0x14d: {  	[sflag:s13] =	ssyncset.done $0x0  }
0x14e: {  	[sflag:s13] =	ssyncadd.s32 $0xFFFFF800  }
0x14f: {  	_ =	swait.ge [sflag:s26], $0x800  }
0x150: {  	[sflag:s26] =	ssyncset.done $0x0  }
0x151: {  	s12 =	rddreg [dreg:$0x1d];
	[sflag:s26] =	ssyncadd.s32 $0xFFFFF800  }
0x152: {  	[spmem:s2] =	stream.indirect.scatter.add.f32 [tilespmem:s18], [sflag:$0x9], $0x10, s12, s15, $0xb8;
	[tilespmem:$0x1E440] =	vst v63  }
0x153: {  	_ =	swait.ge [sflag:s13], $0x800  }
0x154: {  	[sflag:s13] =	ssyncset.done $0x0  }
0x155: {  	[sflag:s13] =	ssyncadd.s32 $0xFFFFF800  }
0x156: {  	_ =	swait.ge [sflag:s28], $0x800  }
0x157: {  	[sflag:s28] =	ssyncset.done $0x0  }
0x158: {  	[sflag:s28] =	ssyncadd.s32 $0xFFFFF800  }
0x159: {  	[spmem:s2] =	stream.indirect.scatter.add.f32 [tilespmem:s19], [sflag:$0x9], $0x10, s0, s15, $0xb8;
	[tilespmem:$0x1E440] =	vst v63  }
0x15a: {  	_ =	swait.ge [sflag:s13], $0x800  }
0x15b: {  	[sflag:s13] =	ssyncset.done $0x0  }
0x15c: {  	[sflag:s13] =	ssyncadd.s32 $0xFFFFF800  }
0x15d: {  	_ =	swait.ge [sflag:s29], $0x800  }
0x15e: {  	[sflag:s29] =	ssyncset.done $0x0  }
0x15f: {  	[sflag:s29] =	ssyncadd.s32 $0xFFFFF800  }
0x160: {  	[spmem:s2] =	stream.indirect.scatter.add.f32 [tilespmem:s20], [sflag:$0x9], $0x10, s6, s15, $0xb8;
	[tilespmem:$0x1E440] =	vst v63  }
0x161: {  	_ =	swait.ge [sflag:s13], $0x800  }
0x162: {  	[sflag:s13] =	ssyncset.done $0x0  }
0x163: {  	[sflag:s13] =	ssyncadd.s32 $0xFFFFF800  }
0x164: {  	_ =	swait.ge [sflag:s30], $0x800  }
0x165: {  	[sflag:s30] =	ssyncset.done $0x0  }
0x166: {  	[sflag:s30] =	ssyncadd.s32 $0xFFFFF800  }
0x167: {  	[spmem:s2] =	stream.indirect.scatter.add.f32 [tilespmem:s21], [sflag:$0x9], $0x10, s7, s15, $0xb8;
	[tilespmem:$0x1E440] =	vst v63  }
0x168: {  	_ =	swait.ge [sflag:s13], $0x800  }
0x169: {  	[sflag:s13] =	ssyncset.done $0x0  }
0x16a: {  	[sflag:s13] =	ssyncadd.s32 $0xFFFFF800  }
0x16b: {  	_ =	swait.ge [sflag:s31], $0x800  }
0x16c: {  	[sflag:s31] =	ssyncset.done $0x0  }
0x16d: {  	[sflag:s31] =	ssyncadd.s32 $0xFFFFF800  }
0x16e: {  	[spmem:s2] =	stream.indirect.scatter.add.f32 [tilespmem:s22], [sflag:$0x9], $0x10, s8, s15, $0xb8;
	[tilespmem:$0x1E440] =	vst v63  }
0x16f: {  	_ =	swait.ge [sflag:s13], $0x800  }
0x170: {  	[sflag:s13] =	ssyncset.done $0x0  }
0x171: {  	[sflag:s13] =	ssyncadd.s32 $0xFFFFF800  }
0x172: {  	_ =	swait.ge [sflag:s1], $0x800  }
0x173: {  	[sflag:s1] =	ssyncset.done $0x0  }
0x174: {  	[sflag:s1] =	ssyncadd.s32 $0xFFFFF800  }
0x175: {  	[spmem:s2] =	stream.indirect.scatter.add.f32 [tilespmem:s23], [sflag:$0x9], $0x10, s9, s15, $0xb8;
	[tilespmem:$0x1E440] =	vst v63  }
0x176: {  	s5 =	simm.s32 $0x200;
	_ =	swait.ge [sflag:s13], $0x800  }
0x177: {  	s11 =	simm.s32 $0x100;
	s10 =	rddreg [dreg:$0x5];
	[sflag:s13] =	ssyncset.done $0x0  }
.LBB2_4:
0x178: {  	[sflag:s13] =	ssyncadd.s32 $0xFFFFF800;
	s10 =	sadd.s32 s11, s10  }
0x179: {  	[tilespmem:s3], [sflag:$0x9] =	stream.linear.gather [hbm4b:s10+s3], $0x800, $0x38;
	[tilespmem:$0x1E440] =	vst v63  }
0x17a: {  	_ =	swait.ge [sflag:s13], $0x800  }
0x17b: {  	s10 =	rddreg [dreg:$0x4];
	[sflag:s13] =	ssyncset.done $0x0  }
0x17c: {  	[sflag:s13] =	ssyncadd.s32 $0xFFFFF800;
	s10 =	sadd.s32 s11, s10  }
0x17d: {  	[tilespmem:s14], [sflag:$0x9] =	stream.linear.gather [hbm4b:s10+s3], $0x800, $0x38;
	[tilespmem:$0x1E440] =	vst v63  }
0x17e: {  	_ =	swait.ge [sflag:s13], $0x800  }
0x17f: {  	[sflag:s13] =	ssyncset.done $0x0  }
0x180: {  	[sflag:s13] =	ssyncadd.s32 $0xFFFFF800  }
0x181: {  	[tilespmem:s16], [sflag:$0x1] =	stream.indirect.gather [hbm4b:s4+s15], $0x10, s3, s15, $0xb8;
	[tilespmem:$0x1E440] =	vst v63  }
0x182: {  	_ = 	snop  }
0x183: {  	[tilespmem:s17], [sflag:$0x2] =	stream.indirect.gather [hbm4b:s4+s15], $0x10, s15, s15, $0xb8;
	[tilespmem:$0x1E440] =	vst v63  }
0x184: {  	s12 =	smov.u32 s5;
	s10 =	rddreg [dreg:$0x6]  }
0x185: {  	[tilespmem:s18], [sflag:$0x3] =	stream.indirect.gather [hbm4b:s4+s15], $0x10, s10, s15, $0xb8;
	[tilespmem:$0x1E440] =	vst v63  }
0x186: {  	s11 =	smov.u32 s12;
	s12 =	rddreg [dreg:$0x7]  }
0x187: {  	[tilespmem:s19], [sflag:$0x4] =	stream.indirect.gather [hbm4b:s4+s15], $0x10, s12, s15, $0xb8;
	[tilespmem:$0x1E440] =	vst v63  }
0x188: {  	s10 =	rddreg [dreg:$0x8]  }
0x189: {  	[tilespmem:s20], [sflag:$0x5] =	stream.indirect.gather [hbm4b:s4+s15], $0x10, s10, s15, $0xb8;
	[tilespmem:$0x1E440] =	vst v63  }
0x18a: {  	s12 =	rddreg [dreg:$0x9]  }
0x18b: {  	[tilespmem:s21], [sflag:$0x6] =	stream.indirect.gather [hbm4b:s4+s15], $0x10, s12, s15, $0xb8;
	[tilespmem:$0x1E440] =	vst v63  }
0x18c: {  	s10 =	rddreg [dreg:$0xa]  }
0x18d: {  	[tilespmem:s22], [sflag:$0x7] =	stream.indirect.gather [hbm4b:s4+s15], $0x10, s10, s15, $0xb8;
	[tilespmem:$0x1E440] =	vst v63  }
0x18e: {  	s12 =	rddreg [dreg:$0xb]  }
0x18f: {  	[tilespmem:s23], [sflag:$0x8] =	stream.indirect.gather [hbm4b:s4+s15], $0x10, s12, s15, $0xb8;
	[tilespmem:$0x1E440] =	vst v63  }
0x190: {  	_ =	swait.ge [sflag:s24], $0x800  }
0x191: {  	[sflag:s24] =	ssyncset.done $0x0  }
0x192: {  	[sflag:s24] =	ssyncadd.s32 $0xFFFFF800  }
0x193: {  	[spmem:s2] =	stream.indirect.scatter.add.f32 [tilespmem:s16], [sflag:$0x9], $0x10, s14, s15, $0xb8;
	[tilespmem:$0x1E440] =	vst v63  }
0x194: {  	_ =	swait.ge [sflag:s13], $0x800  }
0x195: {  	[sflag:s13] =	ssyncset.done $0x0  }
0x196: {  	s12 =	rddreg [dreg:$0xc];
	[sflag:s13] =	ssyncadd.s32 $0xFFFFF800  }
0x197: {  	[tilespmem:s16], [sflag:$0x1] =	stream.indirect.gather [hbm4b:s4+s15], $0x10, s12, s15, $0xb8;
	[tilespmem:$0x1E440] =	vst v63  }
0x198: {  	_ =	swait.ge [sflag:s25], $0x800  }
0x199: {  	[sflag:s25] =	ssyncset.done $0x0  }
0x19a: {  	s12 =	rddreg [dreg:$0xd];
	[sflag:s25] =	ssyncadd.s32 $0xFFFFF800  }
0x19b: {  	[spmem:s2] =	stream.indirect.scatter.add.f32 [tilespmem:s17], [sflag:$0x9], $0x10, s12, s15, $0xb8;
	[tilespmem:$0x1E440] =	vst v63  }
0x19c: {  	_ =	swait.ge [sflag:s13], $0x800  }
0x19d: {  	[sflag:s13] =	ssyncset.done $0x0  }
0x19e: {  	s12 =	rddreg [dreg:$0xe];
	[sflag:s13] =	ssyncadd.s32 $0xFFFFF800  }
0x19f: {  	[tilespmem:s17], [sflag:$0x2] =	stream.indirect.gather [hbm4b:s4+s15], $0x10, s12, s15, $0xb8;
	[tilespmem:$0x1E440] =	vst v63  }
0x1a0: {  	_ =	swait.ge [sflag:s26], $0x800  }
0x1a1: {  	[sflag:s26] =	ssyncset.done $0x0  }
0x1a2: {  	s12 =	rddreg [dreg:$0xf];
	[sflag:s26] =	ssyncadd.s32 $0xFFFFF800  }
0x1a3: {  	[spmem:s2] =	stream.indirect.scatter.add.f32 [tilespmem:s18], [sflag:$0x9], $0x10, s12, s15, $0xb8;
	[tilespmem:$0x1E440] =	vst v63  }
0x1a4: {  	_ =	swait.ge [sflag:s13], $0x800  }
0x1a5: {  	[sflag:s13] =	ssyncset.done $0x0  }
0x1a6: {  	s12 =	rddreg [dreg:$0x10];
	[sflag:s13] =	ssyncadd.s32 $0xFFFFF800  }
0x1a7: {  	[tilespmem:s18], [sflag:$0x3] =	stream.indirect.gather [hbm4b:s4+s15], $0x10, s12, s15, $0xb8;
	[tilespmem:$0x1E440] =	vst v63  }
0x1a8: {  	_ =	swait.ge [sflag:s28], $0x800  }
0x1a9: {  	[sflag:s28] =	ssyncset.done $0x0  }
0x1aa: {  	s12 =	rddreg [dreg:$0x11];
	[sflag:s28] =	ssyncadd.s32 $0xFFFFF800  }
0x1ab: {  	[spmem:s2] =	stream.indirect.scatter.add.f32 [tilespmem:s19], [sflag:$0x9], $0x10, s12, s15, $0xb8;
	[tilespmem:$0x1E440] =	vst v63  }
0x1ac: {  	_ =	swait.ge [sflag:s13], $0x800  }
0x1ad: {  	[sflag:s13] =	ssyncset.done $0x0  }
0x1ae: {  	s12 =	rddreg [dreg:$0x12];
	[sflag:s13] =	ssyncadd.s32 $0xFFFFF800  }
0x1af: {  	[tilespmem:s19], [sflag:$0x4] =	stream.indirect.gather [hbm4b:s4+s15], $0x10, s12, s15, $0xb8;
	[tilespmem:$0x1E440] =	vst v63  }
0x1b0: {  	_ =	swait.ge [sflag:s29], $0x800  }
0x1b1: {  	[sflag:s29] =	ssyncset.done $0x0  }
0x1b2: {  	s12 =	rddreg [dreg:$0x13];
	[sflag:s29] =	ssyncadd.s32 $0xFFFFF800  }
0x1b3: {  	[spmem:s2] =	stream.indirect.scatter.add.f32 [tilespmem:s20], [sflag:$0x9], $0x10, s12, s15, $0xb8;
	[tilespmem:$0x1E440] =	vst v63  }
0x1b4: {  	_ =	swait.ge [sflag:s13], $0x800  }
0x1b5: {  	[sflag:s13] =	ssyncset.done $0x0  }
0x1b6: {  	s12 =	rddreg [dreg:$0x14];
	[sflag:s13] =	ssyncadd.s32 $0xFFFFF800  }
0x1b7: {  	[tilespmem:s20], [sflag:$0x5] =	stream.indirect.gather [hbm4b:s4+s15], $0x10, s12, s15, $0xb8;
	[tilespmem:$0x1E440] =	vst v63  }
0x1b8: {  	_ =	swait.ge [sflag:s30], $0x800  }
0x1b9: {  	[sflag:s30] =	ssyncset.done $0x0  }
0x1ba: {  	s12 =	rddreg [dreg:$0x15];
	[sflag:s30] =	ssyncadd.s32 $0xFFFFF800  }
0x1bb: {  	[spmem:s2] =	stream.indirect.scatter.add.f32 [tilespmem:s21], [sflag:$0x9], $0x10, s12, s15, $0xb8;
	[tilespmem:$0x1E440] =	vst v63  }
0x1bc: {  	_ =	swait.ge [sflag:s13], $0x800  }
0x1bd: {  	[sflag:s13] =	ssyncset.done $0x0  }
0x1be: {  	s12 =	rddreg [dreg:$0x16];
	[sflag:s13] =	ssyncadd.s32 $0xFFFFF800  }
0x1bf: {  	[tilespmem:s21], [sflag:$0x6] =	stream.indirect.gather [hbm4b:s4+s15], $0x10, s12, s15, $0xb8;
	[tilespmem:$0x1E440] =	vst v63  }
0x1c0: {  	_ =	swait.ge [sflag:s31], $0x800  }
0x1c1: {  	[sflag:s31] =	ssyncset.done $0x0  }
0x1c2: {  	s12 =	rddreg [dreg:$0x17];
	[sflag:s31] =	ssyncadd.s32 $0xFFFFF800  }
0x1c3: {  	[spmem:s2] =	stream.indirect.scatter.add.f32 [tilespmem:s22], [sflag:$0x9], $0x10, s12, s15, $0xb8;
	[tilespmem:$0x1E440] =	vst v63  }
0x1c4: {  	_ =	swait.ge [sflag:s13], $0x800  }
0x1c5: {  	[sflag:s13] =	ssyncset.done $0x0  }
0x1c6: {  	s12 =	rddreg [dreg:$0x18];
	[sflag:s13] =	ssyncadd.s32 $0xFFFFF800  }
0x1c7: {  	[tilespmem:s22], [sflag:$0x7] =	stream.indirect.gather [hbm4b:s4+s15], $0x10, s12, s15, $0xb8;
	[tilespmem:$0x1E440] =	vst v63  }
0x1c8: {  	_ =	swait.ge [sflag:s1], $0x800  }
0x1c9: {  	[sflag:s1] =	ssyncset.done $0x0  }
0x1ca: {  	s12 =	rddreg [dreg:$0x19];
	[sflag:s1] =	ssyncadd.s32 $0xFFFFF800  }
0x1cb: {  	[spmem:s2] =	stream.indirect.scatter.add.f32 [tilespmem:s23], [sflag:$0x9], $0x10, s12, s15, $0xb8;
	[tilespmem:$0x1E440] =	vst v63  }
0x1cc: {  	_ =	swait.ge [sflag:s13], $0x800  }
0x1cd: {  	[sflag:s13] =	ssyncset.done $0x0  }
0x1ce: {  	s12 =	rddreg [dreg:$0x1a];
	[sflag:s13] =	ssyncadd.s32 $0xFFFFF800  }
0x1cf: {  	[tilespmem:s23], [sflag:$0x8] =	stream.indirect.gather [hbm4b:s4+s15], $0x10, s12, s15, $0xb8;
	[tilespmem:$0x1E440] =	vst v63  }
0x1d0: {  	_ =	swait.ge [sflag:s24], $0x800  }
0x1d1: {  	[sflag:s24] =	ssyncset.done $0x0  }
0x1d2: {  	s12 =	rddreg [dreg:$0x1b];
	[sflag:s24] =	ssyncadd.s32 $0xFFFFF800  }
0x1d3: {  	[spmem:s2] =	stream.indirect.scatter.add.f32 [tilespmem:s16], [sflag:$0x9], $0x10, s12, s15, $0xb8;
	[tilespmem:$0x1E440] =	vst v63  }
0x1d4: {  	_ =	swait.ge [sflag:s13], $0x800  }
0x1d5: {  	[sflag:s13] =	ssyncset.done $0x0  }
0x1d6: {  	[sflag:s13] =	ssyncadd.s32 $0xFFFFF800  }
0x1d7: {  	_ =	swait.ge [sflag:s25], $0x800  }
0x1d8: {  	[sflag:s25] =	ssyncset.done $0x0  }
0x1d9: {  	s12 =	rddreg [dreg:$0x1c];
	[sflag:s25] =	ssyncadd.s32 $0xFFFFF800  }
0x1da: {  	[spmem:s2] =	stream.indirect.scatter.add.f32 [tilespmem:s17], [sflag:$0x9], $0x10, s12, s15, $0xb8;
	[tilespmem:$0x1E440] =	vst v63  }
0x1db: {  	_ =	swait.ge [sflag:s13], $0x800  }
0x1dc: {  	[sflag:s13] =	ssyncset.done $0x0  }
0x1dd: {  	[sflag:s13] =	ssyncadd.s32 $0xFFFFF800  }
0x1de: {  	_ =	swait.ge [sflag:s26], $0x800  }
0x1df: {  	[sflag:s26] =	ssyncset.done $0x0  }
0x1e0: {  	s12 =	rddreg [dreg:$0x1d];
	[sflag:s26] =	ssyncadd.s32 $0xFFFFF800  }
0x1e1: {  	[spmem:s2] =	stream.indirect.scatter.add.f32 [tilespmem:s18], [sflag:$0x9], $0x10, s12, s15, $0xb8;
	[tilespmem:$0x1E440] =	vst v63  }
0x1e2: {  	_ =	swait.ge [sflag:s13], $0x800  }
0x1e3: {  	[sflag:s13] =	ssyncset.done $0x0  }
0x1e4: {  	[sflag:s13] =	ssyncadd.s32 $0xFFFFF800  }
0x1e5: {  	_ =	swait.ge [sflag:s28], $0x800  }
0x1e6: {  	[sflag:s28] =	ssyncset.done $0x0  }
0x1e7: {  	[sflag:s28] =	ssyncadd.s32 $0xFFFFF800  }
0x1e8: {  	[spmem:s2] =	stream.indirect.scatter.add.f32 [tilespmem:s19], [sflag:$0x9], $0x10, s0, s15, $0xb8;
	[tilespmem:$0x1E440] =	vst v63  }
0x1e9: {  	_ =	swait.ge [sflag:s13], $0x800  }
0x1ea: {  	[sflag:s13] =	ssyncset.done $0x0  }
0x1eb: {  	[sflag:s13] =	ssyncadd.s32 $0xFFFFF800  }
0x1ec: {  	_ =	swait.ge [sflag:s29], $0x800  }
0x1ed: {  	[sflag:s29] =	ssyncset.done $0x0  }
0x1ee: {  	[sflag:s29] =	ssyncadd.s32 $0xFFFFF800  }
0x1ef: {  	[spmem:s2] =	stream.indirect.scatter.add.f32 [tilespmem:s20], [sflag:$0x9], $0x10, s6, s15, $0xb8;
	[tilespmem:$0x1E440] =	vst v63  }
0x1f0: {  	_ =	swait.ge [sflag:s13], $0x800  }
0x1f1: {  	[sflag:s13] =	ssyncset.done $0x0  }
0x1f2: {  	[sflag:s13] =	ssyncadd.s32 $0xFFFFF800  }
0x1f3: {  	_ =	swait.ge [sflag:s30], $0x800  }
0x1f4: {  	[sflag:s30] =	ssyncset.done $0x0  }
0x1f5: {  	[sflag:s30] =	ssyncadd.s32 $0xFFFFF800  }
0x1f6: {  	[spmem:s2] =	stream.indirect.scatter.add.f32 [tilespmem:s21], [sflag:$0x9], $0x10, s7, s15, $0xb8;
	[tilespmem:$0x1E440] =	vst v63  }
0x1f7: {  	_ =	swait.ge [sflag:s13], $0x800  }
0x1f8: {  	[sflag:s13] =	ssyncset.done $0x0  }
0x1f9: {  	[sflag:s13] =	ssyncadd.s32 $0xFFFFF800  }
0x1fa: {  	_ =	swait.ge [sflag:s31], $0x800  }
0x1fb: {  	[sflag:s31] =	ssyncset.done $0x0  }
0x1fc: {  	[sflag:s31] =	ssyncadd.s32 $0xFFFFF800  }
0x1fd: {  	[spmem:s2] =	stream.indirect.scatter.add.f32 [tilespmem:s22], [sflag:$0x9], $0x10, s8, s15, $0xb8;
	[tilespmem:$0x1E440] =	vst v63  }
0x1fe: {  	_ =	swait.ge [sflag:s13], $0x800  }
0x1ff: {  	[sflag:s13] =	ssyncset.done $0x0  }
0x200: {  	[sflag:s13] =	ssyncadd.s32 $0xFFFFF800  }
0x201: {  	p0 =	sne.s32 s5, $0x3000;
	_ =	swait.ge [sflag:s1], $0x800  }
.Ltmp1:
0x202: {  	[sflag:s1] =	ssyncset.done $0x0;
	(pc) =	sbr.rel @p0 .LBB2_4-.Ltmp1, $4  }
0x203: {  	[sflag:s1] =	ssyncadd.s32 $0xFFFFF800  }
0x204: {  	[spmem:s2] =	stream.indirect.scatter.add.f32 [tilespmem:s23], [sflag:$0x9], $0x10, s9, s15, $0xb8;
	[tilespmem:$0x1E440] =	vst v63  }
0x205: {  	_ =	swait.ge [sflag:s13], $0x800  }
0x206: {  	s5 =	sadd.s32 $0x100, s5;
	s10 =	rddreg [dreg:$0x5];
	[sflag:s13] =	ssyncset.done $0x0  }
0x207: {  	[sflag:s13] =	ssyncadd.s32 $0xFFFFF800;
	s5 =	sadd.s32 s11, s10  }
0x208: {  	[tilespmem:s3], [sflag:$0x9] =	stream.linear.gather [hbm4b:s5+s3], $0x800, $0x38;
	[tilespmem:$0x1E440] =	vst v63  }
0x209: {  	_ =	swait.ge [sflag:s13], $0x800  }
0x20a: {  	s12 =	rddreg [dreg:$0x4];
	[sflag:s13] =	ssyncset.done $0x0  }
0x20b: {  	[sflag:s13] =	ssyncadd.s32 $0xFFFFF800;
	s5 =	sadd.s32 s11, s12  }
0x20c: {  	[tilespmem:s14], [sflag:$0x9] =	stream.linear.gather [hbm4b:s5+s3], $0x800, $0x38;
	[tilespmem:$0x1E440] =	vst v63  }
0x20d: {  	_ =	swait.ge [sflag:s13], $0x800  }
0x20e: {  	[sflag:s13] =	ssyncset.done $0x0  }
0x20f: {  	[sflag:s13] =	ssyncadd.s32 $0xFFFFF800  }
0x210: {  	[tilespmem:s16], [sflag:$0x1] =	stream.indirect.gather [hbm4b:s4+s15], $0x10, s3, s15, $0xb8;
	[tilespmem:$0x1E440] =	vst v63  }
0x211: {  	_ = 	snop  }
0x212: {  	[tilespmem:s17], [sflag:$0x2] =	stream.indirect.gather [hbm4b:s4+s15], $0x10, s15, s15, $0xb8;
	[tilespmem:$0x1E440] =	vst v63  }
0x213: {  	s10 =	rddreg [dreg:$0x6]  }
0x214: {  	[tilespmem:s18], [sflag:$0x3] =	stream.indirect.gather [hbm4b:s4+s15], $0x10, s10, s15, $0xb8;
	[tilespmem:$0x1E440] =	vst v63  }
0x215: {  	s11 =	rddreg [dreg:$0x7]  }
0x216: {  	[tilespmem:s19], [sflag:$0x4] =	stream.indirect.gather [hbm4b:s4+s15], $0x10, s11, s15, $0xb8;
	[tilespmem:$0x1E440] =	vst v63  }
0x217: {  	s12 =	rddreg [dreg:$0x8]  }
0x218: {  	[tilespmem:s20], [sflag:$0x5] =	stream.indirect.gather [hbm4b:s4+s15], $0x10, s12, s15, $0xb8;
	[tilespmem:$0x1E440] =	vst v63  }
0x219: {  	s11 =	rddreg [dreg:$0x9]  }
0x21a: {  	[tilespmem:s21], [sflag:$0x6] =	stream.indirect.gather [hbm4b:s4+s15], $0x10, s11, s15, $0xb8;
	[tilespmem:$0x1E440] =	vst v63  }
0x21b: {  	s12 =	rddreg [dreg:$0xa]  }
0x21c: {  	[tilespmem:s22], [sflag:$0x7] =	stream.indirect.gather [hbm4b:s4+s15], $0x10, s12, s15, $0xb8;
	[tilespmem:$0x1E440] =	vst v63  }
0x21d: {  	s11 =	rddreg [dreg:$0xb]  }
0x21e: {  	[tilespmem:s23], [sflag:$0x8] =	stream.indirect.gather [hbm4b:s4+s15], $0x10, s11, s15, $0xb8;
	[tilespmem:$0x1E440] =	vst v63  }
0x21f: {  	_ =	swait.ge [sflag:s24], $0x800  }
0x220: {  	[sflag:s24] =	ssyncset.done $0x0  }
0x221: {  	[sflag:s24] =	ssyncadd.s32 $0xFFFFF800  }
0x222: {  	[spmem:s2] =	stream.indirect.scatter.add.f32 [tilespmem:s16], [sflag:$0x9], $0x10, s14, s15, $0xb8;
	[tilespmem:$0x1E440] =	vst v63  }
0x223: {  	_ =	swait.ge [sflag:s13], $0x800  }
0x224: {  	[sflag:s13] =	ssyncset.done $0x0  }
0x225: {  	s12 =	rddreg [dreg:$0xc];
	[sflag:s13] =	ssyncadd.s32 $0xFFFFF800  }
0x226: {  	[tilespmem:s16], [sflag:$0x1] =	stream.indirect.gather [hbm4b:s4+s15], $0x10, s12, s15, $0xb8;
	[tilespmem:$0x1E440] =	vst v63  }
0x227: {  	_ =	swait.ge [sflag:s25], $0x800  }
0x228: {  	[sflag:s25] =	ssyncset.done $0x0  }
0x229: {  	s10 =	rddreg [dreg:$0xd];
	[sflag:s25] =	ssyncadd.s32 $0xFFFFF800  }
0x22a: {  	[spmem:s2] =	stream.indirect.scatter.add.f32 [tilespmem:s17], [sflag:$0x9], $0x10, s10, s15, $0xb8;
	[tilespmem:$0x1E440] =	vst v63  }
0x22b: {  	_ =	swait.ge [sflag:s13], $0x800  }
0x22c: {  	[sflag:s13] =	ssyncset.done $0x0  }
0x22d: {  	s11 =	rddreg [dreg:$0xe];
	[sflag:s13] =	ssyncadd.s32 $0xFFFFF800  }
0x22e: {  	[tilespmem:s17], [sflag:$0x2] =	stream.indirect.gather [hbm4b:s4+s15], $0x10, s11, s15, $0xb8;
	[tilespmem:$0x1E440] =	vst v63  }
0x22f: {  	_ =	swait.ge [sflag:s26], $0x800  }
0x230: {  	[sflag:s26] =	ssyncset.done $0x0  }
0x231: {  	s12 =	rddreg [dreg:$0xf];
	[sflag:s26] =	ssyncadd.s32 $0xFFFFF800  }
0x232: {  	[spmem:s2] =	stream.indirect.scatter.add.f32 [tilespmem:s18], [sflag:$0x9], $0x10, s12, s15, $0xb8;
	[tilespmem:$0x1E440] =	vst v63  }
0x233: {  	_ =	swait.ge [sflag:s13], $0x800  }
0x234: {  	[sflag:s13] =	ssyncset.done $0x0  }
0x235: {  	s10 =	rddreg [dreg:$0x10];
	[sflag:s13] =	ssyncadd.s32 $0xFFFFF800  }
0x236: {  	[tilespmem:s18], [sflag:$0x3] =	stream.indirect.gather [hbm4b:s4+s15], $0x10, s10, s15, $0xb8;
	[tilespmem:$0x1E440] =	vst v63  }
0x237: {  	_ =	swait.ge [sflag:s28], $0x800  }
0x238: {  	[sflag:s28] =	ssyncset.done $0x0  }
0x239: {  	s11 =	rddreg [dreg:$0x11];
	[sflag:s28] =	ssyncadd.s32 $0xFFFFF800  }
0x23a: {  	[spmem:s2] =	stream.indirect.scatter.add.f32 [tilespmem:s19], [sflag:$0x9], $0x10, s11, s15, $0xb8;
	[tilespmem:$0x1E440] =	vst v63  }
0x23b: {  	_ =	swait.ge [sflag:s13], $0x800  }
0x23c: {  	[sflag:s13] =	ssyncset.done $0x0  }
0x23d: {  	s12 =	rddreg [dreg:$0x12];
	[sflag:s13] =	ssyncadd.s32 $0xFFFFF800  }
0x23e: {  	[tilespmem:s19], [sflag:$0x4] =	stream.indirect.gather [hbm4b:s4+s15], $0x10, s12, s15, $0xb8;
	[tilespmem:$0x1E440] =	vst v63  }
0x23f: {  	_ =	swait.ge [sflag:s29], $0x800  }
0x240: {  	[sflag:s29] =	ssyncset.done $0x0  }
0x241: {  	s10 =	rddreg [dreg:$0x13];
	[sflag:s29] =	ssyncadd.s32 $0xFFFFF800  }
0x242: {  	[spmem:s2] =	stream.indirect.scatter.add.f32 [tilespmem:s20], [sflag:$0x9], $0x10, s10, s15, $0xb8;
	[tilespmem:$0x1E440] =	vst v63  }
0x243: {  	_ =	swait.ge [sflag:s13], $0x800  }
0x244: {  	[sflag:s13] =	ssyncset.done $0x0  }
0x245: {  	s11 =	rddreg [dreg:$0x14];
	[sflag:s13] =	ssyncadd.s32 $0xFFFFF800  }
0x246: {  	[tilespmem:s20], [sflag:$0x5] =	stream.indirect.gather [hbm4b:s4+s15], $0x10, s11, s15, $0xb8;
	[tilespmem:$0x1E440] =	vst v63  }
0x247: {  	_ =	swait.ge [sflag:s30], $0x800  }
0x248: {  	[sflag:s30] =	ssyncset.done $0x0  }
0x249: {  	s12 =	rddreg [dreg:$0x15];
	[sflag:s30] =	ssyncadd.s32 $0xFFFFF800  }
0x24a: {  	[spmem:s2] =	stream.indirect.scatter.add.f32 [tilespmem:s21], [sflag:$0x9], $0x10, s12, s15, $0xb8;
	[tilespmem:$0x1E440] =	vst v63  }
0x24b: {  	_ =	swait.ge [sflag:s13], $0x800  }
0x24c: {  	[sflag:s13] =	ssyncset.done $0x0  }
0x24d: {  	s10 =	rddreg [dreg:$0x16];
	[sflag:s13] =	ssyncadd.s32 $0xFFFFF800  }
0x24e: {  	[tilespmem:s21], [sflag:$0x6] =	stream.indirect.gather [hbm4b:s4+s15], $0x10, s10, s15, $0xb8;
	[tilespmem:$0x1E440] =	vst v63  }
0x24f: {  	_ =	swait.ge [sflag:s31], $0x800  }
0x250: {  	[sflag:s31] =	ssyncset.done $0x0  }
0x251: {  	s11 =	rddreg [dreg:$0x17];
	[sflag:s31] =	ssyncadd.s32 $0xFFFFF800  }
0x252: {  	[spmem:s2] =	stream.indirect.scatter.add.f32 [tilespmem:s22], [sflag:$0x9], $0x10, s11, s15, $0xb8;
	[tilespmem:$0x1E440] =	vst v63  }
0x253: {  	_ =	swait.ge [sflag:s13], $0x800  }
0x254: {  	[sflag:s13] =	ssyncset.done $0x0  }
0x255: {  	s12 =	rddreg [dreg:$0x18];
	[sflag:s13] =	ssyncadd.s32 $0xFFFFF800  }
0x256: {  	[tilespmem:s22], [sflag:$0x7] =	stream.indirect.gather [hbm4b:s4+s15], $0x10, s12, s15, $0xb8;
	[tilespmem:$0x1E440] =	vst v63  }
0x257: {  	_ =	swait.ge [sflag:s1], $0x800  }
0x258: {  	[sflag:s1] =	ssyncset.done $0x0  }
0x259: {  	s10 =	rddreg [dreg:$0x19];
	[sflag:s1] =	ssyncadd.s32 $0xFFFFF800  }
0x25a: {  	[spmem:s2] =	stream.indirect.scatter.add.f32 [tilespmem:s23], [sflag:$0x9], $0x10, s10, s15, $0xb8;
	[tilespmem:$0x1E440] =	vst v63  }
0x25b: {  	_ =	swait.ge [sflag:s13], $0x800  }
0x25c: {  	[sflag:s13] =	ssyncset.done $0x0  }
0x25d: {  	s11 =	rddreg [dreg:$0x1a];
	[sflag:s13] =	ssyncadd.s32 $0xFFFFF800  }
0x25e: {  	[tilespmem:s23], [sflag:$0x8] =	stream.indirect.gather [hbm4b:s4+s15], $0x10, s11, s15, $0xb8;
	[tilespmem:$0x1E440] =	vst v63  }
0x25f: {  	_ =	swait.ge [sflag:s24], $0x800  }
0x260: {  	[sflag:s24] =	ssyncset.done $0x0  }
0x261: {  	s12 =	rddreg [dreg:$0x1b];
	[sflag:s24] =	ssyncadd.s32 $0xFFFFF800  }
0x262: {  	[spmem:s2] =	stream.indirect.scatter.add.f32 [tilespmem:s16], [sflag:$0x9], $0x10, s12, s15, $0xb8;
	[tilespmem:$0x1E440] =	vst v63  }
0x263: {  	_ =	swait.ge [sflag:s13], $0x800  }
0x264: {  	[sflag:s13] =	ssyncset.done $0x0  }
0x265: {  	[sflag:s13] =	ssyncadd.s32 $0xFFFFF800  }
0x266: {  	_ =	swait.ge [sflag:s25], $0x800  }
0x267: {  	[sflag:s25] =	ssyncset.done $0x0  }
0x268: {  	s10 =	rddreg [dreg:$0x1c];
	[sflag:s25] =	ssyncadd.s32 $0xFFFFF800  }
0x269: {  	[spmem:s2] =	stream.indirect.scatter.add.f32 [tilespmem:s17], [sflag:$0x9], $0x10, s10, s15, $0xb8;
	[tilespmem:$0x1E440] =	vst v63  }
0x26a: {  	_ =	swait.ge [sflag:s13], $0x800  }
0x26b: {  	[sflag:s13] =	ssyncset.done $0x0  }
0x26c: {  	[sflag:s13] =	ssyncadd.s32 $0xFFFFF800  }
0x26d: {  	_ =	swait.ge [sflag:s26], $0x800  }
0x26e: {  	[sflag:s26] =	ssyncset.done $0x0  }
0x26f: {  	s11 =	rddreg [dreg:$0x1d];
	[sflag:s26] =	ssyncadd.s32 $0xFFFFF800  }
0x270: {  	[spmem:s2] =	stream.indirect.scatter.add.f32 [tilespmem:s18], [sflag:$0x9], $0x10, s11, s15, $0xb8;
	[tilespmem:$0x1E440] =	vst v63  }
0x271: {  	_ =	swait.ge [sflag:s13], $0x800  }
0x272: {  	[sflag:s13] =	ssyncset.done $0x0  }
0x273: {  	[sflag:s13] =	ssyncadd.s32 $0xFFFFF800  }
0x274: {  	_ =	swait.ge [sflag:s28], $0x800  }
0x275: {  	[sflag:s28] =	ssyncset.done $0x0  }
0x276: {  	[sflag:s28] =	ssyncadd.s32 $0xFFFFF800  }
0x277: {  	[spmem:s2] =	stream.indirect.scatter.add.f32 [tilespmem:s19], [sflag:$0x9], $0x10, s0, s15, $0xb8;
	[tilespmem:$0x1E440] =	vst v63  }
0x278: {  	_ =	swait.ge [sflag:s13], $0x800  }
0x279: {  	[sflag:s13] =	ssyncset.done $0x0  }
0x27a: {  	[sflag:s13] =	ssyncadd.s32 $0xFFFFF800  }
0x27b: {  	_ =	swait.ge [sflag:s29], $0x800  }
0x27c: {  	[sflag:s29] =	ssyncset.done $0x0  }
0x27d: {  	[sflag:s29] =	ssyncadd.s32 $0xFFFFF800  }
0x27e: {  	[spmem:s2] =	stream.indirect.scatter.add.f32 [tilespmem:s20], [sflag:$0x9], $0x10, s6, s15, $0xb8;
	[tilespmem:$0x1E440] =	vst v63  }
0x27f: {  	_ =	swait.ge [sflag:s13], $0x800  }
0x280: {  	[sflag:s13] =	ssyncset.done $0x0  }
0x281: {  	[sflag:s13] =	ssyncadd.s32 $0xFFFFF800  }
0x282: {  	_ =	swait.ge [sflag:s30], $0x800  }
0x283: {  	[sflag:s30] =	ssyncset.done $0x0  }
0x284: {  	[sflag:s30] =	ssyncadd.s32 $0xFFFFF800  }
0x285: {  	[spmem:s2] =	stream.indirect.scatter.add.f32 [tilespmem:s21], [sflag:$0x9], $0x10, s7, s15, $0xb8;
	[tilespmem:$0x1E440] =	vst v63  }
0x286: {  	_ =	swait.ge [sflag:s13], $0x800  }
0x287: {  	[sflag:s13] =	ssyncset.done $0x0  }
0x288: {  	[sflag:s13] =	ssyncadd.s32 $0xFFFFF800  }
0x289: {  	_ =	swait.ge [sflag:s31], $0x800  }
0x28a: {  	[sflag:s31] =	ssyncset.done $0x0  }
0x28b: {  	[sflag:s31] =	ssyncadd.s32 $0xFFFFF800  }
0x28c: {  	[spmem:s2] =	stream.indirect.scatter.add.f32 [tilespmem:s22], [sflag:$0x9], $0x10, s8, s15, $0xb8;
	[tilespmem:$0x1E440] =	vst v63  }
0x28d: {  	_ =	swait.ge [sflag:s13], $0x800  }
0x28e: {  	[sflag:s13] =	ssyncset.done $0x0  }
0x28f: {  	[sflag:s13] =	ssyncadd.s32 $0xFFFFF800  }
0x290: {  	_ =	swait.ge [sflag:s1], $0x800  }
0x291: {  	[sflag:s1] =	ssyncset.done $0x0  }
0x292: {  	[sflag:s1] =	ssyncadd.s32 $0xFFFFF800  }
0x293: {  	[spmem:s2] =	stream.indirect.scatter.add.f32 [tilespmem:s23], [sflag:$0x9], $0x10, s9, s15, $0xb8;
	[tilespmem:$0x1E440] =	vst v63  }
0x294: {  	_ =	swait.ge [sflag:s13], $0x800  }
0x295: {  	[sflag:s13] =	ssyncset.done $0x0  }
0x296: {  	[sflag:s13] =	ssyncadd.s32 $0xFFFFF800  }
0x297: {  	s12 =	stileid.u32;
	[bflag:$0x0] =	sbarrier.arrive $0xFFFF  }
0x298: {  	s5 =	sshll.u32 s12, $0x6;
	s12 =	sld [smem:$0x7FC]  }
0x299: {  	s11 =	rddreg [dreg:$0x1e]  }
0x29a: {  	s5 =	sor.u32 $0x1C09, s5;
	s10 =	sshrl.u32 s11, $0x3  }
0x29b: {  	[hbm:s12], [sflag:s5] =	dma.local [spmem:s10], $0x3100  }
0x29c: {  	_ =	swait.ge [sflag:s13], $0x3100  }
0x29d: {  	s5 =	sld [smem:$0x7DD]  }
0x29e: {  	s12 =	sld [smem:$0x7FD];
	_ =	sdelay $0x1  }
0x29f: {  	s10 =	sadd.s32 $0x1, s5  }
0x2a0: {  	p0 =	sne.s32 s10, s12  }
.Ltmp2:
0x2a1: {  	_ = 	snop;
	(pc) =	sbr.rel @p0 .LBB2_1-.Ltmp2, $3  }
0x2a2: {  	_ =	sdelay $0x1  }
0x2a3: {  	[sflag:s13] =	ssyncset.done $0x0  }
0x2a4: {  	[sflag:s13] =	ssyncadd.s32 $0xFFFFCF00  }
0x2a5: {  	_ =	sfence.sel $0x180000  }
0x2a6: {  	[bflag:$0x0] =	sbarrier.arrive $0xFFFF  }
0x2a7: {  	_ =	strace $0x9000004D  }
0x2a8: {  	s0 =	stileid.u32;
	[bflag:$0x2] =	sbarrier.arrive $0xFFFF  }
0x2a9: {  	p0 =	sne.s32 s0, $0x0;
	s0 =	rddreg [dreg:$0x3]  }
0x2aa: {  	s0 =	sadd.s32 @!p0 $0x100000, s0  }
0x2ab: {  	[sflag:s0] =	ssyncadd.tile.s32 @!p0 $0x1;
	_ =	shalt  }
.Lfunc_end2:
_tile_overlayer_lowered:
.L_overlay_start_2:
0x2ac: {  	(tag) =	ssettag $0x2  }
0x2ad: {  	s0 =	rddreg [dreg:$0x0];
	s2 =	stileid.u32  }
0x2ae: {  	s1 =	rddreg [dreg:$0x1];
	p0 =	sne.s32 s2, $0x0  }
0x2af: {  	s3 =	rddreg [dreg:$0x2];
	[bflag:$0x3] =	sbarrier.arrive $0xFFFF;
	s2 =	simm.s32 @!p0 $0x1C09  }
0x2b0: {  	[timem:s3], [sflag:s2] =	dma.local @!p0 [hbm:s0], s1  }
0x2b1: {  	s0 =	simm.s32 @!p0 $0x9  }
0x2b2: {  	_ =	swait.ge @!p0 [sflag:s0], s1  }
0x2b3: {  	s1 =	ssub.s32 @!p0 $0x0, s1;
	[sflag:s0] =	ssyncset.done @!p0 $0x0  }
0x2b4: {  	[sflag:s0] =	ssyncadd.s32 @!p0 s1  }
0x2b5: {  	[bflag:$0x3] =	sbarrier.arrive $0xFFFF  }
0x2b6: {  	_ =	shalt  }

// kernel: kernel.8.cloned.1.call-start
scs
__scs_entry_jumppad:
0x0: {  	(pc) =	sbr.rel $0x88, $3  }
0x1: {  	(tag) =	ssettag $0x0;
	lr =	simm.s32 $0x1  }
0x2: {  	[smem:$0x3F9B] =	sst lr;
	_ =	strace $0xD0000000  }
0x3: {  	_ = 	snop  }
0x4: {  	_ = 	snop  }
0x5: {  	_ = 	snop  }
0x6: {  	_ = 	snop  }
0x7: {  	_ = 	snop  }
__scs_overlays_trampoline_lowered:
0x8: {  	[smem:$0x3FAA] =	sst s0  }
0x9: {  	[smem:$0x3FAB] =	sst s1  }
0xa: {  	[smem:$0x3FAC] =	sst s2  }
0xb: {  	[smem:$0x3FAD] =	sst s3  }
0xc: {  	[smem:$0x3FAE] =	sst s4  }
0xd: {  	[smem:$0x3FAF] =	sst s5  }
0xe: {  	[smem:$0x3FB0] =	sst s6  }
0xf: {  	[smem:$0x3FB1] =	sst s7  }
0x10: {  	[smem:$0x3FB2] =	sst s8  }
0x11: {  	[smem:$0x3FB3] =	sst s9;
	s0 =	simm.s32 @!p0 $0x0  }
0x12: {  	s1 =	sld [smem:$0x3F99];
	s0 =	simm.s32 @p0 $0x1  }
0x13: {  	[smem:$0x3FB4] =	sst s0;
	s0 =	simm.s32 @!p1 $0x0  }
0x14: {  	s2 =	sld [smem:$0x3F98];
	s0 =	simm.s32 @p1 $0x1  }
0x15: {  	[smem:$0x3FB5] =	sst s0;
	s0 =	simm.s32 @!p2 $0x0  }
0x16: {  	s3 =	sld [smem:$0x3FDB];
	s0 =	simm.s32 @p2 $0x1  }
0x17: {  	s4 =	simm.s32 $0x1BF5;
	[smem:$0x3FB7] =	sst s0  }
0x18: {  	s0 =	sld [smem:$0x3F9A];
	_ =	swait.ge [sflag:s4], $0x0  }
0x19: {  	s7 =	sld [smem:$0x3F9B]  }
0x1a: {  	s8 =	sadd.s32 $0xFFFFE003, lr  }
0x1b: {  	s9 =	sadd.s32 $0xFFFFFEF7, lr;
	s5 =	simm.s32 $0xFFFFFFFF;
	p2 =	slt.u32 s8, $0xFFFFF086  }
0x1c: {  	p1 =	slt.u32 s9, $0xF7A;
	s5 =	simm.s32 @!p2 $0x0  }
0x1d: {  	s5 =	simm.s32 @p1 $0x1;
	p0 =	seq.s32 s7, s2  }
0x1e: {  	s7 =	smul.u32 @!p0 $0xF7A, s2;
	p2 =	seq.s32 @!p0 s5, $0x0  }
0x1f: {  	s9 =	smul.u32 $0xF7A, s1;
	s8 =	simm.s32 @!p0 $0x1BF5;
	p2 =	por !p2, p0  }
0x20: {  	[sflag:s8] =	ssyncset.s32 @!p0 $0xFFFFF086;
	s6 =	sadd.s32 @!p0 s3, s7;
	s7 =	simm.s32 @!p0 $0x108  }
0x21: {  	s3 =	sadd.s32 s3, s9;
	s6 =	sadd.s32 @!p0 $0x88, s6;
	s7 =	simm.s32 @p2 $0x1082  }
0x22: {  	[simem:s7], [sflag:s8] =	dma.local @!p0 [hbm:s6], $0xF7A  }
0x23: {  	s9 =	sor.u32 $0xD0000000, s2;
	s6 =	simm.s32 $0x108;
	_ =	swait.ge @!p0 [sflag:s8], $0x0  }
0x24: {  	s3 =	sadd.s32 $0x88, s3;
	s6 =	simm.s32 @!p1 $0x1082;
	[sflag:s4] =	ssyncset.s32 $0xFFFFF086  }
0x25: {  	[simem:s6], [sflag:s4] =	dma.local [hbm:s3], $0xF7A  }
0x26: {  	[smem:$0x3F9B] =	sst s1;
	(tag) =	ssettag s2;
	_ =	strace s9  }
0x27: {  	s1 =	sld [smem:$0x3FAB]  }
0x28: {  	s2 =	sld [smem:$0x3FAC]  }
0x29: {  	s4 =	sld [smem:$0x3FAE]  }
0x2a: {  	p0 =	seq.s32 s5, $0x0;
	s5 =	sld [smem:$0x3FAF]  }
0x2b: {  	s6 =	sld [smem:$0x3FB0]  }
0x2c: {  	s7 =	sld [smem:$0x3FB1]  }
0x2d: {  	s3 =	simm.s32 $0x108;
	s8 =	sld [smem:$0x3FB2]  }
0x2e: {  	s3 =	simm.s32 @!p0 $0x1082;
	s9 =	sld [smem:$0x3FB3]  }
0x2f: {  	lr =	sadd.s32 s0, s3;
	s0 =	sld [smem:$0x3FAA]  }
0x30: {  	s3 =	sld [smem:$0x3FAD]  }
0x31: {  	[smem:$0x3FB6] =	sst s10  }
0x32: {  	s10 =	sld [smem:$0x3FB4];
	_ =	sdelay $0x3  }
0x33: {  	p0 =	seq.s32 s10, $0x1;
	s10 =	sld [smem:$0x3FB6];
	_ =	sdelay $0x3  }
0x34: {  	[smem:$0x3FB6] =	sst s10  }
0x35: {  	s10 =	sld [smem:$0x3FB5];
	_ =	sdelay $0x3  }
0x36: {  	p1 =	seq.s32 s10, $0x1;
	s10 =	sld [smem:$0x3FB6];
	_ =	sdelay $0x3  }
0x37: {  	[smem:$0x3FB6] =	sst s10  }
0x38: {  	s10 =	sld [smem:$0x3FB7]  }
0x39: {  	_ = 	snop;
	(pc) =	sbr.ind lr, $3  }
0x3a: {  	_ = 	snop  }
0x3b: {  	_ = 	snop  }
0x3c: {  	p2 =	seq.s32 s10, $0x1;
	s10 =	sld [smem:$0x3FB6]  }
0x3d: {  	_ =	shalt  }
0x3e: {  	_ =	shalt  }
0x3f: {  	_ =	shalt  }
0x40: {  	_ =	shalt  }
0x41: {  	_ =	shalt  }
0x42: {  	_ =	shalt  }
0x43: {  	_ =	shalt  }
0x44: {  	_ =	shalt  }
0x45: {  	_ =	shalt  }
0x46: {  	_ =	shalt  }
0x47: {  	_ =	shalt  }
0x48: {  	_ =	shalt  }
0x49: {  	_ =	shalt  }
0x4a: {  	_ =	shalt  }
0x4b: {  	_ =	shalt  }
0x4c: {  	_ =	shalt  }
0x4d: {  	_ =	shalt  }
0x4e: {  	_ =	shalt  }
0x4f: {  	_ =	shalt  }
0x50: {  	_ =	shalt  }
0x51: {  	_ =	shalt  }
0x52: {  	_ =	shalt  }
0x53: {  	_ =	shalt  }
0x54: {  	_ =	shalt  }
0x55: {  	_ =	shalt  }
0x56: {  	_ =	shalt  }
0x57: {  	_ =	shalt  }
0x58: {  	_ =	shalt  }
0x59: {  	_ =	shalt  }
0x5a: {  	_ =	shalt  }
0x5b: {  	_ =	shalt  }
0x5c: {  	_ =	shalt  }
0x5d: {  	_ =	shalt  }
0x5e: {  	_ =	shalt  }
0x5f: {  	_ =	shalt  }
0x60: {  	_ =	shalt  }
0x61: {  	_ =	shalt  }
0x62: {  	_ =	shalt  }
0x63: {  	_ =	shalt  }
0x64: {  	_ =	shalt  }
0x65: {  	_ =	shalt  }
0x66: {  	_ =	shalt  }
0x67: {  	_ =	shalt  }
0x68: {  	_ =	shalt  }
0x69: {  	_ =	shalt  }
0x6a: {  	_ =	shalt  }
0x6b: {  	_ =	shalt  }
0x6c: {  	_ =	shalt  }
0x6d: {  	_ =	shalt  }
0x6e: {  	_ =	shalt  }
0x6f: {  	_ =	shalt  }
0x70: {  	_ =	shalt  }
0x71: {  	_ =	shalt  }
0x72: {  	_ =	shalt  }
0x73: {  	_ =	shalt  }
0x74: {  	_ =	shalt  }
0x75: {  	_ =	shalt  }
0x76: {  	_ =	shalt  }
0x77: {  	_ =	shalt  }
0x78: {  	_ =	shalt  }
0x79: {  	_ =	shalt  }
0x7a: {  	_ =	shalt  }
0x7b: {  	_ =	shalt  }
0x7c: {  	_ =	shalt  }
0x7d: {  	_ =	shalt  }
0x7e: {  	_ =	shalt  }
0x7f: {  	_ =	shalt  }
0x80: {  	_ =	shalt  }
0x81: {  	_ =	shalt  }
0x82: {  	_ =	shalt  }
0x83: {  	_ =	shalt  }
0x84: {  	_ =	shalt  }
0x85: {  	_ =	shalt  }
0x86: {  	_ =	shalt  }
0x87: {  	_ =	shalt  }
.Lfunc_end0:
.L_simem_size_0:
called_computation_lowered:
.L_overlay_start_0:
0x88: {  	s2 =	sld [smem:$0x3FD9]  }
0x89: {  	s3 =	sld [smem:$0x3FFE];
	_ =	sdelay $0x1  }
0x8a: {  	s1 =	srdreg.scid  }
0x8b: {  	s0 =	sand.u32 $0x1, s1  }
0x8c: {  	s16 =	sshll.u32 s0, $0xA;
	s2 =	sadd.s32 s3, s2  }
0x8d: {  	s2 =	sadd.s32 s2, s16  }
0x8e: {  	[smem:$0x3FC2] =	sst s2  }
0x8f: {  	_ = 	snop  }
0x90: {  	(tm) =	ssettm $0x1  }
0x91: {  	s17 =	sld [smem:$0x3FFB];
	_ =	sdelay $0x3  }
0x92: {  	_ =	strace s17  }
0x93: {  	s2 =	sld [smem:$0x3FFC];
	_ =	sdelay $0x3  }
0x94: {  	_ =	strace s2  }
0x95: {  	s2 =	sld [smem:$0x3FFD];
	_ =	sdelay $0x3  }
0x96: {  	_ =	strace s2  }
0x97: {  	_ =	strace $0x8FFFFFFF  }
0x98: {  	s18 =	sld [smem:$0x3FDB];
	_ =	sdelay $0x1  }
0x99: {  	s19 =	simm.s32 $_scs_section_size  }
0x9a: {  	s4 =	simm.s32 $_size__tile_overlayer_lowered;
	s5 =	simm.s32 $_tile_overlayer_lowered  }
0x9b: {  	s22 =	simm.s32 $0x1BFF;
	s21 =	sshll.u32 s5, $0x1;
	s2 =	sadd.s32 s19, s18  }
0x9c: {  	s6 =	simm.s32 $0x0;
	s20 =	sshll.u32 s4, $0x1;
	s4 =	sadd.s32 s21, s2  }
0x9d: {  	[timem:s6], [sflag:s22] =	dma.local [hbm:s4], s20  }
0x9e: {  	_ =	swait.ge [sflag:s22], s20  }
0x9f: {  	s3 =	ssub.s32 $0x0, s20;
	[sflag:s22] =	ssyncset.done $0x0  }
0xa0: {  	[sflag:s22] =	ssyncadd.s32 s3;
	_ =	sdelay $0x1  }
0xa1: {  	s23 =	simm.s32 $0x1B8B  }
0xa2: {  	_ =	swait.ge [sflag:s23], $0x1  }
0xa3: {  	[sflag:s23] =	ssyncset.done $0x0  }
0xa4: {  	s25 =	simm.s32 $0x1B8E;
	s24 =	sld [smem:$0x3FFE];
	[sflag:s23] =	ssyncadd.s32 $0xFFFFFFFF  }
0xa5: {  	s26 =	simm.s32 $execute0_lowered;
	[smem:$0x3FD2] =	sst s25  }
0xa6: {  	s4 =	sshll.u32 s26, $0x1;
	_ =	strace $0x80000046;
	[dreg:$0x1] =	wrdreg $0xFFFFFFFF  }
0xa7: {  	s28 =	simm.s32 $_size_execute0_lowered;
	s2 =	sadd.s32 s2, s4;
	[dreg:$0x0] =	wrdreg $0x0  }
0xa8: {  	s4 =	sshll.u32 s28, $0x1;
	[dreg:$0x2] =	wrdreg s2  }
0xa9: {  	[dreg:$0x3] =	wrdreg s4  }
0xaa: {  	[dreg:$0x4] =	wrdreg $0xC0  }
0xab: {  	_ =	task [dreg:s6], $0x5FFFF  }
0xac: {  	[dreg:$0x1] =	wrdreg $0xFFFFFFFF  }
0xad: {  	[dreg:$0x0] =	wrdreg $0x60  }
0xae: {  	[dreg:$0x2] =	wrdreg s24  }
0xaf: {  	[dreg:$0x3] =	wrdreg $0x21000  }
0xb0: {  	[dreg:$0x4] =	wrdreg $0x9  }
0xb1: {  	_ =	task.clear_ibuf [dreg:s6], $0x5FFFF;
	_ =	strace $0x90000046  }
0xb2: {  	s29 =	simm.s32 $0x9;
	_ =	strace $0x80000048  }
0xb3: {  	_ =	swait.ge [sflag:s29], $0x1  }
0xb4: {  	[sflag:s29] =	ssyncadd.s32 $0xFFFFFFFF  }
0xb5: {  	_ =	strace $0x90000048  }
0xb6: {  	_ =	sfence  }
0xb7: {  	s30 =	sld [smem:$0x0];
	_ =	sdelay $0x2  }
0xb8: {  	s31 =	sshll.u32 s1, $0xD;
	s1 =	sshrl.u32 s1, $0x2  }
0xb9: {  	s3 =	sand.u32 $0x4000, s31;
	s1 =	sadd.s32 s1, s30  }
0xba: {  	s0 =	sor.u32 s3, s0;
	s1 =	sshll.u32 s1, $0x11  }
0xbb: {  	s0 =	sor.u32 s1, s0  }
0xbc: {  	s0 =	sadd.s32 $0x8F2B, s0  }
0xbd: {  	[sflag:s0] =	ssyncadd.remote.s32 $0x1  }
0xbe: {  	_ =	sfence.sel $0xFFFF  }
0xbf: {  	[dreg:$0x0] =	wrdreg $0xFFFFFFFF;
	(pc) =	sbr.abs _section_cstart, $3  }
0xc0: {  	[dreg:$0x1] =	wrdreg $0xFFFFFFFF  }
0xc1: {  	_ =	task.clear_ibuf [dreg:s6], $0x2FFFF;
	_ =	strace $0x9FFFFFFF  }
0xc2: {  	(tm) =	ssettm $0x7FFFFFFF  }
0xc3: {  	_ =	shalt  }
tec
execute0_lowered:
.L_overlay_start_1:
0x0: {  	(tag) =	ssettag $0x1  }
0x1: {  	s1 =	srdreg.scid  }
0x2: {  	s0 =	stileid.u32;
	s6 =	rddreg [dreg:$0x0]  }
0x3: {  	s2 =	rddreg [dreg:$0x1];
	s3 =	simm.s32 $0x0;
	s10 =	simm.s32 $0x80  }
0x4: {  	s11 =	simm.s32 $0x800;
	s12 =	simm.s32 $0x100;
	s13 =	simm.s32 $0x180  }
0x5: {  	s14 =	simm.s32 $0x200;
	s15 =	simm.s32 $0x280;
	s16 =	simm.s32 $0x300  }
0x6: {  	s17 =	simm.s32 $0x380;
	s18 =	simm.s32 $0x400;
	s19 =	simm.s32 $0x480  }
0x7: {  	s20 =	simm.s32 $0x500;
	s21 =	simm.s32 $0x580;
	s5 =	smul.u32 $0x31000, s0  }
0x8: {  	s22 =	simm.s32 $0x600;
	s4 =	sand.u32 $0x1, s1;
	s8 =	smul.u32 $0x1870, s0  }
0x9: {  	s23 =	simm.s32 $0x680;
	s24 =	simm.s32 $0x700;
	s7 =	smul.u32 $0x18800, s4  }
0xa: {  	s25 =	simm.s32 $0x780;
	[smem:$0x7FF] =	sst s3;
	s9 =	smul.u32 $0x18700, s4  }
0xb: {  	s26 =	simm.s32 $0x0;
	s1 =	rddreg [dreg:$0x2];
	_ =	strace $0x80000047  }
0xc: {  	s4 =	ssub.s32 $0x2, s4;
	s5 =	sadd.s32 s7, s5;
	s28 =	sadd.s32 s8, s9  }
0xd: {  	s31 =	sshrl.u32 s4, $0x1;
	s5 =	sshrl.u32 s5, $0x3;
	s7 =	sshrl.u32 s28, $0x3  }
0xe: {  	s9 =	simm.s32 $0x1;
	s29 =	sadd.s32 s5, s6;
	s30 =	sadd.s32 s7, s6  }
0xf: {  	s6 =	ssub.s32 s4, s31;
	s4 =	sadd.s32 s8, s2;
	s8 =	simm.s32 $0x880  }
0x10: {  	v0 =	vimm.f32 $1.000000000e+00;
	v1 =	vimm.f32 $0.0e+00;
	s5 =	sadd.s32 $0x63A00, s30;
	s6 =	smax.u32 s6, $0x1;
	s7 =	sadd.s32 $0x1A00, s29  }
.LBB2_1:
0x11: {  	[tilespmem:$0x800] =	vst v0  }
0x12: {  	[tilespmem:$0x810] =	vst v0  }
0x13: {  	[tilespmem:$0x820] =	vst v0  }
0x14: {  	[tilespmem:$0x830] =	vst v0  }
0x15: {  	[tilespmem:$0x840] =	vst v0  }
0x16: {  	[tilespmem:$0x850] =	vst v0  }
0x17: {  	[tilespmem:$0x860] =	vst v0  }
0x18: {  	[tilespmem:$0x870] =	vst v0;
	s28 =	simm.s32 $0x40;
	s29 =	simm.s32 $0x0  }
.LBB2_2:
0x19: {  	p0 =	sne.s32 s28, $0x6180;
	[tilespmem:s29+$0x880] =	vst v1;
	s29 =	smov.u32 s28;
	s28 =	sadd.s32 $0x40, s28  }
.Ltmp0:
0x1a: {  	(pc) =	sbr.rel @p0 .LBB2_2-.Ltmp0, $2  }
0x1b: {  	_ =	sdelay $0x2  }
0x1c: {  	s29 =	sshra.s32 s29, $0x2  }
0x1d: {  	[tilespmem:s29+$0x880] =	vst v1  }
0x1e: {  	[spmem:s4] =	stream.linear.scatter [tilespmem:s8], [sflag:$0x1], $0x1870, $0x38;
	[tilespmem:$0x3970] =	vst v63  }
0x1f: {  	_ =	swait.ge [sflag:s9], $0x1870  }
0x20: {  	[sflag:s9] =	ssyncset.done $0x0  }
0x21: {  	[sflag:s9] =	ssyncadd.s32 $0xFFFFE790  }
0x22: {  	s28 =	sadd.s32 $0x0, s7;
	[bflag:$0x0] =	sbarrier.arrive $0xFFFF  }
0x23: {  	[tilespmem:s3], [sflag:$0x1] =	stream.linear.gather [hbm4b:s28+s3], $0x800, $0x38;
	[tilespmem:$0x3970] =	vst v63  }
0x24: {  	_ =	swait.ge [sflag:s9], $0x800  }
0x25: {  	[sflag:s9] =	ssyncset.done $0x0  }
0x26: {  	[sflag:s9] =	ssyncadd.s32 $0xFFFFF800  }
0x27: {  	[spmem:s2] =	stream.indirect.scatter.add.f32 [tilespmem:s11], [sflag:$0x1], $0x1, s3, s10, $0xb8;
	[tilespmem:$0x3970] =	vst v63  }
0x28: {  	_ =	swait.ge [sflag:s9], $0x80  }
0x29: {  	[sflag:s9] =	ssyncset.done $0x0  }
0x2a: {  	[sflag:s9] =	ssyncadd.s32 $0xFFFFFF80  }
0x2b: {  	[spmem:s2] =	stream.indirect.scatter.add.f32 [tilespmem:s11], [sflag:$0x1], $0x1, s10, s10, $0xb8;
	[tilespmem:$0x3970] =	vst v63  }
0x2c: {  	_ =	swait.ge [sflag:s9], $0x80  }
0x2d: {  	[sflag:s9] =	ssyncset.done $0x0  }
0x2e: {  	[sflag:s9] =	ssyncadd.s32 $0xFFFFFF80  }
0x2f: {  	[spmem:s2] =	stream.indirect.scatter.add.f32 [tilespmem:s11], [sflag:$0x1], $0x1, s12, s10, $0xb8;
	[tilespmem:$0x3970] =	vst v63  }
0x30: {  	_ =	swait.ge [sflag:s9], $0x80  }
0x31: {  	[sflag:s9] =	ssyncset.done $0x0  }
0x32: {  	[sflag:s9] =	ssyncadd.s32 $0xFFFFFF80  }
0x33: {  	[spmem:s2] =	stream.indirect.scatter.add.f32 [tilespmem:s11], [sflag:$0x1], $0x1, s13, s10, $0xb8;
	[tilespmem:$0x3970] =	vst v63  }
0x34: {  	_ =	swait.ge [sflag:s9], $0x80  }
0x35: {  	[sflag:s9] =	ssyncset.done $0x0  }
0x36: {  	[sflag:s9] =	ssyncadd.s32 $0xFFFFFF80  }
0x37: {  	[spmem:s2] =	stream.indirect.scatter.add.f32 [tilespmem:s11], [sflag:$0x1], $0x1, s14, s10, $0xb8;
	[tilespmem:$0x3970] =	vst v63  }
0x38: {  	_ =	swait.ge [sflag:s9], $0x80  }
0x39: {  	[sflag:s9] =	ssyncset.done $0x0  }
0x3a: {  	[sflag:s9] =	ssyncadd.s32 $0xFFFFFF80  }
0x3b: {  	[spmem:s2] =	stream.indirect.scatter.add.f32 [tilespmem:s11], [sflag:$0x1], $0x1, s15, s10, $0xb8;
	[tilespmem:$0x3970] =	vst v63  }
0x3c: {  	_ =	swait.ge [sflag:s9], $0x80  }
0x3d: {  	[sflag:s9] =	ssyncset.done $0x0  }
0x3e: {  	[sflag:s9] =	ssyncadd.s32 $0xFFFFFF80  }
0x3f: {  	[spmem:s2] =	stream.indirect.scatter.add.f32 [tilespmem:s11], [sflag:$0x1], $0x1, s16, s10, $0xb8;
	[tilespmem:$0x3970] =	vst v63  }
0x40: {  	_ =	swait.ge [sflag:s9], $0x80  }
0x41: {  	[sflag:s9] =	ssyncset.done $0x0  }
0x42: {  	[sflag:s9] =	ssyncadd.s32 $0xFFFFFF80  }
0x43: {  	[spmem:s2] =	stream.indirect.scatter.add.f32 [tilespmem:s11], [sflag:$0x1], $0x1, s17, s10, $0xb8;
	[tilespmem:$0x3970] =	vst v63  }
0x44: {  	_ =	swait.ge [sflag:s9], $0x80  }
0x45: {  	[sflag:s9] =	ssyncset.done $0x0  }
0x46: {  	[sflag:s9] =	ssyncadd.s32 $0xFFFFFF80  }
0x47: {  	[spmem:s2] =	stream.indirect.scatter.add.f32 [tilespmem:s11], [sflag:$0x1], $0x1, s18, s10, $0xb8;
	[tilespmem:$0x3970] =	vst v63  }
0x48: {  	_ =	swait.ge [sflag:s9], $0x80  }
0x49: {  	[sflag:s9] =	ssyncset.done $0x0  }
0x4a: {  	[sflag:s9] =	ssyncadd.s32 $0xFFFFFF80  }
0x4b: {  	[spmem:s2] =	stream.indirect.scatter.add.f32 [tilespmem:s11], [sflag:$0x1], $0x1, s19, s10, $0xb8;
	[tilespmem:$0x3970] =	vst v63  }
0x4c: {  	_ =	swait.ge [sflag:s9], $0x80  }
0x4d: {  	[sflag:s9] =	ssyncset.done $0x0  }
0x4e: {  	[sflag:s9] =	ssyncadd.s32 $0xFFFFFF80  }
0x4f: {  	[spmem:s2] =	stream.indirect.scatter.add.f32 [tilespmem:s11], [sflag:$0x1], $0x1, s20, s10, $0xb8;
	[tilespmem:$0x3970] =	vst v63  }
0x50: {  	_ =	swait.ge [sflag:s9], $0x80  }
0x51: {  	[sflag:s9] =	ssyncset.done $0x0  }
0x52: {  	[sflag:s9] =	ssyncadd.s32 $0xFFFFFF80  }
0x53: {  	[spmem:s2] =	stream.indirect.scatter.add.f32 [tilespmem:s11], [sflag:$0x1], $0x1, s21, s10, $0xb8;
	[tilespmem:$0x3970] =	vst v63  }
0x54: {  	_ =	swait.ge [sflag:s9], $0x80  }
0x55: {  	[sflag:s9] =	ssyncset.done $0x0  }
0x56: {  	[sflag:s9] =	ssyncadd.s32 $0xFFFFFF80  }
0x57: {  	[spmem:s2] =	stream.indirect.scatter.add.f32 [tilespmem:s11], [sflag:$0x1], $0x1, s22, s10, $0xb8;
	[tilespmem:$0x3970] =	vst v63  }
0x58: {  	_ =	swait.ge [sflag:s9], $0x80  }
0x59: {  	[sflag:s9] =	ssyncset.done $0x0  }
0x5a: {  	[sflag:s9] =	ssyncadd.s32 $0xFFFFFF80  }
0x5b: {  	[spmem:s2] =	stream.indirect.scatter.add.f32 [tilespmem:s11], [sflag:$0x1], $0x1, s23, s10, $0xb8;
	[tilespmem:$0x3970] =	vst v63  }
0x5c: {  	_ =	swait.ge [sflag:s9], $0x80  }
0x5d: {  	[sflag:s9] =	ssyncset.done $0x0  }
0x5e: {  	[sflag:s9] =	ssyncadd.s32 $0xFFFFFF80  }
0x5f: {  	[spmem:s2] =	stream.indirect.scatter.add.f32 [tilespmem:s11], [sflag:$0x1], $0x1, s24, s10, $0xb8;
	[tilespmem:$0x3970] =	vst v63  }
0x60: {  	_ =	swait.ge [sflag:s9], $0x80  }
0x61: {  	[sflag:s9] =	ssyncset.done $0x0  }
0x62: {  	[sflag:s9] =	ssyncadd.s32 $0xFFFFFF80  }
0x63: {  	[spmem:s2] =	stream.indirect.scatter.add.f32 [tilespmem:s11], [sflag:$0x1], $0x1, s25, s10, $0xb8;
	[tilespmem:$0x3970] =	vst v63  }
0x64: {  	_ =	swait.ge [sflag:s9], $0x80  }
0x65: {  	s30 =	simm.s32 $0x200;
	s28 =	simm.s32 $0x100;
	[sflag:s9] =	ssyncset.done $0x0  }
.LBB2_4:
0x66: {  	s31 =	sadd.s32 s28, s7  }
0x67: {  	[sflag:s9] =	ssyncadd.s32 $0xFFFFFF80;
	s28 =	smov.u32 s30;
	s29 =	sadd.s32 $0x100, s30  }
0x68: {  	[tilespmem:s3], [sflag:$0x1] =	stream.linear.gather [hbm4b:s31+s3], $0x800, $0x38;
	[tilespmem:$0x3970] =	vst v63  }
0x69: {  	p0 =	sne.s32 s30, $0x3000;
	_ =	swait.ge [sflag:s9], $0x800  }
0x6a: {  	[sflag:s9] =	ssyncset.done $0x0  }
0x6b: {  	[sflag:s9] =	ssyncadd.s32 $0xFFFFF800  }
0x6c: {  	[spmem:s2] =	stream.indirect.scatter.add.f32 [tilespmem:s11], [sflag:$0x1], $0x1, s3, s10, $0xb8;
	[tilespmem:$0x3970] =	vst v63  }
0x6d: {  	_ =	swait.ge [sflag:s9], $0x80  }
0x6e: {  	[sflag:s9] =	ssyncset.done $0x0  }
0x6f: {  	[sflag:s9] =	ssyncadd.s32 $0xFFFFFF80  }
0x70: {  	[spmem:s2] =	stream.indirect.scatter.add.f32 [tilespmem:s11], [sflag:$0x1], $0x1, s10, s10, $0xb8;
	[tilespmem:$0x3970] =	vst v63  }
0x71: {  	_ =	swait.ge [sflag:s9], $0x80  }
0x72: {  	[sflag:s9] =	ssyncset.done $0x0  }
0x73: {  	[sflag:s9] =	ssyncadd.s32 $0xFFFFFF80  }
0x74: {  	[spmem:s2] =	stream.indirect.scatter.add.f32 [tilespmem:s11], [sflag:$0x1], $0x1, s12, s10, $0xb8;
	[tilespmem:$0x3970] =	vst v63  }
0x75: {  	_ =	swait.ge [sflag:s9], $0x80  }
0x76: {  	[sflag:s9] =	ssyncset.done $0x0  }
0x77: {  	[sflag:s9] =	ssyncadd.s32 $0xFFFFFF80  }
0x78: {  	[spmem:s2] =	stream.indirect.scatter.add.f32 [tilespmem:s11], [sflag:$0x1], $0x1, s13, s10, $0xb8;
	[tilespmem:$0x3970] =	vst v63  }
0x79: {  	_ =	swait.ge [sflag:s9], $0x80  }
0x7a: {  	[sflag:s9] =	ssyncset.done $0x0  }
0x7b: {  	[sflag:s9] =	ssyncadd.s32 $0xFFFFFF80  }
0x7c: {  	[spmem:s2] =	stream.indirect.scatter.add.f32 [tilespmem:s11], [sflag:$0x1], $0x1, s14, s10, $0xb8;
	[tilespmem:$0x3970] =	vst v63  }
0x7d: {  	_ =	swait.ge [sflag:s9], $0x80  }
0x7e: {  	[sflag:s9] =	ssyncset.done $0x0  }
0x7f: {  	[sflag:s9] =	ssyncadd.s32 $0xFFFFFF80  }
0x80: {  	[spmem:s2] =	stream.indirect.scatter.add.f32 [tilespmem:s11], [sflag:$0x1], $0x1, s15, s10, $0xb8;
	[tilespmem:$0x3970] =	vst v63  }
0x81: {  	_ =	swait.ge [sflag:s9], $0x80  }
0x82: {  	[sflag:s9] =	ssyncset.done $0x0  }
0x83: {  	[sflag:s9] =	ssyncadd.s32 $0xFFFFFF80  }
0x84: {  	[spmem:s2] =	stream.indirect.scatter.add.f32 [tilespmem:s11], [sflag:$0x1], $0x1, s16, s10, $0xb8;
	[tilespmem:$0x3970] =	vst v63  }
0x85: {  	_ =	swait.ge [sflag:s9], $0x80  }
0x86: {  	[sflag:s9] =	ssyncset.done $0x0  }
0x87: {  	[sflag:s9] =	ssyncadd.s32 $0xFFFFFF80  }
0x88: {  	[spmem:s2] =	stream.indirect.scatter.add.f32 [tilespmem:s11], [sflag:$0x1], $0x1, s17, s10, $0xb8;
	[tilespmem:$0x3970] =	vst v63  }
0x89: {  	_ =	swait.ge [sflag:s9], $0x80  }
0x8a: {  	[sflag:s9] =	ssyncset.done $0x0  }
0x8b: {  	[sflag:s9] =	ssyncadd.s32 $0xFFFFFF80  }
0x8c: {  	[spmem:s2] =	stream.indirect.scatter.add.f32 [tilespmem:s11], [sflag:$0x1], $0x1, s18, s10, $0xb8;
	[tilespmem:$0x3970] =	vst v63  }
0x8d: {  	_ =	swait.ge [sflag:s9], $0x80  }
0x8e: {  	[sflag:s9] =	ssyncset.done $0x0  }
0x8f: {  	[sflag:s9] =	ssyncadd.s32 $0xFFFFFF80  }
0x90: {  	[spmem:s2] =	stream.indirect.scatter.add.f32 [tilespmem:s11], [sflag:$0x1], $0x1, s19, s10, $0xb8;
	[tilespmem:$0x3970] =	vst v63  }
0x91: {  	_ =	swait.ge [sflag:s9], $0x80  }
0x92: {  	[sflag:s9] =	ssyncset.done $0x0  }
0x93: {  	[sflag:s9] =	ssyncadd.s32 $0xFFFFFF80  }
0x94: {  	[spmem:s2] =	stream.indirect.scatter.add.f32 [tilespmem:s11], [sflag:$0x1], $0x1, s20, s10, $0xb8;
	[tilespmem:$0x3970] =	vst v63  }
0x95: {  	_ =	swait.ge [sflag:s9], $0x80  }
0x96: {  	[sflag:s9] =	ssyncset.done $0x0  }
0x97: {  	[sflag:s9] =	ssyncadd.s32 $0xFFFFFF80  }
0x98: {  	[spmem:s2] =	stream.indirect.scatter.add.f32 [tilespmem:s11], [sflag:$0x1], $0x1, s21, s10, $0xb8;
	[tilespmem:$0x3970] =	vst v63  }
0x99: {  	_ =	swait.ge [sflag:s9], $0x80  }
0x9a: {  	[sflag:s9] =	ssyncset.done $0x0  }
0x9b: {  	[sflag:s9] =	ssyncadd.s32 $0xFFFFFF80  }
0x9c: {  	[spmem:s2] =	stream.indirect.scatter.add.f32 [tilespmem:s11], [sflag:$0x1], $0x1, s22, s10, $0xb8;
	[tilespmem:$0x3970] =	vst v63  }
0x9d: {  	_ =	swait.ge [sflag:s9], $0x80  }
0x9e: {  	[sflag:s9] =	ssyncset.done $0x0  }
0x9f: {  	[sflag:s9] =	ssyncadd.s32 $0xFFFFFF80  }
0xa0: {  	[spmem:s2] =	stream.indirect.scatter.add.f32 [tilespmem:s11], [sflag:$0x1], $0x1, s23, s10, $0xb8;
	[tilespmem:$0x3970] =	vst v63  }
0xa1: {  	_ =	swait.ge [sflag:s9], $0x80  }
0xa2: {  	[sflag:s9] =	ssyncset.done $0x0  }
0xa3: {  	[sflag:s9] =	ssyncadd.s32 $0xFFFFFF80  }
0xa4: {  	[spmem:s2] =	stream.indirect.scatter.add.f32 [tilespmem:s11], [sflag:$0x1], $0x1, s24, s10, $0xb8;
	[tilespmem:$0x3970] =	vst v63  }
0xa5: {  	_ =	swait.ge [sflag:s9], $0x80  }
.Ltmp1:
0xa6: {  	[sflag:s9] =	ssyncset.done $0x0;
	(pc) =	sbr.rel @p0 .LBB2_4-.Ltmp1, $4  }
0xa7: {  	[sflag:s9] =	ssyncadd.s32 $0xFFFFFF80  }
0xa8: {  	[spmem:s2] =	stream.indirect.scatter.add.f32 [tilespmem:s11], [sflag:$0x1], $0x1, s25, s10, $0xb8;
	[tilespmem:$0x3970] =	vst v63  }
0xa9: {  	_ =	swait.ge [sflag:s9], $0x80  }
0xaa: {  	s30 =	smov.u32 s29;
	[sflag:s9] =	ssyncset.done $0x0  }
0xab: {  	s28 =	sadd.s32 s28, s7;
	[sflag:s9] =	ssyncadd.s32 $0xFFFFFF80  }
0xac: {  	[tilespmem:s3], [sflag:$0x1] =	stream.linear.gather [hbm4b:s28+s3], $0x800, $0x38;
	[tilespmem:$0x3970] =	vst v63  }
0xad: {  	_ =	swait.ge [sflag:s9], $0x800  }
0xae: {  	[sflag:s9] =	ssyncset.done $0x0  }
0xaf: {  	[sflag:s9] =	ssyncadd.s32 $0xFFFFF800  }
0xb0: {  	[spmem:s2] =	stream.indirect.scatter.add.f32 [tilespmem:s11], [sflag:$0x1], $0x1, s3, s10, $0xb8;
	[tilespmem:$0x3970] =	vst v63  }
0xb1: {  	_ =	swait.ge [sflag:s9], $0x80  }
0xb2: {  	[sflag:s9] =	ssyncset.done $0x0  }
0xb3: {  	[sflag:s9] =	ssyncadd.s32 $0xFFFFFF80  }
0xb4: {  	[spmem:s2] =	stream.indirect.scatter.add.f32 [tilespmem:s11], [sflag:$0x1], $0x1, s10, s10, $0xb8;
	[tilespmem:$0x3970] =	vst v63  }
0xb5: {  	_ =	swait.ge [sflag:s9], $0x80  }
0xb6: {  	[sflag:s9] =	ssyncset.done $0x0  }
0xb7: {  	[sflag:s9] =	ssyncadd.s32 $0xFFFFFF80  }
0xb8: {  	[spmem:s2] =	stream.indirect.scatter.add.f32 [tilespmem:s11], [sflag:$0x1], $0x1, s12, s10, $0xb8;
	[tilespmem:$0x3970] =	vst v63  }
0xb9: {  	_ =	swait.ge [sflag:s9], $0x80  }
0xba: {  	[sflag:s9] =	ssyncset.done $0x0  }
0xbb: {  	[sflag:s9] =	ssyncadd.s32 $0xFFFFFF80  }
0xbc: {  	[spmem:s2] =	stream.indirect.scatter.add.f32 [tilespmem:s11], [sflag:$0x1], $0x1, s13, s10, $0xb8;
	[tilespmem:$0x3970] =	vst v63  }
0xbd: {  	_ =	swait.ge [sflag:s9], $0x80  }
0xbe: {  	[sflag:s9] =	ssyncset.done $0x0  }
0xbf: {  	[sflag:s9] =	ssyncadd.s32 $0xFFFFFF80  }
0xc0: {  	[spmem:s2] =	stream.indirect.scatter.add.f32 [tilespmem:s11], [sflag:$0x1], $0x1, s14, s10, $0xb8;
	[tilespmem:$0x3970] =	vst v63  }
0xc1: {  	_ =	swait.ge [sflag:s9], $0x80  }
0xc2: {  	[sflag:s9] =	ssyncset.done $0x0  }
0xc3: {  	[sflag:s9] =	ssyncadd.s32 $0xFFFFFF80  }
0xc4: {  	[spmem:s2] =	stream.indirect.scatter.add.f32 [tilespmem:s11], [sflag:$0x1], $0x1, s15, s10, $0xb8;
	[tilespmem:$0x3970] =	vst v63  }
0xc5: {  	_ =	swait.ge [sflag:s9], $0x80  }
0xc6: {  	[sflag:s9] =	ssyncset.done $0x0  }
0xc7: {  	[sflag:s9] =	ssyncadd.s32 $0xFFFFFF80  }
0xc8: {  	[spmem:s2] =	stream.indirect.scatter.add.f32 [tilespmem:s11], [sflag:$0x1], $0x1, s16, s10, $0xb8;
	[tilespmem:$0x3970] =	vst v63  }
0xc9: {  	_ =	swait.ge [sflag:s9], $0x80  }
0xca: {  	[sflag:s9] =	ssyncset.done $0x0  }
0xcb: {  	[sflag:s9] =	ssyncadd.s32 $0xFFFFFF80  }
0xcc: {  	[spmem:s2] =	stream.indirect.scatter.add.f32 [tilespmem:s11], [sflag:$0x1], $0x1, s17, s10, $0xb8;
	[tilespmem:$0x3970] =	vst v63  }
0xcd: {  	_ =	swait.ge [sflag:s9], $0x80  }
0xce: {  	[sflag:s9] =	ssyncset.done $0x0  }
0xcf: {  	[sflag:s9] =	ssyncadd.s32 $0xFFFFFF80  }
0xd0: {  	[spmem:s2] =	stream.indirect.scatter.add.f32 [tilespmem:s11], [sflag:$0x1], $0x1, s18, s10, $0xb8;
	[tilespmem:$0x3970] =	vst v63  }
0xd1: {  	_ =	swait.ge [sflag:s9], $0x80  }
0xd2: {  	[sflag:s9] =	ssyncset.done $0x0  }
0xd3: {  	[sflag:s9] =	ssyncadd.s32 $0xFFFFFF80  }
0xd4: {  	[spmem:s2] =	stream.indirect.scatter.add.f32 [tilespmem:s11], [sflag:$0x1], $0x1, s19, s10, $0xb8;
	[tilespmem:$0x3970] =	vst v63  }
0xd5: {  	_ =	swait.ge [sflag:s9], $0x80  }
0xd6: {  	[sflag:s9] =	ssyncset.done $0x0  }
0xd7: {  	[sflag:s9] =	ssyncadd.s32 $0xFFFFFF80  }
0xd8: {  	[spmem:s2] =	stream.indirect.scatter.add.f32 [tilespmem:s11], [sflag:$0x1], $0x1, s20, s10, $0xb8;
	[tilespmem:$0x3970] =	vst v63  }
0xd9: {  	_ =	swait.ge [sflag:s9], $0x80  }
0xda: {  	[sflag:s9] =	ssyncset.done $0x0  }
0xdb: {  	[sflag:s9] =	ssyncadd.s32 $0xFFFFFF80  }
0xdc: {  	[spmem:s2] =	stream.indirect.scatter.add.f32 [tilespmem:s11], [sflag:$0x1], $0x1, s21, s10, $0xb8;
	[tilespmem:$0x3970] =	vst v63  }
0xdd: {  	_ =	swait.ge [sflag:s9], $0x80  }
0xde: {  	[sflag:s9] =	ssyncset.done $0x0  }
0xdf: {  	[sflag:s9] =	ssyncadd.s32 $0xFFFFFF80  }
0xe0: {  	[spmem:s2] =	stream.indirect.scatter.add.f32 [tilespmem:s11], [sflag:$0x1], $0x1, s22, s10, $0xb8;
	[tilespmem:$0x3970] =	vst v63  }
0xe1: {  	_ =	swait.ge [sflag:s9], $0x80  }
0xe2: {  	[sflag:s9] =	ssyncset.done $0x0  }
0xe3: {  	[sflag:s9] =	ssyncadd.s32 $0xFFFFFF80  }
0xe4: {  	[spmem:s2] =	stream.indirect.scatter.add.f32 [tilespmem:s11], [sflag:$0x1], $0x1, s23, s10, $0xb8;
	[tilespmem:$0x3970] =	vst v63  }
0xe5: {  	_ =	swait.ge [sflag:s9], $0x80  }
0xe6: {  	[sflag:s9] =	ssyncset.done $0x0  }
0xe7: {  	[sflag:s9] =	ssyncadd.s32 $0xFFFFFF80  }
0xe8: {  	[spmem:s2] =	stream.indirect.scatter.add.f32 [tilespmem:s11], [sflag:$0x1], $0x1, s24, s10, $0xb8;
	[tilespmem:$0x3970] =	vst v63  }
0xe9: {  	_ =	swait.ge [sflag:s9], $0x80  }
0xea: {  	[sflag:s9] =	ssyncset.done $0x0  }
0xeb: {  	[sflag:s9] =	ssyncadd.s32 $0xFFFFFF80  }
0xec: {  	[spmem:s2] =	stream.indirect.scatter.add.f32 [tilespmem:s11], [sflag:$0x1], $0x1, s25, s10, $0xb8;
	[tilespmem:$0x3970] =	vst v63  }
0xed: {  	_ =	swait.ge [sflag:s9], $0x80  }
0xee: {  	[sflag:s9] =	ssyncset.done $0x0  }
0xef: {  	[sflag:s9] =	ssyncadd.s32 $0xFFFFFF80  }
0xf0: {  	[bflag:$0x0] =	sbarrier.arrive $0xFFFF  }
0xf1: {  	[tilespmem:s8], [sflag:$0x1] =	stream.linear.gather [spmem:s4], $0x1870, $0x38;
	[tilespmem:$0x3970] =	vst v63  }
0xf2: {  	s26 =	sadd.s32 $0x1, s26;
	_ =	swait.ge [sflag:s9], $0x1870  }
0xf3: {  	p0 =	sne.s32 s26, s6;
	[sflag:s9] =	ssyncset.done $0x0  }
.Ltmp2:
0xf4: {  	[sflag:s9] =	ssyncadd.s32 $0xFFFFE790;
	(pc) =	sbr.rel @p0 .LBB2_1-.Ltmp2, $4  }
0xf5: {  	[hbm4b:s5+s3] =	stream.linear.scatter [tilespmem:s8], [sflag:$0x1], $0x1870, $0x38;
	[tilespmem:$0x3970] =	vst v63  }
0xf6: {  	_ =	swait.ge [sflag:s9], $0x1870  }
0xf7: {  	[sflag:s9] =	ssyncset.done $0x0  }
0xf8: {  	[sflag:s9] =	ssyncadd.s32 $0xFFFFE790  }
0xf9: {  	_ =	sfence.sel $0x180000  }
0xfa: {  	[bflag:$0x0] =	sbarrier.arrive $0xFFFF  }
0xfb: {  	p0 =	sne.s32 s0, $0x0;
	_ =	strace $0x90000047  }
0xfc: {  	s0 =	sadd.s32 @!p0 $0x100000, s1;
	[bflag:$0x2] =	sbarrier.arrive $0xFFFF  }
0xfd: {  	[sflag:s0] =	ssyncadd.tile.s32 @!p0 $0x1;
	_ =	shalt  }
.Lfunc_end2:
_tile_overlayer_lowered:
.L_overlay_start_2:
0xfe: {  	(tag) =	ssettag $0x2  }
0xff: {  	s0 =	rddreg [dreg:$0x0];
	s2 =	stileid.u32  }
0x100: {  	s1 =	rddreg [dreg:$0x1];
	p0 =	sne.s32 s2, $0x0  }
0x101: {  	s3 =	rddreg [dreg:$0x2];
	[bflag:$0x3] =	sbarrier.arrive $0xFFFF;
	s2 =	simm.s32 @!p0 $0x1C01  }
0x102: {  	[timem:s3], [sflag:s2] =	dma.local @!p0 [hbm:s0], s1  }
0x103: {  	s0 =	simm.s32 @!p0 $0x1  }
0x104: {  	_ =	swait.ge @!p0 [sflag:s0], s1  }
0x105: {  	s1 =	ssub.s32 @!p0 $0x0, s1;
	[sflag:s0] =	ssyncset.done @!p0 $0x0  }
0x106: {  	[sflag:s0] =	ssyncadd.s32 @!p0 s1  }
0x107: {  	[bflag:$0x3] =	sbarrier.arrive $0xFFFF  }
0x108: {  	_ =	shalt  }

</sc_bundles>
